<compile_context>
chip_gen: v7x
topology: tpu7x:2x2x1
jax: 0.10.2.dev20260603
libtpu: 0.0.44.dev20260713+nightly
codegen_flags: <defaults>
</compile_context>

<pallas_src>
import functools

import jax
import jax.numpy as jnp
from jax import lax
from jax.experimental import pallas as pl
from jax.experimental.pallas import tpu as pltpu
from jax.experimental.pallas import tpu_sc as plsc

N = 10000
E = 320000
F = 128
NC = 2
NS = 16
NW = NC * NS
EP = E // NW
CH = 80
NCH = EP // CH
RCH = 80
NRCH = N // RCH
KPT = -(-NRCH // NS)


def _mesh():
    return plsc.VectorSubcoreMesh(core_axis_name="c", subcore_axis_name="s",
                                  num_cores=NC, num_subcores=NS)


@functools.cache
def _make_deg_kernel():
    @functools.partial(
        pl.kernel,
        out_type=jax.ShapeDtypeStruct((NW, 1, N), jnp.float32),
        mesh=_mesh(),
        scratch_types=[
            pltpu.VMEM((EP,), jnp.int32),
            pltpu.VMEM((N,), jnp.float32),
        ],
        compiler_params=pltpu.CompilerParams(needs_layout_passes=False),
    )
    def deg_kernel(dst_hbm, out_hbm, didx, degv):
        c = lax.axis_index("c")
        s = lax.axis_index("s")
        wid = s * NC + c

        base0 = pl.multiple_of(wid * EP, 8)
        pltpu.sync_copy(dst_hbm.at[pl.ds(base0, EP)], didx)

        def zero(i, _):
            degv[pl.ds(i * 16, 16)] = jnp.zeros((16,), jnp.float32)
            return 0

        lax.fori_loop(0, N // 16, zero, 0)

        ones = jnp.ones((16,), jnp.float32)

        def body(i, _):
            for j in range(CH // 16):
                dv = didx[pl.ds(i * CH + j * 16, 16)]
                plsc.addupdate_scatter(degv, [dv], ones)
            return 0

        lax.fori_loop(0, NCH, body, 0)
        pltpu.sync_copy(degv, out_hbm.at[wid, 0])

    return deg_kernel


@functools.cache
def _make_agg_kernel(F, tc_tiling=True):
    GB = 2 if F == 128 else 8

    @functools.partial(
        pl.kernel,
        out_type=jax.ShapeDtypeStruct((NC, N, F), jnp.float32),
        mesh=_mesh(),
        scratch_types=[
            pltpu.VMEM((EP,), jnp.int32),
            pltpu.VMEM((NCH, CH) if tc_tiling else (EP,), jnp.int32),
            pltpu.VMEM((GB, CH, F), jnp.float32),
            pltpu.VMEM_SHARED((N, F), jnp.float32),
            pltpu.SemaphoreType.DMA((GB,)),
            pltpu.SemaphoreType.DMA((GB,)),
        ],
        compiler_params=(None if tc_tiling else
                         pltpu.CompilerParams(use_tc_tiling_on_sc=False)),
    )
    def agg_kernel(hs_hbm, src_hbm, dst_hbm, out_hbm, sidx, didx, rows,
                   acc, sem, ssem):
        c = lax.axis_index("c")
        s = lax.axis_index("s")
        wid = s * NC + c

        ebase = pl.multiple_of(wid * EP, 8)
        pltpu.sync_copy(src_hbm.at[pl.ds(ebase, EP)], sidx)
        if tc_tiling:
            pltpu.sync_copy(dst_hbm.at[wid], didx)
        else:
            pltpu.sync_copy(dst_hbm.at[pl.ds(ebase, EP)], didx)

        stage = rows.at[0]

        def zero(t, _):
            r = t // (F // 16)
            j = t % (F // 16)
            stage[r, pl.ds(j * 16, 16)] = jnp.zeros((16,), jnp.float32)
            return 0

        lax.fori_loop(0, RCH * (F // 16), zero, 0)
        for k in range(KPT):
            ri = s * KPT + k

            @pl.when(ri < NRCH)
            def _():
                pltpu.sync_copy(stage, acc.at[pl.ds(ri * RCH, RCH)])
        plsc.subcore_barrier()

        def src_slice(i):
            return sidx.at[pl.ds(pl.multiple_of(i * CH, 8), CH)]

        def dst_slice(i):
            if tc_tiling:
                return didx.at[i]
            return didx.at[pl.ds(pl.multiple_of(i * CH, 8), CH)]

        def gather(i, b):
            pltpu.async_copy(hs_hbm.at[src_slice(i)], rows.at[b], sem.at[b])

        def gather_wait(i, b):
            pltpu.make_async_copy(hs_hbm.at[src_slice(i)], rows.at[b],
                                  sem.at[b]).wait()

        def scatter(i, b):
            pltpu.async_copy(rows.at[b], acc.at[dst_slice(i)], ssem.at[b],
                             add=True)

        def scatter_wait(i, b):
            pltpu.make_async_copy(rows.at[b], acc.at[dst_slice(i)],
                                  ssem.at[b]).wait()

        for b in range(GB):
            gather(b, b)

        M = NCH - NCH % GB

        @pl.loop(0, M, step=GB)
        def _(i0):
            for b in range(GB):
                i = i0 + b
                gather_wait(i, b)
                scatter(i, b)

                @pl.when(i + GB < NCH)
                def _():
                    scatter_wait(i, b)
                    gather(i + GB, b)

        for i in range(M, NCH):
            b = i % GB
            gather_wait(i, b)
            scatter(i, b)

        for i in range(NCH - GB, NCH):
            scatter_wait(i, i % GB)

        plsc.subcore_barrier()

        out_stage = rows.at[0]
        for k in range(KPT):
            ri = s * KPT + k

            @pl.when(ri < NRCH)
            def _():
                r0 = pl.multiple_of(ri * RCH, 8)
                pltpu.sync_copy(acc.at[pl.ds(r0, RCH)], out_stage)
                pltpu.sync_copy(out_stage, out_hbm.at[c, pl.ds(r0, RCH)])

    return agg_kernel


R = 1000
GRID = N // R


def _dinv_block(degt):
    deg = jnp.sum(degt, axis=1, keepdims=True) + 1.0
    return lax.rsqrt(deg)


def _tc_a_body(x_ref, w_ref, degt_ref, o_ref):
    dinv = _dinv_block(degt_ref[...])
    h = jnp.dot(x_ref[...], w_ref[...], preferred_element_type=jnp.float32)
    o_ref[...] = h * dinv


def _tc_b_body(p_ref, h1s_ref, degt_ref, b1_ref, w2_ref, o_ref):
    dinv = _dinv_block(degt_ref[...])
    p = p_ref[...]
    out1 = jnp.maximum(dinv * (p[0] + p[1] + h1s_ref[...]) + b1_ref[...], 0.0)
    h2 = jnp.dot(out1, w2_ref[...], preferred_element_type=jnp.float32)
    o_ref[...] = h2 * dinv


def _tc_c_body(p_ref, h2s_ref, degt_ref, b2_ref, wl1_ref, bl1_ref, wl2_ref,
               bl2_ref, wl3_ref, bl3_ref, o_ref):
    dinv = _dinv_block(degt_ref[...])
    p = p_ref[...]
    out2 = jnp.maximum(dinv * (p[0] + p[1] + h2s_ref[...]) + b2_ref[...], 0.0)
    g = jnp.maximum(
        jnp.dot(out2, wl1_ref[...], preferred_element_type=jnp.float32)
        + bl1_ref[...], 0.0)
    g = jnp.maximum(
        jnp.dot(g, wl2_ref[...], preferred_element_type=jnp.float32)
        + bl2_ref[...], 0.0)
    o_ref[...] = (jnp.dot(g, wl3_ref[...], preferred_element_type=jnp.float32)
                  + bl3_ref[...])


def _row_spec(f):
    return pl.BlockSpec((R, f), lambda i: (i, 0))


def _full_spec(shape):
    nd = len(shape)
    return pl.BlockSpec(shape, lambda i, _n=nd: (0,) * _n)


_DEGT_SPEC = pl.BlockSpec((R, NW), lambda i: (i, 0))
_P_SPEC = pl.BlockSpec((NC, R, F), lambda i: (0, i, 0))


def _tc_a(x, W1, degt):
    return pl.pallas_call(
        _tc_a_body,
        grid=(GRID,),
        in_specs=[_row_spec(128), _full_spec((128, 128)), _DEGT_SPEC],
        out_specs=_row_spec(128),
        out_shape=jax.ShapeDtypeStruct((N, 128), jnp.float32),
    )(x, W1, degt)


def _tc_b(p1, h1s, degt, b1r, W2p):
    return pl.pallas_call(
        _tc_b_body,
        grid=(GRID,),
        in_specs=[
            _P_SPEC,
            _row_spec(128),
            _DEGT_SPEC,
            _full_spec((1, 128)),
            _full_spec((128, 16)),
        ],
        out_specs=_row_spec(16),
        out_shape=jax.ShapeDtypeStruct((N, 16), jnp.float32),
    )(p1, h1s, degt, b1r, W2p)


def _tc_c(p2, h2s, degt, b2r, Wl1p, bl1r, Wl2, bl2r, Wl3, bl3r):
    return pl.pallas_call(
        _tc_c_body,
        grid=(GRID,),
        in_specs=[
            pl.BlockSpec((NC, R, 16), lambda i: (0, i, 0)),
            _row_spec(16),
            _DEGT_SPEC,
            _full_spec((1, 16)),
            _full_spec((16, 512)),
            _full_spec((1, 512)),
            _full_spec((512, 512)),
            _full_spec((1, 512)),
            _full_spec((512, 2)),
            _full_spec((1, 2)),
        ],
        out_specs=_row_spec(2),
        out_shape=jax.ShapeDtypeStruct((N, 2), jnp.float32),
    )(p2, h2s, degt, b2r, Wl1p, bl1r, Wl2, bl2r, Wl3, bl3r)


def kernel(x, edge_index, W1, b1, W2, b2, Wl1, bl1, Wl2, bl2, Wl3, bl3):
    src = edge_index[0]
    dst = edge_index[1]
    dstR = dst.reshape(NW, NCH, CH)

    W2p = jnp.pad(W2, ((0, 0), (0, 4)))
    b2p = jnp.pad(b2, (0, 4))
    Wl1p = jnp.pad(Wl1, ((0, 4), (0, 0)))

    degp = _make_deg_kernel()(dst)
    degt = jnp.transpose(degp.reshape(NW, N))
    h1s = _tc_a(x, W1, degt)
    p1 = _make_agg_kernel(128)(h1s, src, dstR)
    h2s = _tc_b(p1, h1s, degt, b1.reshape(1, 128), W2p)
    p2 = _make_agg_kernel(16, tc_tiling=False)(h2s, src, dst)
    out = _tc_c(p2, h2s, degt, b2p.reshape(1, 16), Wl1p, bl1.reshape(1, 512),
                Wl2, bl2.reshape(1, 512), Wl3, bl3.reshape(1, 2))
    return out

# --- scband reference (transcript-rebuilt; emitter-appended) ---
"""Pipeline reference for scband-imitation-net-27281632264226 (READ-ONLY COPY).

The authoritative reference and input builder live on the scoring server;
editing this copy changes nothing except your own understanding.
"""

import jax, jax.numpy as jnp
import numpy as np

N = 10000
E = 320000
F_IN = 128


def setup_inputs(seed: int = 0) -> dict:
    key = jax.random.key(seed)
    ks = jax.random.split(key, 14)
    x = jax.random.normal(ks[0], (N, F_IN), dtype=jnp.float32)
    edge_index = jax.random.randint(ks[1], (2, E), 0, N, dtype=jnp.int32)
    def w(k, shape):
        fan_in = shape[0]
        return jax.random.normal(k, shape, dtype=jnp.float32) * (1.0 / np.sqrt(fan_in))
    W1 = w(ks[2], (F_IN, 128))
    b1 = jnp.zeros((128,), dtype=jnp.float32)
    W2 = w(ks[3], (128, 12))
    b2 = jnp.zeros((12,), dtype=jnp.float32)
    Wl1 = w(ks[4], (12, 512))
    bl1 = jnp.zeros((512,), dtype=jnp.float32)
    Wl2 = w(ks[5], (512, 512))
    bl2 = jnp.zeros((512,), dtype=jnp.float32)
    Wl3 = w(ks[6], (512, 2))
    bl3 = jnp.zeros((2,), dtype=jnp.float32)
    return {"x": x, "edge_index": edge_index, "W1": W1, "b1": b1, "W2": W2, "b2": b2,
            "Wl1": Wl1, "bl1": bl1, "Wl2": Wl2, "bl2": bl2, "Wl3": Wl3, "bl3": bl3}


def _gcn_layer(x, edge_index, W, b):
    n = x.shape[0]
    src = edge_index[0]
    dst = edge_index[1]
    loop = jnp.arange(n, dtype=src.dtype)
    src2 = jnp.concatenate([src, loop])
    dst2 = jnp.concatenate([dst, loop])
    deg = jax.ops.segment_sum(jnp.ones_like(dst2, dtype=x.dtype), dst2, num_segments=n)
    dinv = jnp.where(deg > 0, 1.0 / jnp.sqrt(deg), 0.0)
    norm = dinv[src2] * dinv[dst2]
    h = x @ W
    msg = h[src2] * norm[:, None]
    out = jax.ops.segment_sum(msg, dst2, num_segments=n)
    return out + b


def reference(x, edge_index, W1, b1, W2, b2, Wl1, bl1, Wl2, bl2, Wl3, bl3):
    h = _gcn_layer(x, edge_index, W1, b1)
    h = jax.nn.relu(h)
    h = _gcn_layer(h, edge_index, W2, b2)
    h = jax.nn.relu(h)
    h = h @ Wl1 + bl1
    h = jax.nn.relu(h)
    # dropout is identity in eval mode
    h = h @ Wl2 + bl2
    h = jax.nn.relu(h)
    h = h @ Wl3 + bl3
    return h

if __name__ == "__main__":
    import jax
    _d = setup_inputs()
    print(jax.jit(kernel)(*tuple(_d.values())))

</pallas_src>

<mosaic_0001>
#map = affine_map<(d0, d1) -> (0, 0)>
#map1 = affine_map<(d0, d1) -> (0)>
#map2 = affine_map<(d0, d1) -> (0, 0, 0)>
module attributes {stable_mosaic.version = 14 : i64} {
  func.func @agg_kernel(%arg0: i32, %arg1: i32, %arg2: memref<10000x128xf32, #tpu.memory_space<hbm>>, %arg3: memref<320000xi32, #tpu.memory_space<hbm>>, %arg4: memref<32x125x80xi32, #tpu.memory_space<hbm>>, %arg5: memref<2x10000x128xf32, #tpu.memory_space<hbm>>, %arg6: memref<10000xi32, #tpu.memory_space<vmem>>, %arg7: memref<125x80xi32, #tpu.memory_space<vmem>>, %arg8: memref<2x80x128xf32, #tpu.memory_space<vmem>>, %arg9: memref<10000x128xf32, #tpu.memory_space<vmem_shared>>, %arg10: memref<2x!tpu.dma_semaphore, #tpu.memory_space<semaphore_mem>>, %arg11: memref<2x!tpu.dma_semaphore, #tpu.memory_space<semaphore_mem>>) attributes {dimension_semantics = [#tpu.dimension_semantics<core_parallel>, #tpu.dimension_semantics<subcore_parallel>], iteration_bounds = array<i64: 2, 16>, scalar_prefetch = 0 : i64, scratch_operands = 6 : i64, tpu.core_type = #tpu.core_type<sc_vector_subcore>, window_params = [{transform_indices = #map}, {transform_indices = #map1}, {transform_indices = #map2}, {transform_indices = #map2}]} {
    %mul3A = arith.constant 2 : i32
    %mul3A_0 = arith.muli %arg1, %mul3A : i32
    %add3A = arith.addi %mul3A_0, %arg0 : i32
    %mul3A_1 = arith.constant 10000 : i32
    %mul3A_2 = arith.muli %add3A, %mul3A_1 : i32
    %multiple_of3A = tpu.assume_multiple %mul3A_2, 8 : i32
    "tpu.region"() ({
      %run_scoped3A = tpu.sem_alloc : memref<!tpu.dma_semaphore, #tpu.memory_space<semaphore_mem>>
      %dma_start3A_258 = tpu.memref_slice %arg3[%multiple_of3A] : memref<320000xi32, #tpu.memory_space<hbm>> -> memref<10000xi32, #tpu.memory_space<hbm>>
      %dma_start3A_259 = tpu.memref_slice %arg3[%multiple_of3A] : memref<320000xi32, #tpu.memory_space<hbm>> -> memref<10000xi32, #tpu.memory_space<hbm>>
      tpu.enqueue_dma source(%dma_start3A_259 : memref<10000xi32, #tpu.memory_space<hbm>>) target(%arg6 : memref<10000xi32, #tpu.memory_space<vmem>>) target_semaphore(%run_scoped3A : memref<!tpu.dma_semaphore, #tpu.memory_space<semaphore_mem>>)
      %dma_wait3A_260 = tpu.memref_slice %arg3[%multiple_of3A] : memref<320000xi32, #tpu.memory_space<hbm>> -> memref<10000xi32, #tpu.memory_space<hbm>>
      %dma_wait3A_261 = tpu.memref_slice %arg3[%multiple_of3A] : memref<320000xi32, #tpu.memory_space<hbm>> -> memref<10000xi32, #tpu.memory_space<hbm>>
      tpu.wait_dma2 semaphore(%run_scoped3A : memref<!tpu.dma_semaphore, #tpu.memory_space<semaphore_mem>>) src(%dma_wait3A_261 : memref<10000xi32, #tpu.memory_space<hbm>>) dst(%arg6 : memref<10000xi32, #tpu.memory_space<vmem>>)
      tpu.yield
    }) : () -> ()
    "tpu.region"() ({
      %run_scoped3A = tpu.sem_alloc : memref<!tpu.dma_semaphore, #tpu.memory_space<semaphore_mem>>
      %dma_start3A_258 = arith.constant 0 : i32
      %dma_start3A_259 = arith.constant 0 : i32
      %dma_start3A_260 = tpu.memref_slice %arg4[%add3A, %dma_start3A_258, %dma_start3A_259] : memref<32x125x80xi32, #tpu.memory_space<hbm>> -> memref<1x125x80xi32, #tpu.memory_space<hbm>>
      %dma_start3A_261 = tpu.memref_squeeze %dma_start3A_260 : memref<1x125x80xi32, #tpu.memory_space<hbm>> -> memref<125x80xi32, #tpu.memory_space<hbm>>
      %dma_start3A_262 = arith.constant 0 : i32
      %dma_start3A_263 = arith.constant 0 : i32
      %dma_start3A_264 = tpu.memref_slice %arg4[%add3A, %dma_start3A_262, %dma_start3A_263] : memref<32x125x80xi32, #tpu.memory_space<hbm>> -> memref<1x125x80xi32, #tpu.memory_space<hbm>>
      %dma_start3A_265 = tpu.memref_squeeze %dma_start3A_264 : memref<1x125x80xi32, #tpu.memory_space<hbm>> -> memref<125x80xi32, #tpu.memory_space<hbm>>
      tpu.enqueue_dma source(%dma_start3A_265 : memref<125x80xi32, #tpu.memory_space<hbm>>) target(%arg7 : memref<125x80xi32, #tpu.memory_space<vmem>>) target_semaphore(%run_scoped3A : memref<!tpu.dma_semaphore, #tpu.memory_space<semaphore_mem>>)
      %dma_wait3A_266 = arith.constant 0 : i32
      %dma_wait3A_267 = arith.constant 0 : i32
      %dma_wait3A_268 = tpu.memref_slice %arg4[%add3A, %dma_wait3A_266, %dma_wait3A_267] : memref<32x125x80xi32, #tpu.memory_space<hbm>> -> memref<1x125x80xi32, #tpu.memory_space<hbm>>
      %dma_wait3A_269 = tpu.memref_squeeze %dma_wait3A_268 : memref<1x125x80xi32, #tpu.memory_space<hbm>> -> memref<125x80xi32, #tpu.memory_space<hbm>>
      %dma_wait3A_270 = arith.constant 0 : i32
      %dma_wait3A_271 = arith.constant 0 : i32
      %dma_wait3A_272 = tpu.memref_slice %arg4[%add3A, %dma_wait3A_270, %dma_wait3A_271] : memref<32x125x80xi32, #tpu.memory_space<hbm>> -> memref<1x125x80xi32, #tpu.memory_space<hbm>>
      %dma_wait3A_273 = tpu.memref_squeeze %dma_wait3A_272 : memref<1x125x80xi32, #tpu.memory_space<hbm>> -> memref<125x80xi32, #tpu.memory_space<hbm>>
      tpu.wait_dma2 semaphore(%run_scoped3A : memref<!tpu.dma_semaphore, #tpu.memory_space<semaphore_mem>>) src(%dma_wait3A_273 : memref<125x80xi32, #tpu.memory_space<hbm>>) dst(%arg7 : memref<125x80xi32, #tpu.memory_space<vmem>>)
      tpu.yield
    }) : () -> ()
    %scan3A = arith.constant 0 : i32
    %scan3A_3 = arith.constant 0 : i32
    %scan3A_4 = arith.constant 0 : i32
    %scan3A_5 = arith.constant 640 : i32
    %scan3A_6 = arith.addi %scan3A_4, %scan3A_5 : i32
    %scan3A_7 = arith.constant 1 : i32
    %scan3A_8 = scf.for %scan3A_258 = %scan3A_4 to %scan3A_6 step %scan3A_7 iter_args(%scan3A_259 = %scan3A_3) -> (i32)  : i32 {
      %jit3A = arith.constant 8 : i32
      %div3A = arith.divsi %scan3A_258, %jit3A : i32
      %sign3A = arith.constant 0 : i32
      %sign3A_260 = arith.cmpi sgt, %scan3A_258, %sign3A : i32
      %sign3A_261 = arith.extui %sign3A_260 : i1 to i32
      %sign3A_262 = arith.constant 0 : i32
      %sign3A_263 = arith.cmpi slt, %scan3A_258, %sign3A_262 : i32
      %sign3A_264 = arith.extui %sign3A_263 : i1 to i32
      %sign3A_265 = arith.subi %sign3A_261, %sign3A_264 : i32
      %sign3A_266 = arith.constant 0 : i32
      %sign3A_267 = arith.cmpi sgt, %jit3A, %sign3A_266 : i32
      %sign3A_268 = arith.extui %sign3A_267 : i1 to i32
      %sign3A_269 = arith.constant 0 : i32
      %sign3A_270 = arith.cmpi slt, %jit3A, %sign3A_269 : i32
      %sign3A_271 = arith.extui %sign3A_270 : i1 to i32
      %sign3A_272 = arith.subi %sign3A_268, %sign3A_271 : i32
      %ne3A = arith.cmpi ne, %sign3A_265, %sign3A_272 : i32
      %rem3A = arith.remsi %scan3A_258, %jit3A : i32
      %ne3A_273 = arith.constant 0 : i32
      %ne3A_274 = arith.cmpi ne, %rem3A, %ne3A_273 : i32
      %and3A = arith.andi %ne3A, %ne3A_274 : i1
      %sub3A = arith.constant 1 : i32
      %sub3A_275 = arith.subi %div3A, %sub3A : i32
      %select_n3A = arith.select %and3A, %sub3A_275, %div3A : i32
      %jit3A_276 = arith.constant 8 : i32
      %eq3A = arith.constant 0 : i32
      %eq3A_277 = arith.cmpi eq, %jit3A_276, %eq3A : i32
      %jit3A_278 = arith.constant 1 : i32
      %select_n3A_279 = arith.select %eq3A_277, %jit3A_278, %jit3A_276 : i32
      %rem3A_280 = arith.remsi %scan3A_258, %select_n3A_279 : i32
      %ne3A_281 = arith.constant 0 : i32
      %ne3A_282 = arith.cmpi ne, %rem3A_280, %ne3A_281 : i32
      %lt3A_283 = arith.constant 0 : i32
      %lt3A_284 = arith.cmpi slt, %rem3A_280, %lt3A_283 : i32
      %lt3A_285 = arith.constant 0 : i32
      %lt3A_286 = arith.cmpi slt, %select_n3A_279, %lt3A_285 : i32
      %ne3A_287 = arith.xori %lt3A_284, %lt3A_286 : i1
      %and3A_288 = arith.andi %ne3A_287, %ne3A_282 : i1
      %add3A_289 = arith.addi %rem3A_280, %select_n3A_279 : i32
      %select_n3A_290 = arith.select %and3A_288, %add3A_289, %rem3A_280 : i32
      %broadcast_in_dim3A = arith.constant 0.000000e+00 : f32
      %broadcast_in_dim3A_291 = vector.broadcast %broadcast_in_dim3A : f32 to vector<16xf32>
      %mul3A_292 = arith.constant 16 : i32
      %mul3A_293 = arith.muli %select_n3A_290, %mul3A_292 : i32
      %swap3A = arith.constant 0 : i32
      %swap3A_294 = arith.constant 0 : i32
      %swap3A_295 = tpu.memref_slice %arg8[%scan3A, %swap3A, %swap3A_294] : memref<2x80x128xf32, #tpu.memory_space<vmem>> -> memref<1x80x128xf32, #tpu.memory_space<vmem>>
      %swap3A_296 = tpu.memref_squeeze %swap3A_295 : memref<1x80x128xf32, #tpu.memory_space<vmem>> -> memref<80x128xf32, #tpu.memory_space<vmem>>
      %swap3A_297 = arith.index_cast %select_n3A : i32 to index
      %swap3A_298 = arith.index_cast %mul3A_293 : i32 to index
      %swap3A_299 = tpu.vector_load %swap3A_296[%swap3A_297, %swap3A_298] {strides = array<i32>} : memref<80x128xf32, #tpu.memory_space<vmem>>, vector<1x16xf32>,
      %swap3A_300 = vector.shape_cast %swap3A_299 : vector<1x16xf32> to vector<16xf32>
      %swap3A_301 = vector.shape_cast %broadcast_in_dim3A_291 : vector<16xf32> to vector<1x16xf32>
      tpu.vector_store %swap3A_296[%swap3A_297, %swap3A_298], %swap3A_301 {strides = array<i32>} : memref<80x128xf32, #tpu.memory_space<vmem>>, vector<1x16xf32>,
      %scan3A_302 = arith.constant 0 : i32
      scf.yield %scan3A_302 : i32
    }
    %scan3A_9 = arith.constant 640 : i32
    %mul3A_10 = arith.constant 8 : i32
    %mul3A_11 = arith.muli %arg1, %mul3A_10 : i32
    %add3A_12 = arith.constant 0 : i32
    %add3A_13 = arith.addi %mul3A_11, %add3A_12 : i32
    %lt3A = arith.constant 125 : i32
    %lt3A_14 = arith.cmpi slt, %add3A_13, %lt3A : i32
    %convert_element_type3A = arith.extui %lt3A_14 : i1 to i32
    %cond3A = arith.constant 0 : i32
    %cond3A_15 = arith.constant 0 : i32
    %cond3A_16 = arith.cmpi ne, %convert_element_type3A, %cond3A_15 : i32
    scf.if %cond3A_16 {
      %mul3A_258 = arith.constant 80 : i32
      %mul3A_259 = arith.muli %add3A_13, %mul3A_258 : i32
      "tpu.region"() ({
        %run_scoped3A = tpu.sem_alloc : memref<!tpu.dma_semaphore, #tpu.memory_space<semaphore_mem>>
        %dma_start3A_260 = arith.constant 0 : i32
        %dma_start3A_261 = arith.constant 0 : i32
        %dma_start3A_262 = tpu.memref_slice %arg8[%cond3A, %dma_start3A_260, %dma_start3A_261] : memref<2x80x128xf32, #tpu.memory_space<vmem>> -> memref<1x80x128xf32, #tpu.memory_space<vmem>>
        %dma_start3A_263 = tpu.memref_squeeze %dma_start3A_262 : memref<1x80x128xf32, #tpu.memory_space<vmem>> -> memref<80x128xf32, #tpu.memory_space<vmem>>
        %dma_start3A_264 = arith.constant 0 : i32
        %dma_start3A_265 = tpu.memref_slice %arg9[%mul3A_259, %dma_start3A_264] : memref<10000x128xf32, #tpu.memory_space<vmem_shared>> -> memref<80x128xf32, #tpu.memory_space<vmem_shared>>
        %dma_start3A_266 = arith.constant 0 : i32
        %dma_start3A_267 = tpu.memref_slice %arg9[%mul3A_259, %dma_start3A_266] : memref<10000x128xf32, #tpu.memory_space<vmem_shared>> -> memref<80x128xf32, #tpu.memory_space<vmem_shared>>
        %dma_start3A_268 = arith.constant 0 : i32
        %dma_start3A_269 = arith.constant 0 : i32
        %dma_start3A_270 = tpu.memref_slice %arg8[%cond3A, %dma_start3A_268, %dma_start3A_269] : memref<2x80x128xf32, #tpu.memory_space<vmem>> -> memref<1x80x128xf32, #tpu.memory_space<vmem>>
        %dma_start3A_271 = tpu.memref_squeeze %dma_start3A_270 : memref<1x80x128xf32, #tpu.memory_space<vmem>> -> memref<80x128xf32, #tpu.memory_space<vmem>>
        tpu.enqueue_dma source(%dma_start3A_271 : memref<80x128xf32, #tpu.memory_space<vmem>>) target(%dma_start3A_267 : memref<80x128xf32, #tpu.memory_space<vmem_shared>>) target_semaphore(%run_scoped3A : memref<!tpu.dma_semaphore, #tpu.memory_space<semaphore_mem>>)
        %dma_wait3A_272 = arith.constant 0 : i32
        %dma_wait3A_273 = arith.constant 0 : i32
        %dma_wait3A_274 = tpu.memref_slice %arg8[%cond3A, %dma_wait3A_272, %dma_wait3A_273] : memref<2x80x128xf32, #tpu.memory_space<vmem>> -> memref<1x80x128xf32, #tpu.memory_space<vmem>>
        %dma_wait3A_275 = tpu.memref_squeeze %dma_wait3A_274 : memref<1x80x128xf32, #tpu.memory_space<vmem>> -> memref<80x128xf32, #tpu.memory_space<vmem>>
        %dma_wait3A_276 = arith.constant 0 : i32
        %dma_wait3A_277 = tpu.memref_slice %arg9[%mul3A_259, %dma_wait3A_276] : memref<10000x128xf32, #tpu.memory_space<vmem_shared>> -> memref<80x128xf32, #tpu.memory_space<vmem_shared>>
        %dma_wait3A_278 = arith.constant 0 : i32
        %dma_wait3A_279 = tpu.memref_slice %arg9[%mul3A_259, %dma_wait3A_278] : memref<10000x128xf32, #tpu.memory_space<vmem_shared>> -> memref<80x128xf32, #tpu.memory_space<vmem_shared>>
        %dma_wait3A_280 = arith.constant 0 : i32
        %dma_wait3A_281 = arith.constant 0 : i32
        %dma_wait3A_282 = tpu.memref_slice %arg8[%cond3A, %dma_wait3A_280, %dma_wait3A_281] : memref<2x80x128xf32, #tpu.memory_space<vmem>> -> memref<1x80x128xf32, #tpu.memory_space<vmem>>
        %dma_wait3A_283 = tpu.memref_squeeze %dma_wait3A_282 : memref<1x80x128xf32, #tpu.memory_space<vmem>> -> memref<80x128xf32, #tpu.memory_space<vmem>>
        tpu.wait_dma2 semaphore(%run_scoped3A : memref<!tpu.dma_semaphore, #tpu.memory_space<semaphore_mem>>) src(%dma_wait3A_283 : memref<80x128xf32, #tpu.memory_space<vmem>>) dst(%dma_wait3A_279 : memref<80x128xf32, #tpu.memory_space<vmem_shared>>)
        tpu.yield
      }) : () -> ()
    } else {
    }
    %mul3A_17 = arith.constant 8 : i32
    %mul3A_18 = arith.muli %arg1, %mul3A_17 : i32
    %add3A_19 = arith.constant 1 : i32
    %add3A_20 = arith.addi %mul3A_18, %add3A_19 : i32
    %lt3A_21 = arith.constant 125 : i32
    %lt3A_22 = arith.cmpi slt, %add3A_20, %lt3A_21 : i32
    %convert_element_type3A_23 = arith.extui %lt3A_22 : i1 to i32
    %cond3A_24 = arith.constant 0 : i32
    %cond3A_25 = arith.constant 0 : i32
    %cond3A_26 = arith.cmpi ne, %convert_element_type3A_23, %cond3A_25 : i32
    scf.if %cond3A_26 {
      %mul3A_258 = arith.constant 80 : i32
      %mul3A_259 = arith.muli %add3A_20, %mul3A_258 : i32
      "tpu.region"() ({
        %run_scoped3A = tpu.sem_alloc : memref<!tpu.dma_semaphore, #tpu.memory_space<semaphore_mem>>
        %dma_start3A_260 = arith.constant 0 : i32
        %dma_start3A_261 = arith.constant 0 : i32
        %dma_start3A_262 = tpu.memref_slice %arg8[%cond3A_24, %dma_start3A_260, %dma_start3A_261] : memref<2x80x128xf32, #tpu.memory_space<vmem>> -> memref<1x80x128xf32, #tpu.memory_space<vmem>>
        %dma_start3A_263 = tpu.memref_squeeze %dma_start3A_262 : memref<1x80x128xf32, #tpu.memory_space<vmem>> -> memref<80x128xf32, #tpu.memory_space<vmem>>
        %dma_start3A_264 = arith.constant 0 : i32
        %dma_start3A_265 = tpu.memref_slice %arg9[%mul3A_259, %dma_start3A_264] : memref<10000x128xf32, #tpu.memory_space<vmem_shared>> -> memref<80x128xf32, #tpu.memory_space<vmem_shared>>
        %dma_start3A_266 = arith.constant 0 : i32
        %dma_start3A_267 = tpu.memref_slice %arg9[%mul3A_259, %dma_start3A_266] : memref<10000x128xf32, #tpu.memory_space<vmem_shared>> -> memref<80x128xf32, #tpu.memory_space<vmem_shared>>
        %dma_start3A_268 = arith.constant 0 : i32
        %dma_start3A_269 = arith.constant 0 : i32
        %dma_start3A_270 = tpu.memref_slice %arg8[%cond3A_24, %dma_start3A_268, %dma_start3A_269] : memref<2x80x128xf32, #tpu.memory_space<vmem>> -> memref<1x80x128xf32, #tpu.memory_space<vmem>>
        %dma_start3A_271 = tpu.memref_squeeze %dma_start3A_270 : memref<1x80x128xf32, #tpu.memory_space<vmem>> -> memref<80x128xf32, #tpu.memory_space<vmem>>
        tpu.enqueue_dma source(%dma_start3A_271 : memref<80x128xf32, #tpu.memory_space<vmem>>) target(%dma_start3A_267 : memref<80x128xf32, #tpu.memory_space<vmem_shared>>) target_semaphore(%run_scoped3A : memref<!tpu.dma_semaphore, #tpu.memory_space<semaphore_mem>>)
        %dma_wait3A_272 = arith.constant 0 : i32
        %dma_wait3A_273 = arith.constant 0 : i32
        %dma_wait3A_274 = tpu.memref_slice %arg8[%cond3A_24, %dma_wait3A_272, %dma_wait3A_273] : memref<2x80x128xf32, #tpu.memory_space<vmem>> -> memref<1x80x128xf32, #tpu.memory_space<vmem>>
        %dma_wait3A_275 = tpu.memref_squeeze %dma_wait3A_274 : memref<1x80x128xf32, #tpu.memory_space<vmem>> -> memref<80x128xf32, #tpu.memory_space<vmem>>
        %dma_wait3A_276 = arith.constant 0 : i32
        %dma_wait3A_277 = tpu.memref_slice %arg9[%mul3A_259, %dma_wait3A_276] : memref<10000x128xf32, #tpu.memory_space<vmem_shared>> -> memref<80x128xf32, #tpu.memory_space<vmem_shared>>
        %dma_wait3A_278 = arith.constant 0 : i32
        %dma_wait3A_279 = tpu.memref_slice %arg9[%mul3A_259, %dma_wait3A_278] : memref<10000x128xf32, #tpu.memory_space<vmem_shared>> -> memref<80x128xf32, #tpu.memory_space<vmem_shared>>
        %dma_wait3A_280 = arith.constant 0 : i32
        %dma_wait3A_281 = arith.constant 0 : i32
        %dma_wait3A_282 = tpu.memref_slice %arg8[%cond3A_24, %dma_wait3A_280, %dma_wait3A_281] : memref<2x80x128xf32, #tpu.memory_space<vmem>> -> memref<1x80x128xf32, #tpu.memory_space<vmem>>
        %dma_wait3A_283 = tpu.memref_squeeze %dma_wait3A_282 : memref<1x80x128xf32, #tpu.memory_space<vmem>> -> memref<80x128xf32, #tpu.memory_space<vmem>>
        tpu.wait_dma2 semaphore(%run_scoped3A : memref<!tpu.dma_semaphore, #tpu.memory_space<semaphore_mem>>) src(%dma_wait3A_283 : memref<80x128xf32, #tpu.memory_space<vmem>>) dst(%dma_wait3A_279 : memref<80x128xf32, #tpu.memory_space<vmem_shared>>)
        tpu.yield
      }) : () -> ()
    } else {
    }
    %mul3A_27 = arith.constant 8 : i32
    %mul3A_28 = arith.muli %arg1, %mul3A_27 : i32
    %add3A_29 = arith.constant 2 : i32
    %add3A_30 = arith.addi %mul3A_28, %add3A_29 : i32
    %lt3A_31 = arith.constant 125 : i32
    %lt3A_32 = arith.cmpi slt, %add3A_30, %lt3A_31 : i32
    %convert_element_type3A_33 = arith.extui %lt3A_32 : i1 to i32
    %cond3A_34 = arith.constant 0 : i32
    %cond3A_35 = arith.constant 0 : i32
    %cond3A_36 = arith.cmpi ne, %convert_element_type3A_33, %cond3A_35 : i32
    scf.if %cond3A_36 {
      %mul3A_258 = arith.constant 80 : i32
      %mul3A_259 = arith.muli %add3A_30, %mul3A_258 : i32
      "tpu.region"() ({
        %run_scoped3A = tpu.sem_alloc : memref<!tpu.dma_semaphore, #tpu.memory_space<semaphore_mem>>
        %dma_start3A_260 = arith.constant 0 : i32
        %dma_start3A_261 = arith.constant 0 : i32
        %dma_start3A_262 = tpu.memref_slice %arg8[%cond3A_34, %dma_start3A_260, %dma_start3A_261] : memref<2x80x128xf32, #tpu.memory_space<vmem>> -> memref<1x80x128xf32, #tpu.memory_space<vmem>>
        %dma_start3A_263 = tpu.memref_squeeze %dma_start3A_262 : memref<1x80x128xf32, #tpu.memory_space<vmem>> -> memref<80x128xf32, #tpu.memory_space<vmem>>
        %dma_start3A_264 = arith.constant 0 : i32
        %dma_start3A_265 = tpu.memref_slice %arg9[%mul3A_259, %dma_start3A_264] : memref<10000x128xf32, #tpu.memory_space<vmem_shared>> -> memref<80x128xf32, #tpu.memory_space<vmem_shared>>
        %dma_start3A_266 = arith.constant 0 : i32
        %dma_start3A_267 = tpu.memref_slice %arg9[%mul3A_259, %dma_start3A_266] : memref<10000x128xf32, #tpu.memory_space<vmem_shared>> -> memref<80x128xf32, #tpu.memory_space<vmem_shared>>
        %dma_start3A_268 = arith.constant 0 : i32
        %dma_start3A_269 = arith.constant 0 : i32
        %dma_start3A_270 = tpu.memref_slice %arg8[%cond3A_34, %dma_start3A_268, %dma_start3A_269] : memref<2x80x128xf32, #tpu.memory_space<vmem>> -> memref<1x80x128xf32, #tpu.memory_space<vmem>>
        %dma_start3A_271 = tpu.memref_squeeze %dma_start3A_270 : memref<1x80x128xf32, #tpu.memory_space<vmem>> -> memref<80x128xf32, #tpu.memory_space<vmem>>
        tpu.enqueue_dma source(%dma_start3A_271 : memref<80x128xf32, #tpu.memory_space<vmem>>) target(%dma_start3A_267 : memref<80x128xf32, #tpu.memory_space<vmem_shared>>) target_semaphore(%run_scoped3A : memref<!tpu.dma_semaphore, #tpu.memory_space<semaphore_mem>>)
        %dma_wait3A_272 = arith.constant 0 : i32
        %dma_wait3A_273 = arith.constant 0 : i32
        %dma_wait3A_274 = tpu.memref_slice %arg8[%cond3A_34, %dma_wait3A_272, %dma_wait3A_273] : memref<2x80x128xf32, #tpu.memory_space<vmem>> -> memref<1x80x128xf32, #tpu.memory_space<vmem>>
        %dma_wait3A_275 = tpu.memref_squeeze %dma_wait3A_274 : memref<1x80x128xf32, #tpu.memory_space<vmem>> -> memref<80x128xf32, #tpu.memory_space<vmem>>
        %dma_wait3A_276 = arith.constant 0 : i32
        %dma_wait3A_277 = tpu.memref_slice %arg9[%mul3A_259, %dma_wait3A_276] : memref<10000x128xf32, #tpu.memory_space<vmem_shared>> -> memref<80x128xf32, #tpu.memory_space<vmem_shared>>
        %dma_wait3A_278 = arith.constant 0 : i32
        %dma_wait3A_279 = tpu.memref_slice %arg9[%mul3A_259, %dma_wait3A_278] : memref<10000x128xf32, #tpu.memory_space<vmem_shared>> -> memref<80x128xf32, #tpu.memory_space<vmem_shared>>
        %dma_wait3A_280 = arith.constant 0 : i32
        %dma_wait3A_281 = arith.constant 0 : i32
        %dma_wait3A_282 = tpu.memref_slice %arg8[%cond3A_34, %dma_wait3A_280, %dma_wait3A_281] : memref<2x80x128xf32, #tpu.memory_space<vmem>> -> memref<1x80x128xf32, #tpu.memory_space<vmem>>
        %dma_wait3A_283 = tpu.memref_squeeze %dma_wait3A_282 : memref<1x80x128xf32, #tpu.memory_space<vmem>> -> memref<80x128xf32, #tpu.memory_space<vmem>>
        tpu.wait_dma2 semaphore(%run_scoped3A : memref<!tpu.dma_semaphore, #tpu.memory_space<semaphore_mem>>) src(%dma_wait3A_283 : memref<80x128xf32, #tpu.memory_space<vmem>>) dst(%dma_wait3A_279 : memref<80x128xf32, #tpu.memory_space<vmem_shared>>)
        tpu.yield
      }) : () -> ()
    } else {
    }
    %mul3A_37 = arith.constant 8 : i32
    %mul3A_38 = arith.muli %arg1, %mul3A_37 : i32
    %add3A_39 = arith.constant 3 : i32
    %add3A_40 = arith.addi %mul3A_38, %add3A_39 : i32
    %lt3A_41 = arith.constant 125 : i32
    %lt3A_42 = arith.cmpi slt, %add3A_40, %lt3A_41 : i32
    %convert_element_type3A_43 = arith.extui %lt3A_42 : i1 to i32
    %cond3A_44 = arith.constant 0 : i32
    %cond3A_45 = arith.constant 0 : i32
    %cond3A_46 = arith.cmpi ne, %convert_element_type3A_43, %cond3A_45 : i32
    scf.if %cond3A_46 {
      %mul3A_258 = arith.constant 80 : i32
      %mul3A_259 = arith.muli %add3A_40, %mul3A_258 : i32
      "tpu.region"() ({
        %run_scoped3A = tpu.sem_alloc : memref<!tpu.dma_semaphore, #tpu.memory_space<semaphore_mem>>
        %dma_start3A_260 = arith.constant 0 : i32
        %dma_start3A_261 = arith.constant 0 : i32
        %dma_start3A_262 = tpu.memref_slice %arg8[%cond3A_44, %dma_start3A_260, %dma_start3A_261] : memref<2x80x128xf32, #tpu.memory_space<vmem>> -> memref<1x80x128xf32, #tpu.memory_space<vmem>>
        %dma_start3A_263 = tpu.memref_squeeze %dma_start3A_262 : memref<1x80x128xf32, #tpu.memory_space<vmem>> -> memref<80x128xf32, #tpu.memory_space<vmem>>
        %dma_start3A_264 = arith.constant 0 : i32
        %dma_start3A_265 = tpu.memref_slice %arg9[%mul3A_259, %dma_start3A_264] : memref<10000x128xf32, #tpu.memory_space<vmem_shared>> -> memref<80x128xf32, #tpu.memory_space<vmem_shared>>
        %dma_start3A_266 = arith.constant 0 : i32
        %dma_start3A_267 = tpu.memref_slice %arg9[%mul3A_259, %dma_start3A_266] : memref<10000x128xf32, #tpu.memory_space<vmem_shared>> -> memref<80x128xf32, #tpu.memory_space<vmem_shared>>
        %dma_start3A_268 = arith.constant 0 : i32
        %dma_start3A_269 = arith.constant 0 : i32
        %dma_start3A_270 = tpu.memref_slice %arg8[%cond3A_44, %dma_start3A_268, %dma_start3A_269] : memref<2x80x128xf32, #tpu.memory_space<vmem>> -> memref<1x80x128xf32, #tpu.memory_space<vmem>>
        %dma_start3A_271 = tpu.memref_squeeze %dma_start3A_270 : memref<1x80x128xf32, #tpu.memory_space<vmem>> -> memref<80x128xf32, #tpu.memory_space<vmem>>
        tpu.enqueue_dma source(%dma_start3A_271 : memref<80x128xf32, #tpu.memory_space<vmem>>) target(%dma_start3A_267 : memref<80x128xf32, #tpu.memory_space<vmem_shared>>) target_semaphore(%run_scoped3A : memref<!tpu.dma_semaphore, #tpu.memory_space<semaphore_mem>>)
        %dma_wait3A_272 = arith.constant 0 : i32
        %dma_wait3A_273 = arith.constant 0 : i32
        %dma_wait3A_274 = tpu.memref_slice %arg8[%cond3A_44, %dma_wait3A_272, %dma_wait3A_273] : memref<2x80x128xf32, #tpu.memory_space<vmem>> -> memref<1x80x128xf32, #tpu.memory_space<vmem>>
        %dma_wait3A_275 = tpu.memref_squeeze %dma_wait3A_274 : memref<1x80x128xf32, #tpu.memory_space<vmem>> -> memref<80x128xf32, #tpu.memory_space<vmem>>
        %dma_wait3A_276 = arith.constant 0 : i32
        %dma_wait3A_277 = tpu.memref_slice %arg9[%mul3A_259, %dma_wait3A_276] : memref<10000x128xf32, #tpu.memory_space<vmem_shared>> -> memref<80x128xf32, #tpu.memory_space<vmem_shared>>
        %dma_wait3A_278 = arith.constant 0 : i32
        %dma_wait3A_279 = tpu.memref_slice %arg9[%mul3A_259, %dma_wait3A_278] : memref<10000x128xf32, #tpu.memory_space<vmem_shared>> -> memref<80x128xf32, #tpu.memory_space<vmem_shared>>
        %dma_wait3A_280 = arith.constant 0 : i32
        %dma_wait3A_281 = arith.constant 0 : i32
        %dma_wait3A_282 = tpu.memref_slice %arg8[%cond3A_44, %dma_wait3A_280, %dma_wait3A_281] : memref<2x80x128xf32, #tpu.memory_space<vmem>> -> memref<1x80x128xf32, #tpu.memory_space<vmem>>
        %dma_wait3A_283 = tpu.memref_squeeze %dma_wait3A_282 : memref<1x80x128xf32, #tpu.memory_space<vmem>> -> memref<80x128xf32, #tpu.memory_space<vmem>>
        tpu.wait_dma2 semaphore(%run_scoped3A : memref<!tpu.dma_semaphore, #tpu.memory_space<semaphore_mem>>) src(%dma_wait3A_283 : memref<80x128xf32, #tpu.memory_space<vmem>>) dst(%dma_wait3A_279 : memref<80x128xf32, #tpu.memory_space<vmem_shared>>)
        tpu.yield
      }) : () -> ()
    } else {
    }
    %mul3A_47 = arith.constant 8 : i32
    %mul3A_48 = arith.muli %arg1, %mul3A_47 : i32
    %add3A_49 = arith.constant 4 : i32
    %add3A_50 = arith.addi %mul3A_48, %add3A_49 : i32
    %lt3A_51 = arith.constant 125 : i32
    %lt3A_52 = arith.cmpi slt, %add3A_50, %lt3A_51 : i32
    %convert_element_type3A_53 = arith.extui %lt3A_52 : i1 to i32
    %cond3A_54 = arith.constant 0 : i32
    %cond3A_55 = arith.constant 0 : i32
    %cond3A_56 = arith.cmpi ne, %convert_element_type3A_53, %cond3A_55 : i32
    scf.if %cond3A_56 {
      %mul3A_258 = arith.constant 80 : i32
      %mul3A_259 = arith.muli %add3A_50, %mul3A_258 : i32
      "tpu.region"() ({
        %run_scoped3A = tpu.sem_alloc : memref<!tpu.dma_semaphore, #tpu.memory_space<semaphore_mem>>
        %dma_start3A_260 = arith.constant 0 : i32
        %dma_start3A_261 = arith.constant 0 : i32
        %dma_start3A_262 = tpu.memref_slice %arg8[%cond3A_54, %dma_start3A_260, %dma_start3A_261] : memref<2x80x128xf32, #tpu.memory_space<vmem>> -> memref<1x80x128xf32, #tpu.memory_space<vmem>>
        %dma_start3A_263 = tpu.memref_squeeze %dma_start3A_262 : memref<1x80x128xf32, #tpu.memory_space<vmem>> -> memref<80x128xf32, #tpu.memory_space<vmem>>
        %dma_start3A_264 = arith.constant 0 : i32
        %dma_start3A_265 = tpu.memref_slice %arg9[%mul3A_259, %dma_start3A_264] : memref<10000x128xf32, #tpu.memory_space<vmem_shared>> -> memref<80x128xf32, #tpu.memory_space<vmem_shared>>
        %dma_start3A_266 = arith.constant 0 : i32
        %dma_start3A_267 = tpu.memref_slice %arg9[%mul3A_259, %dma_start3A_266] : memref<10000x128xf32, #tpu.memory_space<vmem_shared>> -> memref<80x128xf32, #tpu.memory_space<vmem_shared>>
        %dma_start3A_268 = arith.constant 0 : i32
        %dma_start3A_269 = arith.constant 0 : i32
        %dma_start3A_270 = tpu.memref_slice %arg8[%cond3A_54, %dma_start3A_268, %dma_start3A_269] : memref<2x80x128xf32, #tpu.memory_space<vmem>> -> memref<1x80x128xf32, #tpu.memory_space<vmem>>
        %dma_start3A_271 = tpu.memref_squeeze %dma_start3A_270 : memref<1x80x128xf32, #tpu.memory_space<vmem>> -> memref<80x128xf32, #tpu.memory_space<vmem>>
        tpu.enqueue_dma source(%dma_start3A_271 : memref<80x128xf32, #tpu.memory_space<vmem>>) target(%dma_start3A_267 : memref<80x128xf32, #tpu.memory_space<vmem_shared>>) target_semaphore(%run_scoped3A : memref<!tpu.dma_semaphore, #tpu.memory_space<semaphore_mem>>)
        %dma_wait3A_272 = arith.constant 0 : i32
        %dma_wait3A_273 = arith.constant 0 : i32
        %dma_wait3A_274 = tpu.memref_slice %arg8[%cond3A_54, %dma_wait3A_272, %dma_wait3A_273] : memref<2x80x128xf32, #tpu.memory_space<vmem>> -> memref<1x80x128xf32, #tpu.memory_space<vmem>>
        %dma_wait3A_275 = tpu.memref_squeeze %dma_wait3A_274 : memref<1x80x128xf32, #tpu.memory_space<vmem>> -> memref<80x128xf32, #tpu.memory_space<vmem>>
        %dma_wait3A_276 = arith.constant 0 : i32
        %dma_wait3A_277 = tpu.memref_slice %arg9[%mul3A_259, %dma_wait3A_276] : memref<10000x128xf32, #tpu.memory_space<vmem_shared>> -> memref<80x128xf32, #tpu.memory_space<vmem_shared>>
        %dma_wait3A_278 = arith.constant 0 : i32
        %dma_wait3A_279 = tpu.memref_slice %arg9[%mul3A_259, %dma_wait3A_278] : memref<10000x128xf32, #tpu.memory_space<vmem_shared>> -> memref<80x128xf32, #tpu.memory_space<vmem_shared>>
        %dma_wait3A_280 = arith.constant 0 : i32
        %dma_wait3A_281 = arith.constant 0 : i32
        %dma_wait3A_282 = tpu.memref_slice %arg8[%cond3A_54, %dma_wait3A_280, %dma_wait3A_281] : memref<2x80x128xf32, #tpu.memory_space<vmem>> -> memref<1x80x128xf32, #tpu.memory_space<vmem>>
        %dma_wait3A_283 = tpu.memref_squeeze %dma_wait3A_282 : memref<1x80x128xf32, #tpu.memory_space<vmem>> -> memref<80x128xf32, #tpu.memory_space<vmem>>
        tpu.wait_dma2 semaphore(%run_scoped3A : memref<!tpu.dma_semaphore, #tpu.memory_space<semaphore_mem>>) src(%dma_wait3A_283 : memref<80x128xf32, #tpu.memory_space<vmem>>) dst(%dma_wait3A_279 : memref<80x128xf32, #tpu.memory_space<vmem_shared>>)
        tpu.yield
      }) : () -> ()
    } else {
    }
    %mul3A_57 = arith.constant 8 : i32
    %mul3A_58 = arith.muli %arg1, %mul3A_57 : i32
    %add3A_59 = arith.constant 5 : i32
    %add3A_60 = arith.addi %mul3A_58, %add3A_59 : i32
    %lt3A_61 = arith.constant 125 : i32
    %lt3A_62 = arith.cmpi slt, %add3A_60, %lt3A_61 : i32
    %convert_element_type3A_63 = arith.extui %lt3A_62 : i1 to i32
    %cond3A_64 = arith.constant 0 : i32
    %cond3A_65 = arith.constant 0 : i32
    %cond3A_66 = arith.cmpi ne, %convert_element_type3A_63, %cond3A_65 : i32
    scf.if %cond3A_66 {
      %mul3A_258 = arith.constant 80 : i32
      %mul3A_259 = arith.muli %add3A_60, %mul3A_258 : i32
      "tpu.region"() ({
        %run_scoped3A = tpu.sem_alloc : memref<!tpu.dma_semaphore, #tpu.memory_space<semaphore_mem>>
        %dma_start3A_260 = arith.constant 0 : i32
        %dma_start3A_261 = arith.constant 0 : i32
        %dma_start3A_262 = tpu.memref_slice %arg8[%cond3A_64, %dma_start3A_260, %dma_start3A_261] : memref<2x80x128xf32, #tpu.memory_space<vmem>> -> memref<1x80x128xf32, #tpu.memory_space<vmem>>
        %dma_start3A_263 = tpu.memref_squeeze %dma_start3A_262 : memref<1x80x128xf32, #tpu.memory_space<vmem>> -> memref<80x128xf32, #tpu.memory_space<vmem>>
        %dma_start3A_264 = arith.constant 0 : i32
        %dma_start3A_265 = tpu.memref_slice %arg9[%mul3A_259, %dma_start3A_264] : memref<10000x128xf32, #tpu.memory_space<vmem_shared>> -> memref<80x128xf32, #tpu.memory_space<vmem_shared>>
        %dma_start3A_266 = arith.constant 0 : i32
        %dma_start3A_267 = tpu.memref_slice %arg9[%mul3A_259, %dma_start3A_266] : memref<10000x128xf32, #tpu.memory_space<vmem_shared>> -> memref<80x128xf32, #tpu.memory_space<vmem_shared>>
        %dma_start3A_268 = arith.constant 0 : i32
        %dma_start3A_269 = arith.constant 0 : i32
        %dma_start3A_270 = tpu.memref_slice %arg8[%cond3A_64, %dma_start3A_268, %dma_start3A_269] : memref<2x80x128xf32, #tpu.memory_space<vmem>> -> memref<1x80x128xf32, #tpu.memory_space<vmem>>
        %dma_start3A_271 = tpu.memref_squeeze %dma_start3A_270 : memref<1x80x128xf32, #tpu.memory_space<vmem>> -> memref<80x128xf32, #tpu.memory_space<vmem>>
        tpu.enqueue_dma source(%dma_start3A_271 : memref<80x128xf32, #tpu.memory_space<vmem>>) target(%dma_start3A_267 : memref<80x128xf32, #tpu.memory_space<vmem_shared>>) target_semaphore(%run_scoped3A : memref<!tpu.dma_semaphore, #tpu.memory_space<semaphore_mem>>)
        %dma_wait3A_272 = arith.constant 0 : i32
        %dma_wait3A_273 = arith.constant 0 : i32
        %dma_wait3A_274 = tpu.memref_slice %arg8[%cond3A_64, %dma_wait3A_272, %dma_wait3A_273] : memref<2x80x128xf32, #tpu.memory_space<vmem>> -> memref<1x80x128xf32, #tpu.memory_space<vmem>>
        %dma_wait3A_275 = tpu.memref_squeeze %dma_wait3A_274 : memref<1x80x128xf32, #tpu.memory_space<vmem>> -> memref<80x128xf32, #tpu.memory_space<vmem>>
        %dma_wait3A_276 = arith.constant 0 : i32
        %dma_wait3A_277 = tpu.memref_slice %arg9[%mul3A_259, %dma_wait3A_276] : memref<10000x128xf32, #tpu.memory_space<vmem_shared>> -> memref<80x128xf32, #tpu.memory_space<vmem_shared>>
        %dma_wait3A_278 = arith.constant 0 : i32
        %dma_wait3A_279 = tpu.memref_slice %arg9[%mul3A_259, %dma_wait3A_278] : memref<10000x128xf32, #tpu.memory_space<vmem_shared>> -> memref<80x128xf32, #tpu.memory_space<vmem_shared>>
        %dma_wait3A_280 = arith.constant 0 : i32
        %dma_wait3A_281 = arith.constant 0 : i32
        %dma_wait3A_282 = tpu.memref_slice %arg8[%cond3A_64, %dma_wait3A_280, %dma_wait3A_281] : memref<2x80x128xf32, #tpu.memory_space<vmem>> -> memref<1x80x128xf32, #tpu.memory_space<vmem>>
        %dma_wait3A_283 = tpu.memref_squeeze %dma_wait3A_282 : memref<1x80x128xf32, #tpu.memory_space<vmem>> -> memref<80x128xf32, #tpu.memory_space<vmem>>
        tpu.wait_dma2 semaphore(%run_scoped3A : memref<!tpu.dma_semaphore, #tpu.memory_space<semaphore_mem>>) src(%dma_wait3A_283 : memref<80x128xf32, #tpu.memory_space<vmem>>) dst(%dma_wait3A_279 : memref<80x128xf32, #tpu.memory_space<vmem_shared>>)
        tpu.yield
      }) : () -> ()
    } else {
    }
    %mul3A_67 = arith.constant 8 : i32
    %mul3A_68 = arith.muli %arg1, %mul3A_67 : i32
    %add3A_69 = arith.constant 6 : i32
    %add3A_70 = arith.addi %mul3A_68, %add3A_69 : i32
    %lt3A_71 = arith.constant 125 : i32
    %lt3A_72 = arith.cmpi slt, %add3A_70, %lt3A_71 : i32
    %convert_element_type3A_73 = arith.extui %lt3A_72 : i1 to i32
    %cond3A_74 = arith.constant 0 : i32
    %cond3A_75 = arith.constant 0 : i32
    %cond3A_76 = arith.cmpi ne, %convert_element_type3A_73, %cond3A_75 : i32
    scf.if %cond3A_76 {
      %mul3A_258 = arith.constant 80 : i32
      %mul3A_259 = arith.muli %add3A_70, %mul3A_258 : i32
      "tpu.region"() ({
        %run_scoped3A = tpu.sem_alloc : memref<!tpu.dma_semaphore, #tpu.memory_space<semaphore_mem>>
        %dma_start3A_260 = arith.constant 0 : i32
        %dma_start3A_261 = arith.constant 0 : i32
        %dma_start3A_262 = tpu.memref_slice %arg8[%cond3A_74, %dma_start3A_260, %dma_start3A_261] : memref<2x80x128xf32, #tpu.memory_space<vmem>> -> memref<1x80x128xf32, #tpu.memory_space<vmem>>
        %dma_start3A_263 = tpu.memref_squeeze %dma_start3A_262 : memref<1x80x128xf32, #tpu.memory_space<vmem>> -> memref<80x128xf32, #tpu.memory_space<vmem>>
        %dma_start3A_264 = arith.constant 0 : i32
        %dma_start3A_265 = tpu.memref_slice %arg9[%mul3A_259, %dma_start3A_264] : memref<10000x128xf32, #tpu.memory_space<vmem_shared>> -> memref<80x128xf32, #tpu.memory_space<vmem_shared>>
        %dma_start3A_266 = arith.constant 0 : i32
        %dma_start3A_267 = tpu.memref_slice %arg9[%mul3A_259, %dma_start3A_266] : memref<10000x128xf32, #tpu.memory_space<vmem_shared>> -> memref<80x128xf32, #tpu.memory_space<vmem_shared>>
        %dma_start3A_268 = arith.constant 0 : i32
        %dma_start3A_269 = arith.constant 0 : i32
        %dma_start3A_270 = tpu.memref_slice %arg8[%cond3A_74, %dma_start3A_268, %dma_start3A_269] : memref<2x80x128xf32, #tpu.memory_space<vmem>> -> memref<1x80x128xf32, #tpu.memory_space<vmem>>
        %dma_start3A_271 = tpu.memref_squeeze %dma_start3A_270 : memref<1x80x128xf32, #tpu.memory_space<vmem>> -> memref<80x128xf32, #tpu.memory_space<vmem>>
        tpu.enqueue_dma source(%dma_start3A_271 : memref<80x128xf32, #tpu.memory_space<vmem>>) target(%dma_start3A_267 : memref<80x128xf32, #tpu.memory_space<vmem_shared>>) target_semaphore(%run_scoped3A : memref<!tpu.dma_semaphore, #tpu.memory_space<semaphore_mem>>)
        %dma_wait3A_272 = arith.constant 0 : i32
        %dma_wait3A_273 = arith.constant 0 : i32
        %dma_wait3A_274 = tpu.memref_slice %arg8[%cond3A_74, %dma_wait3A_272, %dma_wait3A_273] : memref<2x80x128xf32, #tpu.memory_space<vmem>> -> memref<1x80x128xf32, #tpu.memory_space<vmem>>
        %dma_wait3A_275 = tpu.memref_squeeze %dma_wait3A_274 : memref<1x80x128xf32, #tpu.memory_space<vmem>> -> memref<80x128xf32, #tpu.memory_space<vmem>>
        %dma_wait3A_276 = arith.constant 0 : i32
        %dma_wait3A_277 = tpu.memref_slice %arg9[%mul3A_259, %dma_wait3A_276] : memref<10000x128xf32, #tpu.memory_space<vmem_shared>> -> memref<80x128xf32, #tpu.memory_space<vmem_shared>>
        %dma_wait3A_278 = arith.constant 0 : i32
        %dma_wait3A_279 = tpu.memref_slice %arg9[%mul3A_259, %dma_wait3A_278] : memref<10000x128xf32, #tpu.memory_space<vmem_shared>> -> memref<80x128xf32, #tpu.memory_space<vmem_shared>>
        %dma_wait3A_280 = arith.constant 0 : i32
        %dma_wait3A_281 = arith.constant 0 : i32
        %dma_wait3A_282 = tpu.memref_slice %arg8[%cond3A_74, %dma_wait3A_280, %dma_wait3A_281] : memref<2x80x128xf32, #tpu.memory_space<vmem>> -> memref<1x80x128xf32, #tpu.memory_space<vmem>>
        %dma_wait3A_283 = tpu.memref_squeeze %dma_wait3A_282 : memref<1x80x128xf32, #tpu.memory_space<vmem>> -> memref<80x128xf32, #tpu.memory_space<vmem>>
        tpu.wait_dma2 semaphore(%run_scoped3A : memref<!tpu.dma_semaphore, #tpu.memory_space<semaphore_mem>>) src(%dma_wait3A_283 : memref<80x128xf32, #tpu.memory_space<vmem>>) dst(%dma_wait3A_279 : memref<80x128xf32, #tpu.memory_space<vmem_shared>>)
        tpu.yield
      }) : () -> ()
    } else {
    }
    %mul3A_77 = arith.constant 8 : i32
    %mul3A_78 = arith.muli %arg1, %mul3A_77 : i32
    %add3A_79 = arith.constant 7 : i32
    %add3A_80 = arith.addi %mul3A_78, %add3A_79 : i32
    %lt3A_81 = arith.constant 125 : i32
    %lt3A_82 = arith.cmpi slt, %add3A_80, %lt3A_81 : i32
    %convert_element_type3A_83 = arith.extui %lt3A_82 : i1 to i32
    %cond3A_84 = arith.constant 0 : i32
    %cond3A_85 = arith.constant 0 : i32
    %cond3A_86 = arith.cmpi ne, %convert_element_type3A_83, %cond3A_85 : i32
    scf.if %cond3A_86 {
      %mul3A_258 = arith.constant 80 : i32
      %mul3A_259 = arith.muli %add3A_80, %mul3A_258 : i32
      "tpu.region"() ({
        %run_scoped3A = tpu.sem_alloc : memref<!tpu.dma_semaphore, #tpu.memory_space<semaphore_mem>>
        %dma_start3A_260 = arith.constant 0 : i32
        %dma_start3A_261 = arith.constant 0 : i32
        %dma_start3A_262 = tpu.memref_slice %arg8[%cond3A_84, %dma_start3A_260, %dma_start3A_261] : memref<2x80x128xf32, #tpu.memory_space<vmem>> -> memref<1x80x128xf32, #tpu.memory_space<vmem>>
        %dma_start3A_263 = tpu.memref_squeeze %dma_start3A_262 : memref<1x80x128xf32, #tpu.memory_space<vmem>> -> memref<80x128xf32, #tpu.memory_space<vmem>>
        %dma_start3A_264 = arith.constant 0 : i32
        %dma_start3A_265 = tpu.memref_slice %arg9[%mul3A_259, %dma_start3A_264] : memref<10000x128xf32, #tpu.memory_space<vmem_shared>> -> memref<80x128xf32, #tpu.memory_space<vmem_shared>>
        %dma_start3A_266 = arith.constant 0 : i32
        %dma_start3A_267 = tpu.memref_slice %arg9[%mul3A_259, %dma_start3A_266] : memref<10000x128xf32, #tpu.memory_space<vmem_shared>> -> memref<80x128xf32, #tpu.memory_space<vmem_shared>>
        %dma_start3A_268 = arith.constant 0 : i32
        %dma_start3A_269 = arith.constant 0 : i32
        %dma_start3A_270 = tpu.memref_slice %arg8[%cond3A_84, %dma_start3A_268, %dma_start3A_269] : memref<2x80x128xf32, #tpu.memory_space<vmem>> -> memref<1x80x128xf32, #tpu.memory_space<vmem>>
        %dma_start3A_271 = tpu.memref_squeeze %dma_start3A_270 : memref<1x80x128xf32, #tpu.memory_space<vmem>> -> memref<80x128xf32, #tpu.memory_space<vmem>>
        tpu.enqueue_dma source(%dma_start3A_271 : memref<80x128xf32, #tpu.memory_space<vmem>>) target(%dma_start3A_267 : memref<80x128xf32, #tpu.memory_space<vmem_shared>>) target_semaphore(%run_scoped3A : memref<!tpu.dma_semaphore, #tpu.memory_space<semaphore_mem>>)
        %dma_wait3A_272 = arith.constant 0 : i32
        %dma_wait3A_273 = arith.constant 0 : i32
        %dma_wait3A_274 = tpu.memref_slice %arg8[%cond3A_84, %dma_wait3A_272, %dma_wait3A_273] : memref<2x80x128xf32, #tpu.memory_space<vmem>> -> memref<1x80x128xf32, #tpu.memory_space<vmem>>
        %dma_wait3A_275 = tpu.memref_squeeze %dma_wait3A_274 : memref<1x80x128xf32, #tpu.memory_space<vmem>> -> memref<80x128xf32, #tpu.memory_space<vmem>>
        %dma_wait3A_276 = arith.constant 0 : i32
        %dma_wait3A_277 = tpu.memref_slice %arg9[%mul3A_259, %dma_wait3A_276] : memref<10000x128xf32, #tpu.memory_space<vmem_shared>> -> memref<80x128xf32, #tpu.memory_space<vmem_shared>>
        %dma_wait3A_278 = arith.constant 0 : i32
        %dma_wait3A_279 = tpu.memref_slice %arg9[%mul3A_259, %dma_wait3A_278] : memref<10000x128xf32, #tpu.memory_space<vmem_shared>> -> memref<80x128xf32, #tpu.memory_space<vmem_shared>>
        %dma_wait3A_280 = arith.constant 0 : i32
        %dma_wait3A_281 = arith.constant 0 : i32
        %dma_wait3A_282 = tpu.memref_slice %arg8[%cond3A_84, %dma_wait3A_280, %dma_wait3A_281] : memref<2x80x128xf32, #tpu.memory_space<vmem>> -> memref<1x80x128xf32, #tpu.memory_space<vmem>>
        %dma_wait3A_283 = tpu.memref_squeeze %dma_wait3A_282 : memref<1x80x128xf32, #tpu.memory_space<vmem>> -> memref<80x128xf32, #tpu.memory_space<vmem>>
        tpu.wait_dma2 semaphore(%run_scoped3A : memref<!tpu.dma_semaphore, #tpu.memory_space<semaphore_mem>>) src(%dma_wait3A_283 : memref<80x128xf32, #tpu.memory_space<vmem>>) dst(%dma_wait3A_279 : memref<80x128xf32, #tpu.memory_space<vmem_shared>>)
        tpu.yield
      }) : () -> ()
    } else {
    }
    %barrier3A = arith.constant 0 : index
    tpu.barrier barrier_id(%barrier3A)
    %multiple_of3A_87 = arith.constant 0 : i32
    %multiple_of3A_88 = tpu.assume_multiple %multiple_of3A_87, 8 : i32
    %dma_start3A = arith.constant 0 : i32
    %dma_start3A_89 = arith.constant 0 : i32
    %dma_start3A_90 = arith.constant 0 : i32
    %dma_start3A_91 = arith.constant 0 : i32
    %dma_start3A_92 = tpu.memref_slice %arg8[%dma_start3A, %dma_start3A_90, %dma_start3A_91] : memref<2x80x128xf32, #tpu.memory_space<vmem>> -> memref<1x80x128xf32, #tpu.memory_space<vmem>>
    %dma_start3A_93 = tpu.memref_squeeze %dma_start3A_92 : memref<1x80x128xf32, #tpu.memory_space<vmem>> -> memref<80x128xf32, #tpu.memory_space<vmem>>
    %dma_start3A_94 = tpu.memref_slice %arg6[%multiple_of3A_88] : memref<10000xi32, #tpu.memory_space<vmem>> -> memref<80xi32, #tpu.memory_space<vmem>>
    %dma_start3A_95 = arith.constant 0 : i32
    %dma_start3A_96 = arith.constant 0 : i32
    %dma_start3A_97 = tpu.memref_slice %arg2[%dma_start3A_95, %dma_start3A_96] : memref<10000x128xf32, #tpu.memory_space<hbm>> -> memref<10000x128xf32, #tpu.memory_space<hbm>>
    %dma_start3A_98 = tpu.memref_slice %arg10[%dma_start3A_89] : memref<2x!tpu.dma_semaphore, #tpu.memory_space<semaphore_mem>> -> memref<1x!tpu.dma_semaphore, #tpu.memory_space<semaphore_mem>>
    %dma_start3A_99 = tpu.memref_squeeze %dma_start3A_98 : memref<1x!tpu.dma_semaphore, #tpu.memory_space<semaphore_mem>> -> memref<!tpu.dma_semaphore, #tpu.memory_space<semaphore_mem>>
    tpu.enqueue_indirect_dma source(%dma_start3A_97 : memref<10000x128xf32, #tpu.memory_space<hbm>>) target(%dma_start3A_93 : memref<80x128xf32, #tpu.memory_space<vmem>>) offsets(%dma_start3A_94 : memref<80xi32, #tpu.memory_space<vmem>>) semaphore(%dma_start3A_99 : memref<!tpu.dma_semaphore, #tpu.memory_space<semaphore_mem>>)
    %multiple_of3A_100 = arith.constant 80 : i32
    %multiple_of3A_101 = tpu.assume_multiple %multiple_of3A_100, 8 : i32
    %dma_start3A_102 = arith.constant 1 : i32
    %dma_start3A_103 = arith.constant 1 : i32
    %dma_start3A_104 = arith.constant 0 : i32
    %dma_start3A_105 = arith.constant 0 : i32
    %dma_start3A_106 = tpu.memref_slice %arg8[%dma_start3A_102, %dma_start3A_104, %dma_start3A_105] : memref<2x80x128xf32, #tpu.memory_space<vmem>> -> memref<1x80x128xf32, #tpu.memory_space<vmem>>
    %dma_start3A_107 = tpu.memref_squeeze %dma_start3A_106 : memref<1x80x128xf32, #tpu.memory_space<vmem>> -> memref<80x128xf32, #tpu.memory_space<vmem>>
    %dma_start3A_108 = tpu.memref_slice %arg6[%multiple_of3A_101] : memref<10000xi32, #tpu.memory_space<vmem>> -> memref<80xi32, #tpu.memory_space<vmem>>
    %dma_start3A_109 = arith.constant 0 : i32
    %dma_start3A_110 = arith.constant 0 : i32
    %dma_start3A_111 = tpu.memref_slice %arg2[%dma_start3A_109, %dma_start3A_110] : memref<10000x128xf32, #tpu.memory_space<hbm>> -> memref<10000x128xf32, #tpu.memory_space<hbm>>
    %dma_start3A_112 = tpu.memref_slice %arg10[%dma_start3A_103] : memref<2x!tpu.dma_semaphore, #tpu.memory_space<semaphore_mem>> -> memref<1x!tpu.dma_semaphore, #tpu.memory_space<semaphore_mem>>
    %dma_start3A_113 = tpu.memref_squeeze %dma_start3A_112 : memref<1x!tpu.dma_semaphore, #tpu.memory_space<semaphore_mem>> -> memref<!tpu.dma_semaphore, #tpu.memory_space<semaphore_mem>>
    tpu.enqueue_indirect_dma source(%dma_start3A_111 : memref<10000x128xf32, #tpu.memory_space<hbm>>) target(%dma_start3A_107 : memref<80x128xf32, #tpu.memory_space<vmem>>) offsets(%dma_start3A_108 : memref<80xi32, #tpu.memory_space<vmem>>) semaphore(%dma_start3A_113 : memref<!tpu.dma_semaphore, #tpu.memory_space<semaphore_mem>>)
    %scan3A_114 = arith.constant 0 : i32
    %scan3A_115 = arith.constant 62 : i32
    %scan3A_116 = arith.addi %scan3A_114, %scan3A_115 : i32
    %scan3A_117 = arith.constant 1 : i32
    scf.for %scan3A_258 = %scan3A_114 to %scan3A_116 step %scan3A_117  : i32 {
      %mul3A_259 = arith.constant 2 : i32
      %mul3A_260 = arith.muli %scan3A_258, %mul3A_259 : i32
      %add3A_261 = arith.constant 0 : i32
      %add3A_262 = arith.addi %add3A_261, %mul3A_260 : i32
      %add3A_263 = arith.constant 0 : i32
      %add3A_264 = arith.addi %add3A_262, %add3A_263 : i32
      %mul3A_265 = arith.constant 80 : i32
      %mul3A_266 = arith.muli %add3A_264, %mul3A_265 : i32
      %multiple_of3A_267 = tpu.assume_multiple %mul3A_266, 8 : i32
      %dma_wait3A_268 = arith.constant 0 : i32
      %dma_wait3A_269 = arith.constant 0 : i32
      %dma_wait3A_270 = arith.constant 0 : i32
      %dma_wait3A_271 = arith.constant 0 : i32
      %dma_wait3A_272 = tpu.memref_slice %arg8[%dma_wait3A_268, %dma_wait3A_270, %dma_wait3A_271] : memref<2x80x128xf32, #tpu.memory_space<vmem>> -> memref<1x80x128xf32, #tpu.memory_space<vmem>>
      %dma_wait3A_273 = tpu.memref_squeeze %dma_wait3A_272 : memref<1x80x128xf32, #tpu.memory_space<vmem>> -> memref<80x128xf32, #tpu.memory_space<vmem>>
      %dma_wait3A_274 = tpu.memref_slice %arg6[%multiple_of3A_267] : memref<10000xi32, #tpu.memory_space<vmem>> -> memref<80xi32, #tpu.memory_space<vmem>>
      %dma_wait3A_275 = arith.constant 0 : i32
      %dma_wait3A_276 = arith.constant 0 : i32
      %dma_wait3A_277 = tpu.memref_slice %arg2[%dma_wait3A_275, %dma_wait3A_276] : memref<10000x128xf32, #tpu.memory_space<hbm>> -> memref<10000x128xf32, #tpu.memory_space<hbm>>
      %dma_wait3A_278 = tpu.memref_slice %arg10[%dma_wait3A_269] : memref<2x!tpu.dma_semaphore, #tpu.memory_space<semaphore_mem>> -> memref<1x!tpu.dma_semaphore, #tpu.memory_space<semaphore_mem>>
      %dma_wait3A_279 = tpu.memref_squeeze %dma_wait3A_278 : memref<1x!tpu.dma_semaphore, #tpu.memory_space<semaphore_mem>> -> memref<!tpu.dma_semaphore, #tpu.memory_space<semaphore_mem>>
      tpu.wait_indirect_dma semaphore(%dma_wait3A_279 : memref<!tpu.dma_semaphore, #tpu.memory_space<semaphore_mem>>) src(%dma_wait3A_277 : memref<10000x128xf32, #tpu.memory_space<hbm>>) dst(%dma_wait3A_273 : memref<80x128xf32, #tpu.memory_space<vmem>>)
      %dma_start3A_280 = arith.constant 0 : i32
      %dma_start3A_281 = arith.constant 0 : i32
      %dma_start3A_282 = arith.constant 0 : i32
      %dma_start3A_283 = arith.constant 0 : i32
      %dma_start3A_284 = tpu.memref_slice %arg8[%dma_start3A_280, %dma_start3A_282, %dma_start3A_283] : memref<2x80x128xf32, #tpu.memory_space<vmem>> -> memref<1x80x128xf32, #tpu.memory_space<vmem>>
      %dma_start3A_285 = tpu.memref_squeeze %dma_start3A_284 : memref<1x80x128xf32, #tpu.memory_space<vmem>> -> memref<80x128xf32, #tpu.memory_space<vmem>>
      %dma_start3A_286 = arith.constant 0 : i32
      %dma_start3A_287 = tpu.memref_slice %arg7[%add3A_264, %dma_start3A_286] : memref<125x80xi32, #tpu.memory_space<vmem>> -> memref<1x80xi32, #tpu.memory_space<vmem>>
      %dma_start3A_288 = tpu.memref_squeeze %dma_start3A_287 : memref<1x80xi32, #tpu.memory_space<vmem>> -> memref<80xi32, #tpu.memory_space<vmem>>
      %dma_start3A_289 = arith.constant 0 : i32
      %dma_start3A_290 = arith.constant 0 : i32
      %dma_start3A_291 = tpu.memref_slice %arg9[%dma_start3A_289, %dma_start3A_290] : memref<10000x128xf32, #tpu.memory_space<vmem_shared>> -> memref<10000x128xf32, #tpu.memory_space<vmem_shared>>
      %dma_start3A_292 = tpu.memref_slice %arg11[%dma_start3A_281] : memref<2x!tpu.dma_semaphore, #tpu.memory_space<semaphore_mem>> -> memref<1x!tpu.dma_semaphore, #tpu.memory_space<semaphore_mem>>
      %dma_start3A_293 = tpu.memref_squeeze %dma_start3A_292 : memref<1x!tpu.dma_semaphore, #tpu.memory_space<semaphore_mem>> -> memref<!tpu.dma_semaphore, #tpu.memory_space<semaphore_mem>>
      tpu.enqueue_indirect_dma source(%dma_start3A_285 : memref<80x128xf32, #tpu.memory_space<vmem>>) target(%dma_start3A_291 : memref<10000x128xf32, #tpu.memory_space<vmem_shared>>) offsets(%dma_start3A_288 : memref<80xi32, #tpu.memory_space<vmem>>) semaphore(%dma_start3A_293 : memref<!tpu.dma_semaphore, #tpu.memory_space<semaphore_mem>>) {add = true}
      %add3A_294 = arith.constant 2 : i32
      %add3A_295 = arith.addi %add3A_264, %add3A_294 : i32
      %lt3A_296 = arith.constant 125 : i32
      %lt3A_297 = arith.cmpi slt, %add3A_295, %lt3A_296 : i32
      %convert_element_type3A_298 = arith.extui %lt3A_297 : i1 to i32
      %cond3A_299 = arith.constant 0 : i32
      %cond3A_300 = arith.cmpi ne, %convert_element_type3A_298, %cond3A_299 : i32
      scf.if %cond3A_300 {
        %dma_wait3A_339 = arith.constant 0 : i32
        %dma_wait3A_340 = arith.constant 0 : i32
        %dma_wait3A_341 = arith.constant 0 : i32
        %dma_wait3A_342 = arith.constant 0 : i32
        %dma_wait3A_343 = tpu.memref_slice %arg8[%dma_wait3A_339, %dma_wait3A_341, %dma_wait3A_342] : memref<2x80x128xf32, #tpu.memory_space<vmem>> -> memref<1x80x128xf32, #tpu.memory_space<vmem>>
        %dma_wait3A_344 = tpu.memref_squeeze %dma_wait3A_343 : memref<1x80x128xf32, #tpu.memory_space<vmem>> -> memref<80x128xf32, #tpu.memory_space<vmem>>
        %dma_wait3A_345 = arith.constant 0 : i32
        %dma_wait3A_346 = tpu.memref_slice %arg7[%add3A_264, %dma_wait3A_345] : memref<125x80xi32, #tpu.memory_space<vmem>> -> memref<1x80xi32, #tpu.memory_space<vmem>>
        %dma_wait3A_347 = tpu.memref_squeeze %dma_wait3A_346 : memref<1x80xi32, #tpu.memory_space<vmem>> -> memref<80xi32, #tpu.memory_space<vmem>>
        %dma_wait3A_348 = arith.constant 0 : i32
        %dma_wait3A_349 = arith.constant 0 : i32
        %dma_wait3A_350 = tpu.memref_slice %arg9[%dma_wait3A_348, %dma_wait3A_349] : memref<10000x128xf32, #tpu.memory_space<vmem_shared>> -> memref<10000x128xf32, #tpu.memory_space<vmem_shared>>
        %dma_wait3A_351 = tpu.memref_slice %arg11[%dma_wait3A_340] : memref<2x!tpu.dma_semaphore, #tpu.memory_space<semaphore_mem>> -> memref<1x!tpu.dma_semaphore, #tpu.memory_space<semaphore_mem>>
        %dma_wait3A_352 = tpu.memref_squeeze %dma_wait3A_351 : memref<1x!tpu.dma_semaphore, #tpu.memory_space<semaphore_mem>> -> memref<!tpu.dma_semaphore, #tpu.memory_space<semaphore_mem>>
        tpu.wait_indirect_dma semaphore(%dma_wait3A_352 : memref<!tpu.dma_semaphore, #tpu.memory_space<semaphore_mem>>) src(%dma_wait3A_344 : memref<80x128xf32, #tpu.memory_space<vmem>>) dst(%dma_wait3A_350 : memref<10000x128xf32, #tpu.memory_space<vmem_shared>>)
        %add3A_353 = arith.constant 2 : i32
        %add3A_354 = arith.addi %add3A_264, %add3A_353 : i32
        %mul3A_355 = arith.constant 80 : i32
        %mul3A_356 = arith.muli %add3A_354, %mul3A_355 : i32
        %multiple_of3A_357 = tpu.assume_multiple %mul3A_356, 8 : i32
        %dma_start3A_358 = arith.constant 0 : i32
        %dma_start3A_359 = arith.constant 0 : i32
        %dma_start3A_360 = arith.constant 0 : i32
        %dma_start3A_361 = arith.constant 0 : i32
        %dma_start3A_362 = tpu.memref_slice %arg8[%dma_start3A_358, %dma_start3A_360, %dma_start3A_361] : memref<2x80x128xf32, #tpu.memory_space<vmem>> -> memref<1x80x128xf32, #tpu.memory_space<vmem>>
        %dma_start3A_363 = tpu.memref_squeeze %dma_start3A_362 : memref<1x80x128xf32, #tpu.memory_space<vmem>> -> memref<80x128xf32, #tpu.memory_space<vmem>>
        %dma_start3A_364 = tpu.memref_slice %arg6[%multiple_of3A_357] : memref<10000xi32, #tpu.memory_space<vmem>> -> memref<80xi32, #tpu.memory_space<vmem>>
        %dma_start3A_365 = arith.constant 0 : i32
        %dma_start3A_366 = arith.constant 0 : i32
        %dma_start3A_367 = tpu.memref_slice %arg2[%dma_start3A_365, %dma_start3A_366] : memref<10000x128xf32, #tpu.memory_space<hbm>> -> memref<10000x128xf32, #tpu.memory_space<hbm>>
        %dma_start3A_368 = tpu.memref_slice %arg10[%dma_start3A_359] : memref<2x!tpu.dma_semaphore, #tpu.memory_space<semaphore_mem>> -> memref<1x!tpu.dma_semaphore, #tpu.memory_space<semaphore_mem>>
        %dma_start3A_369 = tpu.memref_squeeze %dma_start3A_368 : memref<1x!tpu.dma_semaphore, #tpu.memory_space<semaphore_mem>> -> memref<!tpu.dma_semaphore, #tpu.memory_space<semaphore_mem>>
        tpu.enqueue_indirect_dma source(%dma_start3A_367 : memref<10000x128xf32, #tpu.memory_space<hbm>>) target(%dma_start3A_363 : memref<80x128xf32, #tpu.memory_space<vmem>>) offsets(%dma_start3A_364 : memref<80xi32, #tpu.memory_space<vmem>>) semaphore(%dma_start3A_369 : memref<!tpu.dma_semaphore, #tpu.memory_space<semaphore_mem>>)
      } else {
      }
      %add3A_301 = arith.constant 1 : i32
      %add3A_302 = arith.addi %add3A_262, %add3A_301 : i32
      %mul3A_303 = arith.constant 80 : i32
      %mul3A_304 = arith.muli %add3A_302, %mul3A_303 : i32
      %multiple_of3A_305 = tpu.assume_multiple %mul3A_304, 8 : i32
      %dma_wait3A_306 = arith.constant 1 : i32
      %dma_wait3A_307 = arith.constant 1 : i32
      %dma_wait3A_308 = arith.constant 0 : i32
      %dma_wait3A_309 = arith.constant 0 : i32
      %dma_wait3A_310 = tpu.memref_slice %arg8[%dma_wait3A_306, %dma_wait3A_308, %dma_wait3A_309] : memref<2x80x128xf32, #tpu.memory_space<vmem>> -> memref<1x80x128xf32, #tpu.memory_space<vmem>>
      %dma_wait3A_311 = tpu.memref_squeeze %dma_wait3A_310 : memref<1x80x128xf32, #tpu.memory_space<vmem>> -> memref<80x128xf32, #tpu.memory_space<vmem>>
      %dma_wait3A_312 = tpu.memref_slice %arg6[%multiple_of3A_305] : memref<10000xi32, #tpu.memory_space<vmem>> -> memref<80xi32, #tpu.memory_space<vmem>>
      %dma_wait3A_313 = arith.constant 0 : i32
      %dma_wait3A_314 = arith.constant 0 : i32
      %dma_wait3A_315 = tpu.memref_slice %arg2[%dma_wait3A_313, %dma_wait3A_314] : memref<10000x128xf32, #tpu.memory_space<hbm>> -> memref<10000x128xf32, #tpu.memory_space<hbm>>
      %dma_wait3A_316 = tpu.memref_slice %arg10[%dma_wait3A_307] : memref<2x!tpu.dma_semaphore, #tpu.memory_space<semaphore_mem>> -> memref<1x!tpu.dma_semaphore, #tpu.memory_space<semaphore_mem>>
      %dma_wait3A_317 = tpu.memref_squeeze %dma_wait3A_316 : memref<1x!tpu.dma_semaphore, #tpu.memory_space<semaphore_mem>> -> memref<!tpu.dma_semaphore, #tpu.memory_space<semaphore_mem>>
      tpu.wait_indirect_dma semaphore(%dma_wait3A_317 : memref<!tpu.dma_semaphore, #tpu.memory_space<semaphore_mem>>) src(%dma_wait3A_315 : memref<10000x128xf32, #tpu.memory_space<hbm>>) dst(%dma_wait3A_311 : memref<80x128xf32, #tpu.memory_space<vmem>>)
      %dma_start3A_318 = arith.constant 1 : i32
      %dma_start3A_319 = arith.constant 1 : i32
      %dma_start3A_320 = arith.constant 0 : i32
      %dma_start3A_321 = arith.constant 0 : i32
      %dma_start3A_322 = tpu.memref_slice %arg8[%dma_start3A_318, %dma_start3A_320, %dma_start3A_321] : memref<2x80x128xf32, #tpu.memory_space<vmem>> -> memref<1x80x128xf32, #tpu.memory_space<vmem>>
      %dma_start3A_323 = tpu.memref_squeeze %dma_start3A_322 : memref<1x80x128xf32, #tpu.memory_space<vmem>> -> memref<80x128xf32, #tpu.memory_space<vmem>>
      %dma_start3A_324 = arith.constant 0 : i32
      %dma_start3A_325 = tpu.memref_slice %arg7[%add3A_302, %dma_start3A_324] : memref<125x80xi32, #tpu.memory_space<vmem>> -> memref<1x80xi32, #tpu.memory_space<vmem>>
      %dma_start3A_326 = tpu.memref_squeeze %dma_start3A_325 : memref<1x80xi32, #tpu.memory_space<vmem>> -> memref<80xi32, #tpu.memory_space<vmem>>
      %dma_start3A_327 = arith.constant 0 : i32
      %dma_start3A_328 = arith.constant 0 : i32
      %dma_start3A_329 = tpu.memref_slice %arg9[%dma_start3A_327, %dma_start3A_328] : memref<10000x128xf32, #tpu.memory_space<vmem_shared>> -> memref<10000x128xf32, #tpu.memory_space<vmem_shared>>
      %dma_start3A_330 = tpu.memref_slice %arg11[%dma_start3A_319] : memref<2x!tpu.dma_semaphore, #tpu.memory_space<semaphore_mem>> -> memref<1x!tpu.dma_semaphore, #tpu.memory_space<semaphore_mem>>
      %dma_start3A_331 = tpu.memref_squeeze %dma_start3A_330 : memref<1x!tpu.dma_semaphore, #tpu.memory_space<semaphore_mem>> -> memref<!tpu.dma_semaphore, #tpu.memory_space<semaphore_mem>>
      tpu.enqueue_indirect_dma source(%dma_start3A_323 : memref<80x128xf32, #tpu.memory_space<vmem>>) target(%dma_start3A_329 : memref<10000x128xf32, #tpu.memory_space<vmem_shared>>) offsets(%dma_start3A_326 : memref<80xi32, #tpu.memory_space<vmem>>) semaphore(%dma_start3A_331 : memref<!tpu.dma_semaphore, #tpu.memory_space<semaphore_mem>>) {add = true}
      %add3A_332 = arith.constant 2 : i32
      %add3A_333 = arith.addi %add3A_302, %add3A_332 : i32
      %lt3A_334 = arith.constant 125 : i32
      %lt3A_335 = arith.cmpi slt, %add3A_333, %lt3A_334 : i32
      %convert_element_type3A_336 = arith.extui %lt3A_335 : i1 to i32
      %cond3A_337 = arith.constant 0 : i32
      %cond3A_338 = arith.cmpi ne, %convert_element_type3A_336, %cond3A_337 : i32
      scf.if %cond3A_338 {
        %dma_wait3A_339 = arith.constant 1 : i32
        %dma_wait3A_340 = arith.constant 1 : i32
        %dma_wait3A_341 = arith.constant 0 : i32
        %dma_wait3A_342 = arith.constant 0 : i32
        %dma_wait3A_343 = tpu.memref_slice %arg8[%dma_wait3A_339, %dma_wait3A_341, %dma_wait3A_342] : memref<2x80x128xf32, #tpu.memory_space<vmem>> -> memref<1x80x128xf32, #tpu.memory_space<vmem>>
        %dma_wait3A_344 = tpu.memref_squeeze %dma_wait3A_343 : memref<1x80x128xf32, #tpu.memory_space<vmem>> -> memref<80x128xf32, #tpu.memory_space<vmem>>
        %dma_wait3A_345 = arith.constant 0 : i32
        %dma_wait3A_346 = tpu.memref_slice %arg7[%add3A_302, %dma_wait3A_345] : memref<125x80xi32, #tpu.memory_space<vmem>> -> memref<1x80xi32, #tpu.memory_space<vmem>>
        %dma_wait3A_347 = tpu.memref_squeeze %dma_wait3A_346 : memref<1x80xi32, #tpu.memory_space<vmem>> -> memref<80xi32, #tpu.memory_space<vmem>>
        %dma_wait3A_348 = arith.constant 0 : i32
        %dma_wait3A_349 = arith.constant 0 : i32
        %dma_wait3A_350 = tpu.memref_slice %arg9[%dma_wait3A_348, %dma_wait3A_349] : memref<10000x128xf32, #tpu.memory_space<vmem_shared>> -> memref<10000x128xf32, #tpu.memory_space<vmem_shared>>
        %dma_wait3A_351 = tpu.memref_slice %arg11[%dma_wait3A_340] : memref<2x!tpu.dma_semaphore, #tpu.memory_space<semaphore_mem>> -> memref<1x!tpu.dma_semaphore, #tpu.memory_space<semaphore_mem>>
        %dma_wait3A_352 = tpu.memref_squeeze %dma_wait3A_351 : memref<1x!tpu.dma_semaphore, #tpu.memory_space<semaphore_mem>> -> memref<!tpu.dma_semaphore, #tpu.memory_space<semaphore_mem>>
        tpu.wait_indirect_dma semaphore(%dma_wait3A_352 : memref<!tpu.dma_semaphore, #tpu.memory_space<semaphore_mem>>) src(%dma_wait3A_344 : memref<80x128xf32, #tpu.memory_space<vmem>>) dst(%dma_wait3A_350 : memref<10000x128xf32, #tpu.memory_space<vmem_shared>>)
        %add3A_353 = arith.constant 2 : i32
        %add3A_354 = arith.addi %add3A_302, %add3A_353 : i32
        %mul3A_355 = arith.constant 80 : i32
        %mul3A_356 = arith.muli %add3A_354, %mul3A_355 : i32
        %multiple_of3A_357 = tpu.assume_multiple %mul3A_356, 8 : i32
        %dma_start3A_358 = arith.constant 1 : i32
        %dma_start3A_359 = arith.constant 1 : i32
        %dma_start3A_360 = arith.constant 0 : i32
        %dma_start3A_361 = arith.constant 0 : i32
        %dma_start3A_362 = tpu.memref_slice %arg8[%dma_start3A_358, %dma_start3A_360, %dma_start3A_361] : memref<2x80x128xf32, #tpu.memory_space<vmem>> -> memref<1x80x128xf32, #tpu.memory_space<vmem>>
        %dma_start3A_363 = tpu.memref_squeeze %dma_start3A_362 : memref<1x80x128xf32, #tpu.memory_space<vmem>> -> memref<80x128xf32, #tpu.memory_space<vmem>>
        %dma_start3A_364 = tpu.memref_slice %arg6[%multiple_of3A_357] : memref<10000xi32, #tpu.memory_space<vmem>> -> memref<80xi32, #tpu.memory_space<vmem>>
        %dma_start3A_365 = arith.constant 0 : i32
        %dma_start3A_366 = arith.constant 0 : i32
        %dma_start3A_367 = tpu.memref_slice %arg2[%dma_start3A_365, %dma_start3A_366] : memref<10000x128xf32, #tpu.memory_space<hbm>> -> memref<10000x128xf32, #tpu.memory_space<hbm>>
        %dma_start3A_368 = tpu.memref_slice %arg10[%dma_start3A_359] : memref<2x!tpu.dma_semaphore, #tpu.memory_space<semaphore_mem>> -> memref<1x!tpu.dma_semaphore, #tpu.memory_space<semaphore_mem>>
        %dma_start3A_369 = tpu.memref_squeeze %dma_start3A_368 : memref<1x!tpu.dma_semaphore, #tpu.memory_space<semaphore_mem>> -> memref<!tpu.dma_semaphore, #tpu.memory_space<semaphore_mem>>
        tpu.enqueue_indirect_dma source(%dma_start3A_367 : memref<10000x128xf32, #tpu.memory_space<hbm>>) target(%dma_start3A_363 : memref<80x128xf32, #tpu.memory_space<vmem>>) offsets(%dma_start3A_364 : memref<80xi32, #tpu.memory_space<vmem>>) semaphore(%dma_start3A_369 : memref<!tpu.dma_semaphore, #tpu.memory_space<semaphore_mem>>)
      } else {
      }
    }
    %scan3A_118 = arith.constant 62 : i32
    %multiple_of3A_119 = arith.constant 9920 : i32
    %multiple_of3A_120 = tpu.assume_multiple %multiple_of3A_119, 8 : i32
    %dma_wait3A = arith.constant 0 : i32
    %dma_wait3A_121 = arith.constant 0 : i32
    %dma_wait3A_122 = arith.constant 0 : i32
    %dma_wait3A_123 = arith.constant 0 : i32
    %dma_wait3A_124 = tpu.memref_slice %arg8[%dma_wait3A, %dma_wait3A_122, %dma_wait3A_123] : memref<2x80x128xf32, #tpu.memory_space<vmem>> -> memref<1x80x128xf32, #tpu.memory_space<vmem>>
    %dma_wait3A_125 = tpu.memref_squeeze %dma_wait3A_124 : memref<1x80x128xf32, #tpu.memory_space<vmem>> -> memref<80x128xf32, #tpu.memory_space<vmem>>
    %dma_wait3A_126 = tpu.memref_slice %arg6[%multiple_of3A_120] : memref<10000xi32, #tpu.memory_space<vmem>> -> memref<80xi32, #tpu.memory_space<vmem>>
    %dma_wait3A_127 = arith.constant 0 : i32
    %dma_wait3A_128 = arith.constant 0 : i32
    %dma_wait3A_129 = tpu.memref_slice %arg2[%dma_wait3A_127, %dma_wait3A_128] : memref<10000x128xf32, #tpu.memory_space<hbm>> -> memref<10000x128xf32, #tpu.memory_space<hbm>>
    %dma_wait3A_130 = tpu.memref_slice %arg10[%dma_wait3A_121] : memref<2x!tpu.dma_semaphore, #tpu.memory_space<semaphore_mem>> -> memref<1x!tpu.dma_semaphore, #tpu.memory_space<semaphore_mem>>
    %dma_wait3A_131 = tpu.memref_squeeze %dma_wait3A_130 : memref<1x!tpu.dma_semaphore, #tpu.memory_space<semaphore_mem>> -> memref<!tpu.dma_semaphore, #tpu.memory_space<semaphore_mem>>
    tpu.wait_indirect_dma semaphore(%dma_wait3A_131 : memref<!tpu.dma_semaphore, #tpu.memory_space<semaphore_mem>>) src(%dma_wait3A_129 : memref<10000x128xf32, #tpu.memory_space<hbm>>) dst(%dma_wait3A_125 : memref<80x128xf32, #tpu.memory_space<vmem>>)
    %dma_start3A_132 = arith.constant 0 : i32
    %dma_start3A_133 = arith.constant 124 : i32
    %dma_start3A_134 = arith.constant 0 : i32
    %dma_start3A_135 = arith.constant 0 : i32
    %dma_start3A_136 = arith.constant 0 : i32
    %dma_start3A_137 = tpu.memref_slice %arg8[%dma_start3A_132, %dma_start3A_135, %dma_start3A_136] : memref<2x80x128xf32, #tpu.memory_space<vmem>> -> memref<1x80x128xf32, #tpu.memory_space<vmem>>
    %dma_start3A_138 = tpu.memref_squeeze %dma_start3A_137 : memref<1x80x128xf32, #tpu.memory_space<vmem>> -> memref<80x128xf32, #tpu.memory_space<vmem>>
    %dma_start3A_139 = arith.constant 0 : i32
    %dma_start3A_140 = tpu.memref_slice %arg7[%dma_start3A_133, %dma_start3A_139] : memref<125x80xi32, #tpu.memory_space<vmem>> -> memref<1x80xi32, #tpu.memory_space<vmem>>
    %dma_start3A_141 = tpu.memref_squeeze %dma_start3A_140 : memref<1x80xi32, #tpu.memory_space<vmem>> -> memref<80xi32, #tpu.memory_space<vmem>>
    %dma_start3A_142 = arith.constant 0 : i32
    %dma_start3A_143 = arith.constant 0 : i32
    %dma_start3A_144 = tpu.memref_slice %arg9[%dma_start3A_142, %dma_start3A_143] : memref<10000x128xf32, #tpu.memory_space<vmem_shared>> -> memref<10000x128xf32, #tpu.memory_space<vmem_shared>>
    %dma_start3A_145 = tpu.memref_slice %arg11[%dma_start3A_134] : memref<2x!tpu.dma_semaphore, #tpu.memory_space<semaphore_mem>> -> memref<1x!tpu.dma_semaphore, #tpu.memory_space<semaphore_mem>>
    %dma_start3A_146 = tpu.memref_squeeze %dma_start3A_145 : memref<1x!tpu.dma_semaphore, #tpu.memory_space<semaphore_mem>> -> memref<!tpu.dma_semaphore, #tpu.memory_space<semaphore_mem>>
    tpu.enqueue_indirect_dma source(%dma_start3A_138 : memref<80x128xf32, #tpu.memory_space<vmem>>) target(%dma_start3A_144 : memref<10000x128xf32, #tpu.memory_space<vmem_shared>>) offsets(%dma_start3A_141 : memref<80xi32, #tpu.memory_space<vmem>>) semaphore(%dma_start3A_146 : memref<!tpu.dma_semaphore, #tpu.memory_space<semaphore_mem>>) {add = true}
    %dma_wait3A_147 = arith.constant 1 : i32
    %dma_wait3A_148 = arith.constant 123 : i32
    %dma_wait3A_149 = arith.constant 1 : i32
    %dma_wait3A_150 = arith.constant 0 : i32
    %dma_wait3A_151 = arith.constant 0 : i32
    %dma_wait3A_152 = tpu.memref_slice %arg8[%dma_wait3A_147, %dma_wait3A_150, %dma_wait3A_151] : memref<2x80x128xf32, #tpu.memory_space<vmem>> -> memref<1x80x128xf32, #tpu.memory_space<vmem>>
    %dma_wait3A_153 = tpu.memref_squeeze %dma_wait3A_152 : memref<1x80x128xf32, #tpu.memory_space<vmem>> -> memref<80x128xf32, #tpu.memory_space<vmem>>
    %dma_wait3A_154 = arith.constant 0 : i32
    %dma_wait3A_155 = tpu.memref_slice %arg7[%dma_wait3A_148, %dma_wait3A_154] : memref<125x80xi32, #tpu.memory_space<vmem>> -> memref<1x80xi32, #tpu.memory_space<vmem>>
    %dma_wait3A_156 = tpu.memref_squeeze %dma_wait3A_155 : memref<1x80xi32, #tpu.memory_space<vmem>> -> memref<80xi32, #tpu.memory_space<vmem>>
    %dma_wait3A_157 = arith.constant 0 : i32
    %dma_wait3A_158 = arith.constant 0 : i32
    %dma_wait3A_159 = tpu.memref_slice %arg9[%dma_wait3A_157, %dma_wait3A_158] : memref<10000x128xf32, #tpu.memory_space<vmem_shared>> -> memref<10000x128xf32, #tpu.memory_space<vmem_shared>>
    %dma_wait3A_160 = tpu.memref_slice %arg11[%dma_wait3A_149] : memref<2x!tpu.dma_semaphore, #tpu.memory_space<semaphore_mem>> -> memref<1x!tpu.dma_semaphore, #tpu.memory_space<semaphore_mem>>
    %dma_wait3A_161 = tpu.memref_squeeze %dma_wait3A_160 : memref<1x!tpu.dma_semaphore, #tpu.memory_space<semaphore_mem>> -> memref<!tpu.dma_semaphore, #tpu.memory_space<semaphore_mem>>
    tpu.wait_indirect_dma semaphore(%dma_wait3A_161 : memref<!tpu.dma_semaphore, #tpu.memory_space<semaphore_mem>>) src(%dma_wait3A_153 : memref<80x128xf32, #tpu.memory_space<vmem>>) dst(%dma_wait3A_159 : memref<10000x128xf32, #tpu.memory_space<vmem_shared>>)
    %dma_wait3A_162 = arith.constant 0 : i32
    %dma_wait3A_163 = arith.constant 124 : i32
    %dma_wait3A_164 = arith.constant 0 : i32
    %dma_wait3A_165 = arith.constant 0 : i32
    %dma_wait3A_166 = arith.constant 0 : i32
    %dma_wait3A_167 = tpu.memref_slice %arg8[%dma_wait3A_162, %dma_wait3A_165, %dma_wait3A_166] : memref<2x80x128xf32, #tpu.memory_space<vmem>> -> memref<1x80x128xf32, #tpu.memory_space<vmem>>
    %dma_wait3A_168 = tpu.memref_squeeze %dma_wait3A_167 : memref<1x80x128xf32, #tpu.memory_space<vmem>> -> memref<80x128xf32, #tpu.memory_space<vmem>>
    %dma_wait3A_169 = arith.constant 0 : i32
    %dma_wait3A_170 = tpu.memref_slice %arg7[%dma_wait3A_163, %dma_wait3A_169] : memref<125x80xi32, #tpu.memory_space<vmem>> -> memref<1x80xi32, #tpu.memory_space<vmem>>
    %dma_wait3A_171 = tpu.memref_squeeze %dma_wait3A_170 : memref<1x80xi32, #tpu.memory_space<vmem>> -> memref<80xi32, #tpu.memory_space<vmem>>
    %dma_wait3A_172 = arith.constant 0 : i32
    %dma_wait3A_173 = arith.constant 0 : i32
    %dma_wait3A_174 = tpu.memref_slice %arg9[%dma_wait3A_172, %dma_wait3A_173] : memref<10000x128xf32, #tpu.memory_space<vmem_shared>> -> memref<10000x128xf32, #tpu.memory_space<vmem_shared>>
    %dma_wait3A_175 = tpu.memref_slice %arg11[%dma_wait3A_164] : memref<2x!tpu.dma_semaphore, #tpu.memory_space<semaphore_mem>> -> memref<1x!tpu.dma_semaphore, #tpu.memory_space<semaphore_mem>>
    %dma_wait3A_176 = tpu.memref_squeeze %dma_wait3A_175 : memref<1x!tpu.dma_semaphore, #tpu.memory_space<semaphore_mem>> -> memref<!tpu.dma_semaphore, #tpu.memory_space<semaphore_mem>>
    tpu.wait_indirect_dma semaphore(%dma_wait3A_176 : memref<!tpu.dma_semaphore, #tpu.memory_space<semaphore_mem>>) src(%dma_wait3A_168 : memref<80x128xf32, #tpu.memory_space<vmem>>) dst(%dma_wait3A_174 : memref<10000x128xf32, #tpu.memory_space<vmem_shared>>)
    %barrier3A_177 = arith.constant 0 : index
    tpu.barrier barrier_id(%barrier3A_177)
    %mul3A_178 = arith.constant 8 : i32
    %mul3A_179 = arith.muli %arg1, %mul3A_178 : i32
    %add3A_180 = arith.constant 0 : i32
    %add3A_181 = arith.addi %mul3A_179, %add3A_180 : i32
    %lt3A_182 = arith.constant 125 : i32
    %lt3A_183 = arith.cmpi slt, %add3A_181, %lt3A_182 : i32
    %convert_element_type3A_184 = arith.extui %lt3A_183 : i1 to i32
    %cond3A_185 = arith.constant 0 : i32
    %cond3A_186 = arith.constant 0 : i32
    %cond3A_187 = arith.cmpi ne, %convert_element_type3A_184, %cond3A_186 : i32
    scf.if %cond3A_187 {
      %mul3A_258 = arith.constant 80 : i32
      %mul3A_259 = arith.muli %add3A_181, %mul3A_258 : i32
      %multiple_of3A_260 = tpu.assume_multiple %mul3A_259, 8 : i32
      "tpu.region"() ({
        %run_scoped3A = tpu.sem_alloc : memref<!tpu.dma_semaphore, #tpu.memory_space<semaphore_mem>>
        %dma_start3A_261 = arith.constant 0 : i32
        %dma_start3A_262 = arith.constant 0 : i32
        %dma_start3A_263 = tpu.memref_slice %arg8[%cond3A_185, %dma_start3A_261, %dma_start3A_262] : memref<2x80x128xf32, #tpu.memory_space<vmem>> -> memref<1x80x128xf32, #tpu.memory_space<vmem>>
        %dma_start3A_264 = tpu.memref_squeeze %dma_start3A_263 : memref<1x80x128xf32, #tpu.memory_space<vmem>> -> memref<80x128xf32, #tpu.memory_space<vmem>>
        %dma_start3A_265 = arith.constant 0 : i32
        %dma_start3A_266 = tpu.memref_slice %arg9[%multiple_of3A_260, %dma_start3A_265] : memref<10000x128xf32, #tpu.memory_space<vmem_shared>> -> memref<80x128xf32, #tpu.memory_space<vmem_shared>>
        %dma_start3A_267 = arith.constant 0 : i32
        %dma_start3A_268 = arith.constant 0 : i32
        %dma_start3A_269 = tpu.memref_slice %arg8[%cond3A_185, %dma_start3A_267, %dma_start3A_268] : memref<2x80x128xf32, #tpu.memory_space<vmem>> -> memref<1x80x128xf32, #tpu.memory_space<vmem>>
        %dma_start3A_270 = tpu.memref_squeeze %dma_start3A_269 : memref<1x80x128xf32, #tpu.memory_space<vmem>> -> memref<80x128xf32, #tpu.memory_space<vmem>>
        %dma_start3A_271 = arith.constant 0 : i32
        %dma_start3A_272 = tpu.memref_slice %arg9[%multiple_of3A_260, %dma_start3A_271] : memref<10000x128xf32, #tpu.memory_space<vmem_shared>> -> memref<80x128xf32, #tpu.memory_space<vmem_shared>>
        tpu.enqueue_dma source(%dma_start3A_272 : memref<80x128xf32, #tpu.memory_space<vmem_shared>>) target(%dma_start3A_270 : memref<80x128xf32, #tpu.memory_space<vmem>>) target_semaphore(%run_scoped3A : memref<!tpu.dma_semaphore, #tpu.memory_space<semaphore_mem>>)
        %dma_wait3A_273 = arith.constant 0 : i32
        %dma_wait3A_274 = arith.constant 0 : i32
        %dma_wait3A_275 = tpu.memref_slice %arg8[%cond3A_185, %dma_wait3A_273, %dma_wait3A_274] : memref<2x80x128xf32, #tpu.memory_space<vmem>> -> memref<1x80x128xf32, #tpu.memory_space<vmem>>
        %dma_wait3A_276 = tpu.memref_squeeze %dma_wait3A_275 : memref<1x80x128xf32, #tpu.memory_space<vmem>> -> memref<80x128xf32, #tpu.memory_space<vmem>>
        %dma_wait3A_277 = arith.constant 0 : i32
        %dma_wait3A_278 = tpu.memref_slice %arg9[%multiple_of3A_260, %dma_wait3A_277] : memref<10000x128xf32, #tpu.memory_space<vmem_shared>> -> memref<80x128xf32, #tpu.memory_space<vmem_shared>>
        %dma_wait3A_279 = arith.constant 0 : i32
        %dma_wait3A_280 = arith.constant 0 : i32
        %dma_wait3A_281 = tpu.memref_slice %arg8[%cond3A_185, %dma_wait3A_279, %dma_wait3A_280] : memref<2x80x128xf32, #tpu.memory_space<vmem>> -> memref<1x80x128xf32, #tpu.memory_space<vmem>>
        %dma_wait3A_282 = tpu.memref_squeeze %dma_wait3A_281 : memref<1x80x128xf32, #tpu.memory_space<vmem>> -> memref<80x128xf32, #tpu.memory_space<vmem>>
        %dma_wait3A_283 = arith.constant 0 : i32
        %dma_wait3A_284 = tpu.memref_slice %arg9[%multiple_of3A_260, %dma_wait3A_283] : memref<10000x128xf32, #tpu.memory_space<vmem_shared>> -> memref<80x128xf32, #tpu.memory_space<vmem_shared>>
        tpu.wait_dma2 semaphore(%run_scoped3A : memref<!tpu.dma_semaphore, #tpu.memory_space<semaphore_mem>>) src(%dma_wait3A_284 : memref<80x128xf32, #tpu.memory_space<vmem_shared>>) dst(%dma_wait3A_282 : memref<80x128xf32, #tpu.memory_space<vmem>>)
        tpu.yield
      }) : () -> ()
      "tpu.region"() ({
        %run_scoped3A = tpu.sem_alloc : memref<!tpu.dma_semaphore, #tpu.memory_space<semaphore_mem>>
        %dma_start3A_261 = arith.constant 0 : i32
        %dma_start3A_262 = arith.constant 0 : i32
        %dma_start3A_263 = tpu.memref_slice %arg8[%cond3A_185, %dma_start3A_261, %dma_start3A_262] : memref<2x80x128xf32, #tpu.memory_space<vmem>> -> memref<1x80x128xf32, #tpu.memory_space<vmem>>
        %dma_start3A_264 = tpu.memref_squeeze %dma_start3A_263 : memref<1x80x128xf32, #tpu.memory_space<vmem>> -> memref<80x128xf32, #tpu.memory_space<vmem>>
        %dma_start3A_265 = arith.constant 0 : i32
        %dma_start3A_266 = tpu.memref_slice %arg5[%arg0, %multiple_of3A_260, %dma_start3A_265] : memref<2x10000x128xf32, #tpu.memory_space<hbm>> -> memref<1x80x128xf32, #tpu.memory_space<hbm>>
        %dma_start3A_267 = tpu.memref_squeeze %dma_start3A_266 : memref<1x80x128xf32, #tpu.memory_space<hbm>> -> memref<80x128xf32, #tpu.memory_space<hbm>>
        %dma_start3A_268 = arith.constant 0 : i32
        %dma_start3A_269 = tpu.memref_slice %arg5[%arg0, %multiple_of3A_260, %dma_start3A_268] : memref<2x10000x128xf32, #tpu.memory_space<hbm>> -> memref<1x80x128xf32, #tpu.memory_space<hbm>>
        %dma_start3A_270 = tpu.memref_squeeze %dma_start3A_269 : memref<1x80x128xf32, #tpu.memory_space<hbm>> -> memref<80x128xf32, #tpu.memory_space<hbm>>
        %dma_start3A_271 = arith.constant 0 : i32
        %dma_start3A_272 = arith.constant 0 : i32
        %dma_start3A_273 = tpu.memref_slice %arg8[%cond3A_185, %dma_start3A_271, %dma_start3A_272] : memref<2x80x128xf32, #tpu.memory_space<vmem>> -> memref<1x80x128xf32, #tpu.memory_space<vmem>>
        %dma_start3A_274 = tpu.memref_squeeze %dma_start3A_273 : memref<1x80x128xf32, #tpu.memory_space<vmem>> -> memref<80x128xf32, #tpu.memory_space<vmem>>
        tpu.enqueue_dma source(%dma_start3A_274 : memref<80x128xf32, #tpu.memory_space<vmem>>) target(%dma_start3A_270 : memref<80x128xf32, #tpu.memory_space<hbm>>) target_semaphore(%run_scoped3A : memref<!tpu.dma_semaphore, #tpu.memory_space<semaphore_mem>>)
        %dma_wait3A_275 = arith.constant 0 : i32
        %dma_wait3A_276 = arith.constant 0 : i32
        %dma_wait3A_277 = tpu.memref_slice %arg8[%cond3A_185, %dma_wait3A_275, %dma_wait3A_276] : memref<2x80x128xf32, #tpu.memory_space<vmem>> -> memref<1x80x128xf32, #tpu.memory_space<vmem>>
        %dma_wait3A_278 = tpu.memref_squeeze %dma_wait3A_277 : memref<1x80x128xf32, #tpu.memory_space<vmem>> -> memref<80x128xf32, #tpu.memory_space<vmem>>
        %dma_wait3A_279 = arith.constant 0 : i32
        %dma_wait3A_280 = tpu.memref_slice %arg5[%arg0, %multiple_of3A_260, %dma_wait3A_279] : memref<2x10000x128xf32, #tpu.memory_space<hbm>> -> memref<1x80x128xf32, #tpu.memory_space<hbm>>
        %dma_wait3A_281 = tpu.memref_squeeze %dma_wait3A_280 : memref<1x80x128xf32, #tpu.memory_space<hbm>> -> memref<80x128xf32, #tpu.memory_space<hbm>>
        %dma_wait3A_282 = arith.constant 0 : i32
        %dma_wait3A_283 = tpu.memref_slice %arg5[%arg0, %multiple_of3A_260, %dma_wait3A_282] : memref<2x10000x128xf32, #tpu.memory_space<hbm>> -> memref<1x80x128xf32, #tpu.memory_space<hbm>>
        %dma_wait3A_284 = tpu.memref_squeeze %dma_wait3A_283 : memref<1x80x128xf32, #tpu.memory_space<hbm>> -> memref<80x128xf32, #tpu.memory_space<hbm>>
        %dma_wait3A_285 = arith.constant 0 : i32
        %dma_wait3A_286 = arith.constant 0 : i32
        %dma_wait3A_287 = tpu.memref_slice %arg8[%cond3A_185, %dma_wait3A_285, %dma_wait3A_286] : memref<2x80x128xf32, #tpu.memory_space<vmem>> -> memref<1x80x128xf32, #tpu.memory_space<vmem>>
        %dma_wait3A_288 = tpu.memref_squeeze %dma_wait3A_287 : memref<1x80x128xf32, #tpu.memory_space<vmem>> -> memref<80x128xf32, #tpu.memory_space<vmem>>
        tpu.wait_dma2 semaphore(%run_scoped3A : memref<!tpu.dma_semaphore, #tpu.memory_space<semaphore_mem>>) src(%dma_wait3A_288 : memref<80x128xf32, #tpu.memory_space<vmem>>) dst(%dma_wait3A_284 : memref<80x128xf32, #tpu.memory_space<hbm>>)
        tpu.yield
      }) : () -> ()
    } else {
    }
    %mul3A_188 = arith.constant 8 : i32
    %mul3A_189 = arith.muli %arg1, %mul3A_188 : i32
    %add3A_190 = arith.constant 1 : i32
    %add3A_191 = arith.addi %mul3A_189, %add3A_190 : i32
    %lt3A_192 = arith.constant 125 : i32
    %lt3A_193 = arith.cmpi slt, %add3A_191, %lt3A_192 : i32
    %convert_element_type3A_194 = arith.extui %lt3A_193 : i1 to i32
    %cond3A_195 = arith.constant 0 : i32
    %cond3A_196 = arith.constant 0 : i32
    %cond3A_197 = arith.cmpi ne, %convert_element_type3A_194, %cond3A_196 : i32
    scf.if %cond3A_197 {
      %mul3A_258 = arith.constant 80 : i32
      %mul3A_259 = arith.muli %add3A_191, %mul3A_258 : i32
      %multiple_of3A_260 = tpu.assume_multiple %mul3A_259, 8 : i32
      "tpu.region"() ({
        %run_scoped3A = tpu.sem_alloc : memref<!tpu.dma_semaphore, #tpu.memory_space<semaphore_mem>>
        %dma_start3A_261 = arith.constant 0 : i32
        %dma_start3A_262 = arith.constant 0 : i32
        %dma_start3A_263 = tpu.memref_slice %arg8[%cond3A_195, %dma_start3A_261, %dma_start3A_262] : memref<2x80x128xf32, #tpu.memory_space<vmem>> -> memref<1x80x128xf32, #tpu.memory_space<vmem>>
        %dma_start3A_264 = tpu.memref_squeeze %dma_start3A_263 : memref<1x80x128xf32, #tpu.memory_space<vmem>> -> memref<80x128xf32, #tpu.memory_space<vmem>>
        %dma_start3A_265 = arith.constant 0 : i32
        %dma_start3A_266 = tpu.memref_slice %arg9[%multiple_of3A_260, %dma_start3A_265] : memref<10000x128xf32, #tpu.memory_space<vmem_shared>> -> memref<80x128xf32, #tpu.memory_space<vmem_shared>>
        %dma_start3A_267 = arith.constant 0 : i32
        %dma_start3A_268 = arith.constant 0 : i32
        %dma_start3A_269 = tpu.memref_slice %arg8[%cond3A_195, %dma_start3A_267, %dma_start3A_268] : memref<2x80x128xf32, #tpu.memory_space<vmem>> -> memref<1x80x128xf32, #tpu.memory_space<vmem>>
        %dma_start3A_270 = tpu.memref_squeeze %dma_start3A_269 : memref<1x80x128xf32, #tpu.memory_space<vmem>> -> memref<80x128xf32, #tpu.memory_space<vmem>>
        %dma_start3A_271 = arith.constant 0 : i32
        %dma_start3A_272 = tpu.memref_slice %arg9[%multiple_of3A_260, %dma_start3A_271] : memref<10000x128xf32, #tpu.memory_space<vmem_shared>> -> memref<80x128xf32, #tpu.memory_space<vmem_shared>>
        tpu.enqueue_dma source(%dma_start3A_272 : memref<80x128xf32, #tpu.memory_space<vmem_shared>>) target(%dma_start3A_270 : memref<80x128xf32, #tpu.memory_space<vmem>>) target_semaphore(%run_scoped3A : memref<!tpu.dma_semaphore, #tpu.memory_space<semaphore_mem>>)
        %dma_wait3A_273 = arith.constant 0 : i32
        %dma_wait3A_274 = arith.constant 0 : i32
        %dma_wait3A_275 = tpu.memref_slice %arg8[%cond3A_195, %dma_wait3A_273, %dma_wait3A_274] : memref<2x80x128xf32, #tpu.memory_space<vmem>> -> memref<1x80x128xf32, #tpu.memory_space<vmem>>
        %dma_wait3A_276 = tpu.memref_squeeze %dma_wait3A_275 : memref<1x80x128xf32, #tpu.memory_space<vmem>> -> memref<80x128xf32, #tpu.memory_space<vmem>>
        %dma_wait3A_277 = arith.constant 0 : i32
        %dma_wait3A_278 = tpu.memref_slice %arg9[%multiple_of3A_260, %dma_wait3A_277] : memref<10000x128xf32, #tpu.memory_space<vmem_shared>> -> memref<80x128xf32, #tpu.memory_space<vmem_shared>>
        %dma_wait3A_279 = arith.constant 0 : i32
        %dma_wait3A_280 = arith.constant 0 : i32
        %dma_wait3A_281 = tpu.memref_slice %arg8[%cond3A_195, %dma_wait3A_279, %dma_wait3A_280] : memref<2x80x128xf32, #tpu.memory_space<vmem>> -> memref<1x80x128xf32, #tpu.memory_space<vmem>>
        %dma_wait3A_282 = tpu.memref_squeeze %dma_wait3A_281 : memref<1x80x128xf32, #tpu.memory_space<vmem>> -> memref<80x128xf32, #tpu.memory_space<vmem>>
        %dma_wait3A_283 = arith.constant 0 : i32
        %dma_wait3A_284 = tpu.memref_slice %arg9[%multiple_of3A_260, %dma_wait3A_283] : memref<10000x128xf32, #tpu.memory_space<vmem_shared>> -> memref<80x128xf32, #tpu.memory_space<vmem_shared>>
        tpu.wait_dma2 semaphore(%run_scoped3A : memref<!tpu.dma_semaphore, #tpu.memory_space<semaphore_mem>>) src(%dma_wait3A_284 : memref<80x128xf32, #tpu.memory_space<vmem_shared>>) dst(%dma_wait3A_282 : memref<80x128xf32, #tpu.memory_space<vmem>>)
        tpu.yield
      }) : () -> ()
      "tpu.region"() ({
        %run_scoped3A = tpu.sem_alloc : memref<!tpu.dma_semaphore, #tpu.memory_space<semaphore_mem>>
        %dma_start3A_261 = arith.constant 0 : i32
        %dma_start3A_262 = arith.constant 0 : i32
        %dma_start3A_263 = tpu.memref_slice %arg8[%cond3A_195, %dma_start3A_261, %dma_start3A_262] : memref<2x80x128xf32, #tpu.memory_space<vmem>> -> memref<1x80x128xf32, #tpu.memory_space<vmem>>
        %dma_start3A_264 = tpu.memref_squeeze %dma_start3A_263 : memref<1x80x128xf32, #tpu.memory_space<vmem>> -> memref<80x128xf32, #tpu.memory_space<vmem>>
        %dma_start3A_265 = arith.constant 0 : i32
        %dma_start3A_266 = tpu.memref_slice %arg5[%arg0, %multiple_of3A_260, %dma_start3A_265] : memref<2x10000x128xf32, #tpu.memory_space<hbm>> -> memref<1x80x128xf32, #tpu.memory_space<hbm>>
        %dma_start3A_267 = tpu.memref_squeeze %dma_start3A_266 : memref<1x80x128xf32, #tpu.memory_space<hbm>> -> memref<80x128xf32, #tpu.memory_space<hbm>>
        %dma_start3A_268 = arith.constant 0 : i32
        %dma_start3A_269 = tpu.memref_slice %arg5[%arg0, %multiple_of3A_260, %dma_start3A_268] : memref<2x10000x128xf32, #tpu.memory_space<hbm>> -> memref<1x80x128xf32, #tpu.memory_space<hbm>>
        %dma_start3A_270 = tpu.memref_squeeze %dma_start3A_269 : memref<1x80x128xf32, #tpu.memory_space<hbm>> -> memref<80x128xf32, #tpu.memory_space<hbm>>
        %dma_start3A_271 = arith.constant 0 : i32
        %dma_start3A_272 = arith.constant 0 : i32
        %dma_start3A_273 = tpu.memref_slice %arg8[%cond3A_195, %dma_start3A_271, %dma_start3A_272] : memref<2x80x128xf32, #tpu.memory_space<vmem>> -> memref<1x80x128xf32, #tpu.memory_space<vmem>>
        %dma_start3A_274 = tpu.memref_squeeze %dma_start3A_273 : memref<1x80x128xf32, #tpu.memory_space<vmem>> -> memref<80x128xf32, #tpu.memory_space<vmem>>
        tpu.enqueue_dma source(%dma_start3A_274 : memref<80x128xf32, #tpu.memory_space<vmem>>) target(%dma_start3A_270 : memref<80x128xf32, #tpu.memory_space<hbm>>) target_semaphore(%run_scoped3A : memref<!tpu.dma_semaphore, #tpu.memory_space<semaphore_mem>>)
        %dma_wait3A_275 = arith.constant 0 : i32
        %dma_wait3A_276 = arith.constant 0 : i32
        %dma_wait3A_277 = tpu.memref_slice %arg8[%cond3A_195, %dma_wait3A_275, %dma_wait3A_276] : memref<2x80x128xf32, #tpu.memory_space<vmem>> -> memref<1x80x128xf32, #tpu.memory_space<vmem>>
        %dma_wait3A_278 = tpu.memref_squeeze %dma_wait3A_277 : memref<1x80x128xf32, #tpu.memory_space<vmem>> -> memref<80x128xf32, #tpu.memory_space<vmem>>
        %dma_wait3A_279 = arith.constant 0 : i32
        %dma_wait3A_280 = tpu.memref_slice %arg5[%arg0, %multiple_of3A_260, %dma_wait3A_279] : memref<2x10000x128xf32, #tpu.memory_space<hbm>> -> memref<1x80x128xf32, #tpu.memory_space<hbm>>
        %dma_wait3A_281 = tpu.memref_squeeze %dma_wait3A_280 : memref<1x80x128xf32, #tpu.memory_space<hbm>> -> memref<80x128xf32, #tpu.memory_space<hbm>>
        %dma_wait3A_282 = arith.constant 0 : i32
        %dma_wait3A_283 = tpu.memref_slice %arg5[%arg0, %multiple_of3A_260, %dma_wait3A_282] : memref<2x10000x128xf32, #tpu.memory_space<hbm>> -> memref<1x80x128xf32, #tpu.memory_space<hbm>>
        %dma_wait3A_284 = tpu.memref_squeeze %dma_wait3A_283 : memref<1x80x128xf32, #tpu.memory_space<hbm>> -> memref<80x128xf32, #tpu.memory_space<hbm>>
        %dma_wait3A_285 = arith.constant 0 : i32
        %dma_wait3A_286 = arith.constant 0 : i32
        %dma_wait3A_287 = tpu.memref_slice %arg8[%cond3A_195, %dma_wait3A_285, %dma_wait3A_286] : memref<2x80x128xf32, #tpu.memory_space<vmem>> -> memref<1x80x128xf32, #tpu.memory_space<vmem>>
        %dma_wait3A_288 = tpu.memref_squeeze %dma_wait3A_287 : memref<1x80x128xf32, #tpu.memory_space<vmem>> -> memref<80x128xf32, #tpu.memory_space<vmem>>
        tpu.wait_dma2 semaphore(%run_scoped3A : memref<!tpu.dma_semaphore, #tpu.memory_space<semaphore_mem>>) src(%dma_wait3A_288 : memref<80x128xf32, #tpu.memory_space<vmem>>) dst(%dma_wait3A_284 : memref<80x128xf32, #tpu.memory_space<hbm>>)
        tpu.yield
      }) : () -> ()
    } else {
    }
    %mul3A_198 = arith.constant 8 : i32
    %mul3A_199 = arith.muli %arg1, %mul3A_198 : i32
    %add3A_200 = arith.constant 2 : i32
    %add3A_201 = arith.addi %mul3A_199, %add3A_200 : i32
    %lt3A_202 = arith.constant 125 : i32
    %lt3A_203 = arith.cmpi slt, %add3A_201, %lt3A_202 : i32
    %convert_element_type3A_204 = arith.extui %lt3A_203 : i1 to i32
    %cond3A_205 = arith.constant 0 : i32
    %cond3A_206 = arith.constant 0 : i32
    %cond3A_207 = arith.cmpi ne, %convert_element_type3A_204, %cond3A_206 : i32
    scf.if %cond3A_207 {
      %mul3A_258 = arith.constant 80 : i32
      %mul3A_259 = arith.muli %add3A_201, %mul3A_258 : i32
      %multiple_of3A_260 = tpu.assume_multiple %mul3A_259, 8 : i32
      "tpu.region"() ({
        %run_scoped3A = tpu.sem_alloc : memref<!tpu.dma_semaphore, #tpu.memory_space<semaphore_mem>>
        %dma_start3A_261 = arith.constant 0 : i32
        %dma_start3A_262 = arith.constant 0 : i32
        %dma_start3A_263 = tpu.memref_slice %arg8[%cond3A_205, %dma_start3A_261, %dma_start3A_262] : memref<2x80x128xf32, #tpu.memory_space<vmem>> -> memref<1x80x128xf32, #tpu.memory_space<vmem>>
        %dma_start3A_264 = tpu.memref_squeeze %dma_start3A_263 : memref<1x80x128xf32, #tpu.memory_space<vmem>> -> memref<80x128xf32, #tpu.memory_space<vmem>>
        %dma_start3A_265 = arith.constant 0 : i32
        %dma_start3A_266 = tpu.memref_slice %arg9[%multiple_of3A_260, %dma_start3A_265] : memref<10000x128xf32, #tpu.memory_space<vmem_shared>> -> memref<80x128xf32, #tpu.memory_space<vmem_shared>>
        %dma_start3A_267 = arith.constant 0 : i32
        %dma_start3A_268 = arith.constant 0 : i32
        %dma_start3A_269 = tpu.memref_slice %arg8[%cond3A_205, %dma_start3A_267, %dma_start3A_268] : memref<2x80x128xf32, #tpu.memory_space<vmem>> -> memref<1x80x128xf32, #tpu.memory_space<vmem>>
        %dma_start3A_270 = tpu.memref_squeeze %dma_start3A_269 : memref<1x80x128xf32, #tpu.memory_space<vmem>> -> memref<80x128xf32, #tpu.memory_space<vmem>>
        %dma_start3A_271 = arith.constant 0 : i32
        %dma_start3A_272 = tpu.memref_slice %arg9[%multiple_of3A_260, %dma_start3A_271] : memref<10000x128xf32, #tpu.memory_space<vmem_shared>> -> memref<80x128xf32, #tpu.memory_space<vmem_shared>>
        tpu.enqueue_dma source(%dma_start3A_272 : memref<80x128xf32, #tpu.memory_space<vmem_shared>>) target(%dma_start3A_270 : memref<80x128xf32, #tpu.memory_space<vmem>>) target_semaphore(%run_scoped3A : memref<!tpu.dma_semaphore, #tpu.memory_space<semaphore_mem>>)
        %dma_wait3A_273 = arith.constant 0 : i32
        %dma_wait3A_274 = arith.constant 0 : i32
        %dma_wait3A_275 = tpu.memref_slice %arg8[%cond3A_205, %dma_wait3A_273, %dma_wait3A_274] : memref<2x80x128xf32, #tpu.memory_space<vmem>> -> memref<1x80x128xf32, #tpu.memory_space<vmem>>
        %dma_wait3A_276 = tpu.memref_squeeze %dma_wait3A_275 : memref<1x80x128xf32, #tpu.memory_space<vmem>> -> memref<80x128xf32, #tpu.memory_space<vmem>>
        %dma_wait3A_277 = arith.constant 0 : i32
        %dma_wait3A_278 = tpu.memref_slice %arg9[%multiple_of3A_260, %dma_wait3A_277] : memref<10000x128xf32, #tpu.memory_space<vmem_shared>> -> memref<80x128xf32, #tpu.memory_space<vmem_shared>>
        %dma_wait3A_279 = arith.constant 0 : i32
        %dma_wait3A_280 = arith.constant 0 : i32
        %dma_wait3A_281 = tpu.memref_slice %arg8[%cond3A_205, %dma_wait3A_279, %dma_wait3A_280] : memref<2x80x128xf32, #tpu.memory_space<vmem>> -> memref<1x80x128xf32, #tpu.memory_space<vmem>>
        %dma_wait3A_282 = tpu.memref_squeeze %dma_wait3A_281 : memref<1x80x128xf32, #tpu.memory_space<vmem>> -> memref<80x128xf32, #tpu.memory_space<vmem>>
        %dma_wait3A_283 = arith.constant 0 : i32
        %dma_wait3A_284 = tpu.memref_slice %arg9[%multiple_of3A_260, %dma_wait3A_283] : memref<10000x128xf32, #tpu.memory_space<vmem_shared>> -> memref<80x128xf32, #tpu.memory_space<vmem_shared>>
        tpu.wait_dma2 semaphore(%run_scoped3A : memref<!tpu.dma_semaphore, #tpu.memory_space<semaphore_mem>>) src(%dma_wait3A_284 : memref<80x128xf32, #tpu.memory_space<vmem_shared>>) dst(%dma_wait3A_282 : memref<80x128xf32, #tpu.memory_space<vmem>>)
        tpu.yield
      }) : () -> ()
      "tpu.region"() ({
        %run_scoped3A = tpu.sem_alloc : memref<!tpu.dma_semaphore, #tpu.memory_space<semaphore_mem>>
        %dma_start3A_261 = arith.constant 0 : i32
        %dma_start3A_262 = arith.constant 0 : i32
        %dma_start3A_263 = tpu.memref_slice %arg8[%cond3A_205, %dma_start3A_261, %dma_start3A_262] : memref<2x80x128xf32, #tpu.memory_space<vmem>> -> memref<1x80x128xf32, #tpu.memory_space<vmem>>
        %dma_start3A_264 = tpu.memref_squeeze %dma_start3A_263 : memref<1x80x128xf32, #tpu.memory_space<vmem>> -> memref<80x128xf32, #tpu.memory_space<vmem>>
        %dma_start3A_265 = arith.constant 0 : i32
        %dma_start3A_266 = tpu.memref_slice %arg5[%arg0, %multiple_of3A_260, %dma_start3A_265] : memref<2x10000x128xf32, #tpu.memory_space<hbm>> -> memref<1x80x128xf32, #tpu.memory_space<hbm>>
        %dma_start3A_267 = tpu.memref_squeeze %dma_start3A_266 : memref<1x80x128xf32, #tpu.memory_space<hbm>> -> memref<80x128xf32, #tpu.memory_space<hbm>>
        %dma_start3A_268 = arith.constant 0 : i32
        %dma_start3A_269 = tpu.memref_slice %arg5[%arg0, %multiple_of3A_260, %dma_start3A_268] : memref<2x10000x128xf32, #tpu.memory_space<hbm>> -> memref<1x80x128xf32, #tpu.memory_space<hbm>>
        %dma_start3A_270 = tpu.memref_squeeze %dma_start3A_269 : memref<1x80x128xf32, #tpu.memory_space<hbm>> -> memref<80x128xf32, #tpu.memory_space<hbm>>
        %dma_start3A_271 = arith.constant 0 : i32
        %dma_start3A_272 = arith.constant 0 : i32
        %dma_start3A_273 = tpu.memref_slice %arg8[%cond3A_205, %dma_start3A_271, %dma_start3A_272] : memref<2x80x128xf32, #tpu.memory_space<vmem>> -> memref<1x80x128xf32, #tpu.memory_space<vmem>>
        %dma_start3A_274 = tpu.memref_squeeze %dma_start3A_273 : memref<1x80x128xf32, #tpu.memory_space<vmem>> -> memref<80x128xf32, #tpu.memory_space<vmem>>
        tpu.enqueue_dma source(%dma_start3A_274 : memref<80x128xf32, #tpu.memory_space<vmem>>) target(%dma_start3A_270 : memref<80x128xf32, #tpu.memory_space<hbm>>) target_semaphore(%run_scoped3A : memref<!tpu.dma_semaphore, #tpu.memory_space<semaphore_mem>>)
        %dma_wait3A_275 = arith.constant 0 : i32
        %dma_wait3A_276 = arith.constant 0 : i32
        %dma_wait3A_277 = tpu.memref_slice %arg8[%cond3A_205, %dma_wait3A_275, %dma_wait3A_276] : memref<2x80x128xf32, #tpu.memory_space<vmem>> -> memref<1x80x128xf32, #tpu.memory_space<vmem>>
        %dma_wait3A_278 = tpu.memref_squeeze %dma_wait3A_277 : memref<1x80x128xf32, #tpu.memory_space<vmem>> -> memref<80x128xf32, #tpu.memory_space<vmem>>
        %dma_wait3A_279 = arith.constant 0 : i32
        %dma_wait3A_280 = tpu.memref_slice %arg5[%arg0, %multiple_of3A_260, %dma_wait3A_279] : memref<2x10000x128xf32, #tpu.memory_space<hbm>> -> memref<1x80x128xf32, #tpu.memory_space<hbm>>
        %dma_wait3A_281 = tpu.memref_squeeze %dma_wait3A_280 : memref<1x80x128xf32, #tpu.memory_space<hbm>> -> memref<80x128xf32, #tpu.memory_space<hbm>>
        %dma_wait3A_282 = arith.constant 0 : i32
        %dma_wait3A_283 = tpu.memref_slice %arg5[%arg0, %multiple_of3A_260, %dma_wait3A_282] : memref<2x10000x128xf32, #tpu.memory_space<hbm>> -> memref<1x80x128xf32, #tpu.memory_space<hbm>>
        %dma_wait3A_284 = tpu.memref_squeeze %dma_wait3A_283 : memref<1x80x128xf32, #tpu.memory_space<hbm>> -> memref<80x128xf32, #tpu.memory_space<hbm>>
        %dma_wait3A_285 = arith.constant 0 : i32
        %dma_wait3A_286 = arith.constant 0 : i32
        %dma_wait3A_287 = tpu.memref_slice %arg8[%cond3A_205, %dma_wait3A_285, %dma_wait3A_286] : memref<2x80x128xf32, #tpu.memory_space<vmem>> -> memref<1x80x128xf32, #tpu.memory_space<vmem>>
        %dma_wait3A_288 = tpu.memref_squeeze %dma_wait3A_287 : memref<1x80x128xf32, #tpu.memory_space<vmem>> -> memref<80x128xf32, #tpu.memory_space<vmem>>
        tpu.wait_dma2 semaphore(%run_scoped3A : memref<!tpu.dma_semaphore, #tpu.memory_space<semaphore_mem>>) src(%dma_wait3A_288 : memref<80x128xf32, #tpu.memory_space<vmem>>) dst(%dma_wait3A_284 : memref<80x128xf32, #tpu.memory_space<hbm>>)
        tpu.yield
      }) : () -> ()
    } else {
    }
    %mul3A_208 = arith.constant 8 : i32
    %mul3A_209 = arith.muli %arg1, %mul3A_208 : i32
    %add3A_210 = arith.constant 3 : i32
    %add3A_211 = arith.addi %mul3A_209, %add3A_210 : i32
    %lt3A_212 = arith.constant 125 : i32
    %lt3A_213 = arith.cmpi slt, %add3A_211, %lt3A_212 : i32
    %convert_element_type3A_214 = arith.extui %lt3A_213 : i1 to i32
    %cond3A_215 = arith.constant 0 : i32
    %cond3A_216 = arith.constant 0 : i32
    %cond3A_217 = arith.cmpi ne, %convert_element_type3A_214, %cond3A_216 : i32
    scf.if %cond3A_217 {
      %mul3A_258 = arith.constant 80 : i32
      %mul3A_259 = arith.muli %add3A_211, %mul3A_258 : i32
      %multiple_of3A_260 = tpu.assume_multiple %mul3A_259, 8 : i32
      "tpu.region"() ({
        %run_scoped3A = tpu.sem_alloc : memref<!tpu.dma_semaphore, #tpu.memory_space<semaphore_mem>>
        %dma_start3A_261 = arith.constant 0 : i32
        %dma_start3A_262 = arith.constant 0 : i32
        %dma_start3A_263 = tpu.memref_slice %arg8[%cond3A_215, %dma_start3A_261, %dma_start3A_262] : memref<2x80x128xf32, #tpu.memory_space<vmem>> -> memref<1x80x128xf32, #tpu.memory_space<vmem>>
        %dma_start3A_264 = tpu.memref_squeeze %dma_start3A_263 : memref<1x80x128xf32, #tpu.memory_space<vmem>> -> memref<80x128xf32, #tpu.memory_space<vmem>>
        %dma_start3A_265 = arith.constant 0 : i32
        %dma_start3A_266 = tpu.memref_slice %arg9[%multiple_of3A_260, %dma_start3A_265] : memref<10000x128xf32, #tpu.memory_space<vmem_shared>> -> memref<80x128xf32, #tpu.memory_space<vmem_shared>>
        %dma_start3A_267 = arith.constant 0 : i32
        %dma_start3A_268 = arith.constant 0 : i32
        %dma_start3A_269 = tpu.memref_slice %arg8[%cond3A_215, %dma_start3A_267, %dma_start3A_268] : memref<2x80x128xf32, #tpu.memory_space<vmem>> -> memref<1x80x128xf32, #tpu.memory_space<vmem>>
        %dma_start3A_270 = tpu.memref_squeeze %dma_start3A_269 : memref<1x80x128xf32, #tpu.memory_space<vmem>> -> memref<80x128xf32, #tpu.memory_space<vmem>>
        %dma_start3A_271 = arith.constant 0 : i32
        %dma_start3A_272 = tpu.memref_slice %arg9[%multiple_of3A_260, %dma_start3A_271] : memref<10000x128xf32, #tpu.memory_space<vmem_shared>> -> memref<80x128xf32, #tpu.memory_space<vmem_shared>>
        tpu.enqueue_dma source(%dma_start3A_272 : memref<80x128xf32, #tpu.memory_space<vmem_shared>>) target(%dma_start3A_270 : memref<80x128xf32, #tpu.memory_space<vmem>>) target_semaphore(%run_scoped3A : memref<!tpu.dma_semaphore, #tpu.memory_space<semaphore_mem>>)
        %dma_wait3A_273 = arith.constant 0 : i32
        %dma_wait3A_274 = arith.constant 0 : i32
        %dma_wait3A_275 = tpu.memref_slice %arg8[%cond3A_215, %dma_wait3A_273, %dma_wait3A_274] : memref<2x80x128xf32, #tpu.memory_space<vmem>> -> memref<1x80x128xf32, #tpu.memory_space<vmem>>
        %dma_wait3A_276 = tpu.memref_squeeze %dma_wait3A_275 : memref<1x80x128xf32, #tpu.memory_space<vmem>> -> memref<80x128xf32, #tpu.memory_space<vmem>>
        %dma_wait3A_277 = arith.constant 0 : i32
        %dma_wait3A_278 = tpu.memref_slice %arg9[%multiple_of3A_260, %dma_wait3A_277] : memref<10000x128xf32, #tpu.memory_space<vmem_shared>> -> memref<80x128xf32, #tpu.memory_space<vmem_shared>>
        %dma_wait3A_279 = arith.constant 0 : i32
        %dma_wait3A_280 = arith.constant 0 : i32
        %dma_wait3A_281 = tpu.memref_slice %arg8[%cond3A_215, %dma_wait3A_279, %dma_wait3A_280] : memref<2x80x128xf32, #tpu.memory_space<vmem>> -> memref<1x80x128xf32, #tpu.memory_space<vmem>>
        %dma_wait3A_282 = tpu.memref_squeeze %dma_wait3A_281 : memref<1x80x128xf32, #tpu.memory_space<vmem>> -> memref<80x128xf32, #tpu.memory_space<vmem>>
        %dma_wait3A_283 = arith.constant 0 : i32
        %dma_wait3A_284 = tpu.memref_slice %arg9[%multiple_of3A_260, %dma_wait3A_283] : memref<10000x128xf32, #tpu.memory_space<vmem_shared>> -> memref<80x128xf32, #tpu.memory_space<vmem_shared>>
        tpu.wait_dma2 semaphore(%run_scoped3A : memref<!tpu.dma_semaphore, #tpu.memory_space<semaphore_mem>>) src(%dma_wait3A_284 : memref<80x128xf32, #tpu.memory_space<vmem_shared>>) dst(%dma_wait3A_282 : memref<80x128xf32, #tpu.memory_space<vmem>>)
        tpu.yield
      }) : () -> ()
      "tpu.region"() ({
        %run_scoped3A = tpu.sem_alloc : memref<!tpu.dma_semaphore, #tpu.memory_space<semaphore_mem>>
        %dma_start3A_261 = arith.constant 0 : i32
        %dma_start3A_262 = arith.constant 0 : i32
        %dma_start3A_263 = tpu.memref_slice %arg8[%cond3A_215, %dma_start3A_261, %dma_start3A_262] : memref<2x80x128xf32, #tpu.memory_space<vmem>> -> memref<1x80x128xf32, #tpu.memory_space<vmem>>
        %dma_start3A_264 = tpu.memref_squeeze %dma_start3A_263 : memref<1x80x128xf32, #tpu.memory_space<vmem>> -> memref<80x128xf32, #tpu.memory_space<vmem>>
        %dma_start3A_265 = arith.constant 0 : i32
        %dma_start3A_266 = tpu.memref_slice %arg5[%arg0, %multiple_of3A_260, %dma_start3A_265] : memref<2x10000x128xf32, #tpu.memory_space<hbm>> -> memref<1x80x128xf32, #tpu.memory_space<hbm>>
        %dma_start3A_267 = tpu.memref_squeeze %dma_start3A_266 : memref<1x80x128xf32, #tpu.memory_space<hbm>> -> memref<80x128xf32, #tpu.memory_space<hbm>>
        %dma_start3A_268 = arith.constant 0 : i32
        %dma_start3A_269 = tpu.memref_slice %arg5[%arg0, %multiple_of3A_260, %dma_start3A_268] : memref<2x10000x128xf32, #tpu.memory_space<hbm>> -> memref<1x80x128xf32, #tpu.memory_space<hbm>>
        %dma_start3A_270 = tpu.memref_squeeze %dma_start3A_269 : memref<1x80x128xf32, #tpu.memory_space<hbm>> -> memref<80x128xf32, #tpu.memory_space<hbm>>
        %dma_start3A_271 = arith.constant 0 : i32
        %dma_start3A_272 = arith.constant 0 : i32
        %dma_start3A_273 = tpu.memref_slice %arg8[%cond3A_215, %dma_start3A_271, %dma_start3A_272] : memref<2x80x128xf32, #tpu.memory_space<vmem>> -> memref<1x80x128xf32, #tpu.memory_space<vmem>>
        %dma_start3A_274 = tpu.memref_squeeze %dma_start3A_273 : memref<1x80x128xf32, #tpu.memory_space<vmem>> -> memref<80x128xf32, #tpu.memory_space<vmem>>
        tpu.enqueue_dma source(%dma_start3A_274 : memref<80x128xf32, #tpu.memory_space<vmem>>) target(%dma_start3A_270 : memref<80x128xf32, #tpu.memory_space<hbm>>) target_semaphore(%run_scoped3A : memref<!tpu.dma_semaphore, #tpu.memory_space<semaphore_mem>>)
        %dma_wait3A_275 = arith.constant 0 : i32
        %dma_wait3A_276 = arith.constant 0 : i32
        %dma_wait3A_277 = tpu.memref_slice %arg8[%cond3A_215, %dma_wait3A_275, %dma_wait3A_276] : memref<2x80x128xf32, #tpu.memory_space<vmem>> -> memref<1x80x128xf32, #tpu.memory_space<vmem>>
        %dma_wait3A_278 = tpu.memref_squeeze %dma_wait3A_277 : memref<1x80x128xf32, #tpu.memory_space<vmem>> -> memref<80x128xf32, #tpu.memory_space<vmem>>
        %dma_wait3A_279 = arith.constant 0 : i32
        %dma_wait3A_280 = tpu.memref_slice %arg5[%arg0, %multiple_of3A_260, %dma_wait3A_279] : memref<2x10000x128xf32, #tpu.memory_space<hbm>> -> memref<1x80x128xf32, #tpu.memory_space<hbm>>
        %dma_wait3A_281 = tpu.memref_squeeze %dma_wait3A_280 : memref<1x80x128xf32, #tpu.memory_space<hbm>> -> memref<80x128xf32, #tpu.memory_space<hbm>>
        %dma_wait3A_282 = arith.constant 0 : i32
        %dma_wait3A_283 = tpu.memref_slice %arg5[%arg0, %multiple_of3A_260, %dma_wait3A_282] : memref<2x10000x128xf32, #tpu.memory_space<hbm>> -> memref<1x80x128xf32, #tpu.memory_space<hbm>>
        %dma_wait3A_284 = tpu.memref_squeeze %dma_wait3A_283 : memref<1x80x128xf32, #tpu.memory_space<hbm>> -> memref<80x128xf32, #tpu.memory_space<hbm>>
        %dma_wait3A_285 = arith.constant 0 : i32
        %dma_wait3A_286 = arith.constant 0 : i32
        %dma_wait3A_287 = tpu.memref_slice %arg8[%cond3A_215, %dma_wait3A_285, %dma_wait3A_286] : memref<2x80x128xf32, #tpu.memory_space<vmem>> -> memref<1x80x128xf32, #tpu.memory_space<vmem>>
        %dma_wait3A_288 = tpu.memref_squeeze %dma_wait3A_287 : memref<1x80x128xf32, #tpu.memory_space<vmem>> -> memref<80x128xf32, #tpu.memory_space<vmem>>
        tpu.wait_dma2 semaphore(%run_scoped3A : memref<!tpu.dma_semaphore, #tpu.memory_space<semaphore_mem>>) src(%dma_wait3A_288 : memref<80x128xf32, #tpu.memory_space<vmem>>) dst(%dma_wait3A_284 : memref<80x128xf32, #tpu.memory_space<hbm>>)
        tpu.yield
      }) : () -> ()
    } else {
    }
    %mul3A_218 = arith.constant 8 : i32
    %mul3A_219 = arith.muli %arg1, %mul3A_218 : i32
    %add3A_220 = arith.constant 4 : i32
    %add3A_221 = arith.addi %mul3A_219, %add3A_220 : i32
    %lt3A_222 = arith.constant 125 : i32
    %lt3A_223 = arith.cmpi slt, %add3A_221, %lt3A_222 : i32
    %convert_element_type3A_224 = arith.extui %lt3A_223 : i1 to i32
    %cond3A_225 = arith.constant 0 : i32
    %cond3A_226 = arith.constant 0 : i32
    %cond3A_227 = arith.cmpi ne, %convert_element_type3A_224, %cond3A_226 : i32
    scf.if %cond3A_227 {
      %mul3A_258 = arith.constant 80 : i32
      %mul3A_259 = arith.muli %add3A_221, %mul3A_258 : i32
      %multiple_of3A_260 = tpu.assume_multiple %mul3A_259, 8 : i32
      "tpu.region"() ({
        %run_scoped3A = tpu.sem_alloc : memref<!tpu.dma_semaphore, #tpu.memory_space<semaphore_mem>>
        %dma_start3A_261 = arith.constant 0 : i32
        %dma_start3A_262 = arith.constant 0 : i32
        %dma_start3A_263 = tpu.memref_slice %arg8[%cond3A_225, %dma_start3A_261, %dma_start3A_262] : memref<2x80x128xf32, #tpu.memory_space<vmem>> -> memref<1x80x128xf32, #tpu.memory_space<vmem>>
        %dma_start3A_264 = tpu.memref_squeeze %dma_start3A_263 : memref<1x80x128xf32, #tpu.memory_space<vmem>> -> memref<80x128xf32, #tpu.memory_space<vmem>>
        %dma_start3A_265 = arith.constant 0 : i32
        %dma_start3A_266 = tpu.memref_slice %arg9[%multiple_of3A_260, %dma_start3A_265] : memref<10000x128xf32, #tpu.memory_space<vmem_shared>> -> memref<80x128xf32, #tpu.memory_space<vmem_shared>>
        %dma_start3A_267 = arith.constant 0 : i32
        %dma_start3A_268 = arith.constant 0 : i32
        %dma_start3A_269 = tpu.memref_slice %arg8[%cond3A_225, %dma_start3A_267, %dma_start3A_268] : memref<2x80x128xf32, #tpu.memory_space<vmem>> -> memref<1x80x128xf32, #tpu.memory_space<vmem>>
        %dma_start3A_270 = tpu.memref_squeeze %dma_start3A_269 : memref<1x80x128xf32, #tpu.memory_space<vmem>> -> memref<80x128xf32, #tpu.memory_space<vmem>>
        %dma_start3A_271 = arith.constant 0 : i32
        %dma_start3A_272 = tpu.memref_slice %arg9[%multiple_of3A_260, %dma_start3A_271] : memref<10000x128xf32, #tpu.memory_space<vmem_shared>> -> memref<80x128xf32, #tpu.memory_space<vmem_shared>>
        tpu.enqueue_dma source(%dma_start3A_272 : memref<80x128xf32, #tpu.memory_space<vmem_shared>>) target(%dma_start3A_270 : memref<80x128xf32, #tpu.memory_space<vmem>>) target_semaphore(%run_scoped3A : memref<!tpu.dma_semaphore, #tpu.memory_space<semaphore_mem>>)
        %dma_wait3A_273 = arith.constant 0 : i32
        %dma_wait3A_274 = arith.constant 0 : i32
        %dma_wait3A_275 = tpu.memref_slice %arg8[%cond3A_225, %dma_wait3A_273, %dma_wait3A_274] : memref<2x80x128xf32, #tpu.memory_space<vmem>> -> memref<1x80x128xf32, #tpu.memory_space<vmem>>
        %dma_wait3A_276 = tpu.memref_squeeze %dma_wait3A_275 : memref<1x80x128xf32, #tpu.memory_space<vmem>> -> memref<80x128xf32, #tpu.memory_space<vmem>>
        %dma_wait3A_277 = arith.constant 0 : i32
        %dma_wait3A_278 = tpu.memref_slice %arg9[%multiple_of3A_260, %dma_wait3A_277] : memref<10000x128xf32, #tpu.memory_space<vmem_shared>> -> memref<80x128xf32, #tpu.memory_space<vmem_shared>>
        %dma_wait3A_279 = arith.constant 0 : i32
        %dma_wait3A_280 = arith.constant 0 : i32
        %dma_wait3A_281 = tpu.memref_slice %arg8[%cond3A_225, %dma_wait3A_279, %dma_wait3A_280] : memref<2x80x128xf32, #tpu.memory_space<vmem>> -> memref<1x80x128xf32, #tpu.memory_space<vmem>>
        %dma_wait3A_282 = tpu.memref_squeeze %dma_wait3A_281 : memref<1x80x128xf32, #tpu.memory_space<vmem>> -> memref<80x128xf32, #tpu.memory_space<vmem>>
        %dma_wait3A_283 = arith.constant 0 : i32
        %dma_wait3A_284 = tpu.memref_slice %arg9[%multiple_of3A_260, %dma_wait3A_283] : memref<10000x128xf32, #tpu.memory_space<vmem_shared>> -> memref<80x128xf32, #tpu.memory_space<vmem_shared>>
        tpu.wait_dma2 semaphore(%run_scoped3A : memref<!tpu.dma_semaphore, #tpu.memory_space<semaphore_mem>>) src(%dma_wait3A_284 : memref<80x128xf32, #tpu.memory_space<vmem_shared>>) dst(%dma_wait3A_282 : memref<80x128xf32, #tpu.memory_space<vmem>>)
        tpu.yield
      }) : () -> ()
      "tpu.region"() ({
        %run_scoped3A = tpu.sem_alloc : memref<!tpu.dma_semaphore, #tpu.memory_space<semaphore_mem>>
        %dma_start3A_261 = arith.constant 0 : i32
        %dma_start3A_262 = arith.constant 0 : i32
        %dma_start3A_263 = tpu.memref_slice %arg8[%cond3A_225, %dma_start3A_261, %dma_start3A_262] : memref<2x80x128xf32, #tpu.memory_space<vmem>> -> memref<1x80x128xf32, #tpu.memory_space<vmem>>
        %dma_start3A_264 = tpu.memref_squeeze %dma_start3A_263 : memref<1x80x128xf32, #tpu.memory_space<vmem>> -> memref<80x128xf32, #tpu.memory_space<vmem>>
        %dma_start3A_265 = arith.constant 0 : i32
        %dma_start3A_266 = tpu.memref_slice %arg5[%arg0, %multiple_of3A_260, %dma_start3A_265] : memref<2x10000x128xf32, #tpu.memory_space<hbm>> -> memref<1x80x128xf32, #tpu.memory_space<hbm>>
        %dma_start3A_267 = tpu.memref_squeeze %dma_start3A_266 : memref<1x80x128xf32, #tpu.memory_space<hbm>> -> memref<80x128xf32, #tpu.memory_space<hbm>>
        %dma_start3A_268 = arith.constant 0 : i32
        %dma_start3A_269 = tpu.memref_slice %arg5[%arg0, %multiple_of3A_260, %dma_start3A_268] : memref<2x10000x128xf32, #tpu.memory_space<hbm>> -> memref<1x80x128xf32, #tpu.memory_space<hbm>>
        %dma_start3A_270 = tpu.memref_squeeze %dma_start3A_269 : memref<1x80x128xf32, #tpu.memory_space<hbm>> -> memref<80x128xf32, #tpu.memory_space<hbm>>
        %dma_start3A_271 = arith.constant 0 : i32
        %dma_start3A_272 = arith.constant 0 : i32
        %dma_start3A_273 = tpu.memref_slice %arg8[%cond3A_225, %dma_start3A_271, %dma_start3A_272] : memref<2x80x128xf32, #tpu.memory_space<vmem>> -> memref<1x80x128xf32, #tpu.memory_space<vmem>>
        %dma_start3A_274 = tpu.memref_squeeze %dma_start3A_273 : memref<1x80x128xf32, #tpu.memory_space<vmem>> -> memref<80x128xf32, #tpu.memory_space<vmem>>
        tpu.enqueue_dma source(%dma_start3A_274 : memref<80x128xf32, #tpu.memory_space<vmem>>) target(%dma_start3A_270 : memref<80x128xf32, #tpu.memory_space<hbm>>) target_semaphore(%run_scoped3A : memref<!tpu.dma_semaphore, #tpu.memory_space<semaphore_mem>>)
        %dma_wait3A_275 = arith.constant 0 : i32
        %dma_wait3A_276 = arith.constant 0 : i32
        %dma_wait3A_277 = tpu.memref_slice %arg8[%cond3A_225, %dma_wait3A_275, %dma_wait3A_276] : memref<2x80x128xf32, #tpu.memory_space<vmem>> -> memref<1x80x128xf32, #tpu.memory_space<vmem>>
        %dma_wait3A_278 = tpu.memref_squeeze %dma_wait3A_277 : memref<1x80x128xf32, #tpu.memory_space<vmem>> -> memref<80x128xf32, #tpu.memory_space<vmem>>
        %dma_wait3A_279 = arith.constant 0 : i32
        %dma_wait3A_280 = tpu.memref_slice %arg5[%arg0, %multiple_of3A_260, %dma_wait3A_279] : memref<2x10000x128xf32, #tpu.memory_space<hbm>> -> memref<1x80x128xf32, #tpu.memory_space<hbm>>
        %dma_wait3A_281 = tpu.memref_squeeze %dma_wait3A_280 : memref<1x80x128xf32, #tpu.memory_space<hbm>> -> memref<80x128xf32, #tpu.memory_space<hbm>>
        %dma_wait3A_282 = arith.constant 0 : i32
        %dma_wait3A_283 = tpu.memref_slice %arg5[%arg0, %multiple_of3A_260, %dma_wait3A_282] : memref<2x10000x128xf32, #tpu.memory_space<hbm>> -> memref<1x80x128xf32, #tpu.memory_space<hbm>>
        %dma_wait3A_284 = tpu.memref_squeeze %dma_wait3A_283 : memref<1x80x128xf32, #tpu.memory_space<hbm>> -> memref<80x128xf32, #tpu.memory_space<hbm>>
        %dma_wait3A_285 = arith.constant 0 : i32
        %dma_wait3A_286 = arith.constant 0 : i32
        %dma_wait3A_287 = tpu.memref_slice %arg8[%cond3A_225, %dma_wait3A_285, %dma_wait3A_286] : memref<2x80x128xf32, #tpu.memory_space<vmem>> -> memref<1x80x128xf32, #tpu.memory_space<vmem>>
        %dma_wait3A_288 = tpu.memref_squeeze %dma_wait3A_287 : memref<1x80x128xf32, #tpu.memory_space<vmem>> -> memref<80x128xf32, #tpu.memory_space<vmem>>
        tpu.wait_dma2 semaphore(%run_scoped3A : memref<!tpu.dma_semaphore, #tpu.memory_space<semaphore_mem>>) src(%dma_wait3A_288 : memref<80x128xf32, #tpu.memory_space<vmem>>) dst(%dma_wait3A_284 : memref<80x128xf32, #tpu.memory_space<hbm>>)
        tpu.yield
      }) : () -> ()
    } else {
    }
    %mul3A_228 = arith.constant 8 : i32
    %mul3A_229 = arith.muli %arg1, %mul3A_228 : i32
    %add3A_230 = arith.constant 5 : i32
    %add3A_231 = arith.addi %mul3A_229, %add3A_230 : i32
    %lt3A_232 = arith.constant 125 : i32
    %lt3A_233 = arith.cmpi slt, %add3A_231, %lt3A_232 : i32
    %convert_element_type3A_234 = arith.extui %lt3A_233 : i1 to i32
    %cond3A_235 = arith.constant 0 : i32
    %cond3A_236 = arith.constant 0 : i32
    %cond3A_237 = arith.cmpi ne, %convert_element_type3A_234, %cond3A_236 : i32
    scf.if %cond3A_237 {
      %mul3A_258 = arith.constant 80 : i32
      %mul3A_259 = arith.muli %add3A_231, %mul3A_258 : i32
      %multiple_of3A_260 = tpu.assume_multiple %mul3A_259, 8 : i32
      "tpu.region"() ({
        %run_scoped3A = tpu.sem_alloc : memref<!tpu.dma_semaphore, #tpu.memory_space<semaphore_mem>>
        %dma_start3A_261 = arith.constant 0 : i32
        %dma_start3A_262 = arith.constant 0 : i32
        %dma_start3A_263 = tpu.memref_slice %arg8[%cond3A_235, %dma_start3A_261, %dma_start3A_262] : memref<2x80x128xf32, #tpu.memory_space<vmem>> -> memref<1x80x128xf32, #tpu.memory_space<vmem>>
        %dma_start3A_264 = tpu.memref_squeeze %dma_start3A_263 : memref<1x80x128xf32, #tpu.memory_space<vmem>> -> memref<80x128xf32, #tpu.memory_space<vmem>>
        %dma_start3A_265 = arith.constant 0 : i32
        %dma_start3A_266 = tpu.memref_slice %arg9[%multiple_of3A_260, %dma_start3A_265] : memref<10000x128xf32, #tpu.memory_space<vmem_shared>> -> memref<80x128xf32, #tpu.memory_space<vmem_shared>>
        %dma_start3A_267 = arith.constant 0 : i32
        %dma_start3A_268 = arith.constant 0 : i32
        %dma_start3A_269 = tpu.memref_slice %arg8[%cond3A_235, %dma_start3A_267, %dma_start3A_268] : memref<2x80x128xf32, #tpu.memory_space<vmem>> -> memref<1x80x128xf32, #tpu.memory_space<vmem>>
        %dma_start3A_270 = tpu.memref_squeeze %dma_start3A_269 : memref<1x80x128xf32, #tpu.memory_space<vmem>> -> memref<80x128xf32, #tpu.memory_space<vmem>>
        %dma_start3A_271 = arith.constant 0 : i32
        %dma_start3A_272 = tpu.memref_slice %arg9[%multiple_of3A_260, %dma_start3A_271] : memref<10000x128xf32, #tpu.memory_space<vmem_shared>> -> memref<80x128xf32, #tpu.memory_space<vmem_shared>>
        tpu.enqueue_dma source(%dma_start3A_272 : memref<80x128xf32, #tpu.memory_space<vmem_shared>>) target(%dma_start3A_270 : memref<80x128xf32, #tpu.memory_space<vmem>>) target_semaphore(%run_scoped3A : memref<!tpu.dma_semaphore, #tpu.memory_space<semaphore_mem>>)
        %dma_wait3A_273 = arith.constant 0 : i32
        %dma_wait3A_274 = arith.constant 0 : i32
        %dma_wait3A_275 = tpu.memref_slice %arg8[%cond3A_235, %dma_wait3A_273, %dma_wait3A_274] : memref<2x80x128xf32, #tpu.memory_space<vmem>> -> memref<1x80x128xf32, #tpu.memory_space<vmem>>
        %dma_wait3A_276 = tpu.memref_squeeze %dma_wait3A_275 : memref<1x80x128xf32, #tpu.memory_space<vmem>> -> memref<80x128xf32, #tpu.memory_space<vmem>>
        %dma_wait3A_277 = arith.constant 0 : i32
        %dma_wait3A_278 = tpu.memref_slice %arg9[%multiple_of3A_260, %dma_wait3A_277] : memref<10000x128xf32, #tpu.memory_space<vmem_shared>> -> memref<80x128xf32, #tpu.memory_space<vmem_shared>>
        %dma_wait3A_279 = arith.constant 0 : i32
        %dma_wait3A_280 = arith.constant 0 : i32
        %dma_wait3A_281 = tpu.memref_slice %arg8[%cond3A_235, %dma_wait3A_279, %dma_wait3A_280] : memref<2x80x128xf32, #tpu.memory_space<vmem>> -> memref<1x80x128xf32, #tpu.memory_space<vmem>>
        %dma_wait3A_282 = tpu.memref_squeeze %dma_wait3A_281 : memref<1x80x128xf32, #tpu.memory_space<vmem>> -> memref<80x128xf32, #tpu.memory_space<vmem>>
        %dma_wait3A_283 = arith.constant 0 : i32
        %dma_wait3A_284 = tpu.memref_slice %arg9[%multiple_of3A_260, %dma_wait3A_283] : memref<10000x128xf32, #tpu.memory_space<vmem_shared>> -> memref<80x128xf32, #tpu.memory_space<vmem_shared>>
        tpu.wait_dma2 semaphore(%run_scoped3A : memref<!tpu.dma_semaphore, #tpu.memory_space<semaphore_mem>>) src(%dma_wait3A_284 : memref<80x128xf32, #tpu.memory_space<vmem_shared>>) dst(%dma_wait3A_282 : memref<80x128xf32, #tpu.memory_space<vmem>>)
        tpu.yield
      }) : () -> ()
      "tpu.region"() ({
        %run_scoped3A = tpu.sem_alloc : memref<!tpu.dma_semaphore, #tpu.memory_space<semaphore_mem>>
        %dma_start3A_261 = arith.constant 0 : i32
        %dma_start3A_262 = arith.constant 0 : i32
        %dma_start3A_263 = tpu.memref_slice %arg8[%cond3A_235, %dma_start3A_261, %dma_start3A_262] : memref<2x80x128xf32, #tpu.memory_space<vmem>> -> memref<1x80x128xf32, #tpu.memory_space<vmem>>
        %dma_start3A_264 = tpu.memref_squeeze %dma_start3A_263 : memref<1x80x128xf32, #tpu.memory_space<vmem>> -> memref<80x128xf32, #tpu.memory_space<vmem>>
        %dma_start3A_265 = arith.constant 0 : i32
        %dma_start3A_266 = tpu.memref_slice %arg5[%arg0, %multiple_of3A_260, %dma_start3A_265] : memref<2x10000x128xf32, #tpu.memory_space<hbm>> -> memref<1x80x128xf32, #tpu.memory_space<hbm>>
        %dma_start3A_267 = tpu.memref_squeeze %dma_start3A_266 : memref<1x80x128xf32, #tpu.memory_space<hbm>> -> memref<80x128xf32, #tpu.memory_space<hbm>>
        %dma_start3A_268 = arith.constant 0 : i32
        %dma_start3A_269 = tpu.memref_slice %arg5[%arg0, %multiple_of3A_260, %dma_start3A_268] : memref<2x10000x128xf32, #tpu.memory_space<hbm>> -> memref<1x80x128xf32, #tpu.memory_space<hbm>>
        %dma_start3A_270 = tpu.memref_squeeze %dma_start3A_269 : memref<1x80x128xf32, #tpu.memory_space<hbm>> -> memref<80x128xf32, #tpu.memory_space<hbm>>
        %dma_start3A_271 = arith.constant 0 : i32
        %dma_start3A_272 = arith.constant 0 : i32
        %dma_start3A_273 = tpu.memref_slice %arg8[%cond3A_235, %dma_start3A_271, %dma_start3A_272] : memref<2x80x128xf32, #tpu.memory_space<vmem>> -> memref<1x80x128xf32, #tpu.memory_space<vmem>>
        %dma_start3A_274 = tpu.memref_squeeze %dma_start3A_273 : memref<1x80x128xf32, #tpu.memory_space<vmem>> -> memref<80x128xf32, #tpu.memory_space<vmem>>
        tpu.enqueue_dma source(%dma_start3A_274 : memref<80x128xf32, #tpu.memory_space<vmem>>) target(%dma_start3A_270 : memref<80x128xf32, #tpu.memory_space<hbm>>) target_semaphore(%run_scoped3A : memref<!tpu.dma_semaphore, #tpu.memory_space<semaphore_mem>>)
        %dma_wait3A_275 = arith.constant 0 : i32
        %dma_wait3A_276 = arith.constant 0 : i32
        %dma_wait3A_277 = tpu.memref_slice %arg8[%cond3A_235, %dma_wait3A_275, %dma_wait3A_276] : memref<2x80x128xf32, #tpu.memory_space<vmem>> -> memref<1x80x128xf32, #tpu.memory_space<vmem>>
        %dma_wait3A_278 = tpu.memref_squeeze %dma_wait3A_277 : memref<1x80x128xf32, #tpu.memory_space<vmem>> -> memref<80x128xf32, #tpu.memory_space<vmem>>
        %dma_wait3A_279 = arith.constant 0 : i32
        %dma_wait3A_280 = tpu.memref_slice %arg5[%arg0, %multiple_of3A_260, %dma_wait3A_279] : memref<2x10000x128xf32, #tpu.memory_space<hbm>> -> memref<1x80x128xf32, #tpu.memory_space<hbm>>
        %dma_wait3A_281 = tpu.memref_squeeze %dma_wait3A_280 : memref<1x80x128xf32, #tpu.memory_space<hbm>> -> memref<80x128xf32, #tpu.memory_space<hbm>>
        %dma_wait3A_282 = arith.constant 0 : i32
        %dma_wait3A_283 = tpu.memref_slice %arg5[%arg0, %multiple_of3A_260, %dma_wait3A_282] : memref<2x10000x128xf32, #tpu.memory_space<hbm>> -> memref<1x80x128xf32, #tpu.memory_space<hbm>>
        %dma_wait3A_284 = tpu.memref_squeeze %dma_wait3A_283 : memref<1x80x128xf32, #tpu.memory_space<hbm>> -> memref<80x128xf32, #tpu.memory_space<hbm>>
        %dma_wait3A_285 = arith.constant 0 : i32
        %dma_wait3A_286 = arith.constant 0 : i32
        %dma_wait3A_287 = tpu.memref_slice %arg8[%cond3A_235, %dma_wait3A_285, %dma_wait3A_286] : memref<2x80x128xf32, #tpu.memory_space<vmem>> -> memref<1x80x128xf32, #tpu.memory_space<vmem>>
        %dma_wait3A_288 = tpu.memref_squeeze %dma_wait3A_287 : memref<1x80x128xf32, #tpu.memory_space<vmem>> -> memref<80x128xf32, #tpu.memory_space<vmem>>
        tpu.wait_dma2 semaphore(%run_scoped3A : memref<!tpu.dma_semaphore, #tpu.memory_space<semaphore_mem>>) src(%dma_wait3A_288 : memref<80x128xf32, #tpu.memory_space<vmem>>) dst(%dma_wait3A_284 : memref<80x128xf32, #tpu.memory_space<hbm>>)
        tpu.yield
      }) : () -> ()
    } else {
    }
    %mul3A_238 = arith.constant 8 : i32
    %mul3A_239 = arith.muli %arg1, %mul3A_238 : i32
    %add3A_240 = arith.constant 6 : i32
    %add3A_241 = arith.addi %mul3A_239, %add3A_240 : i32
    %lt3A_242 = arith.constant 125 : i32
    %lt3A_243 = arith.cmpi slt, %add3A_241, %lt3A_242 : i32
    %convert_element_type3A_244 = arith.extui %lt3A_243 : i1 to i32
    %cond3A_245 = arith.constant 0 : i32
    %cond3A_246 = arith.constant 0 : i32
    %cond3A_247 = arith.cmpi ne, %convert_element_type3A_244, %cond3A_246 : i32
    scf.if %cond3A_247 {
      %mul3A_258 = arith.constant 80 : i32
      %mul3A_259 = arith.muli %add3A_241, %mul3A_258 : i32
      %multiple_of3A_260 = tpu.assume_multiple %mul3A_259, 8 : i32
      "tpu.region"() ({
        %run_scoped3A = tpu.sem_alloc : memref<!tpu.dma_semaphore, #tpu.memory_space<semaphore_mem>>
        %dma_start3A_261 = arith.constant 0 : i32
        %dma_start3A_262 = arith.constant 0 : i32
        %dma_start3A_263 = tpu.memref_slice %arg8[%cond3A_245, %dma_start3A_261, %dma_start3A_262] : memref<2x80x128xf32, #tpu.memory_space<vmem>> -> memref<1x80x128xf32, #tpu.memory_space<vmem>>
        %dma_start3A_264 = tpu.memref_squeeze %dma_start3A_263 : memref<1x80x128xf32, #tpu.memory_space<vmem>> -> memref<80x128xf32, #tpu.memory_space<vmem>>
        %dma_start3A_265 = arith.constant 0 : i32
        %dma_start3A_266 = tpu.memref_slice %arg9[%multiple_of3A_260, %dma_start3A_265] : memref<10000x128xf32, #tpu.memory_space<vmem_shared>> -> memref<80x128xf32, #tpu.memory_space<vmem_shared>>
        %dma_start3A_267 = arith.constant 0 : i32
        %dma_start3A_268 = arith.constant 0 : i32
        %dma_start3A_269 = tpu.memref_slice %arg8[%cond3A_245, %dma_start3A_267, %dma_start3A_268] : memref<2x80x128xf32, #tpu.memory_space<vmem>> -> memref<1x80x128xf32, #tpu.memory_space<vmem>>
        %dma_start3A_270 = tpu.memref_squeeze %dma_start3A_269 : memref<1x80x128xf32, #tpu.memory_space<vmem>> -> memref<80x128xf32, #tpu.memory_space<vmem>>
        %dma_start3A_271 = arith.constant 0 : i32
        %dma_start3A_272 = tpu.memref_slice %arg9[%multiple_of3A_260, %dma_start3A_271] : memref<10000x128xf32, #tpu.memory_space<vmem_shared>> -> memref<80x128xf32, #tpu.memory_space<vmem_shared>>
        tpu.enqueue_dma source(%dma_start3A_272 : memref<80x128xf32, #tpu.memory_space<vmem_shared>>) target(%dma_start3A_270 : memref<80x128xf32, #tpu.memory_space<vmem>>) target_semaphore(%run_scoped3A : memref<!tpu.dma_semaphore, #tpu.memory_space<semaphore_mem>>)
        %dma_wait3A_273 = arith.constant 0 : i32
        %dma_wait3A_274 = arith.constant 0 : i32
        %dma_wait3A_275 = tpu.memref_slice %arg8[%cond3A_245, %dma_wait3A_273, %dma_wait3A_274] : memref<2x80x128xf32, #tpu.memory_space<vmem>> -> memref<1x80x128xf32, #tpu.memory_space<vmem>>
        %dma_wait3A_276 = tpu.memref_squeeze %dma_wait3A_275 : memref<1x80x128xf32, #tpu.memory_space<vmem>> -> memref<80x128xf32, #tpu.memory_space<vmem>>
        %dma_wait3A_277 = arith.constant 0 : i32
        %dma_wait3A_278 = tpu.memref_slice %arg9[%multiple_of3A_260, %dma_wait3A_277] : memref<10000x128xf32, #tpu.memory_space<vmem_shared>> -> memref<80x128xf32, #tpu.memory_space<vmem_shared>>
        %dma_wait3A_279 = arith.constant 0 : i32
        %dma_wait3A_280 = arith.constant 0 : i32
        %dma_wait3A_281 = tpu.memref_slice %arg8[%cond3A_245, %dma_wait3A_279, %dma_wait3A_280] : memref<2x80x128xf32, #tpu.memory_space<vmem>> -> memref<1x80x128xf32, #tpu.memory_space<vmem>>
        %dma_wait3A_282 = tpu.memref_squeeze %dma_wait3A_281 : memref<1x80x128xf32, #tpu.memory_space<vmem>> -> memref<80x128xf32, #tpu.memory_space<vmem>>
        %dma_wait3A_283 = arith.constant 0 : i32
        %dma_wait3A_284 = tpu.memref_slice %arg9[%multiple_of3A_260, %dma_wait3A_283] : memref<10000x128xf32, #tpu.memory_space<vmem_shared>> -> memref<80x128xf32, #tpu.memory_space<vmem_shared>>
        tpu.wait_dma2 semaphore(%run_scoped3A : memref<!tpu.dma_semaphore, #tpu.memory_space<semaphore_mem>>) src(%dma_wait3A_284 : memref<80x128xf32, #tpu.memory_space<vmem_shared>>) dst(%dma_wait3A_282 : memref<80x128xf32, #tpu.memory_space<vmem>>)
        tpu.yield
      }) : () -> ()
      "tpu.region"() ({
        %run_scoped3A = tpu.sem_alloc : memref<!tpu.dma_semaphore, #tpu.memory_space<semaphore_mem>>
        %dma_start3A_261 = arith.constant 0 : i32
        %dma_start3A_262 = arith.constant 0 : i32
        %dma_start3A_263 = tpu.memref_slice %arg8[%cond3A_245, %dma_start3A_261, %dma_start3A_262] : memref<2x80x128xf32, #tpu.memory_space<vmem>> -> memref<1x80x128xf32, #tpu.memory_space<vmem>>
        %dma_start3A_264 = tpu.memref_squeeze %dma_start3A_263 : memref<1x80x128xf32, #tpu.memory_space<vmem>> -> memref<80x128xf32, #tpu.memory_space<vmem>>
        %dma_start3A_265 = arith.constant 0 : i32
        %dma_start3A_266 = tpu.memref_slice %arg5[%arg0, %multiple_of3A_260, %dma_start3A_265] : memref<2x10000x128xf32, #tpu.memory_space<hbm>> -> memref<1x80x128xf32, #tpu.memory_space<hbm>>
        %dma_start3A_267 = tpu.memref_squeeze %dma_start3A_266 : memref<1x80x128xf32, #tpu.memory_space<hbm>> -> memref<80x128xf32, #tpu.memory_space<hbm>>
        %dma_start3A_268 = arith.constant 0 : i32
        %dma_start3A_269 = tpu.memref_slice %arg5[%arg0, %multiple_of3A_260, %dma_start3A_268] : memref<2x10000x128xf32, #tpu.memory_space<hbm>> -> memref<1x80x128xf32, #tpu.memory_space<hbm>>
        %dma_start3A_270 = tpu.memref_squeeze %dma_start3A_269 : memref<1x80x128xf32, #tpu.memory_space<hbm>> -> memref<80x128xf32, #tpu.memory_space<hbm>>
        %dma_start3A_271 = arith.constant 0 : i32
        %dma_start3A_272 = arith.constant 0 : i32
        %dma_start3A_273 = tpu.memref_slice %arg8[%cond3A_245, %dma_start3A_271, %dma_start3A_272] : memref<2x80x128xf32, #tpu.memory_space<vmem>> -> memref<1x80x128xf32, #tpu.memory_space<vmem>>
        %dma_start3A_274 = tpu.memref_squeeze %dma_start3A_273 : memref<1x80x128xf32, #tpu.memory_space<vmem>> -> memref<80x128xf32, #tpu.memory_space<vmem>>
        tpu.enqueue_dma source(%dma_start3A_274 : memref<80x128xf32, #tpu.memory_space<vmem>>) target(%dma_start3A_270 : memref<80x128xf32, #tpu.memory_space<hbm>>) target_semaphore(%run_scoped3A : memref<!tpu.dma_semaphore, #tpu.memory_space<semaphore_mem>>)
        %dma_wait3A_275 = arith.constant 0 : i32
        %dma_wait3A_276 = arith.constant 0 : i32
        %dma_wait3A_277 = tpu.memref_slice %arg8[%cond3A_245, %dma_wait3A_275, %dma_wait3A_276] : memref<2x80x128xf32, #tpu.memory_space<vmem>> -> memref<1x80x128xf32, #tpu.memory_space<vmem>>
        %dma_wait3A_278 = tpu.memref_squeeze %dma_wait3A_277 : memref<1x80x128xf32, #tpu.memory_space<vmem>> -> memref<80x128xf32, #tpu.memory_space<vmem>>
        %dma_wait3A_279 = arith.constant 0 : i32
        %dma_wait3A_280 = tpu.memref_slice %arg5[%arg0, %multiple_of3A_260, %dma_wait3A_279] : memref<2x10000x128xf32, #tpu.memory_space<hbm>> -> memref<1x80x128xf32, #tpu.memory_space<hbm>>
        %dma_wait3A_281 = tpu.memref_squeeze %dma_wait3A_280 : memref<1x80x128xf32, #tpu.memory_space<hbm>> -> memref<80x128xf32, #tpu.memory_space<hbm>>
        %dma_wait3A_282 = arith.constant 0 : i32
        %dma_wait3A_283 = tpu.memref_slice %arg5[%arg0, %multiple_of3A_260, %dma_wait3A_282] : memref<2x10000x128xf32, #tpu.memory_space<hbm>> -> memref<1x80x128xf32, #tpu.memory_space<hbm>>
        %dma_wait3A_284 = tpu.memref_squeeze %dma_wait3A_283 : memref<1x80x128xf32, #tpu.memory_space<hbm>> -> memref<80x128xf32, #tpu.memory_space<hbm>>
        %dma_wait3A_285 = arith.constant 0 : i32
        %dma_wait3A_286 = arith.constant 0 : i32
        %dma_wait3A_287 = tpu.memref_slice %arg8[%cond3A_245, %dma_wait3A_285, %dma_wait3A_286] : memref<2x80x128xf32, #tpu.memory_space<vmem>> -> memref<1x80x128xf32, #tpu.memory_space<vmem>>
        %dma_wait3A_288 = tpu.memref_squeeze %dma_wait3A_287 : memref<1x80x128xf32, #tpu.memory_space<vmem>> -> memref<80x128xf32, #tpu.memory_space<vmem>>
        tpu.wait_dma2 semaphore(%run_scoped3A : memref<!tpu.dma_semaphore, #tpu.memory_space<semaphore_mem>>) src(%dma_wait3A_288 : memref<80x128xf32, #tpu.memory_space<vmem>>) dst(%dma_wait3A_284 : memref<80x128xf32, #tpu.memory_space<hbm>>)
        tpu.yield
      }) : () -> ()
    } else {
    }
    %mul3A_248 = arith.constant 8 : i32
    %mul3A_249 = arith.muli %arg1, %mul3A_248 : i32
    %add3A_250 = arith.constant 7 : i32
    %add3A_251 = arith.addi %mul3A_249, %add3A_250 : i32
    %lt3A_252 = arith.constant 125 : i32
    %lt3A_253 = arith.cmpi slt, %add3A_251, %lt3A_252 : i32
    %convert_element_type3A_254 = arith.extui %lt3A_253 : i1 to i32
    %cond3A_255 = arith.constant 0 : i32
    %cond3A_256 = arith.constant 0 : i32
    %cond3A_257 = arith.cmpi ne, %convert_element_type3A_254, %cond3A_256 : i32
    scf.if %cond3A_257 {
      %mul3A_258 = arith.constant 80 : i32
      %mul3A_259 = arith.muli %add3A_251, %mul3A_258 : i32
      %multiple_of3A_260 = tpu.assume_multiple %mul3A_259, 8 : i32
      "tpu.region"() ({
        %run_scoped3A = tpu.sem_alloc : memref<!tpu.dma_semaphore, #tpu.memory_space<semaphore_mem>>
        %dma_start3A_261 = arith.constant 0 : i32
        %dma_start3A_262 = arith.constant 0 : i32
        %dma_start3A_263 = tpu.memref_slice %arg8[%cond3A_255, %dma_start3A_261, %dma_start3A_262] : memref<2x80x128xf32, #tpu.memory_space<vmem>> -> memref<1x80x128xf32, #tpu.memory_space<vmem>>
        %dma_start3A_264 = tpu.memref_squeeze %dma_start3A_263 : memref<1x80x128xf32, #tpu.memory_space<vmem>> -> memref<80x128xf32, #tpu.memory_space<vmem>>
        %dma_start3A_265 = arith.constant 0 : i32
        %dma_start3A_266 = tpu.memref_slice %arg9[%multiple_of3A_260, %dma_start3A_265] : memref<10000x128xf32, #tpu.memory_space<vmem_shared>> -> memref<80x128xf32, #tpu.memory_space<vmem_shared>>
        %dma_start3A_267 = arith.constant 0 : i32
        %dma_start3A_268 = arith.constant 0 : i32
        %dma_start3A_269 = tpu.memref_slice %arg8[%cond3A_255, %dma_start3A_267, %dma_start3A_268] : memref<2x80x128xf32, #tpu.memory_space<vmem>> -> memref<1x80x128xf32, #tpu.memory_space<vmem>>
        %dma_start3A_270 = tpu.memref_squeeze %dma_start3A_269 : memref<1x80x128xf32, #tpu.memory_space<vmem>> -> memref<80x128xf32, #tpu.memory_space<vmem>>
        %dma_start3A_271 = arith.constant 0 : i32
        %dma_start3A_272 = tpu.memref_slice %arg9[%multiple_of3A_260, %dma_start3A_271] : memref<10000x128xf32, #tpu.memory_space<vmem_shared>> -> memref<80x128xf32, #tpu.memory_space<vmem_shared>>
        tpu.enqueue_dma source(%dma_start3A_272 : memref<80x128xf32, #tpu.memory_space<vmem_shared>>) target(%dma_start3A_270 : memref<80x128xf32, #tpu.memory_space<vmem>>) target_semaphore(%run_scoped3A : memref<!tpu.dma_semaphore, #tpu.memory_space<semaphore_mem>>)
        %dma_wait3A_273 = arith.constant 0 : i32
        %dma_wait3A_274 = arith.constant 0 : i32
        %dma_wait3A_275 = tpu.memref_slice %arg8[%cond3A_255, %dma_wait3A_273, %dma_wait3A_274] : memref<2x80x128xf32, #tpu.memory_space<vmem>> -> memref<1x80x128xf32, #tpu.memory_space<vmem>>
        %dma_wait3A_276 = tpu.memref_squeeze %dma_wait3A_275 : memref<1x80x128xf32, #tpu.memory_space<vmem>> -> memref<80x128xf32, #tpu.memory_space<vmem>>
        %dma_wait3A_277 = arith.constant 0 : i32
        %dma_wait3A_278 = tpu.memref_slice %arg9[%multiple_of3A_260, %dma_wait3A_277] : memref<10000x128xf32, #tpu.memory_space<vmem_shared>> -> memref<80x128xf32, #tpu.memory_space<vmem_shared>>
        %dma_wait3A_279 = arith.constant 0 : i32
        %dma_wait3A_280 = arith.constant 0 : i32
        %dma_wait3A_281 = tpu.memref_slice %arg8[%cond3A_255, %dma_wait3A_279, %dma_wait3A_280] : memref<2x80x128xf32, #tpu.memory_space<vmem>> -> memref<1x80x128xf32, #tpu.memory_space<vmem>>
        %dma_wait3A_282 = tpu.memref_squeeze %dma_wait3A_281 : memref<1x80x128xf32, #tpu.memory_space<vmem>> -> memref<80x128xf32, #tpu.memory_space<vmem>>
        %dma_wait3A_283 = arith.constant 0 : i32
        %dma_wait3A_284 = tpu.memref_slice %arg9[%multiple_of3A_260, %dma_wait3A_283] : memref<10000x128xf32, #tpu.memory_space<vmem_shared>> -> memref<80x128xf32, #tpu.memory_space<vmem_shared>>
        tpu.wait_dma2 semaphore(%run_scoped3A : memref<!tpu.dma_semaphore, #tpu.memory_space<semaphore_mem>>) src(%dma_wait3A_284 : memref<80x128xf32, #tpu.memory_space<vmem_shared>>) dst(%dma_wait3A_282 : memref<80x128xf32, #tpu.memory_space<vmem>>)
        tpu.yield
      }) : () -> ()
      "tpu.region"() ({
        %run_scoped3A = tpu.sem_alloc : memref<!tpu.dma_semaphore, #tpu.memory_space<semaphore_mem>>
        %dma_start3A_261 = arith.constant 0 : i32
        %dma_start3A_262 = arith.constant 0 : i32
        %dma_start3A_263 = tpu.memref_slice %arg8[%cond3A_255, %dma_start3A_261, %dma_start3A_262] : memref<2x80x128xf32, #tpu.memory_space<vmem>> -> memref<1x80x128xf32, #tpu.memory_space<vmem>>
        %dma_start3A_264 = tpu.memref_squeeze %dma_start3A_263 : memref<1x80x128xf32, #tpu.memory_space<vmem>> -> memref<80x128xf32, #tpu.memory_space<vmem>>
        %dma_start3A_265 = arith.constant 0 : i32
        %dma_start3A_266 = tpu.memref_slice %arg5[%arg0, %multiple_of3A_260, %dma_start3A_265] : memref<2x10000x128xf32, #tpu.memory_space<hbm>> -> memref<1x80x128xf32, #tpu.memory_space<hbm>>
        %dma_start3A_267 = tpu.memref_squeeze %dma_start3A_266 : memref<1x80x128xf32, #tpu.memory_space<hbm>> -> memref<80x128xf32, #tpu.memory_space<hbm>>
        %dma_start3A_268 = arith.constant 0 : i32
        %dma_start3A_269 = tpu.memref_slice %arg5[%arg0, %multiple_of3A_260, %dma_start3A_268] : memref<2x10000x128xf32, #tpu.memory_space<hbm>> -> memref<1x80x128xf32, #tpu.memory_space<hbm>>
        %dma_start3A_270 = tpu.memref_squeeze %dma_start3A_269 : memref<1x80x128xf32, #tpu.memory_space<hbm>> -> memref<80x128xf32, #tpu.memory_space<hbm>>
        %dma_start3A_271 = arith.constant 0 : i32
        %dma_start3A_272 = arith.constant 0 : i32
        %dma_start3A_273 = tpu.memref_slice %arg8[%cond3A_255, %dma_start3A_271, %dma_start3A_272] : memref<2x80x128xf32, #tpu.memory_space<vmem>> -> memref<1x80x128xf32, #tpu.memory_space<vmem>>
        %dma_start3A_274 = tpu.memref_squeeze %dma_start3A_273 : memref<1x80x128xf32, #tpu.memory_space<vmem>> -> memref<80x128xf32, #tpu.memory_space<vmem>>
        tpu.enqueue_dma source(%dma_start3A_274 : memref<80x128xf32, #tpu.memory_space<vmem>>) target(%dma_start3A_270 : memref<80x128xf32, #tpu.memory_space<hbm>>) target_semaphore(%run_scoped3A : memref<!tpu.dma_semaphore, #tpu.memory_space<semaphore_mem>>)
        %dma_wait3A_275 = arith.constant 0 : i32
        %dma_wait3A_276 = arith.constant 0 : i32
        %dma_wait3A_277 = tpu.memref_slice %arg8[%cond3A_255, %dma_wait3A_275, %dma_wait3A_276] : memref<2x80x128xf32, #tpu.memory_space<vmem>> -> memref<1x80x128xf32, #tpu.memory_space<vmem>>
        %dma_wait3A_278 = tpu.memref_squeeze %dma_wait3A_277 : memref<1x80x128xf32, #tpu.memory_space<vmem>> -> memref<80x128xf32, #tpu.memory_space<vmem>>
        %dma_wait3A_279 = arith.constant 0 : i32
        %dma_wait3A_280 = tpu.memref_slice %arg5[%arg0, %multiple_of3A_260, %dma_wait3A_279] : memref<2x10000x128xf32, #tpu.memory_space<hbm>> -> memref<1x80x128xf32, #tpu.memory_space<hbm>>
        %dma_wait3A_281 = tpu.memref_squeeze %dma_wait3A_280 : memref<1x80x128xf32, #tpu.memory_space<hbm>> -> memref<80x128xf32, #tpu.memory_space<hbm>>
        %dma_wait3A_282 = arith.constant 0 : i32
        %dma_wait3A_283 = tpu.memref_slice %arg5[%arg0, %multiple_of3A_260, %dma_wait3A_282] : memref<2x10000x128xf32, #tpu.memory_space<hbm>> -> memref<1x80x128xf32, #tpu.memory_space<hbm>>
        %dma_wait3A_284 = tpu.memref_squeeze %dma_wait3A_283 : memref<1x80x128xf32, #tpu.memory_space<hbm>> -> memref<80x128xf32, #tpu.memory_space<hbm>>
        %dma_wait3A_285 = arith.constant 0 : i32
        %dma_wait3A_286 = arith.constant 0 : i32
        %dma_wait3A_287 = tpu.memref_slice %arg8[%cond3A_255, %dma_wait3A_285, %dma_wait3A_286] : memref<2x80x128xf32, #tpu.memory_space<vmem>> -> memref<1x80x128xf32, #tpu.memory_space<vmem>>
        %dma_wait3A_288 = tpu.memref_squeeze %dma_wait3A_287 : memref<1x80x128xf32, #tpu.memory_space<vmem>> -> memref<80x128xf32, #tpu.memory_space<vmem>>
        tpu.wait_dma2 semaphore(%run_scoped3A : memref<!tpu.dma_semaphore, #tpu.memory_space<semaphore_mem>>) src(%dma_wait3A_288 : memref<80x128xf32, #tpu.memory_space<vmem>>) dst(%dma_wait3A_284 : memref<80x128xf32, #tpu.memory_space<hbm>>)
        tpu.yield
      }) : () -> ()
    } else {
    }
    return
  }
}

#map = affine_map<(d0, d1) -> (0)>
#map1 = affine_map<(d0, d1) -> (0, 0, 0)>
module attributes {stable_mosaic.version = 14 : i64} {
  func.func @deg_kernel(%arg0: i32, %arg1: i32, %arg2: memref<320000xi32, #tpu.memory_space<hbm>>, %arg3: memref<32x1x10000xf32, #tpu.memory_space<hbm>>, %arg4: memref<10000xi32, #tpu.memory_space<vmem>>, %arg5: memref<10000xf32, #tpu.memory_space<vmem>>) attributes {dimension_semantics = [#tpu.dimension_semantics<core_parallel>, #tpu.dimension_semantics<subcore_parallel>], iteration_bounds = array<i64: 2, 16>, scalar_prefetch = 0 : i64, scratch_operands = 2 : i64, tpu.core_type = #tpu.core_type<sc_vector_subcore>, window_params = [{transform_indices = #map}, {transform_indices = #map1}]} {
    %mul3A = arith.constant 2 : i32
    %mul3A_0 = arith.muli %arg1, %mul3A : i32
    %add3A = arith.addi %mul3A_0, %arg0 : i32
    %mul3A_1 = arith.constant 10000 : i32
    %mul3A_2 = arith.muli %add3A, %mul3A_1 : i32
    %multiple_of3A = tpu.assume_multiple %mul3A_2, 8 : i32
    "tpu.region"() ({
      %run_scoped3A_17 = tpu.sem_alloc : memref<!tpu.dma_semaphore, #tpu.memory_space<semaphore_mem>>
      %dma_start3A = tpu.memref_slice %arg2[%multiple_of3A] : memref<320000xi32, #tpu.memory_space<hbm>> -> memref<10000xi32, #tpu.memory_space<hbm>>
      %dma_start3A_18 = tpu.memref_slice %arg2[%multiple_of3A] : memref<320000xi32, #tpu.memory_space<hbm>> -> memref<10000xi32, #tpu.memory_space<hbm>>
      tpu.enqueue_dma source(%dma_start3A_18 : memref<10000xi32, #tpu.memory_space<hbm>>) target(%arg4 : memref<10000xi32, #tpu.memory_space<vmem>>) target_semaphore(%run_scoped3A_17 : memref<!tpu.dma_semaphore, #tpu.memory_space<semaphore_mem>>)
      %dma_wait3A = tpu.memref_slice %arg2[%multiple_of3A] : memref<320000xi32, #tpu.memory_space<hbm>> -> memref<10000xi32, #tpu.memory_space<hbm>>
      %dma_wait3A_19 = tpu.memref_slice %arg2[%multiple_of3A] : memref<320000xi32, #tpu.memory_space<hbm>> -> memref<10000xi32, #tpu.memory_space<hbm>>
      tpu.wait_dma2 semaphore(%run_scoped3A_17 : memref<!tpu.dma_semaphore, #tpu.memory_space<semaphore_mem>>) src(%dma_wait3A_19 : memref<10000xi32, #tpu.memory_space<hbm>>) dst(%arg4 : memref<10000xi32, #tpu.memory_space<vmem>>)
      tpu.yield
    }) : () -> ()
    %scan3A = arith.constant 0 : i32
    %scan3A_3 = arith.constant 0 : i32
    %scan3A_4 = arith.constant 625 : i32
    %scan3A_5 = arith.addi %scan3A_3, %scan3A_4 : i32
    %scan3A_6 = arith.constant 1 : i32
    %scan3A_7 = scf.for %scan3A_17 = %scan3A_3 to %scan3A_5 step %scan3A_6 iter_args(%scan3A_18 = %scan3A) -> (i32)  : i32 {
      %broadcast_in_dim3A_19 = arith.constant 0.000000e+00 : f32
      %broadcast_in_dim3A_20 = vector.broadcast %broadcast_in_dim3A_19 : f32 to vector<16xf32>
      %mul3A_21 = arith.constant 16 : i32
      %mul3A_22 = arith.muli %scan3A_17, %mul3A_21 : i32
      %swap3A = arith.index_cast %mul3A_22 : i32 to index
      %swap3A_23 = tpu.vector_load %arg5[%swap3A] {strides = array<i32>} : memref<10000xf32, #tpu.memory_space<vmem>>, vector<16xf32>,
      tpu.vector_store %arg5[%swap3A], %broadcast_in_dim3A_20 {strides = array<i32>} : memref<10000xf32, #tpu.memory_space<vmem>>, vector<16xf32>,
      %scan3A_24 = arith.constant 0 : i32
      scf.yield %scan3A_24 : i32
    }
    %scan3A_8 = arith.constant 625 : i32
    %broadcast_in_dim3A = arith.constant 1.000000e+00 : f32
    %broadcast_in_dim3A_9 = vector.broadcast %broadcast_in_dim3A : f32 to vector<16xf32>
    %scan3A_10 = arith.constant 0 : i32
    %scan3A_11 = arith.constant 0 : i32
    %scan3A_12 = arith.constant 125 : i32
    %scan3A_13 = arith.addi %scan3A_11, %scan3A_12 : i32
    %scan3A_14 = arith.constant 1 : i32
    %scan3A_15 = scf.for %scan3A_17 = %scan3A_11 to %scan3A_13 step %scan3A_14 iter_args(%scan3A_18 = %scan3A_10) -> (i32)  : i32 {
      %mul3A_19 = arith.constant 80 : i32
      %mul3A_20 = arith.muli %scan3A_17, %mul3A_19 : i32
      %add3A_21 = arith.constant 0 : i32
      %add3A_22 = arith.addi %mul3A_20, %add3A_21 : i32
      %get3A = arith.index_cast %add3A_22 : i32 to index
      %get3A_23 = tpu.vector_load %arg4[%get3A] {strides = array<i32>} : memref<10000xi32, #tpu.memory_space<vmem>>, vector<16xi32>,
      tpu.vector_store_idx %arg5[%get3A_23], %broadcast_in_dim3A_9 {add = true} : memref<10000xf32, #tpu.memory_space<vmem>>[vector<16xi32>], vector<16xf32>,
      %mul3A_24 = arith.constant 80 : i32
      %mul3A_25 = arith.muli %scan3A_17, %mul3A_24 : i32
      %add3A_26 = arith.constant 16 : i32
      %add3A_27 = arith.addi %mul3A_25, %add3A_26 : i32
      %get3A_28 = arith.index_cast %add3A_27 : i32 to index
      %get3A_29 = tpu.vector_load %arg4[%get3A_28] {strides = array<i32>} : memref<10000xi32, #tpu.memory_space<vmem>>, vector<16xi32>,
      tpu.vector_store_idx %arg5[%get3A_29], %broadcast_in_dim3A_9 {add = true} : memref<10000xf32, #tpu.memory_space<vmem>>[vector<16xi32>], vector<16xf32>,
      %mul3A_30 = arith.constant 80 : i32
      %mul3A_31 = arith.muli %scan3A_17, %mul3A_30 : i32
      %add3A_32 = arith.constant 32 : i32
      %add3A_33 = arith.addi %mul3A_31, %add3A_32 : i32
      %get3A_34 = arith.index_cast %add3A_33 : i32 to index
      %get3A_35 = tpu.vector_load %arg4[%get3A_34] {strides = array<i32>} : memref<10000xi32, #tpu.memory_space<vmem>>, vector<16xi32>,
      tpu.vector_store_idx %arg5[%get3A_35], %broadcast_in_dim3A_9 {add = true} : memref<10000xf32, #tpu.memory_space<vmem>>[vector<16xi32>], vector<16xf32>,
      %mul3A_36 = arith.constant 80 : i32
      %mul3A_37 = arith.muli %scan3A_17, %mul3A_36 : i32
      %add3A_38 = arith.constant 48 : i32
      %add3A_39 = arith.addi %mul3A_37, %add3A_38 : i32
      %get3A_40 = arith.index_cast %add3A_39 : i32 to index
      %get3A_41 = tpu.vector_load %arg4[%get3A_40] {strides = array<i32>} : memref<10000xi32, #tpu.memory_space<vmem>>, vector<16xi32>,
      tpu.vector_store_idx %arg5[%get3A_41], %broadcast_in_dim3A_9 {add = true} : memref<10000xf32, #tpu.memory_space<vmem>>[vector<16xi32>], vector<16xf32>,
      %mul3A_42 = arith.constant 80 : i32
      %mul3A_43 = arith.muli %scan3A_17, %mul3A_42 : i32
      %add3A_44 = arith.constant 64 : i32
      %add3A_45 = arith.addi %mul3A_43, %add3A_44 : i32
      %get3A_46 = arith.index_cast %add3A_45 : i32 to index
      %get3A_47 = tpu.vector_load %arg4[%get3A_46] {strides = array<i32>} : memref<10000xi32, #tpu.memory_space<vmem>>, vector<16xi32>,
      tpu.vector_store_idx %arg5[%get3A_47], %broadcast_in_dim3A_9 {add = true} : memref<10000xf32, #tpu.memory_space<vmem>>[vector<16xi32>], vector<16xf32>,
      %scan3A_48 = arith.constant 0 : i32
      scf.yield %scan3A_48 : i32
    }
    %scan3A_16 = arith.constant 125 : i32
    %run_scoped3A = arith.constant 0 : i32
    "tpu.region"() ({
      %run_scoped3A_17 = tpu.sem_alloc : memref<!tpu.dma_semaphore, #tpu.memory_space<semaphore_mem>>
      %dma_start3A = arith.constant 0 : i32
      %dma_start3A_18 = tpu.memref_slice %arg3[%add3A, %run_scoped3A, %dma_start3A] : memref<32x1x10000xf32, #tpu.memory_space<hbm>> -> memref<1x1x10000xf32, #tpu.memory_space<hbm>>
      %dma_start3A_19 = tpu.memref_squeeze %dma_start3A_18 : memref<1x1x10000xf32, #tpu.memory_space<hbm>> -> memref<10000xf32, #tpu.memory_space<hbm>>
      %dma_start3A_20 = arith.constant 0 : i32
      %dma_start3A_21 = tpu.memref_slice %arg3[%add3A, %run_scoped3A, %dma_start3A_20] : memref<32x1x10000xf32, #tpu.memory_space<hbm>> -> memref<1x1x10000xf32, #tpu.memory_space<hbm>>
      %dma_start3A_22 = tpu.memref_squeeze %dma_start3A_21 : memref<1x1x10000xf32, #tpu.memory_space<hbm>> -> memref<10000xf32, #tpu.memory_space<hbm>>
      tpu.enqueue_dma source(%arg5 : memref<10000xf32, #tpu.memory_space<vmem>>) target(%dma_start3A_22 : memref<10000xf32, #tpu.memory_space<hbm>>) target_semaphore(%run_scoped3A_17 : memref<!tpu.dma_semaphore, #tpu.memory_space<semaphore_mem>>)
      %dma_wait3A = arith.constant 0 : i32
      %dma_wait3A_23 = tpu.memref_slice %arg3[%add3A, %run_scoped3A, %dma_wait3A] : memref<32x1x10000xf32, #tpu.memory_space<hbm>> -> memref<1x1x10000xf32, #tpu.memory_space<hbm>>
      %dma_wait3A_24 = tpu.memref_squeeze %dma_wait3A_23 : memref<1x1x10000xf32, #tpu.memory_space<hbm>> -> memref<10000xf32, #tpu.memory_space<hbm>>
      %dma_wait3A_25 = arith.constant 0 : i32
      %dma_wait3A_26 = tpu.memref_slice %arg3[%add3A, %run_scoped3A, %dma_wait3A_25] : memref<32x1x10000xf32, #tpu.memory_space<hbm>> -> memref<1x1x10000xf32, #tpu.memory_space<hbm>>
      %dma_wait3A_27 = tpu.memref_squeeze %dma_wait3A_26 : memref<1x1x10000xf32, #tpu.memory_space<hbm>> -> memref<10000xf32, #tpu.memory_space<hbm>>
      tpu.wait_dma2 semaphore(%run_scoped3A_17 : memref<!tpu.dma_semaphore, #tpu.memory_space<semaphore_mem>>) src(%arg5 : memref<10000xf32, #tpu.memory_space<vmem>>) dst(%dma_wait3A_27 : memref<10000xf32, #tpu.memory_space<hbm>>)
      tpu.yield
    }) : () -> ()
    return
  }
}

#map = affine_map<(d0, d1) -> (0, 0)>
#map1 = affine_map<(d0, d1) -> (0)>
#map2 = affine_map<(d0, d1) -> (0, 0, 0)>
module attributes {stable_mosaic.version = 14 : i64} {
  func.func @agg_kernel(%arg0: i32, %arg1: i32, %arg2: memref<10000x16xf32, #tpu.memory_space<hbm>>, %arg3: memref<320000xi32, #tpu.memory_space<hbm>>, %arg4: memref<320000xi32, #tpu.memory_space<hbm>>, %arg5: memref<2x10000x16xf32, #tpu.memory_space<hbm>>, %arg6: memref<10000xi32, #tpu.memory_space<vmem>>, %arg7: memref<10000xi32, #tpu.memory_space<vmem>>, %arg8: memref<8x80x16xf32, #tpu.memory_space<vmem>>, %arg9: memref<10000x16xf32, #tpu.memory_space<vmem_shared>>, %arg10: memref<8x!tpu.dma_semaphore, #tpu.memory_space<semaphore_mem>>, %arg11: memref<8x!tpu.dma_semaphore, #tpu.memory_space<semaphore_mem>>) attributes {dimension_semantics = [#tpu.dimension_semantics<core_parallel>, #tpu.dimension_semantics<subcore_parallel>], iteration_bounds = array<i64: 2, 16>, scalar_prefetch = 0 : i64, scratch_operands = 6 : i64, tpu.core_type = #tpu.core_type<sc_vector_subcore>, window_params = [{transform_indices = #map}, {transform_indices = #map1}, {transform_indices = #map1}, {transform_indices = #map2}]} {
    %mul3A = arith.constant 2 : i32
    %mul3A_0 = arith.muli %arg1, %mul3A : i32
    %add3A = arith.addi %mul3A_0, %arg0 : i32
    %mul3A_1 = arith.constant 10000 : i32
    %mul3A_2 = arith.muli %add3A, %mul3A_1 : i32
    %multiple_of3A = tpu.assume_multiple %mul3A_2, 8 : i32
    "tpu.region"() ({
      %run_scoped3A = tpu.sem_alloc : memref<!tpu.dma_semaphore, #tpu.memory_space<semaphore_mem>>
      %dma_start3A_535 = tpu.memref_slice %arg3[%multiple_of3A] : memref<320000xi32, #tpu.memory_space<hbm>> -> memref<10000xi32, #tpu.memory_space<hbm>>
      %dma_start3A_536 = tpu.memref_slice %arg3[%multiple_of3A] : memref<320000xi32, #tpu.memory_space<hbm>> -> memref<10000xi32, #tpu.memory_space<hbm>>
      tpu.enqueue_dma source(%dma_start3A_536 : memref<10000xi32, #tpu.memory_space<hbm>>) target(%arg6 : memref<10000xi32, #tpu.memory_space<vmem>>) target_semaphore(%run_scoped3A : memref<!tpu.dma_semaphore, #tpu.memory_space<semaphore_mem>>)
      %dma_wait3A_537 = tpu.memref_slice %arg3[%multiple_of3A] : memref<320000xi32, #tpu.memory_space<hbm>> -> memref<10000xi32, #tpu.memory_space<hbm>>
      %dma_wait3A_538 = tpu.memref_slice %arg3[%multiple_of3A] : memref<320000xi32, #tpu.memory_space<hbm>> -> memref<10000xi32, #tpu.memory_space<hbm>>
      tpu.wait_dma2 semaphore(%run_scoped3A : memref<!tpu.dma_semaphore, #tpu.memory_space<semaphore_mem>>) src(%dma_wait3A_538 : memref<10000xi32, #tpu.memory_space<hbm>>) dst(%arg6 : memref<10000xi32, #tpu.memory_space<vmem>>)
      tpu.yield
    }) : () -> ()
    "tpu.region"() ({
      %run_scoped3A = tpu.sem_alloc : memref<!tpu.dma_semaphore, #tpu.memory_space<semaphore_mem>>
      %dma_start3A_535 = tpu.memref_slice %arg4[%multiple_of3A] : memref<320000xi32, #tpu.memory_space<hbm>> -> memref<10000xi32, #tpu.memory_space<hbm>>
      %dma_start3A_536 = tpu.memref_slice %arg4[%multiple_of3A] : memref<320000xi32, #tpu.memory_space<hbm>> -> memref<10000xi32, #tpu.memory_space<hbm>>
      tpu.enqueue_dma source(%dma_start3A_536 : memref<10000xi32, #tpu.memory_space<hbm>>) target(%arg7 : memref<10000xi32, #tpu.memory_space<vmem>>) target_semaphore(%run_scoped3A : memref<!tpu.dma_semaphore, #tpu.memory_space<semaphore_mem>>)
      %dma_wait3A_537 = tpu.memref_slice %arg4[%multiple_of3A] : memref<320000xi32, #tpu.memory_space<hbm>> -> memref<10000xi32, #tpu.memory_space<hbm>>
      %dma_wait3A_538 = tpu.memref_slice %arg4[%multiple_of3A] : memref<320000xi32, #tpu.memory_space<hbm>> -> memref<10000xi32, #tpu.memory_space<hbm>>
      tpu.wait_dma2 semaphore(%run_scoped3A : memref<!tpu.dma_semaphore, #tpu.memory_space<semaphore_mem>>) src(%dma_wait3A_538 : memref<10000xi32, #tpu.memory_space<hbm>>) dst(%arg7 : memref<10000xi32, #tpu.memory_space<vmem>>)
      tpu.yield
    }) : () -> ()
    %scan3A = arith.constant 0 : i32
    %scan3A_3 = arith.constant 0 : i32
    %scan3A_4 = arith.constant 0 : i32
    %scan3A_5 = arith.constant 80 : i32
    %scan3A_6 = arith.addi %scan3A_4, %scan3A_5 : i32
    %scan3A_7 = arith.constant 1 : i32
    %scan3A_8 = scf.for %scan3A_535 = %scan3A_4 to %scan3A_6 step %scan3A_7 iter_args(%scan3A_536 = %scan3A_3) -> (i32)  : i32 {
      %jit3A = arith.constant 1 : i32
      %div3A = arith.divsi %scan3A_535, %jit3A : i32
      %sign3A = arith.constant 0 : i32
      %sign3A_537 = arith.cmpi sgt, %scan3A_535, %sign3A : i32
      %sign3A_538 = arith.extui %sign3A_537 : i1 to i32
      %sign3A_539 = arith.constant 0 : i32
      %sign3A_540 = arith.cmpi slt, %scan3A_535, %sign3A_539 : i32
      %sign3A_541 = arith.extui %sign3A_540 : i1 to i32
      %sign3A_542 = arith.subi %sign3A_538, %sign3A_541 : i32
      %sign3A_543 = arith.constant 0 : i32
      %sign3A_544 = arith.cmpi sgt, %jit3A, %sign3A_543 : i32
      %sign3A_545 = arith.extui %sign3A_544 : i1 to i32
      %sign3A_546 = arith.constant 0 : i32
      %sign3A_547 = arith.cmpi slt, %jit3A, %sign3A_546 : i32
      %sign3A_548 = arith.extui %sign3A_547 : i1 to i32
      %sign3A_549 = arith.subi %sign3A_545, %sign3A_548 : i32
      %ne3A = arith.cmpi ne, %sign3A_542, %sign3A_549 : i32
      %rem3A = arith.remsi %scan3A_535, %jit3A : i32
      %ne3A_550 = arith.constant 0 : i32
      %ne3A_551 = arith.cmpi ne, %rem3A, %ne3A_550 : i32
      %and3A = arith.andi %ne3A, %ne3A_551 : i1
      %sub3A = arith.constant 1 : i32
      %sub3A_552 = arith.subi %div3A, %sub3A : i32
      %select_n3A = arith.select %and3A, %sub3A_552, %div3A : i32
      %jit3A_553 = arith.constant 1 : i32
      %eq3A = arith.constant 0 : i32
      %eq3A_554 = arith.cmpi eq, %jit3A_553, %eq3A : i32
      %jit3A_555 = arith.constant 1 : i32
      %select_n3A_556 = arith.select %eq3A_554, %jit3A_555, %jit3A_553 : i32
      %rem3A_557 = arith.remsi %scan3A_535, %select_n3A_556 : i32
      %ne3A_558 = arith.constant 0 : i32
      %ne3A_559 = arith.cmpi ne, %rem3A_557, %ne3A_558 : i32
      %lt3A_560 = arith.constant 0 : i32
      %lt3A_561 = arith.cmpi slt, %rem3A_557, %lt3A_560 : i32
      %lt3A_562 = arith.constant 0 : i32
      %lt3A_563 = arith.cmpi slt, %select_n3A_556, %lt3A_562 : i32
      %ne3A_564 = arith.xori %lt3A_561, %lt3A_563 : i1
      %and3A_565 = arith.andi %ne3A_564, %ne3A_559 : i1
      %add3A_566 = arith.addi %rem3A_557, %select_n3A_556 : i32
      %select_n3A_567 = arith.select %and3A_565, %add3A_566, %rem3A_557 : i32
      %broadcast_in_dim3A = arith.constant 0.000000e+00 : f32
      %broadcast_in_dim3A_568 = vector.broadcast %broadcast_in_dim3A : f32 to vector<16xf32>
      %mul3A_569 = arith.constant 16 : i32
      %mul3A_570 = arith.muli %select_n3A_567, %mul3A_569 : i32
      %swap3A = arith.constant 0 : i32
      %swap3A_571 = arith.constant 0 : i32
      %swap3A_572 = tpu.memref_slice %arg8[%scan3A, %swap3A, %swap3A_571] : memref<8x80x16xf32, #tpu.memory_space<vmem>> -> memref<1x80x16xf32, #tpu.memory_space<vmem>>
      %swap3A_573 = tpu.memref_squeeze %swap3A_572 : memref<1x80x16xf32, #tpu.memory_space<vmem>> -> memref<80x16xf32, #tpu.memory_space<vmem>>
      %swap3A_574 = arith.index_cast %select_n3A : i32 to index
      %swap3A_575 = arith.index_cast %mul3A_570 : i32 to index
      %swap3A_576 = tpu.vector_load %swap3A_573[%swap3A_574, %swap3A_575] {strides = array<i32>} : memref<80x16xf32, #tpu.memory_space<vmem>>, vector<1x16xf32>,
      %swap3A_577 = vector.shape_cast %swap3A_576 : vector<1x16xf32> to vector<16xf32>
      %swap3A_578 = vector.shape_cast %broadcast_in_dim3A_568 : vector<16xf32> to vector<1x16xf32>
      tpu.vector_store %swap3A_573[%swap3A_574, %swap3A_575], %swap3A_578 {strides = array<i32>} : memref<80x16xf32, #tpu.memory_space<vmem>>, vector<1x16xf32>,
      %scan3A_579 = arith.constant 0 : i32
      scf.yield %scan3A_579 : i32
    }
    %scan3A_9 = arith.constant 80 : i32
    %mul3A_10 = arith.constant 8 : i32
    %mul3A_11 = arith.muli %arg1, %mul3A_10 : i32
    %add3A_12 = arith.constant 0 : i32
    %add3A_13 = arith.addi %mul3A_11, %add3A_12 : i32
    %lt3A = arith.constant 125 : i32
    %lt3A_14 = arith.cmpi slt, %add3A_13, %lt3A : i32
    %convert_element_type3A = arith.extui %lt3A_14 : i1 to i32
    %cond3A = arith.constant 0 : i32
    %cond3A_15 = arith.constant 0 : i32
    %cond3A_16 = arith.cmpi ne, %convert_element_type3A, %cond3A_15 : i32
    scf.if %cond3A_16 {
      %mul3A_535 = arith.constant 80 : i32
      %mul3A_536 = arith.muli %add3A_13, %mul3A_535 : i32
      "tpu.region"() ({
        %run_scoped3A = tpu.sem_alloc : memref<!tpu.dma_semaphore, #tpu.memory_space<semaphore_mem>>
        %dma_start3A_537 = arith.constant 0 : i32
        %dma_start3A_538 = arith.constant 0 : i32
        %dma_start3A_539 = tpu.memref_slice %arg8[%cond3A, %dma_start3A_537, %dma_start3A_538] : memref<8x80x16xf32, #tpu.memory_space<vmem>> -> memref<1x80x16xf32, #tpu.memory_space<vmem>>
        %dma_start3A_540 = tpu.memref_squeeze %dma_start3A_539 : memref<1x80x16xf32, #tpu.memory_space<vmem>> -> memref<80x16xf32, #tpu.memory_space<vmem>>
        %dma_start3A_541 = arith.constant 0 : i32
        %dma_start3A_542 = tpu.memref_slice %arg9[%mul3A_536, %dma_start3A_541] : memref<10000x16xf32, #tpu.memory_space<vmem_shared>> -> memref<80x16xf32, #tpu.memory_space<vmem_shared>>
        %dma_start3A_543 = arith.constant 0 : i32
        %dma_start3A_544 = tpu.memref_slice %arg9[%mul3A_536, %dma_start3A_543] : memref<10000x16xf32, #tpu.memory_space<vmem_shared>> -> memref<80x16xf32, #tpu.memory_space<vmem_shared>>
        %dma_start3A_545 = arith.constant 0 : i32
        %dma_start3A_546 = arith.constant 0 : i32
        %dma_start3A_547 = tpu.memref_slice %arg8[%cond3A, %dma_start3A_545, %dma_start3A_546] : memref<8x80x16xf32, #tpu.memory_space<vmem>> -> memref<1x80x16xf32, #tpu.memory_space<vmem>>
        %dma_start3A_548 = tpu.memref_squeeze %dma_start3A_547 : memref<1x80x16xf32, #tpu.memory_space<vmem>> -> memref<80x16xf32, #tpu.memory_space<vmem>>
        tpu.enqueue_dma source(%dma_start3A_548 : memref<80x16xf32, #tpu.memory_space<vmem>>) target(%dma_start3A_544 : memref<80x16xf32, #tpu.memory_space<vmem_shared>>) target_semaphore(%run_scoped3A : memref<!tpu.dma_semaphore, #tpu.memory_space<semaphore_mem>>)
        %dma_wait3A_549 = arith.constant 0 : i32
        %dma_wait3A_550 = arith.constant 0 : i32
        %dma_wait3A_551 = tpu.memref_slice %arg8[%cond3A, %dma_wait3A_549, %dma_wait3A_550] : memref<8x80x16xf32, #tpu.memory_space<vmem>> -> memref<1x80x16xf32, #tpu.memory_space<vmem>>
        %dma_wait3A_552 = tpu.memref_squeeze %dma_wait3A_551 : memref<1x80x16xf32, #tpu.memory_space<vmem>> -> memref<80x16xf32, #tpu.memory_space<vmem>>
        %dma_wait3A_553 = arith.constant 0 : i32
        %dma_wait3A_554 = tpu.memref_slice %arg9[%mul3A_536, %dma_wait3A_553] : memref<10000x16xf32, #tpu.memory_space<vmem_shared>> -> memref<80x16xf32, #tpu.memory_space<vmem_shared>>
        %dma_wait3A_555 = arith.constant 0 : i32
        %dma_wait3A_556 = tpu.memref_slice %arg9[%mul3A_536, %dma_wait3A_555] : memref<10000x16xf32, #tpu.memory_space<vmem_shared>> -> memref<80x16xf32, #tpu.memory_space<vmem_shared>>
        %dma_wait3A_557 = arith.constant 0 : i32
        %dma_wait3A_558 = arith.constant 0 : i32
        %dma_wait3A_559 = tpu.memref_slice %arg8[%cond3A, %dma_wait3A_557, %dma_wait3A_558] : memref<8x80x16xf32, #tpu.memory_space<vmem>> -> memref<1x80x16xf32, #tpu.memory_space<vmem>>
        %dma_wait3A_560 = tpu.memref_squeeze %dma_wait3A_559 : memref<1x80x16xf32, #tpu.memory_space<vmem>> -> memref<80x16xf32, #tpu.memory_space<vmem>>
        tpu.wait_dma2 semaphore(%run_scoped3A : memref<!tpu.dma_semaphore, #tpu.memory_space<semaphore_mem>>) src(%dma_wait3A_560 : memref<80x16xf32, #tpu.memory_space<vmem>>) dst(%dma_wait3A_556 : memref<80x16xf32, #tpu.memory_space<vmem_shared>>)
        tpu.yield
      }) : () -> ()
    } else {
    }
    %mul3A_17 = arith.constant 8 : i32
    %mul3A_18 = arith.muli %arg1, %mul3A_17 : i32
    %add3A_19 = arith.constant 1 : i32
    %add3A_20 = arith.addi %mul3A_18, %add3A_19 : i32
    %lt3A_21 = arith.constant 125 : i32
    %lt3A_22 = arith.cmpi slt, %add3A_20, %lt3A_21 : i32
    %convert_element_type3A_23 = arith.extui %lt3A_22 : i1 to i32
    %cond3A_24 = arith.constant 0 : i32
    %cond3A_25 = arith.constant 0 : i32
    %cond3A_26 = arith.cmpi ne, %convert_element_type3A_23, %cond3A_25 : i32
    scf.if %cond3A_26 {
      %mul3A_535 = arith.constant 80 : i32
      %mul3A_536 = arith.muli %add3A_20, %mul3A_535 : i32
      "tpu.region"() ({
        %run_scoped3A = tpu.sem_alloc : memref<!tpu.dma_semaphore, #tpu.memory_space<semaphore_mem>>
        %dma_start3A_537 = arith.constant 0 : i32
        %dma_start3A_538 = arith.constant 0 : i32
        %dma_start3A_539 = tpu.memref_slice %arg8[%cond3A_24, %dma_start3A_537, %dma_start3A_538] : memref<8x80x16xf32, #tpu.memory_space<vmem>> -> memref<1x80x16xf32, #tpu.memory_space<vmem>>
        %dma_start3A_540 = tpu.memref_squeeze %dma_start3A_539 : memref<1x80x16xf32, #tpu.memory_space<vmem>> -> memref<80x16xf32, #tpu.memory_space<vmem>>
        %dma_start3A_541 = arith.constant 0 : i32
        %dma_start3A_542 = tpu.memref_slice %arg9[%mul3A_536, %dma_start3A_541] : memref<10000x16xf32, #tpu.memory_space<vmem_shared>> -> memref<80x16xf32, #tpu.memory_space<vmem_shared>>
        %dma_start3A_543 = arith.constant 0 : i32
        %dma_start3A_544 = tpu.memref_slice %arg9[%mul3A_536, %dma_start3A_543] : memref<10000x16xf32, #tpu.memory_space<vmem_shared>> -> memref<80x16xf32, #tpu.memory_space<vmem_shared>>
        %dma_start3A_545 = arith.constant 0 : i32
        %dma_start3A_546 = arith.constant 0 : i32
        %dma_start3A_547 = tpu.memref_slice %arg8[%cond3A_24, %dma_start3A_545, %dma_start3A_546] : memref<8x80x16xf32, #tpu.memory_space<vmem>> -> memref<1x80x16xf32, #tpu.memory_space<vmem>>
        %dma_start3A_548 = tpu.memref_squeeze %dma_start3A_547 : memref<1x80x16xf32, #tpu.memory_space<vmem>> -> memref<80x16xf32, #tpu.memory_space<vmem>>
        tpu.enqueue_dma source(%dma_start3A_548 : memref<80x16xf32, #tpu.memory_space<vmem>>) target(%dma_start3A_544 : memref<80x16xf32, #tpu.memory_space<vmem_shared>>) target_semaphore(%run_scoped3A : memref<!tpu.dma_semaphore, #tpu.memory_space<semaphore_mem>>)
        %dma_wait3A_549 = arith.constant 0 : i32
        %dma_wait3A_550 = arith.constant 0 : i32
        %dma_wait3A_551 = tpu.memref_slice %arg8[%cond3A_24, %dma_wait3A_549, %dma_wait3A_550] : memref<8x80x16xf32, #tpu.memory_space<vmem>> -> memref<1x80x16xf32, #tpu.memory_space<vmem>>
        %dma_wait3A_552 = tpu.memref_squeeze %dma_wait3A_551 : memref<1x80x16xf32, #tpu.memory_space<vmem>> -> memref<80x16xf32, #tpu.memory_space<vmem>>
        %dma_wait3A_553 = arith.constant 0 : i32
        %dma_wait3A_554 = tpu.memref_slice %arg9[%mul3A_536, %dma_wait3A_553] : memref<10000x16xf32, #tpu.memory_space<vmem_shared>> -> memref<80x16xf32, #tpu.memory_space<vmem_shared>>
        %dma_wait3A_555 = arith.constant 0 : i32
        %dma_wait3A_556 = tpu.memref_slice %arg9[%mul3A_536, %dma_wait3A_555] : memref<10000x16xf32, #tpu.memory_space<vmem_shared>> -> memref<80x16xf32, #tpu.memory_space<vmem_shared>>
        %dma_wait3A_557 = arith.constant 0 : i32
        %dma_wait3A_558 = arith.constant 0 : i32
        %dma_wait3A_559 = tpu.memref_slice %arg8[%cond3A_24, %dma_wait3A_557, %dma_wait3A_558] : memref<8x80x16xf32, #tpu.memory_space<vmem>> -> memref<1x80x16xf32, #tpu.memory_space<vmem>>
        %dma_wait3A_560 = tpu.memref_squeeze %dma_wait3A_559 : memref<1x80x16xf32, #tpu.memory_space<vmem>> -> memref<80x16xf32, #tpu.memory_space<vmem>>
        tpu.wait_dma2 semaphore(%run_scoped3A : memref<!tpu.dma_semaphore, #tpu.memory_space<semaphore_mem>>) src(%dma_wait3A_560 : memref<80x16xf32, #tpu.memory_space<vmem>>) dst(%dma_wait3A_556 : memref<80x16xf32, #tpu.memory_space<vmem_shared>>)
        tpu.yield
      }) : () -> ()
    } else {
    }
    %mul3A_27 = arith.constant 8 : i32
    %mul3A_28 = arith.muli %arg1, %mul3A_27 : i32
    %add3A_29 = arith.constant 2 : i32
    %add3A_30 = arith.addi %mul3A_28, %add3A_29 : i32
    %lt3A_31 = arith.constant 125 : i32
    %lt3A_32 = arith.cmpi slt, %add3A_30, %lt3A_31 : i32
    %convert_element_type3A_33 = arith.extui %lt3A_32 : i1 to i32
    %cond3A_34 = arith.constant 0 : i32
    %cond3A_35 = arith.constant 0 : i32
    %cond3A_36 = arith.cmpi ne, %convert_element_type3A_33, %cond3A_35 : i32
    scf.if %cond3A_36 {
      %mul3A_535 = arith.constant 80 : i32
      %mul3A_536 = arith.muli %add3A_30, %mul3A_535 : i32
      "tpu.region"() ({
        %run_scoped3A = tpu.sem_alloc : memref<!tpu.dma_semaphore, #tpu.memory_space<semaphore_mem>>
        %dma_start3A_537 = arith.constant 0 : i32
        %dma_start3A_538 = arith.constant 0 : i32
        %dma_start3A_539 = tpu.memref_slice %arg8[%cond3A_34, %dma_start3A_537, %dma_start3A_538] : memref<8x80x16xf32, #tpu.memory_space<vmem>> -> memref<1x80x16xf32, #tpu.memory_space<vmem>>
        %dma_start3A_540 = tpu.memref_squeeze %dma_start3A_539 : memref<1x80x16xf32, #tpu.memory_space<vmem>> -> memref<80x16xf32, #tpu.memory_space<vmem>>
        %dma_start3A_541 = arith.constant 0 : i32
        %dma_start3A_542 = tpu.memref_slice %arg9[%mul3A_536, %dma_start3A_541] : memref<10000x16xf32, #tpu.memory_space<vmem_shared>> -> memref<80x16xf32, #tpu.memory_space<vmem_shared>>
        %dma_start3A_543 = arith.constant 0 : i32
        %dma_start3A_544 = tpu.memref_slice %arg9[%mul3A_536, %dma_start3A_543] : memref<10000x16xf32, #tpu.memory_space<vmem_shared>> -> memref<80x16xf32, #tpu.memory_space<vmem_shared>>
        %dma_start3A_545 = arith.constant 0 : i32
        %dma_start3A_546 = arith.constant 0 : i32
        %dma_start3A_547 = tpu.memref_slice %arg8[%cond3A_34, %dma_start3A_545, %dma_start3A_546] : memref<8x80x16xf32, #tpu.memory_space<vmem>> -> memref<1x80x16xf32, #tpu.memory_space<vmem>>
        %dma_start3A_548 = tpu.memref_squeeze %dma_start3A_547 : memref<1x80x16xf32, #tpu.memory_space<vmem>> -> memref<80x16xf32, #tpu.memory_space<vmem>>
        tpu.enqueue_dma source(%dma_start3A_548 : memref<80x16xf32, #tpu.memory_space<vmem>>) target(%dma_start3A_544 : memref<80x16xf32, #tpu.memory_space<vmem_shared>>) target_semaphore(%run_scoped3A : memref<!tpu.dma_semaphore, #tpu.memory_space<semaphore_mem>>)
        %dma_wait3A_549 = arith.constant 0 : i32
        %dma_wait3A_550 = arith.constant 0 : i32
        %dma_wait3A_551 = tpu.memref_slice %arg8[%cond3A_34, %dma_wait3A_549, %dma_wait3A_550] : memref<8x80x16xf32, #tpu.memory_space<vmem>> -> memref<1x80x16xf32, #tpu.memory_space<vmem>>
        %dma_wait3A_552 = tpu.memref_squeeze %dma_wait3A_551 : memref<1x80x16xf32, #tpu.memory_space<vmem>> -> memref<80x16xf32, #tpu.memory_space<vmem>>
        %dma_wait3A_553 = arith.constant 0 : i32
        %dma_wait3A_554 = tpu.memref_slice %arg9[%mul3A_536, %dma_wait3A_553] : memref<10000x16xf32, #tpu.memory_space<vmem_shared>> -> memref<80x16xf32, #tpu.memory_space<vmem_shared>>
        %dma_wait3A_555 = arith.constant 0 : i32
        %dma_wait3A_556 = tpu.memref_slice %arg9[%mul3A_536, %dma_wait3A_555] : memref<10000x16xf32, #tpu.memory_space<vmem_shared>> -> memref<80x16xf32, #tpu.memory_space<vmem_shared>>
        %dma_wait3A_557 = arith.constant 0 : i32
        %dma_wait3A_558 = arith.constant 0 : i32
        %dma_wait3A_559 = tpu.memref_slice %arg8[%cond3A_34, %dma_wait3A_557, %dma_wait3A_558] : memref<8x80x16xf32, #tpu.memory_space<vmem>> -> memref<1x80x16xf32, #tpu.memory_space<vmem>>
        %dma_wait3A_560 = tpu.memref_squeeze %dma_wait3A_559 : memref<1x80x16xf32, #tpu.memory_space<vmem>> -> memref<80x16xf32, #tpu.memory_space<vmem>>
        tpu.wait_dma2 semaphore(%run_scoped3A : memref<!tpu.dma_semaphore, #tpu.memory_space<semaphore_mem>>) src(%dma_wait3A_560 : memref<80x16xf32, #tpu.memory_space<vmem>>) dst(%dma_wait3A_556 : memref<80x16xf32, #tpu.memory_space<vmem_shared>>)
        tpu.yield
      }) : () -> ()
    } else {
    }
    %mul3A_37 = arith.constant 8 : i32
    %mul3A_38 = arith.muli %arg1, %mul3A_37 : i32
    %add3A_39 = arith.constant 3 : i32
    %add3A_40 = arith.addi %mul3A_38, %add3A_39 : i32
    %lt3A_41 = arith.constant 125 : i32
    %lt3A_42 = arith.cmpi slt, %add3A_40, %lt3A_41 : i32
    %convert_element_type3A_43 = arith.extui %lt3A_42 : i1 to i32
    %cond3A_44 = arith.constant 0 : i32
    %cond3A_45 = arith.constant 0 : i32
    %cond3A_46 = arith.cmpi ne, %convert_element_type3A_43, %cond3A_45 : i32
    scf.if %cond3A_46 {
      %mul3A_535 = arith.constant 80 : i32
      %mul3A_536 = arith.muli %add3A_40, %mul3A_535 : i32
      "tpu.region"() ({
        %run_scoped3A = tpu.sem_alloc : memref<!tpu.dma_semaphore, #tpu.memory_space<semaphore_mem>>
        %dma_start3A_537 = arith.constant 0 : i32
        %dma_start3A_538 = arith.constant 0 : i32
        %dma_start3A_539 = tpu.memref_slice %arg8[%cond3A_44, %dma_start3A_537, %dma_start3A_538] : memref<8x80x16xf32, #tpu.memory_space<vmem>> -> memref<1x80x16xf32, #tpu.memory_space<vmem>>
        %dma_start3A_540 = tpu.memref_squeeze %dma_start3A_539 : memref<1x80x16xf32, #tpu.memory_space<vmem>> -> memref<80x16xf32, #tpu.memory_space<vmem>>
        %dma_start3A_541 = arith.constant 0 : i32
        %dma_start3A_542 = tpu.memref_slice %arg9[%mul3A_536, %dma_start3A_541] : memref<10000x16xf32, #tpu.memory_space<vmem_shared>> -> memref<80x16xf32, #tpu.memory_space<vmem_shared>>
        %dma_start3A_543 = arith.constant 0 : i32
        %dma_start3A_544 = tpu.memref_slice %arg9[%mul3A_536, %dma_start3A_543] : memref<10000x16xf32, #tpu.memory_space<vmem_shared>> -> memref<80x16xf32, #tpu.memory_space<vmem_shared>>
        %dma_start3A_545 = arith.constant 0 : i32
        %dma_start3A_546 = arith.constant 0 : i32
        %dma_start3A_547 = tpu.memref_slice %arg8[%cond3A_44, %dma_start3A_545, %dma_start3A_546] : memref<8x80x16xf32, #tpu.memory_space<vmem>> -> memref<1x80x16xf32, #tpu.memory_space<vmem>>
        %dma_start3A_548 = tpu.memref_squeeze %dma_start3A_547 : memref<1x80x16xf32, #tpu.memory_space<vmem>> -> memref<80x16xf32, #tpu.memory_space<vmem>>
        tpu.enqueue_dma source(%dma_start3A_548 : memref<80x16xf32, #tpu.memory_space<vmem>>) target(%dma_start3A_544 : memref<80x16xf32, #tpu.memory_space<vmem_shared>>) target_semaphore(%run_scoped3A : memref<!tpu.dma_semaphore, #tpu.memory_space<semaphore_mem>>)
        %dma_wait3A_549 = arith.constant 0 : i32
        %dma_wait3A_550 = arith.constant 0 : i32
        %dma_wait3A_551 = tpu.memref_slice %arg8[%cond3A_44, %dma_wait3A_549, %dma_wait3A_550] : memref<8x80x16xf32, #tpu.memory_space<vmem>> -> memref<1x80x16xf32, #tpu.memory_space<vmem>>
        %dma_wait3A_552 = tpu.memref_squeeze %dma_wait3A_551 : memref<1x80x16xf32, #tpu.memory_space<vmem>> -> memref<80x16xf32, #tpu.memory_space<vmem>>
        %dma_wait3A_553 = arith.constant 0 : i32
        %dma_wait3A_554 = tpu.memref_slice %arg9[%mul3A_536, %dma_wait3A_553] : memref<10000x16xf32, #tpu.memory_space<vmem_shared>> -> memref<80x16xf32, #tpu.memory_space<vmem_shared>>
        %dma_wait3A_555 = arith.constant 0 : i32
        %dma_wait3A_556 = tpu.memref_slice %arg9[%mul3A_536, %dma_wait3A_555] : memref<10000x16xf32, #tpu.memory_space<vmem_shared>> -> memref<80x16xf32, #tpu.memory_space<vmem_shared>>
        %dma_wait3A_557 = arith.constant 0 : i32
        %dma_wait3A_558 = arith.constant 0 : i32
        %dma_wait3A_559 = tpu.memref_slice %arg8[%cond3A_44, %dma_wait3A_557, %dma_wait3A_558] : memref<8x80x16xf32, #tpu.memory_space<vmem>> -> memref<1x80x16xf32, #tpu.memory_space<vmem>>
        %dma_wait3A_560 = tpu.memref_squeeze %dma_wait3A_559 : memref<1x80x16xf32, #tpu.memory_space<vmem>> -> memref<80x16xf32, #tpu.memory_space<vmem>>
        tpu.wait_dma2 semaphore(%run_scoped3A : memref<!tpu.dma_semaphore, #tpu.memory_space<semaphore_mem>>) src(%dma_wait3A_560 : memref<80x16xf32, #tpu.memory_space<vmem>>) dst(%dma_wait3A_556 : memref<80x16xf32, #tpu.memory_space<vmem_shared>>)
        tpu.yield
      }) : () -> ()
    } else {
    }
    %mul3A_47 = arith.constant 8 : i32
    %mul3A_48 = arith.muli %arg1, %mul3A_47 : i32
    %add3A_49 = arith.constant 4 : i32
    %add3A_50 = arith.addi %mul3A_48, %add3A_49 : i32
    %lt3A_51 = arith.constant 125 : i32
    %lt3A_52 = arith.cmpi slt, %add3A_50, %lt3A_51 : i32
    %convert_element_type3A_53 = arith.extui %lt3A_52 : i1 to i32
    %cond3A_54 = arith.constant 0 : i32
    %cond3A_55 = arith.constant 0 : i32
    %cond3A_56 = arith.cmpi ne, %convert_element_type3A_53, %cond3A_55 : i32
    scf.if %cond3A_56 {
      %mul3A_535 = arith.constant 80 : i32
      %mul3A_536 = arith.muli %add3A_50, %mul3A_535 : i32
      "tpu.region"() ({
        %run_scoped3A = tpu.sem_alloc : memref<!tpu.dma_semaphore, #tpu.memory_space<semaphore_mem>>
        %dma_start3A_537 = arith.constant 0 : i32
        %dma_start3A_538 = arith.constant 0 : i32
        %dma_start3A_539 = tpu.memref_slice %arg8[%cond3A_54, %dma_start3A_537, %dma_start3A_538] : memref<8x80x16xf32, #tpu.memory_space<vmem>> -> memref<1x80x16xf32, #tpu.memory_space<vmem>>
        %dma_start3A_540 = tpu.memref_squeeze %dma_start3A_539 : memref<1x80x16xf32, #tpu.memory_space<vmem>> -> memref<80x16xf32, #tpu.memory_space<vmem>>
        %dma_start3A_541 = arith.constant 0 : i32
        %dma_start3A_542 = tpu.memref_slice %arg9[%mul3A_536, %dma_start3A_541] : memref<10000x16xf32, #tpu.memory_space<vmem_shared>> -> memref<80x16xf32, #tpu.memory_space<vmem_shared>>
        %dma_start3A_543 = arith.constant 0 : i32
        %dma_start3A_544 = tpu.memref_slice %arg9[%mul3A_536, %dma_start3A_543] : memref<10000x16xf32, #tpu.memory_space<vmem_shared>> -> memref<80x16xf32, #tpu.memory_space<vmem_shared>>
        %dma_start3A_545 = arith.constant 0 : i32
        %dma_start3A_546 = arith.constant 0 : i32
        %dma_start3A_547 = tpu.memref_slice %arg8[%cond3A_54, %dma_start3A_545, %dma_start3A_546] : memref<8x80x16xf32, #tpu.memory_space<vmem>> -> memref<1x80x16xf32, #tpu.memory_space<vmem>>
        %dma_start3A_548 = tpu.memref_squeeze %dma_start3A_547 : memref<1x80x16xf32, #tpu.memory_space<vmem>> -> memref<80x16xf32, #tpu.memory_space<vmem>>
        tpu.enqueue_dma source(%dma_start3A_548 : memref<80x16xf32, #tpu.memory_space<vmem>>) target(%dma_start3A_544 : memref<80x16xf32, #tpu.memory_space<vmem_shared>>) target_semaphore(%run_scoped3A : memref<!tpu.dma_semaphore, #tpu.memory_space<semaphore_mem>>)
        %dma_wait3A_549 = arith.constant 0 : i32
        %dma_wait3A_550 = arith.constant 0 : i32
        %dma_wait3A_551 = tpu.memref_slice %arg8[%cond3A_54, %dma_wait3A_549, %dma_wait3A_550] : memref<8x80x16xf32, #tpu.memory_space<vmem>> -> memref<1x80x16xf32, #tpu.memory_space<vmem>>
        %dma_wait3A_552 = tpu.memref_squeeze %dma_wait3A_551 : memref<1x80x16xf32, #tpu.memory_space<vmem>> -> memref<80x16xf32, #tpu.memory_space<vmem>>
        %dma_wait3A_553 = arith.constant 0 : i32
        %dma_wait3A_554 = tpu.memref_slice %arg9[%mul3A_536, %dma_wait3A_553] : memref<10000x16xf32, #tpu.memory_space<vmem_shared>> -> memref<80x16xf32, #tpu.memory_space<vmem_shared>>
        %dma_wait3A_555 = arith.constant 0 : i32
        %dma_wait3A_556 = tpu.memref_slice %arg9[%mul3A_536, %dma_wait3A_555] : memref<10000x16xf32, #tpu.memory_space<vmem_shared>> -> memref<80x16xf32, #tpu.memory_space<vmem_shared>>
        %dma_wait3A_557 = arith.constant 0 : i32
        %dma_wait3A_558 = arith.constant 0 : i32
        %dma_wait3A_559 = tpu.memref_slice %arg8[%cond3A_54, %dma_wait3A_557, %dma_wait3A_558] : memref<8x80x16xf32, #tpu.memory_space<vmem>> -> memref<1x80x16xf32, #tpu.memory_space<vmem>>
        %dma_wait3A_560 = tpu.memref_squeeze %dma_wait3A_559 : memref<1x80x16xf32, #tpu.memory_space<vmem>> -> memref<80x16xf32, #tpu.memory_space<vmem>>
        tpu.wait_dma2 semaphore(%run_scoped3A : memref<!tpu.dma_semaphore, #tpu.memory_space<semaphore_mem>>) src(%dma_wait3A_560 : memref<80x16xf32, #tpu.memory_space<vmem>>) dst(%dma_wait3A_556 : memref<80x16xf32, #tpu.memory_space<vmem_shared>>)
        tpu.yield
      }) : () -> ()
    } else {
    }
    %mul3A_57 = arith.constant 8 : i32
    %mul3A_58 = arith.muli %arg1, %mul3A_57 : i32
    %add3A_59 = arith.constant 5 : i32
    %add3A_60 = arith.addi %mul3A_58, %add3A_59 : i32
    %lt3A_61 = arith.constant 125 : i32
    %lt3A_62 = arith.cmpi slt, %add3A_60, %lt3A_61 : i32
    %convert_element_type3A_63 = arith.extui %lt3A_62 : i1 to i32
    %cond3A_64 = arith.constant 0 : i32
    %cond3A_65 = arith.constant 0 : i32
    %cond3A_66 = arith.cmpi ne, %convert_element_type3A_63, %cond3A_65 : i32
    scf.if %cond3A_66 {
      %mul3A_535 = arith.constant 80 : i32
      %mul3A_536 = arith.muli %add3A_60, %mul3A_535 : i32
      "tpu.region"() ({
        %run_scoped3A = tpu.sem_alloc : memref<!tpu.dma_semaphore, #tpu.memory_space<semaphore_mem>>
        %dma_start3A_537 = arith.constant 0 : i32
        %dma_start3A_538 = arith.constant 0 : i32
        %dma_start3A_539 = tpu.memref_slice %arg8[%cond3A_64, %dma_start3A_537, %dma_start3A_538] : memref<8x80x16xf32, #tpu.memory_space<vmem>> -> memref<1x80x16xf32, #tpu.memory_space<vmem>>
        %dma_start3A_540 = tpu.memref_squeeze %dma_start3A_539 : memref<1x80x16xf32, #tpu.memory_space<vmem>> -> memref<80x16xf32, #tpu.memory_space<vmem>>
        %dma_start3A_541 = arith.constant 0 : i32
        %dma_start3A_542 = tpu.memref_slice %arg9[%mul3A_536, %dma_start3A_541] : memref<10000x16xf32, #tpu.memory_space<vmem_shared>> -> memref<80x16xf32, #tpu.memory_space<vmem_shared>>
        %dma_start3A_543 = arith.constant 0 : i32
        %dma_start3A_544 = tpu.memref_slice %arg9[%mul3A_536, %dma_start3A_543] : memref<10000x16xf32, #tpu.memory_space<vmem_shared>> -> memref<80x16xf32, #tpu.memory_space<vmem_shared>>
        %dma_start3A_545 = arith.constant 0 : i32
        %dma_start3A_546 = arith.constant 0 : i32
        %dma_start3A_547 = tpu.memref_slice %arg8[%cond3A_64, %dma_start3A_545, %dma_start3A_546] : memref<8x80x16xf32, #tpu.memory_space<vmem>> -> memref<1x80x16xf32, #tpu.memory_space<vmem>>
        %dma_start3A_548 = tpu.memref_squeeze %dma_start3A_547 : memref<1x80x16xf32, #tpu.memory_space<vmem>> -> memref<80x16xf32, #tpu.memory_space<vmem>>
        tpu.enqueue_dma source(%dma_start3A_548 : memref<80x16xf32, #tpu.memory_space<vmem>>) target(%dma_start3A_544 : memref<80x16xf32, #tpu.memory_space<vmem_shared>>) target_semaphore(%run_scoped3A : memref<!tpu.dma_semaphore, #tpu.memory_space<semaphore_mem>>)
        %dma_wait3A_549 = arith.constant 0 : i32
        %dma_wait3A_550 = arith.constant 0 : i32
        %dma_wait3A_551 = tpu.memref_slice %arg8[%cond3A_64, %dma_wait3A_549, %dma_wait3A_550] : memref<8x80x16xf32, #tpu.memory_space<vmem>> -> memref<1x80x16xf32, #tpu.memory_space<vmem>>
        %dma_wait3A_552 = tpu.memref_squeeze %dma_wait3A_551 : memref<1x80x16xf32, #tpu.memory_space<vmem>> -> memref<80x16xf32, #tpu.memory_space<vmem>>
        %dma_wait3A_553 = arith.constant 0 : i32
        %dma_wait3A_554 = tpu.memref_slice %arg9[%mul3A_536, %dma_wait3A_553] : memref<10000x16xf32, #tpu.memory_space<vmem_shared>> -> memref<80x16xf32, #tpu.memory_space<vmem_shared>>
        %dma_wait3A_555 = arith.constant 0 : i32
        %dma_wait3A_556 = tpu.memref_slice %arg9[%mul3A_536, %dma_wait3A_555] : memref<10000x16xf32, #tpu.memory_space<vmem_shared>> -> memref<80x16xf32, #tpu.memory_space<vmem_shared>>
        %dma_wait3A_557 = arith.constant 0 : i32
        %dma_wait3A_558 = arith.constant 0 : i32
        %dma_wait3A_559 = tpu.memref_slice %arg8[%cond3A_64, %dma_wait3A_557, %dma_wait3A_558] : memref<8x80x16xf32, #tpu.memory_space<vmem>> -> memref<1x80x16xf32, #tpu.memory_space<vmem>>
        %dma_wait3A_560 = tpu.memref_squeeze %dma_wait3A_559 : memref<1x80x16xf32, #tpu.memory_space<vmem>> -> memref<80x16xf32, #tpu.memory_space<vmem>>
        tpu.wait_dma2 semaphore(%run_scoped3A : memref<!tpu.dma_semaphore, #tpu.memory_space<semaphore_mem>>) src(%dma_wait3A_560 : memref<80x16xf32, #tpu.memory_space<vmem>>) dst(%dma_wait3A_556 : memref<80x16xf32, #tpu.memory_space<vmem_shared>>)
        tpu.yield
      }) : () -> ()
    } else {
    }
    %mul3A_67 = arith.constant 8 : i32
    %mul3A_68 = arith.muli %arg1, %mul3A_67 : i32
    %add3A_69 = arith.constant 6 : i32
    %add3A_70 = arith.addi %mul3A_68, %add3A_69 : i32
    %lt3A_71 = arith.constant 125 : i32
    %lt3A_72 = arith.cmpi slt, %add3A_70, %lt3A_71 : i32
    %convert_element_type3A_73 = arith.extui %lt3A_72 : i1 to i32
    %cond3A_74 = arith.constant 0 : i32
    %cond3A_75 = arith.constant 0 : i32
    %cond3A_76 = arith.cmpi ne, %convert_element_type3A_73, %cond3A_75 : i32
    scf.if %cond3A_76 {
      %mul3A_535 = arith.constant 80 : i32
      %mul3A_536 = arith.muli %add3A_70, %mul3A_535 : i32
      "tpu.region"() ({
        %run_scoped3A = tpu.sem_alloc : memref<!tpu.dma_semaphore, #tpu.memory_space<semaphore_mem>>
        %dma_start3A_537 = arith.constant 0 : i32
        %dma_start3A_538 = arith.constant 0 : i32
        %dma_start3A_539 = tpu.memref_slice %arg8[%cond3A_74, %dma_start3A_537, %dma_start3A_538] : memref<8x80x16xf32, #tpu.memory_space<vmem>> -> memref<1x80x16xf32, #tpu.memory_space<vmem>>
        %dma_start3A_540 = tpu.memref_squeeze %dma_start3A_539 : memref<1x80x16xf32, #tpu.memory_space<vmem>> -> memref<80x16xf32, #tpu.memory_space<vmem>>
        %dma_start3A_541 = arith.constant 0 : i32
        %dma_start3A_542 = tpu.memref_slice %arg9[%mul3A_536, %dma_start3A_541] : memref<10000x16xf32, #tpu.memory_space<vmem_shared>> -> memref<80x16xf32, #tpu.memory_space<vmem_shared>>
        %dma_start3A_543 = arith.constant 0 : i32
        %dma_start3A_544 = tpu.memref_slice %arg9[%mul3A_536, %dma_start3A_543] : memref<10000x16xf32, #tpu.memory_space<vmem_shared>> -> memref<80x16xf32, #tpu.memory_space<vmem_shared>>
        %dma_start3A_545 = arith.constant 0 : i32
        %dma_start3A_546 = arith.constant 0 : i32
        %dma_start3A_547 = tpu.memref_slice %arg8[%cond3A_74, %dma_start3A_545, %dma_start3A_546] : memref<8x80x16xf32, #tpu.memory_space<vmem>> -> memref<1x80x16xf32, #tpu.memory_space<vmem>>
        %dma_start3A_548 = tpu.memref_squeeze %dma_start3A_547 : memref<1x80x16xf32, #tpu.memory_space<vmem>> -> memref<80x16xf32, #tpu.memory_space<vmem>>
        tpu.enqueue_dma source(%dma_start3A_548 : memref<80x16xf32, #tpu.memory_space<vmem>>) target(%dma_start3A_544 : memref<80x16xf32, #tpu.memory_space<vmem_shared>>) target_semaphore(%run_scoped3A : memref<!tpu.dma_semaphore, #tpu.memory_space<semaphore_mem>>)
        %dma_wait3A_549 = arith.constant 0 : i32
        %dma_wait3A_550 = arith.constant 0 : i32
        %dma_wait3A_551 = tpu.memref_slice %arg8[%cond3A_74, %dma_wait3A_549, %dma_wait3A_550] : memref<8x80x16xf32, #tpu.memory_space<vmem>> -> memref<1x80x16xf32, #tpu.memory_space<vmem>>
        %dma_wait3A_552 = tpu.memref_squeeze %dma_wait3A_551 : memref<1x80x16xf32, #tpu.memory_space<vmem>> -> memref<80x16xf32, #tpu.memory_space<vmem>>
        %dma_wait3A_553 = arith.constant 0 : i32
        %dma_wait3A_554 = tpu.memref_slice %arg9[%mul3A_536, %dma_wait3A_553] : memref<10000x16xf32, #tpu.memory_space<vmem_shared>> -> memref<80x16xf32, #tpu.memory_space<vmem_shared>>
        %dma_wait3A_555 = arith.constant 0 : i32
        %dma_wait3A_556 = tpu.memref_slice %arg9[%mul3A_536, %dma_wait3A_555] : memref<10000x16xf32, #tpu.memory_space<vmem_shared>> -> memref<80x16xf32, #tpu.memory_space<vmem_shared>>
        %dma_wait3A_557 = arith.constant 0 : i32
        %dma_wait3A_558 = arith.constant 0 : i32
        %dma_wait3A_559 = tpu.memref_slice %arg8[%cond3A_74, %dma_wait3A_557, %dma_wait3A_558] : memref<8x80x16xf32, #tpu.memory_space<vmem>> -> memref<1x80x16xf32, #tpu.memory_space<vmem>>
        %dma_wait3A_560 = tpu.memref_squeeze %dma_wait3A_559 : memref<1x80x16xf32, #tpu.memory_space<vmem>> -> memref<80x16xf32, #tpu.memory_space<vmem>>
        tpu.wait_dma2 semaphore(%run_scoped3A : memref<!tpu.dma_semaphore, #tpu.memory_space<semaphore_mem>>) src(%dma_wait3A_560 : memref<80x16xf32, #tpu.memory_space<vmem>>) dst(%dma_wait3A_556 : memref<80x16xf32, #tpu.memory_space<vmem_shared>>)
        tpu.yield
      }) : () -> ()
    } else {
    }
    %mul3A_77 = arith.constant 8 : i32
    %mul3A_78 = arith.muli %arg1, %mul3A_77 : i32
    %add3A_79 = arith.constant 7 : i32
    %add3A_80 = arith.addi %mul3A_78, %add3A_79 : i32
    %lt3A_81 = arith.constant 125 : i32
    %lt3A_82 = arith.cmpi slt, %add3A_80, %lt3A_81 : i32
    %convert_element_type3A_83 = arith.extui %lt3A_82 : i1 to i32
    %cond3A_84 = arith.constant 0 : i32
    %cond3A_85 = arith.constant 0 : i32
    %cond3A_86 = arith.cmpi ne, %convert_element_type3A_83, %cond3A_85 : i32
    scf.if %cond3A_86 {
      %mul3A_535 = arith.constant 80 : i32
      %mul3A_536 = arith.muli %add3A_80, %mul3A_535 : i32
      "tpu.region"() ({
        %run_scoped3A = tpu.sem_alloc : memref<!tpu.dma_semaphore, #tpu.memory_space<semaphore_mem>>
        %dma_start3A_537 = arith.constant 0 : i32
        %dma_start3A_538 = arith.constant 0 : i32
        %dma_start3A_539 = tpu.memref_slice %arg8[%cond3A_84, %dma_start3A_537, %dma_start3A_538] : memref<8x80x16xf32, #tpu.memory_space<vmem>> -> memref<1x80x16xf32, #tpu.memory_space<vmem>>
        %dma_start3A_540 = tpu.memref_squeeze %dma_start3A_539 : memref<1x80x16xf32, #tpu.memory_space<vmem>> -> memref<80x16xf32, #tpu.memory_space<vmem>>
        %dma_start3A_541 = arith.constant 0 : i32
        %dma_start3A_542 = tpu.memref_slice %arg9[%mul3A_536, %dma_start3A_541] : memref<10000x16xf32, #tpu.memory_space<vmem_shared>> -> memref<80x16xf32, #tpu.memory_space<vmem_shared>>
        %dma_start3A_543 = arith.constant 0 : i32
        %dma_start3A_544 = tpu.memref_slice %arg9[%mul3A_536, %dma_start3A_543] : memref<10000x16xf32, #tpu.memory_space<vmem_shared>> -> memref<80x16xf32, #tpu.memory_space<vmem_shared>>
        %dma_start3A_545 = arith.constant 0 : i32
        %dma_start3A_546 = arith.constant 0 : i32
        %dma_start3A_547 = tpu.memref_slice %arg8[%cond3A_84, %dma_start3A_545, %dma_start3A_546] : memref<8x80x16xf32, #tpu.memory_space<vmem>> -> memref<1x80x16xf32, #tpu.memory_space<vmem>>
        %dma_start3A_548 = tpu.memref_squeeze %dma_start3A_547 : memref<1x80x16xf32, #tpu.memory_space<vmem>> -> memref<80x16xf32, #tpu.memory_space<vmem>>
        tpu.enqueue_dma source(%dma_start3A_548 : memref<80x16xf32, #tpu.memory_space<vmem>>) target(%dma_start3A_544 : memref<80x16xf32, #tpu.memory_space<vmem_shared>>) target_semaphore(%run_scoped3A : memref<!tpu.dma_semaphore, #tpu.memory_space<semaphore_mem>>)
        %dma_wait3A_549 = arith.constant 0 : i32
        %dma_wait3A_550 = arith.constant 0 : i32
        %dma_wait3A_551 = tpu.memref_slice %arg8[%cond3A_84, %dma_wait3A_549, %dma_wait3A_550] : memref<8x80x16xf32, #tpu.memory_space<vmem>> -> memref<1x80x16xf32, #tpu.memory_space<vmem>>
        %dma_wait3A_552 = tpu.memref_squeeze %dma_wait3A_551 : memref<1x80x16xf32, #tpu.memory_space<vmem>> -> memref<80x16xf32, #tpu.memory_space<vmem>>
        %dma_wait3A_553 = arith.constant 0 : i32
        %dma_wait3A_554 = tpu.memref_slice %arg9[%mul3A_536, %dma_wait3A_553] : memref<10000x16xf32, #tpu.memory_space<vmem_shared>> -> memref<80x16xf32, #tpu.memory_space<vmem_shared>>
        %dma_wait3A_555 = arith.constant 0 : i32
        %dma_wait3A_556 = tpu.memref_slice %arg9[%mul3A_536, %dma_wait3A_555] : memref<10000x16xf32, #tpu.memory_space<vmem_shared>> -> memref<80x16xf32, #tpu.memory_space<vmem_shared>>
        %dma_wait3A_557 = arith.constant 0 : i32
        %dma_wait3A_558 = arith.constant 0 : i32
        %dma_wait3A_559 = tpu.memref_slice %arg8[%cond3A_84, %dma_wait3A_557, %dma_wait3A_558] : memref<8x80x16xf32, #tpu.memory_space<vmem>> -> memref<1x80x16xf32, #tpu.memory_space<vmem>>
        %dma_wait3A_560 = tpu.memref_squeeze %dma_wait3A_559 : memref<1x80x16xf32, #tpu.memory_space<vmem>> -> memref<80x16xf32, #tpu.memory_space<vmem>>
        tpu.wait_dma2 semaphore(%run_scoped3A : memref<!tpu.dma_semaphore, #tpu.memory_space<semaphore_mem>>) src(%dma_wait3A_560 : memref<80x16xf32, #tpu.memory_space<vmem>>) dst(%dma_wait3A_556 : memref<80x16xf32, #tpu.memory_space<vmem_shared>>)
        tpu.yield
      }) : () -> ()
    } else {
    }
    %barrier3A = arith.constant 0 : index
    tpu.barrier barrier_id(%barrier3A)
    %multiple_of3A_87 = arith.constant 0 : i32
    %multiple_of3A_88 = tpu.assume_multiple %multiple_of3A_87, 8 : i32
    %dma_start3A = arith.constant 0 : i32
    %dma_start3A_89 = arith.constant 0 : i32
    %dma_start3A_90 = arith.constant 0 : i32
    %dma_start3A_91 = arith.constant 0 : i32
    %dma_start3A_92 = tpu.memref_slice %arg8[%dma_start3A, %dma_start3A_90, %dma_start3A_91] : memref<8x80x16xf32, #tpu.memory_space<vmem>> -> memref<1x80x16xf32, #tpu.memory_space<vmem>>
    %dma_start3A_93 = tpu.memref_squeeze %dma_start3A_92 : memref<1x80x16xf32, #tpu.memory_space<vmem>> -> memref<80x16xf32, #tpu.memory_space<vmem>>
    %dma_start3A_94 = tpu.memref_slice %arg6[%multiple_of3A_88] : memref<10000xi32, #tpu.memory_space<vmem>> -> memref<80xi32, #tpu.memory_space<vmem>>
    %dma_start3A_95 = arith.constant 0 : i32
    %dma_start3A_96 = arith.constant 0 : i32
    %dma_start3A_97 = tpu.memref_slice %arg2[%dma_start3A_95, %dma_start3A_96] : memref<10000x16xf32, #tpu.memory_space<hbm>> -> memref<10000x16xf32, #tpu.memory_space<hbm>>
    %dma_start3A_98 = tpu.memref_slice %arg10[%dma_start3A_89] : memref<8x!tpu.dma_semaphore, #tpu.memory_space<semaphore_mem>> -> memref<1x!tpu.dma_semaphore, #tpu.memory_space<semaphore_mem>>
    %dma_start3A_99 = tpu.memref_squeeze %dma_start3A_98 : memref<1x!tpu.dma_semaphore, #tpu.memory_space<semaphore_mem>> -> memref<!tpu.dma_semaphore, #tpu.memory_space<semaphore_mem>>
    tpu.enqueue_indirect_dma source(%dma_start3A_97 : memref<10000x16xf32, #tpu.memory_space<hbm>>) target(%dma_start3A_93 : memref<80x16xf32, #tpu.memory_space<vmem>>) offsets(%dma_start3A_94 : memref<80xi32, #tpu.memory_space<vmem>>) semaphore(%dma_start3A_99 : memref<!tpu.dma_semaphore, #tpu.memory_space<semaphore_mem>>)
    %multiple_of3A_100 = arith.constant 80 : i32
    %multiple_of3A_101 = tpu.assume_multiple %multiple_of3A_100, 8 : i32
    %dma_start3A_102 = arith.constant 1 : i32
    %dma_start3A_103 = arith.constant 1 : i32
    %dma_start3A_104 = arith.constant 0 : i32
    %dma_start3A_105 = arith.constant 0 : i32
    %dma_start3A_106 = tpu.memref_slice %arg8[%dma_start3A_102, %dma_start3A_104, %dma_start3A_105] : memref<8x80x16xf32, #tpu.memory_space<vmem>> -> memref<1x80x16xf32, #tpu.memory_space<vmem>>
    %dma_start3A_107 = tpu.memref_squeeze %dma_start3A_106 : memref<1x80x16xf32, #tpu.memory_space<vmem>> -> memref<80x16xf32, #tpu.memory_space<vmem>>
    %dma_start3A_108 = tpu.memref_slice %arg6[%multiple_of3A_101] : memref<10000xi32, #tpu.memory_space<vmem>> -> memref<80xi32, #tpu.memory_space<vmem>>
    %dma_start3A_109 = arith.constant 0 : i32
    %dma_start3A_110 = arith.constant 0 : i32
    %dma_start3A_111 = tpu.memref_slice %arg2[%dma_start3A_109, %dma_start3A_110] : memref<10000x16xf32, #tpu.memory_space<hbm>> -> memref<10000x16xf32, #tpu.memory_space<hbm>>
    %dma_start3A_112 = tpu.memref_slice %arg10[%dma_start3A_103] : memref<8x!tpu.dma_semaphore, #tpu.memory_space<semaphore_mem>> -> memref<1x!tpu.dma_semaphore, #tpu.memory_space<semaphore_mem>>
    %dma_start3A_113 = tpu.memref_squeeze %dma_start3A_112 : memref<1x!tpu.dma_semaphore, #tpu.memory_space<semaphore_mem>> -> memref<!tpu.dma_semaphore, #tpu.memory_space<semaphore_mem>>
    tpu.enqueue_indirect_dma source(%dma_start3A_111 : memref<10000x16xf32, #tpu.memory_space<hbm>>) target(%dma_start3A_107 : memref<80x16xf32, #tpu.memory_space<vmem>>) offsets(%dma_start3A_108 : memref<80xi32, #tpu.memory_space<vmem>>) semaphore(%dma_start3A_113 : memref<!tpu.dma_semaphore, #tpu.memory_space<semaphore_mem>>)
    %multiple_of3A_114 = arith.constant 160 : i32
    %multiple_of3A_115 = tpu.assume_multiple %multiple_of3A_114, 8 : i32
    %dma_start3A_116 = arith.constant 2 : i32
    %dma_start3A_117 = arith.constant 2 : i32
    %dma_start3A_118 = arith.constant 0 : i32
    %dma_start3A_119 = arith.constant 0 : i32
    %dma_start3A_120 = tpu.memref_slice %arg8[%dma_start3A_116, %dma_start3A_118, %dma_start3A_119] : memref<8x80x16xf32, #tpu.memory_space<vmem>> -> memref<1x80x16xf32, #tpu.memory_space<vmem>>
    %dma_start3A_121 = tpu.memref_squeeze %dma_start3A_120 : memref<1x80x16xf32, #tpu.memory_space<vmem>> -> memref<80x16xf32, #tpu.memory_space<vmem>>
    %dma_start3A_122 = tpu.memref_slice %arg6[%multiple_of3A_115] : memref<10000xi32, #tpu.memory_space<vmem>> -> memref<80xi32, #tpu.memory_space<vmem>>
    %dma_start3A_123 = arith.constant 0 : i32
    %dma_start3A_124 = arith.constant 0 : i32
    %dma_start3A_125 = tpu.memref_slice %arg2[%dma_start3A_123, %dma_start3A_124] : memref<10000x16xf32, #tpu.memory_space<hbm>> -> memref<10000x16xf32, #tpu.memory_space<hbm>>
    %dma_start3A_126 = tpu.memref_slice %arg10[%dma_start3A_117] : memref<8x!tpu.dma_semaphore, #tpu.memory_space<semaphore_mem>> -> memref<1x!tpu.dma_semaphore, #tpu.memory_space<semaphore_mem>>
    %dma_start3A_127 = tpu.memref_squeeze %dma_start3A_126 : memref<1x!tpu.dma_semaphore, #tpu.memory_space<semaphore_mem>> -> memref<!tpu.dma_semaphore, #tpu.memory_space<semaphore_mem>>
    tpu.enqueue_indirect_dma source(%dma_start3A_125 : memref<10000x16xf32, #tpu.memory_space<hbm>>) target(%dma_start3A_121 : memref<80x16xf32, #tpu.memory_space<vmem>>) offsets(%dma_start3A_122 : memref<80xi32, #tpu.memory_space<vmem>>) semaphore(%dma_start3A_127 : memref<!tpu.dma_semaphore, #tpu.memory_space<semaphore_mem>>)
    %multiple_of3A_128 = arith.constant 240 : i32
    %multiple_of3A_129 = tpu.assume_multiple %multiple_of3A_128, 8 : i32
    %dma_start3A_130 = arith.constant 3 : i32
    %dma_start3A_131 = arith.constant 3 : i32
    %dma_start3A_132 = arith.constant 0 : i32
    %dma_start3A_133 = arith.constant 0 : i32
    %dma_start3A_134 = tpu.memref_slice %arg8[%dma_start3A_130, %dma_start3A_132, %dma_start3A_133] : memref<8x80x16xf32, #tpu.memory_space<vmem>> -> memref<1x80x16xf32, #tpu.memory_space<vmem>>
    %dma_start3A_135 = tpu.memref_squeeze %dma_start3A_134 : memref<1x80x16xf32, #tpu.memory_space<vmem>> -> memref<80x16xf32, #tpu.memory_space<vmem>>
    %dma_start3A_136 = tpu.memref_slice %arg6[%multiple_of3A_129] : memref<10000xi32, #tpu.memory_space<vmem>> -> memref<80xi32, #tpu.memory_space<vmem>>
    %dma_start3A_137 = arith.constant 0 : i32
    %dma_start3A_138 = arith.constant 0 : i32
    %dma_start3A_139 = tpu.memref_slice %arg2[%dma_start3A_137, %dma_start3A_138] : memref<10000x16xf32, #tpu.memory_space<hbm>> -> memref<10000x16xf32, #tpu.memory_space<hbm>>
    %dma_start3A_140 = tpu.memref_slice %arg10[%dma_start3A_131] : memref<8x!tpu.dma_semaphore, #tpu.memory_space<semaphore_mem>> -> memref<1x!tpu.dma_semaphore, #tpu.memory_space<semaphore_mem>>
    %dma_start3A_141 = tpu.memref_squeeze %dma_start3A_140 : memref<1x!tpu.dma_semaphore, #tpu.memory_space<semaphore_mem>> -> memref<!tpu.dma_semaphore, #tpu.memory_space<semaphore_mem>>
    tpu.enqueue_indirect_dma source(%dma_start3A_139 : memref<10000x16xf32, #tpu.memory_space<hbm>>) target(%dma_start3A_135 : memref<80x16xf32, #tpu.memory_space<vmem>>) offsets(%dma_start3A_136 : memref<80xi32, #tpu.memory_space<vmem>>) semaphore(%dma_start3A_141 : memref<!tpu.dma_semaphore, #tpu.memory_space<semaphore_mem>>)
    %multiple_of3A_142 = arith.constant 320 : i32
    %multiple_of3A_143 = tpu.assume_multiple %multiple_of3A_142, 8 : i32
    %dma_start3A_144 = arith.constant 4 : i32
    %dma_start3A_145 = arith.constant 4 : i32
    %dma_start3A_146 = arith.constant 0 : i32
    %dma_start3A_147 = arith.constant 0 : i32
    %dma_start3A_148 = tpu.memref_slice %arg8[%dma_start3A_144, %dma_start3A_146, %dma_start3A_147] : memref<8x80x16xf32, #tpu.memory_space<vmem>> -> memref<1x80x16xf32, #tpu.memory_space<vmem>>
    %dma_start3A_149 = tpu.memref_squeeze %dma_start3A_148 : memref<1x80x16xf32, #tpu.memory_space<vmem>> -> memref<80x16xf32, #tpu.memory_space<vmem>>
    %dma_start3A_150 = tpu.memref_slice %arg6[%multiple_of3A_143] : memref<10000xi32, #tpu.memory_space<vmem>> -> memref<80xi32, #tpu.memory_space<vmem>>
    %dma_start3A_151 = arith.constant 0 : i32
    %dma_start3A_152 = arith.constant 0 : i32
    %dma_start3A_153 = tpu.memref_slice %arg2[%dma_start3A_151, %dma_start3A_152] : memref<10000x16xf32, #tpu.memory_space<hbm>> -> memref<10000x16xf32, #tpu.memory_space<hbm>>
    %dma_start3A_154 = tpu.memref_slice %arg10[%dma_start3A_145] : memref<8x!tpu.dma_semaphore, #tpu.memory_space<semaphore_mem>> -> memref<1x!tpu.dma_semaphore, #tpu.memory_space<semaphore_mem>>
    %dma_start3A_155 = tpu.memref_squeeze %dma_start3A_154 : memref<1x!tpu.dma_semaphore, #tpu.memory_space<semaphore_mem>> -> memref<!tpu.dma_semaphore, #tpu.memory_space<semaphore_mem>>
    tpu.enqueue_indirect_dma source(%dma_start3A_153 : memref<10000x16xf32, #tpu.memory_space<hbm>>) target(%dma_start3A_149 : memref<80x16xf32, #tpu.memory_space<vmem>>) offsets(%dma_start3A_150 : memref<80xi32, #tpu.memory_space<vmem>>) semaphore(%dma_start3A_155 : memref<!tpu.dma_semaphore, #tpu.memory_space<semaphore_mem>>)
    %multiple_of3A_156 = arith.constant 400 : i32
    %multiple_of3A_157 = tpu.assume_multiple %multiple_of3A_156, 8 : i32
    %dma_start3A_158 = arith.constant 5 : i32
    %dma_start3A_159 = arith.constant 5 : i32
    %dma_start3A_160 = arith.constant 0 : i32
    %dma_start3A_161 = arith.constant 0 : i32
    %dma_start3A_162 = tpu.memref_slice %arg8[%dma_start3A_158, %dma_start3A_160, %dma_start3A_161] : memref<8x80x16xf32, #tpu.memory_space<vmem>> -> memref<1x80x16xf32, #tpu.memory_space<vmem>>
    %dma_start3A_163 = tpu.memref_squeeze %dma_start3A_162 : memref<1x80x16xf32, #tpu.memory_space<vmem>> -> memref<80x16xf32, #tpu.memory_space<vmem>>
    %dma_start3A_164 = tpu.memref_slice %arg6[%multiple_of3A_157] : memref<10000xi32, #tpu.memory_space<vmem>> -> memref<80xi32, #tpu.memory_space<vmem>>
    %dma_start3A_165 = arith.constant 0 : i32
    %dma_start3A_166 = arith.constant 0 : i32
    %dma_start3A_167 = tpu.memref_slice %arg2[%dma_start3A_165, %dma_start3A_166] : memref<10000x16xf32, #tpu.memory_space<hbm>> -> memref<10000x16xf32, #tpu.memory_space<hbm>>
    %dma_start3A_168 = tpu.memref_slice %arg10[%dma_start3A_159] : memref<8x!tpu.dma_semaphore, #tpu.memory_space<semaphore_mem>> -> memref<1x!tpu.dma_semaphore, #tpu.memory_space<semaphore_mem>>
    %dma_start3A_169 = tpu.memref_squeeze %dma_start3A_168 : memref<1x!tpu.dma_semaphore, #tpu.memory_space<semaphore_mem>> -> memref<!tpu.dma_semaphore, #tpu.memory_space<semaphore_mem>>
    tpu.enqueue_indirect_dma source(%dma_start3A_167 : memref<10000x16xf32, #tpu.memory_space<hbm>>) target(%dma_start3A_163 : memref<80x16xf32, #tpu.memory_space<vmem>>) offsets(%dma_start3A_164 : memref<80xi32, #tpu.memory_space<vmem>>) semaphore(%dma_start3A_169 : memref<!tpu.dma_semaphore, #tpu.memory_space<semaphore_mem>>)
    %multiple_of3A_170 = arith.constant 480 : i32
    %multiple_of3A_171 = tpu.assume_multiple %multiple_of3A_170, 8 : i32
    %dma_start3A_172 = arith.constant 6 : i32
    %dma_start3A_173 = arith.constant 6 : i32
    %dma_start3A_174 = arith.constant 0 : i32
    %dma_start3A_175 = arith.constant 0 : i32
    %dma_start3A_176 = tpu.memref_slice %arg8[%dma_start3A_172, %dma_start3A_174, %dma_start3A_175] : memref<8x80x16xf32, #tpu.memory_space<vmem>> -> memref<1x80x16xf32, #tpu.memory_space<vmem>>
    %dma_start3A_177 = tpu.memref_squeeze %dma_start3A_176 : memref<1x80x16xf32, #tpu.memory_space<vmem>> -> memref<80x16xf32, #tpu.memory_space<vmem>>
    %dma_start3A_178 = tpu.memref_slice %arg6[%multiple_of3A_171] : memref<10000xi32, #tpu.memory_space<vmem>> -> memref<80xi32, #tpu.memory_space<vmem>>
    %dma_start3A_179 = arith.constant 0 : i32
    %dma_start3A_180 = arith.constant 0 : i32
    %dma_start3A_181 = tpu.memref_slice %arg2[%dma_start3A_179, %dma_start3A_180] : memref<10000x16xf32, #tpu.memory_space<hbm>> -> memref<10000x16xf32, #tpu.memory_space<hbm>>
    %dma_start3A_182 = tpu.memref_slice %arg10[%dma_start3A_173] : memref<8x!tpu.dma_semaphore, #tpu.memory_space<semaphore_mem>> -> memref<1x!tpu.dma_semaphore, #tpu.memory_space<semaphore_mem>>
    %dma_start3A_183 = tpu.memref_squeeze %dma_start3A_182 : memref<1x!tpu.dma_semaphore, #tpu.memory_space<semaphore_mem>> -> memref<!tpu.dma_semaphore, #tpu.memory_space<semaphore_mem>>
    tpu.enqueue_indirect_dma source(%dma_start3A_181 : memref<10000x16xf32, #tpu.memory_space<hbm>>) target(%dma_start3A_177 : memref<80x16xf32, #tpu.memory_space<vmem>>) offsets(%dma_start3A_178 : memref<80xi32, #tpu.memory_space<vmem>>) semaphore(%dma_start3A_183 : memref<!tpu.dma_semaphore, #tpu.memory_space<semaphore_mem>>)
    %multiple_of3A_184 = arith.constant 560 : i32
    %multiple_of3A_185 = tpu.assume_multiple %multiple_of3A_184, 8 : i32
    %dma_start3A_186 = arith.constant 7 : i32
    %dma_start3A_187 = arith.constant 7 : i32
    %dma_start3A_188 = arith.constant 0 : i32
    %dma_start3A_189 = arith.constant 0 : i32
    %dma_start3A_190 = tpu.memref_slice %arg8[%dma_start3A_186, %dma_start3A_188, %dma_start3A_189] : memref<8x80x16xf32, #tpu.memory_space<vmem>> -> memref<1x80x16xf32, #tpu.memory_space<vmem>>
    %dma_start3A_191 = tpu.memref_squeeze %dma_start3A_190 : memref<1x80x16xf32, #tpu.memory_space<vmem>> -> memref<80x16xf32, #tpu.memory_space<vmem>>
    %dma_start3A_192 = tpu.memref_slice %arg6[%multiple_of3A_185] : memref<10000xi32, #tpu.memory_space<vmem>> -> memref<80xi32, #tpu.memory_space<vmem>>
    %dma_start3A_193 = arith.constant 0 : i32
    %dma_start3A_194 = arith.constant 0 : i32
    %dma_start3A_195 = tpu.memref_slice %arg2[%dma_start3A_193, %dma_start3A_194] : memref<10000x16xf32, #tpu.memory_space<hbm>> -> memref<10000x16xf32, #tpu.memory_space<hbm>>
    %dma_start3A_196 = tpu.memref_slice %arg10[%dma_start3A_187] : memref<8x!tpu.dma_semaphore, #tpu.memory_space<semaphore_mem>> -> memref<1x!tpu.dma_semaphore, #tpu.memory_space<semaphore_mem>>
    %dma_start3A_197 = tpu.memref_squeeze %dma_start3A_196 : memref<1x!tpu.dma_semaphore, #tpu.memory_space<semaphore_mem>> -> memref<!tpu.dma_semaphore, #tpu.memory_space<semaphore_mem>>
    tpu.enqueue_indirect_dma source(%dma_start3A_195 : memref<10000x16xf32, #tpu.memory_space<hbm>>) target(%dma_start3A_191 : memref<80x16xf32, #tpu.memory_space<vmem>>) offsets(%dma_start3A_192 : memref<80xi32, #tpu.memory_space<vmem>>) semaphore(%dma_start3A_197 : memref<!tpu.dma_semaphore, #tpu.memory_space<semaphore_mem>>)
    %scan3A_198 = arith.constant 0 : i32
    %scan3A_199 = arith.constant 15 : i32
    %scan3A_200 = arith.addi %scan3A_198, %scan3A_199 : i32
    %scan3A_201 = arith.constant 1 : i32
    scf.for %scan3A_535 = %scan3A_198 to %scan3A_200 step %scan3A_201  : i32 {
      %mul3A_536 = arith.constant 8 : i32
      %mul3A_537 = arith.muli %scan3A_535, %mul3A_536 : i32
      %add3A_538 = arith.constant 0 : i32
      %add3A_539 = arith.addi %add3A_538, %mul3A_537 : i32
      %add3A_540 = arith.constant 0 : i32
      %add3A_541 = arith.addi %add3A_539, %add3A_540 : i32
      %mul3A_542 = arith.constant 80 : i32
      %mul3A_543 = arith.muli %add3A_541, %mul3A_542 : i32
      %multiple_of3A_544 = tpu.assume_multiple %mul3A_543, 8 : i32
      %dma_wait3A_545 = arith.constant 0 : i32
      %dma_wait3A_546 = arith.constant 0 : i32
      %dma_wait3A_547 = arith.constant 0 : i32
      %dma_wait3A_548 = arith.constant 0 : i32
      %dma_wait3A_549 = tpu.memref_slice %arg8[%dma_wait3A_545, %dma_wait3A_547, %dma_wait3A_548] : memref<8x80x16xf32, #tpu.memory_space<vmem>> -> memref<1x80x16xf32, #tpu.memory_space<vmem>>
      %dma_wait3A_550 = tpu.memref_squeeze %dma_wait3A_549 : memref<1x80x16xf32, #tpu.memory_space<vmem>> -> memref<80x16xf32, #tpu.memory_space<vmem>>
      %dma_wait3A_551 = tpu.memref_slice %arg6[%multiple_of3A_544] : memref<10000xi32, #tpu.memory_space<vmem>> -> memref<80xi32, #tpu.memory_space<vmem>>
      %dma_wait3A_552 = arith.constant 0 : i32
      %dma_wait3A_553 = arith.constant 0 : i32
      %dma_wait3A_554 = tpu.memref_slice %arg2[%dma_wait3A_552, %dma_wait3A_553] : memref<10000x16xf32, #tpu.memory_space<hbm>> -> memref<10000x16xf32, #tpu.memory_space<hbm>>
      %dma_wait3A_555 = tpu.memref_slice %arg10[%dma_wait3A_546] : memref<8x!tpu.dma_semaphore, #tpu.memory_space<semaphore_mem>> -> memref<1x!tpu.dma_semaphore, #tpu.memory_space<semaphore_mem>>
      %dma_wait3A_556 = tpu.memref_squeeze %dma_wait3A_555 : memref<1x!tpu.dma_semaphore, #tpu.memory_space<semaphore_mem>> -> memref<!tpu.dma_semaphore, #tpu.memory_space<semaphore_mem>>
      tpu.wait_indirect_dma semaphore(%dma_wait3A_556 : memref<!tpu.dma_semaphore, #tpu.memory_space<semaphore_mem>>) src(%dma_wait3A_554 : memref<10000x16xf32, #tpu.memory_space<hbm>>) dst(%dma_wait3A_550 : memref<80x16xf32, #tpu.memory_space<vmem>>)
      %mul3A_557 = arith.constant 80 : i32
      %mul3A_558 = arith.muli %add3A_541, %mul3A_557 : i32
      %multiple_of3A_559 = tpu.assume_multiple %mul3A_558, 8 : i32
      %dma_start3A_560 = arith.constant 0 : i32
      %dma_start3A_561 = arith.constant 0 : i32
      %dma_start3A_562 = arith.constant 0 : i32
      %dma_start3A_563 = arith.constant 0 : i32
      %dma_start3A_564 = tpu.memref_slice %arg8[%dma_start3A_560, %dma_start3A_562, %dma_start3A_563] : memref<8x80x16xf32, #tpu.memory_space<vmem>> -> memref<1x80x16xf32, #tpu.memory_space<vmem>>
      %dma_start3A_565 = tpu.memref_squeeze %dma_start3A_564 : memref<1x80x16xf32, #tpu.memory_space<vmem>> -> memref<80x16xf32, #tpu.memory_space<vmem>>
      %dma_start3A_566 = tpu.memref_slice %arg7[%multiple_of3A_559] : memref<10000xi32, #tpu.memory_space<vmem>> -> memref<80xi32, #tpu.memory_space<vmem>>
      %dma_start3A_567 = arith.constant 0 : i32
      %dma_start3A_568 = arith.constant 0 : i32
      %dma_start3A_569 = tpu.memref_slice %arg9[%dma_start3A_567, %dma_start3A_568] : memref<10000x16xf32, #tpu.memory_space<vmem_shared>> -> memref<10000x16xf32, #tpu.memory_space<vmem_shared>>
      %dma_start3A_570 = tpu.memref_slice %arg11[%dma_start3A_561] : memref<8x!tpu.dma_semaphore, #tpu.memory_space<semaphore_mem>> -> memref<1x!tpu.dma_semaphore, #tpu.memory_space<semaphore_mem>>
      %dma_start3A_571 = tpu.memref_squeeze %dma_start3A_570 : memref<1x!tpu.dma_semaphore, #tpu.memory_space<semaphore_mem>> -> memref<!tpu.dma_semaphore, #tpu.memory_space<semaphore_mem>>
      tpu.enqueue_indirect_dma source(%dma_start3A_565 : memref<80x16xf32, #tpu.memory_space<vmem>>) target(%dma_start3A_569 : memref<10000x16xf32, #tpu.memory_space<vmem_shared>>) offsets(%dma_start3A_566 : memref<80xi32, #tpu.memory_space<vmem>>) semaphore(%dma_start3A_571 : memref<!tpu.dma_semaphore, #tpu.memory_space<semaphore_mem>>) {add = true}
      %add3A_572 = arith.constant 8 : i32
      %add3A_573 = arith.addi %add3A_541, %add3A_572 : i32
      %lt3A_574 = arith.constant 125 : i32
      %lt3A_575 = arith.cmpi slt, %add3A_573, %lt3A_574 : i32
      %convert_element_type3A_576 = arith.extui %lt3A_575 : i1 to i32
      %cond3A_577 = arith.constant 0 : i32
      %cond3A_578 = arith.cmpi ne, %convert_element_type3A_576, %cond3A_577 : i32
      scf.if %cond3A_578 {
        %mul3A_852 = arith.constant 80 : i32
        %mul3A_853 = arith.muli %add3A_541, %mul3A_852 : i32
        %multiple_of3A_854 = tpu.assume_multiple %mul3A_853, 8 : i32
        %dma_wait3A_855 = arith.constant 0 : i32
        %dma_wait3A_856 = arith.constant 0 : i32
        %dma_wait3A_857 = arith.constant 0 : i32
        %dma_wait3A_858 = arith.constant 0 : i32
        %dma_wait3A_859 = tpu.memref_slice %arg8[%dma_wait3A_855, %dma_wait3A_857, %dma_wait3A_858] : memref<8x80x16xf32, #tpu.memory_space<vmem>> -> memref<1x80x16xf32, #tpu.memory_space<vmem>>
        %dma_wait3A_860 = tpu.memref_squeeze %dma_wait3A_859 : memref<1x80x16xf32, #tpu.memory_space<vmem>> -> memref<80x16xf32, #tpu.memory_space<vmem>>
        %dma_wait3A_861 = tpu.memref_slice %arg7[%multiple_of3A_854] : memref<10000xi32, #tpu.memory_space<vmem>> -> memref<80xi32, #tpu.memory_space<vmem>>
        %dma_wait3A_862 = arith.constant 0 : i32
        %dma_wait3A_863 = arith.constant 0 : i32
        %dma_wait3A_864 = tpu.memref_slice %arg9[%dma_wait3A_862, %dma_wait3A_863] : memref<10000x16xf32, #tpu.memory_space<vmem_shared>> -> memref<10000x16xf32, #tpu.memory_space<vmem_shared>>
        %dma_wait3A_865 = tpu.memref_slice %arg11[%dma_wait3A_856] : memref<8x!tpu.dma_semaphore, #tpu.memory_space<semaphore_mem>> -> memref<1x!tpu.dma_semaphore, #tpu.memory_space<semaphore_mem>>
        %dma_wait3A_866 = tpu.memref_squeeze %dma_wait3A_865 : memref<1x!tpu.dma_semaphore, #tpu.memory_space<semaphore_mem>> -> memref<!tpu.dma_semaphore, #tpu.memory_space<semaphore_mem>>
        tpu.wait_indirect_dma semaphore(%dma_wait3A_866 : memref<!tpu.dma_semaphore, #tpu.memory_space<semaphore_mem>>) src(%dma_wait3A_860 : memref<80x16xf32, #tpu.memory_space<vmem>>) dst(%dma_wait3A_864 : memref<10000x16xf32, #tpu.memory_space<vmem_shared>>)
        %add3A_867 = arith.constant 8 : i32
        %add3A_868 = arith.addi %add3A_541, %add3A_867 : i32
        %mul3A_869 = arith.constant 80 : i32
        %mul3A_870 = arith.muli %add3A_868, %mul3A_869 : i32
        %multiple_of3A_871 = tpu.assume_multiple %mul3A_870, 8 : i32
        %dma_start3A_872 = arith.constant 0 : i32
        %dma_start3A_873 = arith.constant 0 : i32
        %dma_start3A_874 = arith.constant 0 : i32
        %dma_start3A_875 = arith.constant 0 : i32
        %dma_start3A_876 = tpu.memref_slice %arg8[%dma_start3A_872, %dma_start3A_874, %dma_start3A_875] : memref<8x80x16xf32, #tpu.memory_space<vmem>> -> memref<1x80x16xf32, #tpu.memory_space<vmem>>
        %dma_start3A_877 = tpu.memref_squeeze %dma_start3A_876 : memref<1x80x16xf32, #tpu.memory_space<vmem>> -> memref<80x16xf32, #tpu.memory_space<vmem>>
        %dma_start3A_878 = tpu.memref_slice %arg6[%multiple_of3A_871] : memref<10000xi32, #tpu.memory_space<vmem>> -> memref<80xi32, #tpu.memory_space<vmem>>
        %dma_start3A_879 = arith.constant 0 : i32
        %dma_start3A_880 = arith.constant 0 : i32
        %dma_start3A_881 = tpu.memref_slice %arg2[%dma_start3A_879, %dma_start3A_880] : memref<10000x16xf32, #tpu.memory_space<hbm>> -> memref<10000x16xf32, #tpu.memory_space<hbm>>
        %dma_start3A_882 = tpu.memref_slice %arg10[%dma_start3A_873] : memref<8x!tpu.dma_semaphore, #tpu.memory_space<semaphore_mem>> -> memref<1x!tpu.dma_semaphore, #tpu.memory_space<semaphore_mem>>
        %dma_start3A_883 = tpu.memref_squeeze %dma_start3A_882 : memref<1x!tpu.dma_semaphore, #tpu.memory_space<semaphore_mem>> -> memref<!tpu.dma_semaphore, #tpu.memory_space<semaphore_mem>>
        tpu.enqueue_indirect_dma source(%dma_start3A_881 : memref<10000x16xf32, #tpu.memory_space<hbm>>) target(%dma_start3A_877 : memref<80x16xf32, #tpu.memory_space<vmem>>) offsets(%dma_start3A_878 : memref<80xi32, #tpu.memory_space<vmem>>) semaphore(%dma_start3A_883 : memref<!tpu.dma_semaphore, #tpu.memory_space<semaphore_mem>>)
      } else {
      }
      %add3A_579 = arith.constant 1 : i32
      %add3A_580 = arith.addi %add3A_539, %add3A_579 : i32
      %mul3A_581 = arith.constant 80 : i32
      %mul3A_582 = arith.muli %add3A_580, %mul3A_581 : i32
      %multiple_of3A_583 = tpu.assume_multiple %mul3A_582, 8 : i32
      %dma_wait3A_584 = arith.constant 1 : i32
      %dma_wait3A_585 = arith.constant 1 : i32
      %dma_wait3A_586 = arith.constant 0 : i32
      %dma_wait3A_587 = arith.constant 0 : i32
      %dma_wait3A_588 = tpu.memref_slice %arg8[%dma_wait3A_584, %dma_wait3A_586, %dma_wait3A_587] : memref<8x80x16xf32, #tpu.memory_space<vmem>> -> memref<1x80x16xf32, #tpu.memory_space<vmem>>
      %dma_wait3A_589 = tpu.memref_squeeze %dma_wait3A_588 : memref<1x80x16xf32, #tpu.memory_space<vmem>> -> memref<80x16xf32, #tpu.memory_space<vmem>>
      %dma_wait3A_590 = tpu.memref_slice %arg6[%multiple_of3A_583] : memref<10000xi32, #tpu.memory_space<vmem>> -> memref<80xi32, #tpu.memory_space<vmem>>
      %dma_wait3A_591 = arith.constant 0 : i32
      %dma_wait3A_592 = arith.constant 0 : i32
      %dma_wait3A_593 = tpu.memref_slice %arg2[%dma_wait3A_591, %dma_wait3A_592] : memref<10000x16xf32, #tpu.memory_space<hbm>> -> memref<10000x16xf32, #tpu.memory_space<hbm>>
      %dma_wait3A_594 = tpu.memref_slice %arg10[%dma_wait3A_585] : memref<8x!tpu.dma_semaphore, #tpu.memory_space<semaphore_mem>> -> memref<1x!tpu.dma_semaphore, #tpu.memory_space<semaphore_mem>>
      %dma_wait3A_595 = tpu.memref_squeeze %dma_wait3A_594 : memref<1x!tpu.dma_semaphore, #tpu.memory_space<semaphore_mem>> -> memref<!tpu.dma_semaphore, #tpu.memory_space<semaphore_mem>>
      tpu.wait_indirect_dma semaphore(%dma_wait3A_595 : memref<!tpu.dma_semaphore, #tpu.memory_space<semaphore_mem>>) src(%dma_wait3A_593 : memref<10000x16xf32, #tpu.memory_space<hbm>>) dst(%dma_wait3A_589 : memref<80x16xf32, #tpu.memory_space<vmem>>)
      %mul3A_596 = arith.constant 80 : i32
      %mul3A_597 = arith.muli %add3A_580, %mul3A_596 : i32
      %multiple_of3A_598 = tpu.assume_multiple %mul3A_597, 8 : i32
      %dma_start3A_599 = arith.constant 1 : i32
      %dma_start3A_600 = arith.constant 1 : i32
      %dma_start3A_601 = arith.constant 0 : i32
      %dma_start3A_602 = arith.constant 0 : i32
      %dma_start3A_603 = tpu.memref_slice %arg8[%dma_start3A_599, %dma_start3A_601, %dma_start3A_602] : memref<8x80x16xf32, #tpu.memory_space<vmem>> -> memref<1x80x16xf32, #tpu.memory_space<vmem>>
      %dma_start3A_604 = tpu.memref_squeeze %dma_start3A_603 : memref<1x80x16xf32, #tpu.memory_space<vmem>> -> memref<80x16xf32, #tpu.memory_space<vmem>>
      %dma_start3A_605 = tpu.memref_slice %arg7[%multiple_of3A_598] : memref<10000xi32, #tpu.memory_space<vmem>> -> memref<80xi32, #tpu.memory_space<vmem>>
      %dma_start3A_606 = arith.constant 0 : i32
      %dma_start3A_607 = arith.constant 0 : i32
      %dma_start3A_608 = tpu.memref_slice %arg9[%dma_start3A_606, %dma_start3A_607] : memref<10000x16xf32, #tpu.memory_space<vmem_shared>> -> memref<10000x16xf32, #tpu.memory_space<vmem_shared>>
      %dma_start3A_609 = tpu.memref_slice %arg11[%dma_start3A_600] : memref<8x!tpu.dma_semaphore, #tpu.memory_space<semaphore_mem>> -> memref<1x!tpu.dma_semaphore, #tpu.memory_space<semaphore_mem>>
      %dma_start3A_610 = tpu.memref_squeeze %dma_start3A_609 : memref<1x!tpu.dma_semaphore, #tpu.memory_space<semaphore_mem>> -> memref<!tpu.dma_semaphore, #tpu.memory_space<semaphore_mem>>
      tpu.enqueue_indirect_dma source(%dma_start3A_604 : memref<80x16xf32, #tpu.memory_space<vmem>>) target(%dma_start3A_608 : memref<10000x16xf32, #tpu.memory_space<vmem_shared>>) offsets(%dma_start3A_605 : memref<80xi32, #tpu.memory_space<vmem>>) semaphore(%dma_start3A_610 : memref<!tpu.dma_semaphore, #tpu.memory_space<semaphore_mem>>) {add = true}
      %add3A_611 = arith.constant 8 : i32
      %add3A_612 = arith.addi %add3A_580, %add3A_611 : i32
      %lt3A_613 = arith.constant 125 : i32
      %lt3A_614 = arith.cmpi slt, %add3A_612, %lt3A_613 : i32
      %convert_element_type3A_615 = arith.extui %lt3A_614 : i1 to i32
      %cond3A_616 = arith.constant 0 : i32
      %cond3A_617 = arith.cmpi ne, %convert_element_type3A_615, %cond3A_616 : i32
      scf.if %cond3A_617 {
        %mul3A_852 = arith.constant 80 : i32
        %mul3A_853 = arith.muli %add3A_580, %mul3A_852 : i32
        %multiple_of3A_854 = tpu.assume_multiple %mul3A_853, 8 : i32
        %dma_wait3A_855 = arith.constant 1 : i32
        %dma_wait3A_856 = arith.constant 1 : i32
        %dma_wait3A_857 = arith.constant 0 : i32
        %dma_wait3A_858 = arith.constant 0 : i32
        %dma_wait3A_859 = tpu.memref_slice %arg8[%dma_wait3A_855, %dma_wait3A_857, %dma_wait3A_858] : memref<8x80x16xf32, #tpu.memory_space<vmem>> -> memref<1x80x16xf32, #tpu.memory_space<vmem>>
        %dma_wait3A_860 = tpu.memref_squeeze %dma_wait3A_859 : memref<1x80x16xf32, #tpu.memory_space<vmem>> -> memref<80x16xf32, #tpu.memory_space<vmem>>
        %dma_wait3A_861 = tpu.memref_slice %arg7[%multiple_of3A_854] : memref<10000xi32, #tpu.memory_space<vmem>> -> memref<80xi32, #tpu.memory_space<vmem>>
        %dma_wait3A_862 = arith.constant 0 : i32
        %dma_wait3A_863 = arith.constant 0 : i32
        %dma_wait3A_864 = tpu.memref_slice %arg9[%dma_wait3A_862, %dma_wait3A_863] : memref<10000x16xf32, #tpu.memory_space<vmem_shared>> -> memref<10000x16xf32, #tpu.memory_space<vmem_shared>>
        %dma_wait3A_865 = tpu.memref_slice %arg11[%dma_wait3A_856] : memref<8x!tpu.dma_semaphore, #tpu.memory_space<semaphore_mem>> -> memref<1x!tpu.dma_semaphore, #tpu.memory_space<semaphore_mem>>
        %dma_wait3A_866 = tpu.memref_squeeze %dma_wait3A_865 : memref<1x!tpu.dma_semaphore, #tpu.memory_space<semaphore_mem>> -> memref<!tpu.dma_semaphore, #tpu.memory_space<semaphore_mem>>
        tpu.wait_indirect_dma semaphore(%dma_wait3A_866 : memref<!tpu.dma_semaphore, #tpu.memory_space<semaphore_mem>>) src(%dma_wait3A_860 : memref<80x16xf32, #tpu.memory_space<vmem>>) dst(%dma_wait3A_864 : memref<10000x16xf32, #tpu.memory_space<vmem_shared>>)
        %add3A_867 = arith.constant 8 : i32
        %add3A_868 = arith.addi %add3A_580, %add3A_867 : i32
        %mul3A_869 = arith.constant 80 : i32
        %mul3A_870 = arith.muli %add3A_868, %mul3A_869 : i32
        %multiple_of3A_871 = tpu.assume_multiple %mul3A_870, 8 : i32
        %dma_start3A_872 = arith.constant 1 : i32
        %dma_start3A_873 = arith.constant 1 : i32
        %dma_start3A_874 = arith.constant 0 : i32
        %dma_start3A_875 = arith.constant 0 : i32
        %dma_start3A_876 = tpu.memref_slice %arg8[%dma_start3A_872, %dma_start3A_874, %dma_start3A_875] : memref<8x80x16xf32, #tpu.memory_space<vmem>> -> memref<1x80x16xf32, #tpu.memory_space<vmem>>
        %dma_start3A_877 = tpu.memref_squeeze %dma_start3A_876 : memref<1x80x16xf32, #tpu.memory_space<vmem>> -> memref<80x16xf32, #tpu.memory_space<vmem>>
        %dma_start3A_878 = tpu.memref_slice %arg6[%multiple_of3A_871] : memref<10000xi32, #tpu.memory_space<vmem>> -> memref<80xi32, #tpu.memory_space<vmem>>
        %dma_start3A_879 = arith.constant 0 : i32
        %dma_start3A_880 = arith.constant 0 : i32
        %dma_start3A_881 = tpu.memref_slice %arg2[%dma_start3A_879, %dma_start3A_880] : memref<10000x16xf32, #tpu.memory_space<hbm>> -> memref<10000x16xf32, #tpu.memory_space<hbm>>
        %dma_start3A_882 = tpu.memref_slice %arg10[%dma_start3A_873] : memref<8x!tpu.dma_semaphore, #tpu.memory_space<semaphore_mem>> -> memref<1x!tpu.dma_semaphore, #tpu.memory_space<semaphore_mem>>
        %dma_start3A_883 = tpu.memref_squeeze %dma_start3A_882 : memref<1x!tpu.dma_semaphore, #tpu.memory_space<semaphore_mem>> -> memref<!tpu.dma_semaphore, #tpu.memory_space<semaphore_mem>>
        tpu.enqueue_indirect_dma source(%dma_start3A_881 : memref<10000x16xf32, #tpu.memory_space<hbm>>) target(%dma_start3A_877 : memref<80x16xf32, #tpu.memory_space<vmem>>) offsets(%dma_start3A_878 : memref<80xi32, #tpu.memory_space<vmem>>) semaphore(%dma_start3A_883 : memref<!tpu.dma_semaphore, #tpu.memory_space<semaphore_mem>>)
      } else {
      }
      %add3A_618 = arith.constant 2 : i32
      %add3A_619 = arith.addi %add3A_539, %add3A_618 : i32
      %mul3A_620 = arith.constant 80 : i32
      %mul3A_621 = arith.muli %add3A_619, %mul3A_620 : i32
      %multiple_of3A_622 = tpu.assume_multiple %mul3A_621, 8 : i32
      %dma_wait3A_623 = arith.constant 2 : i32
      %dma_wait3A_624 = arith.constant 2 : i32
      %dma_wait3A_625 = arith.constant 0 : i32
      %dma_wait3A_626 = arith.constant 0 : i32
      %dma_wait3A_627 = tpu.memref_slice %arg8[%dma_wait3A_623, %dma_wait3A_625, %dma_wait3A_626] : memref<8x80x16xf32, #tpu.memory_space<vmem>> -> memref<1x80x16xf32, #tpu.memory_space<vmem>>
      %dma_wait3A_628 = tpu.memref_squeeze %dma_wait3A_627 : memref<1x80x16xf32, #tpu.memory_space<vmem>> -> memref<80x16xf32, #tpu.memory_space<vmem>>
      %dma_wait3A_629 = tpu.memref_slice %arg6[%multiple_of3A_622] : memref<10000xi32, #tpu.memory_space<vmem>> -> memref<80xi32, #tpu.memory_space<vmem>>
      %dma_wait3A_630 = arith.constant 0 : i32
      %dma_wait3A_631 = arith.constant 0 : i32
      %dma_wait3A_632 = tpu.memref_slice %arg2[%dma_wait3A_630, %dma_wait3A_631] : memref<10000x16xf32, #tpu.memory_space<hbm>> -> memref<10000x16xf32, #tpu.memory_space<hbm>>
      %dma_wait3A_633 = tpu.memref_slice %arg10[%dma_wait3A_624] : memref<8x!tpu.dma_semaphore, #tpu.memory_space<semaphore_mem>> -> memref<1x!tpu.dma_semaphore, #tpu.memory_space<semaphore_mem>>
      %dma_wait3A_634 = tpu.memref_squeeze %dma_wait3A_633 : memref<1x!tpu.dma_semaphore, #tpu.memory_space<semaphore_mem>> -> memref<!tpu.dma_semaphore, #tpu.memory_space<semaphore_mem>>
      tpu.wait_indirect_dma semaphore(%dma_wait3A_634 : memref<!tpu.dma_semaphore, #tpu.memory_space<semaphore_mem>>) src(%dma_wait3A_632 : memref<10000x16xf32, #tpu.memory_space<hbm>>) dst(%dma_wait3A_628 : memref<80x16xf32, #tpu.memory_space<vmem>>)
      %mul3A_635 = arith.constant 80 : i32
      %mul3A_636 = arith.muli %add3A_619, %mul3A_635 : i32
      %multiple_of3A_637 = tpu.assume_multiple %mul3A_636, 8 : i32
      %dma_start3A_638 = arith.constant 2 : i32
      %dma_start3A_639 = arith.constant 2 : i32
      %dma_start3A_640 = arith.constant 0 : i32
      %dma_start3A_641 = arith.constant 0 : i32
      %dma_start3A_642 = tpu.memref_slice %arg8[%dma_start3A_638, %dma_start3A_640, %dma_start3A_641] : memref<8x80x16xf32, #tpu.memory_space<vmem>> -> memref<1x80x16xf32, #tpu.memory_space<vmem>>
      %dma_start3A_643 = tpu.memref_squeeze %dma_start3A_642 : memref<1x80x16xf32, #tpu.memory_space<vmem>> -> memref<80x16xf32, #tpu.memory_space<vmem>>
      %dma_start3A_644 = tpu.memref_slice %arg7[%multiple_of3A_637] : memref<10000xi32, #tpu.memory_space<vmem>> -> memref<80xi32, #tpu.memory_space<vmem>>
      %dma_start3A_645 = arith.constant 0 : i32
      %dma_start3A_646 = arith.constant 0 : i32
      %dma_start3A_647 = tpu.memref_slice %arg9[%dma_start3A_645, %dma_start3A_646] : memref<10000x16xf32, #tpu.memory_space<vmem_shared>> -> memref<10000x16xf32, #tpu.memory_space<vmem_shared>>
      %dma_start3A_648 = tpu.memref_slice %arg11[%dma_start3A_639] : memref<8x!tpu.dma_semaphore, #tpu.memory_space<semaphore_mem>> -> memref<1x!tpu.dma_semaphore, #tpu.memory_space<semaphore_mem>>
      %dma_start3A_649 = tpu.memref_squeeze %dma_start3A_648 : memref<1x!tpu.dma_semaphore, #tpu.memory_space<semaphore_mem>> -> memref<!tpu.dma_semaphore, #tpu.memory_space<semaphore_mem>>
      tpu.enqueue_indirect_dma source(%dma_start3A_643 : memref<80x16xf32, #tpu.memory_space<vmem>>) target(%dma_start3A_647 : memref<10000x16xf32, #tpu.memory_space<vmem_shared>>) offsets(%dma_start3A_644 : memref<80xi32, #tpu.memory_space<vmem>>) semaphore(%dma_start3A_649 : memref<!tpu.dma_semaphore, #tpu.memory_space<semaphore_mem>>) {add = true}
      %add3A_650 = arith.constant 8 : i32
      %add3A_651 = arith.addi %add3A_619, %add3A_650 : i32
      %lt3A_652 = arith.constant 125 : i32
      %lt3A_653 = arith.cmpi slt, %add3A_651, %lt3A_652 : i32
      %convert_element_type3A_654 = arith.extui %lt3A_653 : i1 to i32
      %cond3A_655 = arith.constant 0 : i32
      %cond3A_656 = arith.cmpi ne, %convert_element_type3A_654, %cond3A_655 : i32
      scf.if %cond3A_656 {
        %mul3A_852 = arith.constant 80 : i32
        %mul3A_853 = arith.muli %add3A_619, %mul3A_852 : i32
        %multiple_of3A_854 = tpu.assume_multiple %mul3A_853, 8 : i32
        %dma_wait3A_855 = arith.constant 2 : i32
        %dma_wait3A_856 = arith.constant 2 : i32
        %dma_wait3A_857 = arith.constant 0 : i32
        %dma_wait3A_858 = arith.constant 0 : i32
        %dma_wait3A_859 = tpu.memref_slice %arg8[%dma_wait3A_855, %dma_wait3A_857, %dma_wait3A_858] : memref<8x80x16xf32, #tpu.memory_space<vmem>> -> memref<1x80x16xf32, #tpu.memory_space<vmem>>
        %dma_wait3A_860 = tpu.memref_squeeze %dma_wait3A_859 : memref<1x80x16xf32, #tpu.memory_space<vmem>> -> memref<80x16xf32, #tpu.memory_space<vmem>>
        %dma_wait3A_861 = tpu.memref_slice %arg7[%multiple_of3A_854] : memref<10000xi32, #tpu.memory_space<vmem>> -> memref<80xi32, #tpu.memory_space<vmem>>
        %dma_wait3A_862 = arith.constant 0 : i32
        %dma_wait3A_863 = arith.constant 0 : i32
        %dma_wait3A_864 = tpu.memref_slice %arg9[%dma_wait3A_862, %dma_wait3A_863] : memref<10000x16xf32, #tpu.memory_space<vmem_shared>> -> memref<10000x16xf32, #tpu.memory_space<vmem_shared>>
        %dma_wait3A_865 = tpu.memref_slice %arg11[%dma_wait3A_856] : memref<8x!tpu.dma_semaphore, #tpu.memory_space<semaphore_mem>> -> memref<1x!tpu.dma_semaphore, #tpu.memory_space<semaphore_mem>>
        %dma_wait3A_866 = tpu.memref_squeeze %dma_wait3A_865 : memref<1x!tpu.dma_semaphore, #tpu.memory_space<semaphore_mem>> -> memref<!tpu.dma_semaphore, #tpu.memory_space<semaphore_mem>>
        tpu.wait_indirect_dma semaphore(%dma_wait3A_866 : memref<!tpu.dma_semaphore, #tpu.memory_space<semaphore_mem>>) src(%dma_wait3A_860 : memref<80x16xf32, #tpu.memory_space<vmem>>) dst(%dma_wait3A_864 : memref<10000x16xf32, #tpu.memory_space<vmem_shared>>)
        %add3A_867 = arith.constant 8 : i32
        %add3A_868 = arith.addi %add3A_619, %add3A_867 : i32
        %mul3A_869 = arith.constant 80 : i32
        %mul3A_870 = arith.muli %add3A_868, %mul3A_869 : i32
        %multiple_of3A_871 = tpu.assume_multiple %mul3A_870, 8 : i32
        %dma_start3A_872 = arith.constant 2 : i32
        %dma_start3A_873 = arith.constant 2 : i32
        %dma_start3A_874 = arith.constant 0 : i32
        %dma_start3A_875 = arith.constant 0 : i32
        %dma_start3A_876 = tpu.memref_slice %arg8[%dma_start3A_872, %dma_start3A_874, %dma_start3A_875] : memref<8x80x16xf32, #tpu.memory_space<vmem>> -> memref<1x80x16xf32, #tpu.memory_space<vmem>>
        %dma_start3A_877 = tpu.memref_squeeze %dma_start3A_876 : memref<1x80x16xf32, #tpu.memory_space<vmem>> -> memref<80x16xf32, #tpu.memory_space<vmem>>
        %dma_start3A_878 = tpu.memref_slice %arg6[%multiple_of3A_871] : memref<10000xi32, #tpu.memory_space<vmem>> -> memref<80xi32, #tpu.memory_space<vmem>>
        %dma_start3A_879 = arith.constant 0 : i32
        %dma_start3A_880 = arith.constant 0 : i32
        %dma_start3A_881 = tpu.memref_slice %arg2[%dma_start3A_879, %dma_start3A_880] : memref<10000x16xf32, #tpu.memory_space<hbm>> -> memref<10000x16xf32, #tpu.memory_space<hbm>>
        %dma_start3A_882 = tpu.memref_slice %arg10[%dma_start3A_873] : memref<8x!tpu.dma_semaphore, #tpu.memory_space<semaphore_mem>> -> memref<1x!tpu.dma_semaphore, #tpu.memory_space<semaphore_mem>>
        %dma_start3A_883 = tpu.memref_squeeze %dma_start3A_882 : memref<1x!tpu.dma_semaphore, #tpu.memory_space<semaphore_mem>> -> memref<!tpu.dma_semaphore, #tpu.memory_space<semaphore_mem>>
        tpu.enqueue_indirect_dma source(%dma_start3A_881 : memref<10000x16xf32, #tpu.memory_space<hbm>>) target(%dma_start3A_877 : memref<80x16xf32, #tpu.memory_space<vmem>>) offsets(%dma_start3A_878 : memref<80xi32, #tpu.memory_space<vmem>>) semaphore(%dma_start3A_883 : memref<!tpu.dma_semaphore, #tpu.memory_space<semaphore_mem>>)
      } else {
      }
      %add3A_657 = arith.constant 3 : i32
      %add3A_658 = arith.addi %add3A_539, %add3A_657 : i32
      %mul3A_659 = arith.constant 80 : i32
      %mul3A_660 = arith.muli %add3A_658, %mul3A_659 : i32
      %multiple_of3A_661 = tpu.assume_multiple %mul3A_660, 8 : i32
      %dma_wait3A_662 = arith.constant 3 : i32
      %dma_wait3A_663 = arith.constant 3 : i32
      %dma_wait3A_664 = arith.constant 0 : i32
      %dma_wait3A_665 = arith.constant 0 : i32
      %dma_wait3A_666 = tpu.memref_slice %arg8[%dma_wait3A_662, %dma_wait3A_664, %dma_wait3A_665] : memref<8x80x16xf32, #tpu.memory_space<vmem>> -> memref<1x80x16xf32, #tpu.memory_space<vmem>>
      %dma_wait3A_667 = tpu.memref_squeeze %dma_wait3A_666 : memref<1x80x16xf32, #tpu.memory_space<vmem>> -> memref<80x16xf32, #tpu.memory_space<vmem>>
      %dma_wait3A_668 = tpu.memref_slice %arg6[%multiple_of3A_661] : memref<10000xi32, #tpu.memory_space<vmem>> -> memref<80xi32, #tpu.memory_space<vmem>>
      %dma_wait3A_669 = arith.constant 0 : i32
      %dma_wait3A_670 = arith.constant 0 : i32
      %dma_wait3A_671 = tpu.memref_slice %arg2[%dma_wait3A_669, %dma_wait3A_670] : memref<10000x16xf32, #tpu.memory_space<hbm>> -> memref<10000x16xf32, #tpu.memory_space<hbm>>
      %dma_wait3A_672 = tpu.memref_slice %arg10[%dma_wait3A_663] : memref<8x!tpu.dma_semaphore, #tpu.memory_space<semaphore_mem>> -> memref<1x!tpu.dma_semaphore, #tpu.memory_space<semaphore_mem>>
      %dma_wait3A_673 = tpu.memref_squeeze %dma_wait3A_672 : memref<1x!tpu.dma_semaphore, #tpu.memory_space<semaphore_mem>> -> memref<!tpu.dma_semaphore, #tpu.memory_space<semaphore_mem>>
      tpu.wait_indirect_dma semaphore(%dma_wait3A_673 : memref<!tpu.dma_semaphore, #tpu.memory_space<semaphore_mem>>) src(%dma_wait3A_671 : memref<10000x16xf32, #tpu.memory_space<hbm>>) dst(%dma_wait3A_667 : memref<80x16xf32, #tpu.memory_space<vmem>>)
      %mul3A_674 = arith.constant 80 : i32
      %mul3A_675 = arith.muli %add3A_658, %mul3A_674 : i32
      %multiple_of3A_676 = tpu.assume_multiple %mul3A_675, 8 : i32
      %dma_start3A_677 = arith.constant 3 : i32
      %dma_start3A_678 = arith.constant 3 : i32
      %dma_start3A_679 = arith.constant 0 : i32
      %dma_start3A_680 = arith.constant 0 : i32
      %dma_start3A_681 = tpu.memref_slice %arg8[%dma_start3A_677, %dma_start3A_679, %dma_start3A_680] : memref<8x80x16xf32, #tpu.memory_space<vmem>> -> memref<1x80x16xf32, #tpu.memory_space<vmem>>
      %dma_start3A_682 = tpu.memref_squeeze %dma_start3A_681 : memref<1x80x16xf32, #tpu.memory_space<vmem>> -> memref<80x16xf32, #tpu.memory_space<vmem>>
      %dma_start3A_683 = tpu.memref_slice %arg7[%multiple_of3A_676] : memref<10000xi32, #tpu.memory_space<vmem>> -> memref<80xi32, #tpu.memory_space<vmem>>
      %dma_start3A_684 = arith.constant 0 : i32
      %dma_start3A_685 = arith.constant 0 : i32
      %dma_start3A_686 = tpu.memref_slice %arg9[%dma_start3A_684, %dma_start3A_685] : memref<10000x16xf32, #tpu.memory_space<vmem_shared>> -> memref<10000x16xf32, #tpu.memory_space<vmem_shared>>
      %dma_start3A_687 = tpu.memref_slice %arg11[%dma_start3A_678] : memref<8x!tpu.dma_semaphore, #tpu.memory_space<semaphore_mem>> -> memref<1x!tpu.dma_semaphore, #tpu.memory_space<semaphore_mem>>
      %dma_start3A_688 = tpu.memref_squeeze %dma_start3A_687 : memref<1x!tpu.dma_semaphore, #tpu.memory_space<semaphore_mem>> -> memref<!tpu.dma_semaphore, #tpu.memory_space<semaphore_mem>>
      tpu.enqueue_indirect_dma source(%dma_start3A_682 : memref<80x16xf32, #tpu.memory_space<vmem>>) target(%dma_start3A_686 : memref<10000x16xf32, #tpu.memory_space<vmem_shared>>) offsets(%dma_start3A_683 : memref<80xi32, #tpu.memory_space<vmem>>) semaphore(%dma_start3A_688 : memref<!tpu.dma_semaphore, #tpu.memory_space<semaphore_mem>>) {add = true}
      %add3A_689 = arith.constant 8 : i32
      %add3A_690 = arith.addi %add3A_658, %add3A_689 : i32
      %lt3A_691 = arith.constant 125 : i32
      %lt3A_692 = arith.cmpi slt, %add3A_690, %lt3A_691 : i32
      %convert_element_type3A_693 = arith.extui %lt3A_692 : i1 to i32
      %cond3A_694 = arith.constant 0 : i32
      %cond3A_695 = arith.cmpi ne, %convert_element_type3A_693, %cond3A_694 : i32
      scf.if %cond3A_695 {
        %mul3A_852 = arith.constant 80 : i32
        %mul3A_853 = arith.muli %add3A_658, %mul3A_852 : i32
        %multiple_of3A_854 = tpu.assume_multiple %mul3A_853, 8 : i32
        %dma_wait3A_855 = arith.constant 3 : i32
        %dma_wait3A_856 = arith.constant 3 : i32
        %dma_wait3A_857 = arith.constant 0 : i32
        %dma_wait3A_858 = arith.constant 0 : i32
        %dma_wait3A_859 = tpu.memref_slice %arg8[%dma_wait3A_855, %dma_wait3A_857, %dma_wait3A_858] : memref<8x80x16xf32, #tpu.memory_space<vmem>> -> memref<1x80x16xf32, #tpu.memory_space<vmem>>
        %dma_wait3A_860 = tpu.memref_squeeze %dma_wait3A_859 : memref<1x80x16xf32, #tpu.memory_space<vmem>> -> memref<80x16xf32, #tpu.memory_space<vmem>>
        %dma_wait3A_861 = tpu.memref_slice %arg7[%multiple_of3A_854] : memref<10000xi32, #tpu.memory_space<vmem>> -> memref<80xi32, #tpu.memory_space<vmem>>
        %dma_wait3A_862 = arith.constant 0 : i32
        %dma_wait3A_863 = arith.constant 0 : i32
        %dma_wait3A_864 = tpu.memref_slice %arg9[%dma_wait3A_862, %dma_wait3A_863] : memref<10000x16xf32, #tpu.memory_space<vmem_shared>> -> memref<10000x16xf32, #tpu.memory_space<vmem_shared>>
        %dma_wait3A_865 = tpu.memref_slice %arg11[%dma_wait3A_856] : memref<8x!tpu.dma_semaphore, #tpu.memory_space<semaphore_mem>> -> memref<1x!tpu.dma_semaphore, #tpu.memory_space<semaphore_mem>>
        %dma_wait3A_866 = tpu.memref_squeeze %dma_wait3A_865 : memref<1x!tpu.dma_semaphore, #tpu.memory_space<semaphore_mem>> -> memref<!tpu.dma_semaphore, #tpu.memory_space<semaphore_mem>>
        tpu.wait_indirect_dma semaphore(%dma_wait3A_866 : memref<!tpu.dma_semaphore, #tpu.memory_space<semaphore_mem>>) src(%dma_wait3A_860 : memref<80x16xf32, #tpu.memory_space<vmem>>) dst(%dma_wait3A_864 : memref<10000x16xf32, #tpu.memory_space<vmem_shared>>)
        %add3A_867 = arith.constant 8 : i32
        %add3A_868 = arith.addi %add3A_658, %add3A_867 : i32
        %mul3A_869 = arith.constant 80 : i32
        %mul3A_870 = arith.muli %add3A_868, %mul3A_869 : i32
        %multiple_of3A_871 = tpu.assume_multiple %mul3A_870, 8 : i32
        %dma_start3A_872 = arith.constant 3 : i32
        %dma_start3A_873 = arith.constant 3 : i32
        %dma_start3A_874 = arith.constant 0 : i32
        %dma_start3A_875 = arith.constant 0 : i32
        %dma_start3A_876 = tpu.memref_slice %arg8[%dma_start3A_872, %dma_start3A_874, %dma_start3A_875] : memref<8x80x16xf32, #tpu.memory_space<vmem>> -> memref<1x80x16xf32, #tpu.memory_space<vmem>>
        %dma_start3A_877 = tpu.memref_squeeze %dma_start3A_876 : memref<1x80x16xf32, #tpu.memory_space<vmem>> -> memref<80x16xf32, #tpu.memory_space<vmem>>
        %dma_start3A_878 = tpu.memref_slice %arg6[%multiple_of3A_871] : memref<10000xi32, #tpu.memory_space<vmem>> -> memref<80xi32, #tpu.memory_space<vmem>>
        %dma_start3A_879 = arith.constant 0 : i32
        %dma_start3A_880 = arith.constant 0 : i32
        %dma_start3A_881 = tpu.memref_slice %arg2[%dma_start3A_879, %dma_start3A_880] : memref<10000x16xf32, #tpu.memory_space<hbm>> -> memref<10000x16xf32, #tpu.memory_space<hbm>>
        %dma_start3A_882 = tpu.memref_slice %arg10[%dma_start3A_873] : memref<8x!tpu.dma_semaphore, #tpu.memory_space<semaphore_mem>> -> memref<1x!tpu.dma_semaphore, #tpu.memory_space<semaphore_mem>>
        %dma_start3A_883 = tpu.memref_squeeze %dma_start3A_882 : memref<1x!tpu.dma_semaphore, #tpu.memory_space<semaphore_mem>> -> memref<!tpu.dma_semaphore, #tpu.memory_space<semaphore_mem>>
        tpu.enqueue_indirect_dma source(%dma_start3A_881 : memref<10000x16xf32, #tpu.memory_space<hbm>>) target(%dma_start3A_877 : memref<80x16xf32, #tpu.memory_space<vmem>>) offsets(%dma_start3A_878 : memref<80xi32, #tpu.memory_space<vmem>>) semaphore(%dma_start3A_883 : memref<!tpu.dma_semaphore, #tpu.memory_space<semaphore_mem>>)
      } else {
      }
      %add3A_696 = arith.constant 4 : i32
      %add3A_697 = arith.addi %add3A_539, %add3A_696 : i32
      %mul3A_698 = arith.constant 80 : i32
      %mul3A_699 = arith.muli %add3A_697, %mul3A_698 : i32
      %multiple_of3A_700 = tpu.assume_multiple %mul3A_699, 8 : i32
      %dma_wait3A_701 = arith.constant 4 : i32
      %dma_wait3A_702 = arith.constant 4 : i32
      %dma_wait3A_703 = arith.constant 0 : i32
      %dma_wait3A_704 = arith.constant 0 : i32
      %dma_wait3A_705 = tpu.memref_slice %arg8[%dma_wait3A_701, %dma_wait3A_703, %dma_wait3A_704] : memref<8x80x16xf32, #tpu.memory_space<vmem>> -> memref<1x80x16xf32, #tpu.memory_space<vmem>>
      %dma_wait3A_706 = tpu.memref_squeeze %dma_wait3A_705 : memref<1x80x16xf32, #tpu.memory_space<vmem>> -> memref<80x16xf32, #tpu.memory_space<vmem>>
      %dma_wait3A_707 = tpu.memref_slice %arg6[%multiple_of3A_700] : memref<10000xi32, #tpu.memory_space<vmem>> -> memref<80xi32, #tpu.memory_space<vmem>>
      %dma_wait3A_708 = arith.constant 0 : i32
      %dma_wait3A_709 = arith.constant 0 : i32
      %dma_wait3A_710 = tpu.memref_slice %arg2[%dma_wait3A_708, %dma_wait3A_709] : memref<10000x16xf32, #tpu.memory_space<hbm>> -> memref<10000x16xf32, #tpu.memory_space<hbm>>
      %dma_wait3A_711 = tpu.memref_slice %arg10[%dma_wait3A_702] : memref<8x!tpu.dma_semaphore, #tpu.memory_space<semaphore_mem>> -> memref<1x!tpu.dma_semaphore, #tpu.memory_space<semaphore_mem>>
      %dma_wait3A_712 = tpu.memref_squeeze %dma_wait3A_711 : memref<1x!tpu.dma_semaphore, #tpu.memory_space<semaphore_mem>> -> memref<!tpu.dma_semaphore, #tpu.memory_space<semaphore_mem>>
      tpu.wait_indirect_dma semaphore(%dma_wait3A_712 : memref<!tpu.dma_semaphore, #tpu.memory_space<semaphore_mem>>) src(%dma_wait3A_710 : memref<10000x16xf32, #tpu.memory_space<hbm>>) dst(%dma_wait3A_706 : memref<80x16xf32, #tpu.memory_space<vmem>>)
      %mul3A_713 = arith.constant 80 : i32
      %mul3A_714 = arith.muli %add3A_697, %mul3A_713 : i32
      %multiple_of3A_715 = tpu.assume_multiple %mul3A_714, 8 : i32
      %dma_start3A_716 = arith.constant 4 : i32
      %dma_start3A_717 = arith.constant 4 : i32
      %dma_start3A_718 = arith.constant 0 : i32
      %dma_start3A_719 = arith.constant 0 : i32
      %dma_start3A_720 = tpu.memref_slice %arg8[%dma_start3A_716, %dma_start3A_718, %dma_start3A_719] : memref<8x80x16xf32, #tpu.memory_space<vmem>> -> memref<1x80x16xf32, #tpu.memory_space<vmem>>
      %dma_start3A_721 = tpu.memref_squeeze %dma_start3A_720 : memref<1x80x16xf32, #tpu.memory_space<vmem>> -> memref<80x16xf32, #tpu.memory_space<vmem>>
      %dma_start3A_722 = tpu.memref_slice %arg7[%multiple_of3A_715] : memref<10000xi32, #tpu.memory_space<vmem>> -> memref<80xi32, #tpu.memory_space<vmem>>
      %dma_start3A_723 = arith.constant 0 : i32
      %dma_start3A_724 = arith.constant 0 : i32
      %dma_start3A_725 = tpu.memref_slice %arg9[%dma_start3A_723, %dma_start3A_724] : memref<10000x16xf32, #tpu.memory_space<vmem_shared>> -> memref<10000x16xf32, #tpu.memory_space<vmem_shared>>
      %dma_start3A_726 = tpu.memref_slice %arg11[%dma_start3A_717] : memref<8x!tpu.dma_semaphore, #tpu.memory_space<semaphore_mem>> -> memref<1x!tpu.dma_semaphore, #tpu.memory_space<semaphore_mem>>
      %dma_start3A_727 = tpu.memref_squeeze %dma_start3A_726 : memref<1x!tpu.dma_semaphore, #tpu.memory_space<semaphore_mem>> -> memref<!tpu.dma_semaphore, #tpu.memory_space<semaphore_mem>>
      tpu.enqueue_indirect_dma source(%dma_start3A_721 : memref<80x16xf32, #tpu.memory_space<vmem>>) target(%dma_start3A_725 : memref<10000x16xf32, #tpu.memory_space<vmem_shared>>) offsets(%dma_start3A_722 : memref<80xi32, #tpu.memory_space<vmem>>) semaphore(%dma_start3A_727 : memref<!tpu.dma_semaphore, #tpu.memory_space<semaphore_mem>>) {add = true}
      %add3A_728 = arith.constant 8 : i32
      %add3A_729 = arith.addi %add3A_697, %add3A_728 : i32
      %lt3A_730 = arith.constant 125 : i32
      %lt3A_731 = arith.cmpi slt, %add3A_729, %lt3A_730 : i32
      %convert_element_type3A_732 = arith.extui %lt3A_731 : i1 to i32
      %cond3A_733 = arith.constant 0 : i32
      %cond3A_734 = arith.cmpi ne, %convert_element_type3A_732, %cond3A_733 : i32
      scf.if %cond3A_734 {
        %mul3A_852 = arith.constant 80 : i32
        %mul3A_853 = arith.muli %add3A_697, %mul3A_852 : i32
        %multiple_of3A_854 = tpu.assume_multiple %mul3A_853, 8 : i32
        %dma_wait3A_855 = arith.constant 4 : i32
        %dma_wait3A_856 = arith.constant 4 : i32
        %dma_wait3A_857 = arith.constant 0 : i32
        %dma_wait3A_858 = arith.constant 0 : i32
        %dma_wait3A_859 = tpu.memref_slice %arg8[%dma_wait3A_855, %dma_wait3A_857, %dma_wait3A_858] : memref<8x80x16xf32, #tpu.memory_space<vmem>> -> memref<1x80x16xf32, #tpu.memory_space<vmem>>
        %dma_wait3A_860 = tpu.memref_squeeze %dma_wait3A_859 : memref<1x80x16xf32, #tpu.memory_space<vmem>> -> memref<80x16xf32, #tpu.memory_space<vmem>>
        %dma_wait3A_861 = tpu.memref_slice %arg7[%multiple_of3A_854] : memref<10000xi32, #tpu.memory_space<vmem>> -> memref<80xi32, #tpu.memory_space<vmem>>
        %dma_wait3A_862 = arith.constant 0 : i32
        %dma_wait3A_863 = arith.constant 0 : i32
        %dma_wait3A_864 = tpu.memref_slice %arg9[%dma_wait3A_862, %dma_wait3A_863] : memref<10000x16xf32, #tpu.memory_space<vmem_shared>> -> memref<10000x16xf32, #tpu.memory_space<vmem_shared>>
        %dma_wait3A_865 = tpu.memref_slice %arg11[%dma_wait3A_856] : memref<8x!tpu.dma_semaphore, #tpu.memory_space<semaphore_mem>> -> memref<1x!tpu.dma_semaphore, #tpu.memory_space<semaphore_mem>>
        %dma_wait3A_866 = tpu.memref_squeeze %dma_wait3A_865 : memref<1x!tpu.dma_semaphore, #tpu.memory_space<semaphore_mem>> -> memref<!tpu.dma_semaphore, #tpu.memory_space<semaphore_mem>>
        tpu.wait_indirect_dma semaphore(%dma_wait3A_866 : memref<!tpu.dma_semaphore, #tpu.memory_space<semaphore_mem>>) src(%dma_wait3A_860 : memref<80x16xf32, #tpu.memory_space<vmem>>) dst(%dma_wait3A_864 : memref<10000x16xf32, #tpu.memory_space<vmem_shared>>)
        %add3A_867 = arith.constant 8 : i32
        %add3A_868 = arith.addi %add3A_697, %add3A_867 : i32
        %mul3A_869 = arith.constant 80 : i32
        %mul3A_870 = arith.muli %add3A_868, %mul3A_869 : i32
        %multiple_of3A_871 = tpu.assume_multiple %mul3A_870, 8 : i32
        %dma_start3A_872 = arith.constant 4 : i32
        %dma_start3A_873 = arith.constant 4 : i32
        %dma_start3A_874 = arith.constant 0 : i32
        %dma_start3A_875 = arith.constant 0 : i32
        %dma_start3A_876 = tpu.memref_slice %arg8[%dma_start3A_872, %dma_start3A_874, %dma_start3A_875] : memref<8x80x16xf32, #tpu.memory_space<vmem>> -> memref<1x80x16xf32, #tpu.memory_space<vmem>>
        %dma_start3A_877 = tpu.memref_squeeze %dma_start3A_876 : memref<1x80x16xf32, #tpu.memory_space<vmem>> -> memref<80x16xf32, #tpu.memory_space<vmem>>
        %dma_start3A_878 = tpu.memref_slice %arg6[%multiple_of3A_871] : memref<10000xi32, #tpu.memory_space<vmem>> -> memref<80xi32, #tpu.memory_space<vmem>>
        %dma_start3A_879 = arith.constant 0 : i32
        %dma_start3A_880 = arith.constant 0 : i32
        %dma_start3A_881 = tpu.memref_slice %arg2[%dma_start3A_879, %dma_start3A_880] : memref<10000x16xf32, #tpu.memory_space<hbm>> -> memref<10000x16xf32, #tpu.memory_space<hbm>>
        %dma_start3A_882 = tpu.memref_slice %arg10[%dma_start3A_873] : memref<8x!tpu.dma_semaphore, #tpu.memory_space<semaphore_mem>> -> memref<1x!tpu.dma_semaphore, #tpu.memory_space<semaphore_mem>>
        %dma_start3A_883 = tpu.memref_squeeze %dma_start3A_882 : memref<1x!tpu.dma_semaphore, #tpu.memory_space<semaphore_mem>> -> memref<!tpu.dma_semaphore, #tpu.memory_space<semaphore_mem>>
        tpu.enqueue_indirect_dma source(%dma_start3A_881 : memref<10000x16xf32, #tpu.memory_space<hbm>>) target(%dma_start3A_877 : memref<80x16xf32, #tpu.memory_space<vmem>>) offsets(%dma_start3A_878 : memref<80xi32, #tpu.memory_space<vmem>>) semaphore(%dma_start3A_883 : memref<!tpu.dma_semaphore, #tpu.memory_space<semaphore_mem>>)
      } else {
      }
      %add3A_735 = arith.constant 5 : i32
      %add3A_736 = arith.addi %add3A_539, %add3A_735 : i32
      %mul3A_737 = arith.constant 80 : i32
      %mul3A_738 = arith.muli %add3A_736, %mul3A_737 : i32
      %multiple_of3A_739 = tpu.assume_multiple %mul3A_738, 8 : i32
      %dma_wait3A_740 = arith.constant 5 : i32
      %dma_wait3A_741 = arith.constant 5 : i32
      %dma_wait3A_742 = arith.constant 0 : i32
      %dma_wait3A_743 = arith.constant 0 : i32
      %dma_wait3A_744 = tpu.memref_slice %arg8[%dma_wait3A_740, %dma_wait3A_742, %dma_wait3A_743] : memref<8x80x16xf32, #tpu.memory_space<vmem>> -> memref<1x80x16xf32, #tpu.memory_space<vmem>>
      %dma_wait3A_745 = tpu.memref_squeeze %dma_wait3A_744 : memref<1x80x16xf32, #tpu.memory_space<vmem>> -> memref<80x16xf32, #tpu.memory_space<vmem>>
      %dma_wait3A_746 = tpu.memref_slice %arg6[%multiple_of3A_739] : memref<10000xi32, #tpu.memory_space<vmem>> -> memref<80xi32, #tpu.memory_space<vmem>>
      %dma_wait3A_747 = arith.constant 0 : i32
      %dma_wait3A_748 = arith.constant 0 : i32
      %dma_wait3A_749 = tpu.memref_slice %arg2[%dma_wait3A_747, %dma_wait3A_748] : memref<10000x16xf32, #tpu.memory_space<hbm>> -> memref<10000x16xf32, #tpu.memory_space<hbm>>
      %dma_wait3A_750 = tpu.memref_slice %arg10[%dma_wait3A_741] : memref<8x!tpu.dma_semaphore, #tpu.memory_space<semaphore_mem>> -> memref<1x!tpu.dma_semaphore, #tpu.memory_space<semaphore_mem>>
      %dma_wait3A_751 = tpu.memref_squeeze %dma_wait3A_750 : memref<1x!tpu.dma_semaphore, #tpu.memory_space<semaphore_mem>> -> memref<!tpu.dma_semaphore, #tpu.memory_space<semaphore_mem>>
      tpu.wait_indirect_dma semaphore(%dma_wait3A_751 : memref<!tpu.dma_semaphore, #tpu.memory_space<semaphore_mem>>) src(%dma_wait3A_749 : memref<10000x16xf32, #tpu.memory_space<hbm>>) dst(%dma_wait3A_745 : memref<80x16xf32, #tpu.memory_space<vmem>>)
      %mul3A_752 = arith.constant 80 : i32
      %mul3A_753 = arith.muli %add3A_736, %mul3A_752 : i32
      %multiple_of3A_754 = tpu.assume_multiple %mul3A_753, 8 : i32
      %dma_start3A_755 = arith.constant 5 : i32
      %dma_start3A_756 = arith.constant 5 : i32
      %dma_start3A_757 = arith.constant 0 : i32
      %dma_start3A_758 = arith.constant 0 : i32
      %dma_start3A_759 = tpu.memref_slice %arg8[%dma_start3A_755, %dma_start3A_757, %dma_start3A_758] : memref<8x80x16xf32, #tpu.memory_space<vmem>> -> memref<1x80x16xf32, #tpu.memory_space<vmem>>
      %dma_start3A_760 = tpu.memref_squeeze %dma_start3A_759 : memref<1x80x16xf32, #tpu.memory_space<vmem>> -> memref<80x16xf32, #tpu.memory_space<vmem>>
      %dma_start3A_761 = tpu.memref_slice %arg7[%multiple_of3A_754] : memref<10000xi32, #tpu.memory_space<vmem>> -> memref<80xi32, #tpu.memory_space<vmem>>
      %dma_start3A_762 = arith.constant 0 : i32
      %dma_start3A_763 = arith.constant 0 : i32
      %dma_start3A_764 = tpu.memref_slice %arg9[%dma_start3A_762, %dma_start3A_763] : memref<10000x16xf32, #tpu.memory_space<vmem_shared>> -> memref<10000x16xf32, #tpu.memory_space<vmem_shared>>
      %dma_start3A_765 = tpu.memref_slice %arg11[%dma_start3A_756] : memref<8x!tpu.dma_semaphore, #tpu.memory_space<semaphore_mem>> -> memref<1x!tpu.dma_semaphore, #tpu.memory_space<semaphore_mem>>
      %dma_start3A_766 = tpu.memref_squeeze %dma_start3A_765 : memref<1x!tpu.dma_semaphore, #tpu.memory_space<semaphore_mem>> -> memref<!tpu.dma_semaphore, #tpu.memory_space<semaphore_mem>>
      tpu.enqueue_indirect_dma source(%dma_start3A_760 : memref<80x16xf32, #tpu.memory_space<vmem>>) target(%dma_start3A_764 : memref<10000x16xf32, #tpu.memory_space<vmem_shared>>) offsets(%dma_start3A_761 : memref<80xi32, #tpu.memory_space<vmem>>) semaphore(%dma_start3A_766 : memref<!tpu.dma_semaphore, #tpu.memory_space<semaphore_mem>>) {add = true}
      %add3A_767 = arith.constant 8 : i32
      %add3A_768 = arith.addi %add3A_736, %add3A_767 : i32
      %lt3A_769 = arith.constant 125 : i32
      %lt3A_770 = arith.cmpi slt, %add3A_768, %lt3A_769 : i32
      %convert_element_type3A_771 = arith.extui %lt3A_770 : i1 to i32
      %cond3A_772 = arith.constant 0 : i32
      %cond3A_773 = arith.cmpi ne, %convert_element_type3A_771, %cond3A_772 : i32
      scf.if %cond3A_773 {
        %mul3A_852 = arith.constant 80 : i32
        %mul3A_853 = arith.muli %add3A_736, %mul3A_852 : i32
        %multiple_of3A_854 = tpu.assume_multiple %mul3A_853, 8 : i32
        %dma_wait3A_855 = arith.constant 5 : i32
        %dma_wait3A_856 = arith.constant 5 : i32
        %dma_wait3A_857 = arith.constant 0 : i32
        %dma_wait3A_858 = arith.constant 0 : i32
        %dma_wait3A_859 = tpu.memref_slice %arg8[%dma_wait3A_855, %dma_wait3A_857, %dma_wait3A_858] : memref<8x80x16xf32, #tpu.memory_space<vmem>> -> memref<1x80x16xf32, #tpu.memory_space<vmem>>
        %dma_wait3A_860 = tpu.memref_squeeze %dma_wait3A_859 : memref<1x80x16xf32, #tpu.memory_space<vmem>> -> memref<80x16xf32, #tpu.memory_space<vmem>>
        %dma_wait3A_861 = tpu.memref_slice %arg7[%multiple_of3A_854] : memref<10000xi32, #tpu.memory_space<vmem>> -> memref<80xi32, #tpu.memory_space<vmem>>
        %dma_wait3A_862 = arith.constant 0 : i32
        %dma_wait3A_863 = arith.constant 0 : i32
        %dma_wait3A_864 = tpu.memref_slice %arg9[%dma_wait3A_862, %dma_wait3A_863] : memref<10000x16xf32, #tpu.memory_space<vmem_shared>> -> memref<10000x16xf32, #tpu.memory_space<vmem_shared>>
        %dma_wait3A_865 = tpu.memref_slice %arg11[%dma_wait3A_856] : memref<8x!tpu.dma_semaphore, #tpu.memory_space<semaphore_mem>> -> memref<1x!tpu.dma_semaphore, #tpu.memory_space<semaphore_mem>>
        %dma_wait3A_866 = tpu.memref_squeeze %dma_wait3A_865 : memref<1x!tpu.dma_semaphore, #tpu.memory_space<semaphore_mem>> -> memref<!tpu.dma_semaphore, #tpu.memory_space<semaphore_mem>>
        tpu.wait_indirect_dma semaphore(%dma_wait3A_866 : memref<!tpu.dma_semaphore, #tpu.memory_space<semaphore_mem>>) src(%dma_wait3A_860 : memref<80x16xf32, #tpu.memory_space<vmem>>) dst(%dma_wait3A_864 : memref<10000x16xf32, #tpu.memory_space<vmem_shared>>)
        %add3A_867 = arith.constant 8 : i32
        %add3A_868 = arith.addi %add3A_736, %add3A_867 : i32
        %mul3A_869 = arith.constant 80 : i32
        %mul3A_870 = arith.muli %add3A_868, %mul3A_869 : i32
        %multiple_of3A_871 = tpu.assume_multiple %mul3A_870, 8 : i32
        %dma_start3A_872 = arith.constant 5 : i32
        %dma_start3A_873 = arith.constant 5 : i32
        %dma_start3A_874 = arith.constant 0 : i32
        %dma_start3A_875 = arith.constant 0 : i32
        %dma_start3A_876 = tpu.memref_slice %arg8[%dma_start3A_872, %dma_start3A_874, %dma_start3A_875] : memref<8x80x16xf32, #tpu.memory_space<vmem>> -> memref<1x80x16xf32, #tpu.memory_space<vmem>>
        %dma_start3A_877 = tpu.memref_squeeze %dma_start3A_876 : memref<1x80x16xf32, #tpu.memory_space<vmem>> -> memref<80x16xf32, #tpu.memory_space<vmem>>
        %dma_start3A_878 = tpu.memref_slice %arg6[%multiple_of3A_871] : memref<10000xi32, #tpu.memory_space<vmem>> -> memref<80xi32, #tpu.memory_space<vmem>>
        %dma_start3A_879 = arith.constant 0 : i32
        %dma_start3A_880 = arith.constant 0 : i32
        %dma_start3A_881 = tpu.memref_slice %arg2[%dma_start3A_879, %dma_start3A_880] : memref<10000x16xf32, #tpu.memory_space<hbm>> -> memref<10000x16xf32, #tpu.memory_space<hbm>>
        %dma_start3A_882 = tpu.memref_slice %arg10[%dma_start3A_873] : memref<8x!tpu.dma_semaphore, #tpu.memory_space<semaphore_mem>> -> memref<1x!tpu.dma_semaphore, #tpu.memory_space<semaphore_mem>>
        %dma_start3A_883 = tpu.memref_squeeze %dma_start3A_882 : memref<1x!tpu.dma_semaphore, #tpu.memory_space<semaphore_mem>> -> memref<!tpu.dma_semaphore, #tpu.memory_space<semaphore_mem>>
        tpu.enqueue_indirect_dma source(%dma_start3A_881 : memref<10000x16xf32, #tpu.memory_space<hbm>>) target(%dma_start3A_877 : memref<80x16xf32, #tpu.memory_space<vmem>>) offsets(%dma_start3A_878 : memref<80xi32, #tpu.memory_space<vmem>>) semaphore(%dma_start3A_883 : memref<!tpu.dma_semaphore, #tpu.memory_space<semaphore_mem>>)
      } else {
      }
      %add3A_774 = arith.constant 6 : i32
      %add3A_775 = arith.addi %add3A_539, %add3A_774 : i32
      %mul3A_776 = arith.constant 80 : i32
      %mul3A_777 = arith.muli %add3A_775, %mul3A_776 : i32
      %multiple_of3A_778 = tpu.assume_multiple %mul3A_777, 8 : i32
      %dma_wait3A_779 = arith.constant 6 : i32
      %dma_wait3A_780 = arith.constant 6 : i32
      %dma_wait3A_781 = arith.constant 0 : i32
      %dma_wait3A_782 = arith.constant 0 : i32
      %dma_wait3A_783 = tpu.memref_slice %arg8[%dma_wait3A_779, %dma_wait3A_781, %dma_wait3A_782] : memref<8x80x16xf32, #tpu.memory_space<vmem>> -> memref<1x80x16xf32, #tpu.memory_space<vmem>>
      %dma_wait3A_784 = tpu.memref_squeeze %dma_wait3A_783 : memref<1x80x16xf32, #tpu.memory_space<vmem>> -> memref<80x16xf32, #tpu.memory_space<vmem>>
      %dma_wait3A_785 = tpu.memref_slice %arg6[%multiple_of3A_778] : memref<10000xi32, #tpu.memory_space<vmem>> -> memref<80xi32, #tpu.memory_space<vmem>>
      %dma_wait3A_786 = arith.constant 0 : i32
      %dma_wait3A_787 = arith.constant 0 : i32
      %dma_wait3A_788 = tpu.memref_slice %arg2[%dma_wait3A_786, %dma_wait3A_787] : memref<10000x16xf32, #tpu.memory_space<hbm>> -> memref<10000x16xf32, #tpu.memory_space<hbm>>
      %dma_wait3A_789 = tpu.memref_slice %arg10[%dma_wait3A_780] : memref<8x!tpu.dma_semaphore, #tpu.memory_space<semaphore_mem>> -> memref<1x!tpu.dma_semaphore, #tpu.memory_space<semaphore_mem>>
      %dma_wait3A_790 = tpu.memref_squeeze %dma_wait3A_789 : memref<1x!tpu.dma_semaphore, #tpu.memory_space<semaphore_mem>> -> memref<!tpu.dma_semaphore, #tpu.memory_space<semaphore_mem>>
      tpu.wait_indirect_dma semaphore(%dma_wait3A_790 : memref<!tpu.dma_semaphore, #tpu.memory_space<semaphore_mem>>) src(%dma_wait3A_788 : memref<10000x16xf32, #tpu.memory_space<hbm>>) dst(%dma_wait3A_784 : memref<80x16xf32, #tpu.memory_space<vmem>>)
      %mul3A_791 = arith.constant 80 : i32
      %mul3A_792 = arith.muli %add3A_775, %mul3A_791 : i32
      %multiple_of3A_793 = tpu.assume_multiple %mul3A_792, 8 : i32
      %dma_start3A_794 = arith.constant 6 : i32
      %dma_start3A_795 = arith.constant 6 : i32
      %dma_start3A_796 = arith.constant 0 : i32
      %dma_start3A_797 = arith.constant 0 : i32
      %dma_start3A_798 = tpu.memref_slice %arg8[%dma_start3A_794, %dma_start3A_796, %dma_start3A_797] : memref<8x80x16xf32, #tpu.memory_space<vmem>> -> memref<1x80x16xf32, #tpu.memory_space<vmem>>
      %dma_start3A_799 = tpu.memref_squeeze %dma_start3A_798 : memref<1x80x16xf32, #tpu.memory_space<vmem>> -> memref<80x16xf32, #tpu.memory_space<vmem>>
      %dma_start3A_800 = tpu.memref_slice %arg7[%multiple_of3A_793] : memref<10000xi32, #tpu.memory_space<vmem>> -> memref<80xi32, #tpu.memory_space<vmem>>
      %dma_start3A_801 = arith.constant 0 : i32
      %dma_start3A_802 = arith.constant 0 : i32
      %dma_start3A_803 = tpu.memref_slice %arg9[%dma_start3A_801, %dma_start3A_802] : memref<10000x16xf32, #tpu.memory_space<vmem_shared>> -> memref<10000x16xf32, #tpu.memory_space<vmem_shared>>
      %dma_start3A_804 = tpu.memref_slice %arg11[%dma_start3A_795] : memref<8x!tpu.dma_semaphore, #tpu.memory_space<semaphore_mem>> -> memref<1x!tpu.dma_semaphore, #tpu.memory_space<semaphore_mem>>
      %dma_start3A_805 = tpu.memref_squeeze %dma_start3A_804 : memref<1x!tpu.dma_semaphore, #tpu.memory_space<semaphore_mem>> -> memref<!tpu.dma_semaphore, #tpu.memory_space<semaphore_mem>>
      tpu.enqueue_indirect_dma source(%dma_start3A_799 : memref<80x16xf32, #tpu.memory_space<vmem>>) target(%dma_start3A_803 : memref<10000x16xf32, #tpu.memory_space<vmem_shared>>) offsets(%dma_start3A_800 : memref<80xi32, #tpu.memory_space<vmem>>) semaphore(%dma_start3A_805 : memref<!tpu.dma_semaphore, #tpu.memory_space<semaphore_mem>>) {add = true}
      %add3A_806 = arith.constant 8 : i32
      %add3A_807 = arith.addi %add3A_775, %add3A_806 : i32
      %lt3A_808 = arith.constant 125 : i32
      %lt3A_809 = arith.cmpi slt, %add3A_807, %lt3A_808 : i32
      %convert_element_type3A_810 = arith.extui %lt3A_809 : i1 to i32
      %cond3A_811 = arith.constant 0 : i32
      %cond3A_812 = arith.cmpi ne, %convert_element_type3A_810, %cond3A_811 : i32
      scf.if %cond3A_812 {
        %mul3A_852 = arith.constant 80 : i32
        %mul3A_853 = arith.muli %add3A_775, %mul3A_852 : i32
        %multiple_of3A_854 = tpu.assume_multiple %mul3A_853, 8 : i32
        %dma_wait3A_855 = arith.constant 6 : i32
        %dma_wait3A_856 = arith.constant 6 : i32
        %dma_wait3A_857 = arith.constant 0 : i32
        %dma_wait3A_858 = arith.constant 0 : i32
        %dma_wait3A_859 = tpu.memref_slice %arg8[%dma_wait3A_855, %dma_wait3A_857, %dma_wait3A_858] : memref<8x80x16xf32, #tpu.memory_space<vmem>> -> memref<1x80x16xf32, #tpu.memory_space<vmem>>
        %dma_wait3A_860 = tpu.memref_squeeze %dma_wait3A_859 : memref<1x80x16xf32, #tpu.memory_space<vmem>> -> memref<80x16xf32, #tpu.memory_space<vmem>>
        %dma_wait3A_861 = tpu.memref_slice %arg7[%multiple_of3A_854] : memref<10000xi32, #tpu.memory_space<vmem>> -> memref<80xi32, #tpu.memory_space<vmem>>
        %dma_wait3A_862 = arith.constant 0 : i32
        %dma_wait3A_863 = arith.constant 0 : i32
        %dma_wait3A_864 = tpu.memref_slice %arg9[%dma_wait3A_862, %dma_wait3A_863] : memref<10000x16xf32, #tpu.memory_space<vmem_shared>> -> memref<10000x16xf32, #tpu.memory_space<vmem_shared>>
        %dma_wait3A_865 = tpu.memref_slice %arg11[%dma_wait3A_856] : memref<8x!tpu.dma_semaphore, #tpu.memory_space<semaphore_mem>> -> memref<1x!tpu.dma_semaphore, #tpu.memory_space<semaphore_mem>>
        %dma_wait3A_866 = tpu.memref_squeeze %dma_wait3A_865 : memref<1x!tpu.dma_semaphore, #tpu.memory_space<semaphore_mem>> -> memref<!tpu.dma_semaphore, #tpu.memory_space<semaphore_mem>>
        tpu.wait_indirect_dma semaphore(%dma_wait3A_866 : memref<!tpu.dma_semaphore, #tpu.memory_space<semaphore_mem>>) src(%dma_wait3A_860 : memref<80x16xf32, #tpu.memory_space<vmem>>) dst(%dma_wait3A_864 : memref<10000x16xf32, #tpu.memory_space<vmem_shared>>)
        %add3A_867 = arith.constant 8 : i32
        %add3A_868 = arith.addi %add3A_775, %add3A_867 : i32
        %mul3A_869 = arith.constant 80 : i32
        %mul3A_870 = arith.muli %add3A_868, %mul3A_869 : i32
        %multiple_of3A_871 = tpu.assume_multiple %mul3A_870, 8 : i32
        %dma_start3A_872 = arith.constant 6 : i32
        %dma_start3A_873 = arith.constant 6 : i32
        %dma_start3A_874 = arith.constant 0 : i32
        %dma_start3A_875 = arith.constant 0 : i32
        %dma_start3A_876 = tpu.memref_slice %arg8[%dma_start3A_872, %dma_start3A_874, %dma_start3A_875] : memref<8x80x16xf32, #tpu.memory_space<vmem>> -> memref<1x80x16xf32, #tpu.memory_space<vmem>>
        %dma_start3A_877 = tpu.memref_squeeze %dma_start3A_876 : memref<1x80x16xf32, #tpu.memory_space<vmem>> -> memref<80x16xf32, #tpu.memory_space<vmem>>
        %dma_start3A_878 = tpu.memref_slice %arg6[%multiple_of3A_871] : memref<10000xi32, #tpu.memory_space<vmem>> -> memref<80xi32, #tpu.memory_space<vmem>>
        %dma_start3A_879 = arith.constant 0 : i32
        %dma_start3A_880 = arith.constant 0 : i32
        %dma_start3A_881 = tpu.memref_slice %arg2[%dma_start3A_879, %dma_start3A_880] : memref<10000x16xf32, #tpu.memory_space<hbm>> -> memref<10000x16xf32, #tpu.memory_space<hbm>>
        %dma_start3A_882 = tpu.memref_slice %arg10[%dma_start3A_873] : memref<8x!tpu.dma_semaphore, #tpu.memory_space<semaphore_mem>> -> memref<1x!tpu.dma_semaphore, #tpu.memory_space<semaphore_mem>>
        %dma_start3A_883 = tpu.memref_squeeze %dma_start3A_882 : memref<1x!tpu.dma_semaphore, #tpu.memory_space<semaphore_mem>> -> memref<!tpu.dma_semaphore, #tpu.memory_space<semaphore_mem>>
        tpu.enqueue_indirect_dma source(%dma_start3A_881 : memref<10000x16xf32, #tpu.memory_space<hbm>>) target(%dma_start3A_877 : memref<80x16xf32, #tpu.memory_space<vmem>>) offsets(%dma_start3A_878 : memref<80xi32, #tpu.memory_space<vmem>>) semaphore(%dma_start3A_883 : memref<!tpu.dma_semaphore, #tpu.memory_space<semaphore_mem>>)
      } else {
      }
      %add3A_813 = arith.constant 7 : i32
      %add3A_814 = arith.addi %add3A_539, %add3A_813 : i32
      %mul3A_815 = arith.constant 80 : i32
      %mul3A_816 = arith.muli %add3A_814, %mul3A_815 : i32
      %multiple_of3A_817 = tpu.assume_multiple %mul3A_816, 8 : i32
      %dma_wait3A_818 = arith.constant 7 : i32
      %dma_wait3A_819 = arith.constant 7 : i32
      %dma_wait3A_820 = arith.constant 0 : i32
      %dma_wait3A_821 = arith.constant 0 : i32
      %dma_wait3A_822 = tpu.memref_slice %arg8[%dma_wait3A_818, %dma_wait3A_820, %dma_wait3A_821] : memref<8x80x16xf32, #tpu.memory_space<vmem>> -> memref<1x80x16xf32, #tpu.memory_space<vmem>>
      %dma_wait3A_823 = tpu.memref_squeeze %dma_wait3A_822 : memref<1x80x16xf32, #tpu.memory_space<vmem>> -> memref<80x16xf32, #tpu.memory_space<vmem>>
      %dma_wait3A_824 = tpu.memref_slice %arg6[%multiple_of3A_817] : memref<10000xi32, #tpu.memory_space<vmem>> -> memref<80xi32, #tpu.memory_space<vmem>>
      %dma_wait3A_825 = arith.constant 0 : i32
      %dma_wait3A_826 = arith.constant 0 : i32
      %dma_wait3A_827 = tpu.memref_slice %arg2[%dma_wait3A_825, %dma_wait3A_826] : memref<10000x16xf32, #tpu.memory_space<hbm>> -> memref<10000x16xf32, #tpu.memory_space<hbm>>
      %dma_wait3A_828 = tpu.memref_slice %arg10[%dma_wait3A_819] : memref<8x!tpu.dma_semaphore, #tpu.memory_space<semaphore_mem>> -> memref<1x!tpu.dma_semaphore, #tpu.memory_space<semaphore_mem>>
      %dma_wait3A_829 = tpu.memref_squeeze %dma_wait3A_828 : memref<1x!tpu.dma_semaphore, #tpu.memory_space<semaphore_mem>> -> memref<!tpu.dma_semaphore, #tpu.memory_space<semaphore_mem>>
      tpu.wait_indirect_dma semaphore(%dma_wait3A_829 : memref<!tpu.dma_semaphore, #tpu.memory_space<semaphore_mem>>) src(%dma_wait3A_827 : memref<10000x16xf32, #tpu.memory_space<hbm>>) dst(%dma_wait3A_823 : memref<80x16xf32, #tpu.memory_space<vmem>>)
      %mul3A_830 = arith.constant 80 : i32
      %mul3A_831 = arith.muli %add3A_814, %mul3A_830 : i32
      %multiple_of3A_832 = tpu.assume_multiple %mul3A_831, 8 : i32
      %dma_start3A_833 = arith.constant 7 : i32
      %dma_start3A_834 = arith.constant 7 : i32
      %dma_start3A_835 = arith.constant 0 : i32
      %dma_start3A_836 = arith.constant 0 : i32
      %dma_start3A_837 = tpu.memref_slice %arg8[%dma_start3A_833, %dma_start3A_835, %dma_start3A_836] : memref<8x80x16xf32, #tpu.memory_space<vmem>> -> memref<1x80x16xf32, #tpu.memory_space<vmem>>
      %dma_start3A_838 = tpu.memref_squeeze %dma_start3A_837 : memref<1x80x16xf32, #tpu.memory_space<vmem>> -> memref<80x16xf32, #tpu.memory_space<vmem>>
      %dma_start3A_839 = tpu.memref_slice %arg7[%multiple_of3A_832] : memref<10000xi32, #tpu.memory_space<vmem>> -> memref<80xi32, #tpu.memory_space<vmem>>
      %dma_start3A_840 = arith.constant 0 : i32
      %dma_start3A_841 = arith.constant 0 : i32
      %dma_start3A_842 = tpu.memref_slice %arg9[%dma_start3A_840, %dma_start3A_841] : memref<10000x16xf32, #tpu.memory_space<vmem_shared>> -> memref<10000x16xf32, #tpu.memory_space<vmem_shared>>
      %dma_start3A_843 = tpu.memref_slice %arg11[%dma_start3A_834] : memref<8x!tpu.dma_semaphore, #tpu.memory_space<semaphore_mem>> -> memref<1x!tpu.dma_semaphore, #tpu.memory_space<semaphore_mem>>
      %dma_start3A_844 = tpu.memref_squeeze %dma_start3A_843 : memref<1x!tpu.dma_semaphore, #tpu.memory_space<semaphore_mem>> -> memref<!tpu.dma_semaphore, #tpu.memory_space<semaphore_mem>>
      tpu.enqueue_indirect_dma source(%dma_start3A_838 : memref<80x16xf32, #tpu.memory_space<vmem>>) target(%dma_start3A_842 : memref<10000x16xf32, #tpu.memory_space<vmem_shared>>) offsets(%dma_start3A_839 : memref<80xi32, #tpu.memory_space<vmem>>) semaphore(%dma_start3A_844 : memref<!tpu.dma_semaphore, #tpu.memory_space<semaphore_mem>>) {add = true}
      %add3A_845 = arith.constant 8 : i32
      %add3A_846 = arith.addi %add3A_814, %add3A_845 : i32
      %lt3A_847 = arith.constant 125 : i32
      %lt3A_848 = arith.cmpi slt, %add3A_846, %lt3A_847 : i32
      %convert_element_type3A_849 = arith.extui %lt3A_848 : i1 to i32
      %cond3A_850 = arith.constant 0 : i32
      %cond3A_851 = arith.cmpi ne, %convert_element_type3A_849, %cond3A_850 : i32
      scf.if %cond3A_851 {
        %mul3A_852 = arith.constant 80 : i32
        %mul3A_853 = arith.muli %add3A_814, %mul3A_852 : i32
        %multiple_of3A_854 = tpu.assume_multiple %mul3A_853, 8 : i32
        %dma_wait3A_855 = arith.constant 7 : i32
        %dma_wait3A_856 = arith.constant 7 : i32
        %dma_wait3A_857 = arith.constant 0 : i32
        %dma_wait3A_858 = arith.constant 0 : i32
        %dma_wait3A_859 = tpu.memref_slice %arg8[%dma_wait3A_855, %dma_wait3A_857, %dma_wait3A_858] : memref<8x80x16xf32, #tpu.memory_space<vmem>> -> memref<1x80x16xf32, #tpu.memory_space<vmem>>
        %dma_wait3A_860 = tpu.memref_squeeze %dma_wait3A_859 : memref<1x80x16xf32, #tpu.memory_space<vmem>> -> memref<80x16xf32, #tpu.memory_space<vmem>>
        %dma_wait3A_861 = tpu.memref_slice %arg7[%multiple_of3A_854] : memref<10000xi32, #tpu.memory_space<vmem>> -> memref<80xi32, #tpu.memory_space<vmem>>
        %dma_wait3A_862 = arith.constant 0 : i32
        %dma_wait3A_863 = arith.constant 0 : i32
        %dma_wait3A_864 = tpu.memref_slice %arg9[%dma_wait3A_862, %dma_wait3A_863] : memref<10000x16xf32, #tpu.memory_space<vmem_shared>> -> memref<10000x16xf32, #tpu.memory_space<vmem_shared>>
        %dma_wait3A_865 = tpu.memref_slice %arg11[%dma_wait3A_856] : memref<8x!tpu.dma_semaphore, #tpu.memory_space<semaphore_mem>> -> memref<1x!tpu.dma_semaphore, #tpu.memory_space<semaphore_mem>>
        %dma_wait3A_866 = tpu.memref_squeeze %dma_wait3A_865 : memref<1x!tpu.dma_semaphore, #tpu.memory_space<semaphore_mem>> -> memref<!tpu.dma_semaphore, #tpu.memory_space<semaphore_mem>>
        tpu.wait_indirect_dma semaphore(%dma_wait3A_866 : memref<!tpu.dma_semaphore, #tpu.memory_space<semaphore_mem>>) src(%dma_wait3A_860 : memref<80x16xf32, #tpu.memory_space<vmem>>) dst(%dma_wait3A_864 : memref<10000x16xf32, #tpu.memory_space<vmem_shared>>)
        %add3A_867 = arith.constant 8 : i32
        %add3A_868 = arith.addi %add3A_814, %add3A_867 : i32
        %mul3A_869 = arith.constant 80 : i32
        %mul3A_870 = arith.muli %add3A_868, %mul3A_869 : i32
        %multiple_of3A_871 = tpu.assume_multiple %mul3A_870, 8 : i32
        %dma_start3A_872 = arith.constant 7 : i32
        %dma_start3A_873 = arith.constant 7 : i32
        %dma_start3A_874 = arith.constant 0 : i32
        %dma_start3A_875 = arith.constant 0 : i32
        %dma_start3A_876 = tpu.memref_slice %arg8[%dma_start3A_872, %dma_start3A_874, %dma_start3A_875] : memref<8x80x16xf32, #tpu.memory_space<vmem>> -> memref<1x80x16xf32, #tpu.memory_space<vmem>>
        %dma_start3A_877 = tpu.memref_squeeze %dma_start3A_876 : memref<1x80x16xf32, #tpu.memory_space<vmem>> -> memref<80x16xf32, #tpu.memory_space<vmem>>
        %dma_start3A_878 = tpu.memref_slice %arg6[%multiple_of3A_871] : memref<10000xi32, #tpu.memory_space<vmem>> -> memref<80xi32, #tpu.memory_space<vmem>>
        %dma_start3A_879 = arith.constant 0 : i32
        %dma_start3A_880 = arith.constant 0 : i32
        %dma_start3A_881 = tpu.memref_slice %arg2[%dma_start3A_879, %dma_start3A_880] : memref<10000x16xf32, #tpu.memory_space<hbm>> -> memref<10000x16xf32, #tpu.memory_space<hbm>>
        %dma_start3A_882 = tpu.memref_slice %arg10[%dma_start3A_873] : memref<8x!tpu.dma_semaphore, #tpu.memory_space<semaphore_mem>> -> memref<1x!tpu.dma_semaphore, #tpu.memory_space<semaphore_mem>>
        %dma_start3A_883 = tpu.memref_squeeze %dma_start3A_882 : memref<1x!tpu.dma_semaphore, #tpu.memory_space<semaphore_mem>> -> memref<!tpu.dma_semaphore, #tpu.memory_space<semaphore_mem>>
        tpu.enqueue_indirect_dma source(%dma_start3A_881 : memref<10000x16xf32, #tpu.memory_space<hbm>>) target(%dma_start3A_877 : memref<80x16xf32, #tpu.memory_space<vmem>>) offsets(%dma_start3A_878 : memref<80xi32, #tpu.memory_space<vmem>>) semaphore(%dma_start3A_883 : memref<!tpu.dma_semaphore, #tpu.memory_space<semaphore_mem>>)
      } else {
      }
    }
    %scan3A_202 = arith.constant 15 : i32
    %multiple_of3A_203 = arith.constant 9600 : i32
    %multiple_of3A_204 = tpu.assume_multiple %multiple_of3A_203, 8 : i32
    %dma_wait3A = arith.constant 0 : i32
    %dma_wait3A_205 = arith.constant 0 : i32
    %dma_wait3A_206 = arith.constant 0 : i32
    %dma_wait3A_207 = arith.constant 0 : i32
    %dma_wait3A_208 = tpu.memref_slice %arg8[%dma_wait3A, %dma_wait3A_206, %dma_wait3A_207] : memref<8x80x16xf32, #tpu.memory_space<vmem>> -> memref<1x80x16xf32, #tpu.memory_space<vmem>>
    %dma_wait3A_209 = tpu.memref_squeeze %dma_wait3A_208 : memref<1x80x16xf32, #tpu.memory_space<vmem>> -> memref<80x16xf32, #tpu.memory_space<vmem>>
    %dma_wait3A_210 = tpu.memref_slice %arg6[%multiple_of3A_204] : memref<10000xi32, #tpu.memory_space<vmem>> -> memref<80xi32, #tpu.memory_space<vmem>>
    %dma_wait3A_211 = arith.constant 0 : i32
    %dma_wait3A_212 = arith.constant 0 : i32
    %dma_wait3A_213 = tpu.memref_slice %arg2[%dma_wait3A_211, %dma_wait3A_212] : memref<10000x16xf32, #tpu.memory_space<hbm>> -> memref<10000x16xf32, #tpu.memory_space<hbm>>
    %dma_wait3A_214 = tpu.memref_slice %arg10[%dma_wait3A_205] : memref<8x!tpu.dma_semaphore, #tpu.memory_space<semaphore_mem>> -> memref<1x!tpu.dma_semaphore, #tpu.memory_space<semaphore_mem>>
    %dma_wait3A_215 = tpu.memref_squeeze %dma_wait3A_214 : memref<1x!tpu.dma_semaphore, #tpu.memory_space<semaphore_mem>> -> memref<!tpu.dma_semaphore, #tpu.memory_space<semaphore_mem>>
    tpu.wait_indirect_dma semaphore(%dma_wait3A_215 : memref<!tpu.dma_semaphore, #tpu.memory_space<semaphore_mem>>) src(%dma_wait3A_213 : memref<10000x16xf32, #tpu.memory_space<hbm>>) dst(%dma_wait3A_209 : memref<80x16xf32, #tpu.memory_space<vmem>>)
    %multiple_of3A_216 = arith.constant 9600 : i32
    %multiple_of3A_217 = tpu.assume_multiple %multiple_of3A_216, 8 : i32
    %dma_start3A_218 = arith.constant 0 : i32
    %dma_start3A_219 = arith.constant 0 : i32
    %dma_start3A_220 = arith.constant 0 : i32
    %dma_start3A_221 = arith.constant 0 : i32
    %dma_start3A_222 = tpu.memref_slice %arg8[%dma_start3A_218, %dma_start3A_220, %dma_start3A_221] : memref<8x80x16xf32, #tpu.memory_space<vmem>> -> memref<1x80x16xf32, #tpu.memory_space<vmem>>
    %dma_start3A_223 = tpu.memref_squeeze %dma_start3A_222 : memref<1x80x16xf32, #tpu.memory_space<vmem>> -> memref<80x16xf32, #tpu.memory_space<vmem>>
    %dma_start3A_224 = tpu.memref_slice %arg7[%multiple_of3A_217] : memref<10000xi32, #tpu.memory_space<vmem>> -> memref<80xi32, #tpu.memory_space<vmem>>
    %dma_start3A_225 = arith.constant 0 : i32
    %dma_start3A_226 = arith.constant 0 : i32
    %dma_start3A_227 = tpu.memref_slice %arg9[%dma_start3A_225, %dma_start3A_226] : memref<10000x16xf32, #tpu.memory_space<vmem_shared>> -> memref<10000x16xf32, #tpu.memory_space<vmem_shared>>
    %dma_start3A_228 = tpu.memref_slice %arg11[%dma_start3A_219] : memref<8x!tpu.dma_semaphore, #tpu.memory_space<semaphore_mem>> -> memref<1x!tpu.dma_semaphore, #tpu.memory_space<semaphore_mem>>
    %dma_start3A_229 = tpu.memref_squeeze %dma_start3A_228 : memref<1x!tpu.dma_semaphore, #tpu.memory_space<semaphore_mem>> -> memref<!tpu.dma_semaphore, #tpu.memory_space<semaphore_mem>>
    tpu.enqueue_indirect_dma source(%dma_start3A_223 : memref<80x16xf32, #tpu.memory_space<vmem>>) target(%dma_start3A_227 : memref<10000x16xf32, #tpu.memory_space<vmem_shared>>) offsets(%dma_start3A_224 : memref<80xi32, #tpu.memory_space<vmem>>) semaphore(%dma_start3A_229 : memref<!tpu.dma_semaphore, #tpu.memory_space<semaphore_mem>>) {add = true}
    %multiple_of3A_230 = arith.constant 9680 : i32
    %multiple_of3A_231 = tpu.assume_multiple %multiple_of3A_230, 8 : i32
    %dma_wait3A_232 = arith.constant 1 : i32
    %dma_wait3A_233 = arith.constant 1 : i32
    %dma_wait3A_234 = arith.constant 0 : i32
    %dma_wait3A_235 = arith.constant 0 : i32
    %dma_wait3A_236 = tpu.memref_slice %arg8[%dma_wait3A_232, %dma_wait3A_234, %dma_wait3A_235] : memref<8x80x16xf32, #tpu.memory_space<vmem>> -> memref<1x80x16xf32, #tpu.memory_space<vmem>>
    %dma_wait3A_237 = tpu.memref_squeeze %dma_wait3A_236 : memref<1x80x16xf32, #tpu.memory_space<vmem>> -> memref<80x16xf32, #tpu.memory_space<vmem>>
    %dma_wait3A_238 = tpu.memref_slice %arg6[%multiple_of3A_231] : memref<10000xi32, #tpu.memory_space<vmem>> -> memref<80xi32, #tpu.memory_space<vmem>>
    %dma_wait3A_239 = arith.constant 0 : i32
    %dma_wait3A_240 = arith.constant 0 : i32
    %dma_wait3A_241 = tpu.memref_slice %arg2[%dma_wait3A_239, %dma_wait3A_240] : memref<10000x16xf32, #tpu.memory_space<hbm>> -> memref<10000x16xf32, #tpu.memory_space<hbm>>
    %dma_wait3A_242 = tpu.memref_slice %arg10[%dma_wait3A_233] : memref<8x!tpu.dma_semaphore, #tpu.memory_space<semaphore_mem>> -> memref<1x!tpu.dma_semaphore, #tpu.memory_space<semaphore_mem>>
    %dma_wait3A_243 = tpu.memref_squeeze %dma_wait3A_242 : memref<1x!tpu.dma_semaphore, #tpu.memory_space<semaphore_mem>> -> memref<!tpu.dma_semaphore, #tpu.memory_space<semaphore_mem>>
    tpu.wait_indirect_dma semaphore(%dma_wait3A_243 : memref<!tpu.dma_semaphore, #tpu.memory_space<semaphore_mem>>) src(%dma_wait3A_241 : memref<10000x16xf32, #tpu.memory_space<hbm>>) dst(%dma_wait3A_237 : memref<80x16xf32, #tpu.memory_space<vmem>>)
    %multiple_of3A_244 = arith.constant 9680 : i32
    %multiple_of3A_245 = tpu.assume_multiple %multiple_of3A_244, 8 : i32
    %dma_start3A_246 = arith.constant 1 : i32
    %dma_start3A_247 = arith.constant 1 : i32
    %dma_start3A_248 = arith.constant 0 : i32
    %dma_start3A_249 = arith.constant 0 : i32
    %dma_start3A_250 = tpu.memref_slice %arg8[%dma_start3A_246, %dma_start3A_248, %dma_start3A_249] : memref<8x80x16xf32, #tpu.memory_space<vmem>> -> memref<1x80x16xf32, #tpu.memory_space<vmem>>
    %dma_start3A_251 = tpu.memref_squeeze %dma_start3A_250 : memref<1x80x16xf32, #tpu.memory_space<vmem>> -> memref<80x16xf32, #tpu.memory_space<vmem>>
    %dma_start3A_252 = tpu.memref_slice %arg7[%multiple_of3A_245] : memref<10000xi32, #tpu.memory_space<vmem>> -> memref<80xi32, #tpu.memory_space<vmem>>
    %dma_start3A_253 = arith.constant 0 : i32
    %dma_start3A_254 = arith.constant 0 : i32
    %dma_start3A_255 = tpu.memref_slice %arg9[%dma_start3A_253, %dma_start3A_254] : memref<10000x16xf32, #tpu.memory_space<vmem_shared>> -> memref<10000x16xf32, #tpu.memory_space<vmem_shared>>
    %dma_start3A_256 = tpu.memref_slice %arg11[%dma_start3A_247] : memref<8x!tpu.dma_semaphore, #tpu.memory_space<semaphore_mem>> -> memref<1x!tpu.dma_semaphore, #tpu.memory_space<semaphore_mem>>
    %dma_start3A_257 = tpu.memref_squeeze %dma_start3A_256 : memref<1x!tpu.dma_semaphore, #tpu.memory_space<semaphore_mem>> -> memref<!tpu.dma_semaphore, #tpu.memory_space<semaphore_mem>>
    tpu.enqueue_indirect_dma source(%dma_start3A_251 : memref<80x16xf32, #tpu.memory_space<vmem>>) target(%dma_start3A_255 : memref<10000x16xf32, #tpu.memory_space<vmem_shared>>) offsets(%dma_start3A_252 : memref<80xi32, #tpu.memory_space<vmem>>) semaphore(%dma_start3A_257 : memref<!tpu.dma_semaphore, #tpu.memory_space<semaphore_mem>>) {add = true}
    %multiple_of3A_258 = arith.constant 9760 : i32
    %multiple_of3A_259 = tpu.assume_multiple %multiple_of3A_258, 8 : i32
    %dma_wait3A_260 = arith.constant 2 : i32
    %dma_wait3A_261 = arith.constant 2 : i32
    %dma_wait3A_262 = arith.constant 0 : i32
    %dma_wait3A_263 = arith.constant 0 : i32
    %dma_wait3A_264 = tpu.memref_slice %arg8[%dma_wait3A_260, %dma_wait3A_262, %dma_wait3A_263] : memref<8x80x16xf32, #tpu.memory_space<vmem>> -> memref<1x80x16xf32, #tpu.memory_space<vmem>>
    %dma_wait3A_265 = tpu.memref_squeeze %dma_wait3A_264 : memref<1x80x16xf32, #tpu.memory_space<vmem>> -> memref<80x16xf32, #tpu.memory_space<vmem>>
    %dma_wait3A_266 = tpu.memref_slice %arg6[%multiple_of3A_259] : memref<10000xi32, #tpu.memory_space<vmem>> -> memref<80xi32, #tpu.memory_space<vmem>>
    %dma_wait3A_267 = arith.constant 0 : i32
    %dma_wait3A_268 = arith.constant 0 : i32
    %dma_wait3A_269 = tpu.memref_slice %arg2[%dma_wait3A_267, %dma_wait3A_268] : memref<10000x16xf32, #tpu.memory_space<hbm>> -> memref<10000x16xf32, #tpu.memory_space<hbm>>
    %dma_wait3A_270 = tpu.memref_slice %arg10[%dma_wait3A_261] : memref<8x!tpu.dma_semaphore, #tpu.memory_space<semaphore_mem>> -> memref<1x!tpu.dma_semaphore, #tpu.memory_space<semaphore_mem>>
    %dma_wait3A_271 = tpu.memref_squeeze %dma_wait3A_270 : memref<1x!tpu.dma_semaphore, #tpu.memory_space<semaphore_mem>> -> memref<!tpu.dma_semaphore, #tpu.memory_space<semaphore_mem>>
    tpu.wait_indirect_dma semaphore(%dma_wait3A_271 : memref<!tpu.dma_semaphore, #tpu.memory_space<semaphore_mem>>) src(%dma_wait3A_269 : memref<10000x16xf32, #tpu.memory_space<hbm>>) dst(%dma_wait3A_265 : memref<80x16xf32, #tpu.memory_space<vmem>>)
    %multiple_of3A_272 = arith.constant 9760 : i32
    %multiple_of3A_273 = tpu.assume_multiple %multiple_of3A_272, 8 : i32
    %dma_start3A_274 = arith.constant 2 : i32
    %dma_start3A_275 = arith.constant 2 : i32
    %dma_start3A_276 = arith.constant 0 : i32
    %dma_start3A_277 = arith.constant 0 : i32
    %dma_start3A_278 = tpu.memref_slice %arg8[%dma_start3A_274, %dma_start3A_276, %dma_start3A_277] : memref<8x80x16xf32, #tpu.memory_space<vmem>> -> memref<1x80x16xf32, #tpu.memory_space<vmem>>
    %dma_start3A_279 = tpu.memref_squeeze %dma_start3A_278 : memref<1x80x16xf32, #tpu.memory_space<vmem>> -> memref<80x16xf32, #tpu.memory_space<vmem>>
    %dma_start3A_280 = tpu.memref_slice %arg7[%multiple_of3A_273] : memref<10000xi32, #tpu.memory_space<vmem>> -> memref<80xi32, #tpu.memory_space<vmem>>
    %dma_start3A_281 = arith.constant 0 : i32
    %dma_start3A_282 = arith.constant 0 : i32
    %dma_start3A_283 = tpu.memref_slice %arg9[%dma_start3A_281, %dma_start3A_282] : memref<10000x16xf32, #tpu.memory_space<vmem_shared>> -> memref<10000x16xf32, #tpu.memory_space<vmem_shared>>
    %dma_start3A_284 = tpu.memref_slice %arg11[%dma_start3A_275] : memref<8x!tpu.dma_semaphore, #tpu.memory_space<semaphore_mem>> -> memref<1x!tpu.dma_semaphore, #tpu.memory_space<semaphore_mem>>
    %dma_start3A_285 = tpu.memref_squeeze %dma_start3A_284 : memref<1x!tpu.dma_semaphore, #tpu.memory_space<semaphore_mem>> -> memref<!tpu.dma_semaphore, #tpu.memory_space<semaphore_mem>>
    tpu.enqueue_indirect_dma source(%dma_start3A_279 : memref<80x16xf32, #tpu.memory_space<vmem>>) target(%dma_start3A_283 : memref<10000x16xf32, #tpu.memory_space<vmem_shared>>) offsets(%dma_start3A_280 : memref<80xi32, #tpu.memory_space<vmem>>) semaphore(%dma_start3A_285 : memref<!tpu.dma_semaphore, #tpu.memory_space<semaphore_mem>>) {add = true}
    %multiple_of3A_286 = arith.constant 9840 : i32
    %multiple_of3A_287 = tpu.assume_multiple %multiple_of3A_286, 8 : i32
    %dma_wait3A_288 = arith.constant 3 : i32
    %dma_wait3A_289 = arith.constant 3 : i32
    %dma_wait3A_290 = arith.constant 0 : i32
    %dma_wait3A_291 = arith.constant 0 : i32
    %dma_wait3A_292 = tpu.memref_slice %arg8[%dma_wait3A_288, %dma_wait3A_290, %dma_wait3A_291] : memref<8x80x16xf32, #tpu.memory_space<vmem>> -> memref<1x80x16xf32, #tpu.memory_space<vmem>>
    %dma_wait3A_293 = tpu.memref_squeeze %dma_wait3A_292 : memref<1x80x16xf32, #tpu.memory_space<vmem>> -> memref<80x16xf32, #tpu.memory_space<vmem>>
    %dma_wait3A_294 = tpu.memref_slice %arg6[%multiple_of3A_287] : memref<10000xi32, #tpu.memory_space<vmem>> -> memref<80xi32, #tpu.memory_space<vmem>>
    %dma_wait3A_295 = arith.constant 0 : i32
    %dma_wait3A_296 = arith.constant 0 : i32
    %dma_wait3A_297 = tpu.memref_slice %arg2[%dma_wait3A_295, %dma_wait3A_296] : memref<10000x16xf32, #tpu.memory_space<hbm>> -> memref<10000x16xf32, #tpu.memory_space<hbm>>
    %dma_wait3A_298 = tpu.memref_slice %arg10[%dma_wait3A_289] : memref<8x!tpu.dma_semaphore, #tpu.memory_space<semaphore_mem>> -> memref<1x!tpu.dma_semaphore, #tpu.memory_space<semaphore_mem>>
    %dma_wait3A_299 = tpu.memref_squeeze %dma_wait3A_298 : memref<1x!tpu.dma_semaphore, #tpu.memory_space<semaphore_mem>> -> memref<!tpu.dma_semaphore, #tpu.memory_space<semaphore_mem>>
    tpu.wait_indirect_dma semaphore(%dma_wait3A_299 : memref<!tpu.dma_semaphore, #tpu.memory_space<semaphore_mem>>) src(%dma_wait3A_297 : memref<10000x16xf32, #tpu.memory_space<hbm>>) dst(%dma_wait3A_293 : memref<80x16xf32, #tpu.memory_space<vmem>>)
    %multiple_of3A_300 = arith.constant 9840 : i32
    %multiple_of3A_301 = tpu.assume_multiple %multiple_of3A_300, 8 : i32
    %dma_start3A_302 = arith.constant 3 : i32
    %dma_start3A_303 = arith.constant 3 : i32
    %dma_start3A_304 = arith.constant 0 : i32
    %dma_start3A_305 = arith.constant 0 : i32
    %dma_start3A_306 = tpu.memref_slice %arg8[%dma_start3A_302, %dma_start3A_304, %dma_start3A_305] : memref<8x80x16xf32, #tpu.memory_space<vmem>> -> memref<1x80x16xf32, #tpu.memory_space<vmem>>
    %dma_start3A_307 = tpu.memref_squeeze %dma_start3A_306 : memref<1x80x16xf32, #tpu.memory_space<vmem>> -> memref<80x16xf32, #tpu.memory_space<vmem>>
    %dma_start3A_308 = tpu.memref_slice %arg7[%multiple_of3A_301] : memref<10000xi32, #tpu.memory_space<vmem>> -> memref<80xi32, #tpu.memory_space<vmem>>
    %dma_start3A_309 = arith.constant 0 : i32
    %dma_start3A_310 = arith.constant 0 : i32
    %dma_start3A_311 = tpu.memref_slice %arg9[%dma_start3A_309, %dma_start3A_310] : memref<10000x16xf32, #tpu.memory_space<vmem_shared>> -> memref<10000x16xf32, #tpu.memory_space<vmem_shared>>
    %dma_start3A_312 = tpu.memref_slice %arg11[%dma_start3A_303] : memref<8x!tpu.dma_semaphore, #tpu.memory_space<semaphore_mem>> -> memref<1x!tpu.dma_semaphore, #tpu.memory_space<semaphore_mem>>
    %dma_start3A_313 = tpu.memref_squeeze %dma_start3A_312 : memref<1x!tpu.dma_semaphore, #tpu.memory_space<semaphore_mem>> -> memref<!tpu.dma_semaphore, #tpu.memory_space<semaphore_mem>>
    tpu.enqueue_indirect_dma source(%dma_start3A_307 : memref<80x16xf32, #tpu.memory_space<vmem>>) target(%dma_start3A_311 : memref<10000x16xf32, #tpu.memory_space<vmem_shared>>) offsets(%dma_start3A_308 : memref<80xi32, #tpu.memory_space<vmem>>) semaphore(%dma_start3A_313 : memref<!tpu.dma_semaphore, #tpu.memory_space<semaphore_mem>>) {add = true}
    %multiple_of3A_314 = arith.constant 9920 : i32
    %multiple_of3A_315 = tpu.assume_multiple %multiple_of3A_314, 8 : i32
    %dma_wait3A_316 = arith.constant 4 : i32
    %dma_wait3A_317 = arith.constant 4 : i32
    %dma_wait3A_318 = arith.constant 0 : i32
    %dma_wait3A_319 = arith.constant 0 : i32
    %dma_wait3A_320 = tpu.memref_slice %arg8[%dma_wait3A_316, %dma_wait3A_318, %dma_wait3A_319] : memref<8x80x16xf32, #tpu.memory_space<vmem>> -> memref<1x80x16xf32, #tpu.memory_space<vmem>>
    %dma_wait3A_321 = tpu.memref_squeeze %dma_wait3A_320 : memref<1x80x16xf32, #tpu.memory_space<vmem>> -> memref<80x16xf32, #tpu.memory_space<vmem>>
    %dma_wait3A_322 = tpu.memref_slice %arg6[%multiple_of3A_315] : memref<10000xi32, #tpu.memory_space<vmem>> -> memref<80xi32, #tpu.memory_space<vmem>>
    %dma_wait3A_323 = arith.constant 0 : i32
    %dma_wait3A_324 = arith.constant 0 : i32
    %dma_wait3A_325 = tpu.memref_slice %arg2[%dma_wait3A_323, %dma_wait3A_324] : memref<10000x16xf32, #tpu.memory_space<hbm>> -> memref<10000x16xf32, #tpu.memory_space<hbm>>
    %dma_wait3A_326 = tpu.memref_slice %arg10[%dma_wait3A_317] : memref<8x!tpu.dma_semaphore, #tpu.memory_space<semaphore_mem>> -> memref<1x!tpu.dma_semaphore, #tpu.memory_space<semaphore_mem>>
    %dma_wait3A_327 = tpu.memref_squeeze %dma_wait3A_326 : memref<1x!tpu.dma_semaphore, #tpu.memory_space<semaphore_mem>> -> memref<!tpu.dma_semaphore, #tpu.memory_space<semaphore_mem>>
    tpu.wait_indirect_dma semaphore(%dma_wait3A_327 : memref<!tpu.dma_semaphore, #tpu.memory_space<semaphore_mem>>) src(%dma_wait3A_325 : memref<10000x16xf32, #tpu.memory_space<hbm>>) dst(%dma_wait3A_321 : memref<80x16xf32, #tpu.memory_space<vmem>>)
    %multiple_of3A_328 = arith.constant 9920 : i32
    %multiple_of3A_329 = tpu.assume_multiple %multiple_of3A_328, 8 : i32
    %dma_start3A_330 = arith.constant 4 : i32
    %dma_start3A_331 = arith.constant 4 : i32
    %dma_start3A_332 = arith.constant 0 : i32
    %dma_start3A_333 = arith.constant 0 : i32
    %dma_start3A_334 = tpu.memref_slice %arg8[%dma_start3A_330, %dma_start3A_332, %dma_start3A_333] : memref<8x80x16xf32, #tpu.memory_space<vmem>> -> memref<1x80x16xf32, #tpu.memory_space<vmem>>
    %dma_start3A_335 = tpu.memref_squeeze %dma_start3A_334 : memref<1x80x16xf32, #tpu.memory_space<vmem>> -> memref<80x16xf32, #tpu.memory_space<vmem>>
    %dma_start3A_336 = tpu.memref_slice %arg7[%multiple_of3A_329] : memref<10000xi32, #tpu.memory_space<vmem>> -> memref<80xi32, #tpu.memory_space<vmem>>
    %dma_start3A_337 = arith.constant 0 : i32
    %dma_start3A_338 = arith.constant 0 : i32
    %dma_start3A_339 = tpu.memref_slice %arg9[%dma_start3A_337, %dma_start3A_338] : memref<10000x16xf32, #tpu.memory_space<vmem_shared>> -> memref<10000x16xf32, #tpu.memory_space<vmem_shared>>
    %dma_start3A_340 = tpu.memref_slice %arg11[%dma_start3A_331] : memref<8x!tpu.dma_semaphore, #tpu.memory_space<semaphore_mem>> -> memref<1x!tpu.dma_semaphore, #tpu.memory_space<semaphore_mem>>
    %dma_start3A_341 = tpu.memref_squeeze %dma_start3A_340 : memref<1x!tpu.dma_semaphore, #tpu.memory_space<semaphore_mem>> -> memref<!tpu.dma_semaphore, #tpu.memory_space<semaphore_mem>>
    tpu.enqueue_indirect_dma source(%dma_start3A_335 : memref<80x16xf32, #tpu.memory_space<vmem>>) target(%dma_start3A_339 : memref<10000x16xf32, #tpu.memory_space<vmem_shared>>) offsets(%dma_start3A_336 : memref<80xi32, #tpu.memory_space<vmem>>) semaphore(%dma_start3A_341 : memref<!tpu.dma_semaphore, #tpu.memory_space<semaphore_mem>>) {add = true}
    %multiple_of3A_342 = arith.constant 9360 : i32
    %multiple_of3A_343 = tpu.assume_multiple %multiple_of3A_342, 8 : i32
    %dma_wait3A_344 = arith.constant 5 : i32
    %dma_wait3A_345 = arith.constant 5 : i32
    %dma_wait3A_346 = arith.constant 0 : i32
    %dma_wait3A_347 = arith.constant 0 : i32
    %dma_wait3A_348 = tpu.memref_slice %arg8[%dma_wait3A_344, %dma_wait3A_346, %dma_wait3A_347] : memref<8x80x16xf32, #tpu.memory_space<vmem>> -> memref<1x80x16xf32, #tpu.memory_space<vmem>>
    %dma_wait3A_349 = tpu.memref_squeeze %dma_wait3A_348 : memref<1x80x16xf32, #tpu.memory_space<vmem>> -> memref<80x16xf32, #tpu.memory_space<vmem>>
    %dma_wait3A_350 = tpu.memref_slice %arg7[%multiple_of3A_343] : memref<10000xi32, #tpu.memory_space<vmem>> -> memref<80xi32, #tpu.memory_space<vmem>>
    %dma_wait3A_351 = arith.constant 0 : i32
    %dma_wait3A_352 = arith.constant 0 : i32
    %dma_wait3A_353 = tpu.memref_slice %arg9[%dma_wait3A_351, %dma_wait3A_352] : memref<10000x16xf32, #tpu.memory_space<vmem_shared>> -> memref<10000x16xf32, #tpu.memory_space<vmem_shared>>
    %dma_wait3A_354 = tpu.memref_slice %arg11[%dma_wait3A_345] : memref<8x!tpu.dma_semaphore, #tpu.memory_space<semaphore_mem>> -> memref<1x!tpu.dma_semaphore, #tpu.memory_space<semaphore_mem>>
    %dma_wait3A_355 = tpu.memref_squeeze %dma_wait3A_354 : memref<1x!tpu.dma_semaphore, #tpu.memory_space<semaphore_mem>> -> memref<!tpu.dma_semaphore, #tpu.memory_space<semaphore_mem>>
    tpu.wait_indirect_dma semaphore(%dma_wait3A_355 : memref<!tpu.dma_semaphore, #tpu.memory_space<semaphore_mem>>) src(%dma_wait3A_349 : memref<80x16xf32, #tpu.memory_space<vmem>>) dst(%dma_wait3A_353 : memref<10000x16xf32, #tpu.memory_space<vmem_shared>>)
    %multiple_of3A_356 = arith.constant 9440 : i32
    %multiple_of3A_357 = tpu.assume_multiple %multiple_of3A_356, 8 : i32
    %dma_wait3A_358 = arith.constant 6 : i32
    %dma_wait3A_359 = arith.constant 6 : i32
    %dma_wait3A_360 = arith.constant 0 : i32
    %dma_wait3A_361 = arith.constant 0 : i32
    %dma_wait3A_362 = tpu.memref_slice %arg8[%dma_wait3A_358, %dma_wait3A_360, %dma_wait3A_361] : memref<8x80x16xf32, #tpu.memory_space<vmem>> -> memref<1x80x16xf32, #tpu.memory_space<vmem>>
    %dma_wait3A_363 = tpu.memref_squeeze %dma_wait3A_362 : memref<1x80x16xf32, #tpu.memory_space<vmem>> -> memref<80x16xf32, #tpu.memory_space<vmem>>
    %dma_wait3A_364 = tpu.memref_slice %arg7[%multiple_of3A_357] : memref<10000xi32, #tpu.memory_space<vmem>> -> memref<80xi32, #tpu.memory_space<vmem>>
    %dma_wait3A_365 = arith.constant 0 : i32
    %dma_wait3A_366 = arith.constant 0 : i32
    %dma_wait3A_367 = tpu.memref_slice %arg9[%dma_wait3A_365, %dma_wait3A_366] : memref<10000x16xf32, #tpu.memory_space<vmem_shared>> -> memref<10000x16xf32, #tpu.memory_space<vmem_shared>>
    %dma_wait3A_368 = tpu.memref_slice %arg11[%dma_wait3A_359] : memref<8x!tpu.dma_semaphore, #tpu.memory_space<semaphore_mem>> -> memref<1x!tpu.dma_semaphore, #tpu.memory_space<semaphore_mem>>
    %dma_wait3A_369 = tpu.memref_squeeze %dma_wait3A_368 : memref<1x!tpu.dma_semaphore, #tpu.memory_space<semaphore_mem>> -> memref<!tpu.dma_semaphore, #tpu.memory_space<semaphore_mem>>
    tpu.wait_indirect_dma semaphore(%dma_wait3A_369 : memref<!tpu.dma_semaphore, #tpu.memory_space<semaphore_mem>>) src(%dma_wait3A_363 : memref<80x16xf32, #tpu.memory_space<vmem>>) dst(%dma_wait3A_367 : memref<10000x16xf32, #tpu.memory_space<vmem_shared>>)
    %multiple_of3A_370 = arith.constant 9520 : i32
    %multiple_of3A_371 = tpu.assume_multiple %multiple_of3A_370, 8 : i32
    %dma_wait3A_372 = arith.constant 7 : i32
    %dma_wait3A_373 = arith.constant 7 : i32
    %dma_wait3A_374 = arith.constant 0 : i32
    %dma_wait3A_375 = arith.constant 0 : i32
    %dma_wait3A_376 = tpu.memref_slice %arg8[%dma_wait3A_372, %dma_wait3A_374, %dma_wait3A_375] : memref<8x80x16xf32, #tpu.memory_space<vmem>> -> memref<1x80x16xf32, #tpu.memory_space<vmem>>
    %dma_wait3A_377 = tpu.memref_squeeze %dma_wait3A_376 : memref<1x80x16xf32, #tpu.memory_space<vmem>> -> memref<80x16xf32, #tpu.memory_space<vmem>>
    %dma_wait3A_378 = tpu.memref_slice %arg7[%multiple_of3A_371] : memref<10000xi32, #tpu.memory_space<vmem>> -> memref<80xi32, #tpu.memory_space<vmem>>
    %dma_wait3A_379 = arith.constant 0 : i32
    %dma_wait3A_380 = arith.constant 0 : i32
    %dma_wait3A_381 = tpu.memref_slice %arg9[%dma_wait3A_379, %dma_wait3A_380] : memref<10000x16xf32, #tpu.memory_space<vmem_shared>> -> memref<10000x16xf32, #tpu.memory_space<vmem_shared>>
    %dma_wait3A_382 = tpu.memref_slice %arg11[%dma_wait3A_373] : memref<8x!tpu.dma_semaphore, #tpu.memory_space<semaphore_mem>> -> memref<1x!tpu.dma_semaphore, #tpu.memory_space<semaphore_mem>>
    %dma_wait3A_383 = tpu.memref_squeeze %dma_wait3A_382 : memref<1x!tpu.dma_semaphore, #tpu.memory_space<semaphore_mem>> -> memref<!tpu.dma_semaphore, #tpu.memory_space<semaphore_mem>>
    tpu.wait_indirect_dma semaphore(%dma_wait3A_383 : memref<!tpu.dma_semaphore, #tpu.memory_space<semaphore_mem>>) src(%dma_wait3A_377 : memref<80x16xf32, #tpu.memory_space<vmem>>) dst(%dma_wait3A_381 : memref<10000x16xf32, #tpu.memory_space<vmem_shared>>)
    %multiple_of3A_384 = arith.constant 9600 : i32
    %multiple_of3A_385 = tpu.assume_multiple %multiple_of3A_384, 8 : i32
    %dma_wait3A_386 = arith.constant 0 : i32
    %dma_wait3A_387 = arith.constant 0 : i32
    %dma_wait3A_388 = arith.constant 0 : i32
    %dma_wait3A_389 = arith.constant 0 : i32
    %dma_wait3A_390 = tpu.memref_slice %arg8[%dma_wait3A_386, %dma_wait3A_388, %dma_wait3A_389] : memref<8x80x16xf32, #tpu.memory_space<vmem>> -> memref<1x80x16xf32, #tpu.memory_space<vmem>>
    %dma_wait3A_391 = tpu.memref_squeeze %dma_wait3A_390 : memref<1x80x16xf32, #tpu.memory_space<vmem>> -> memref<80x16xf32, #tpu.memory_space<vmem>>
    %dma_wait3A_392 = tpu.memref_slice %arg7[%multiple_of3A_385] : memref<10000xi32, #tpu.memory_space<vmem>> -> memref<80xi32, #tpu.memory_space<vmem>>
    %dma_wait3A_393 = arith.constant 0 : i32
    %dma_wait3A_394 = arith.constant 0 : i32
    %dma_wait3A_395 = tpu.memref_slice %arg9[%dma_wait3A_393, %dma_wait3A_394] : memref<10000x16xf32, #tpu.memory_space<vmem_shared>> -> memref<10000x16xf32, #tpu.memory_space<vmem_shared>>
    %dma_wait3A_396 = tpu.memref_slice %arg11[%dma_wait3A_387] : memref<8x!tpu.dma_semaphore, #tpu.memory_space<semaphore_mem>> -> memref<1x!tpu.dma_semaphore, #tpu.memory_space<semaphore_mem>>
    %dma_wait3A_397 = tpu.memref_squeeze %dma_wait3A_396 : memref<1x!tpu.dma_semaphore, #tpu.memory_space<semaphore_mem>> -> memref<!tpu.dma_semaphore, #tpu.memory_space<semaphore_mem>>
    tpu.wait_indirect_dma semaphore(%dma_wait3A_397 : memref<!tpu.dma_semaphore, #tpu.memory_space<semaphore_mem>>) src(%dma_wait3A_391 : memref<80x16xf32, #tpu.memory_space<vmem>>) dst(%dma_wait3A_395 : memref<10000x16xf32, #tpu.memory_space<vmem_shared>>)
    %multiple_of3A_398 = arith.constant 9680 : i32
    %multiple_of3A_399 = tpu.assume_multiple %multiple_of3A_398, 8 : i32
    %dma_wait3A_400 = arith.constant 1 : i32
    %dma_wait3A_401 = arith.constant 1 : i32
    %dma_wait3A_402 = arith.constant 0 : i32
    %dma_wait3A_403 = arith.constant 0 : i32
    %dma_wait3A_404 = tpu.memref_slice %arg8[%dma_wait3A_400, %dma_wait3A_402, %dma_wait3A_403] : memref<8x80x16xf32, #tpu.memory_space<vmem>> -> memref<1x80x16xf32, #tpu.memory_space<vmem>>
    %dma_wait3A_405 = tpu.memref_squeeze %dma_wait3A_404 : memref<1x80x16xf32, #tpu.memory_space<vmem>> -> memref<80x16xf32, #tpu.memory_space<vmem>>
    %dma_wait3A_406 = tpu.memref_slice %arg7[%multiple_of3A_399] : memref<10000xi32, #tpu.memory_space<vmem>> -> memref<80xi32, #tpu.memory_space<vmem>>
    %dma_wait3A_407 = arith.constant 0 : i32
    %dma_wait3A_408 = arith.constant 0 : i32
    %dma_wait3A_409 = tpu.memref_slice %arg9[%dma_wait3A_407, %dma_wait3A_408] : memref<10000x16xf32, #tpu.memory_space<vmem_shared>> -> memref<10000x16xf32, #tpu.memory_space<vmem_shared>>
    %dma_wait3A_410 = tpu.memref_slice %arg11[%dma_wait3A_401] : memref<8x!tpu.dma_semaphore, #tpu.memory_space<semaphore_mem>> -> memref<1x!tpu.dma_semaphore, #tpu.memory_space<semaphore_mem>>
    %dma_wait3A_411 = tpu.memref_squeeze %dma_wait3A_410 : memref<1x!tpu.dma_semaphore, #tpu.memory_space<semaphore_mem>> -> memref<!tpu.dma_semaphore, #tpu.memory_space<semaphore_mem>>
    tpu.wait_indirect_dma semaphore(%dma_wait3A_411 : memref<!tpu.dma_semaphore, #tpu.memory_space<semaphore_mem>>) src(%dma_wait3A_405 : memref<80x16xf32, #tpu.memory_space<vmem>>) dst(%dma_wait3A_409 : memref<10000x16xf32, #tpu.memory_space<vmem_shared>>)
    %multiple_of3A_412 = arith.constant 9760 : i32
    %multiple_of3A_413 = tpu.assume_multiple %multiple_of3A_412, 8 : i32
    %dma_wait3A_414 = arith.constant 2 : i32
    %dma_wait3A_415 = arith.constant 2 : i32
    %dma_wait3A_416 = arith.constant 0 : i32
    %dma_wait3A_417 = arith.constant 0 : i32
    %dma_wait3A_418 = tpu.memref_slice %arg8[%dma_wait3A_414, %dma_wait3A_416, %dma_wait3A_417] : memref<8x80x16xf32, #tpu.memory_space<vmem>> -> memref<1x80x16xf32, #tpu.memory_space<vmem>>
    %dma_wait3A_419 = tpu.memref_squeeze %dma_wait3A_418 : memref<1x80x16xf32, #tpu.memory_space<vmem>> -> memref<80x16xf32, #tpu.memory_space<vmem>>
    %dma_wait3A_420 = tpu.memref_slice %arg7[%multiple_of3A_413] : memref<10000xi32, #tpu.memory_space<vmem>> -> memref<80xi32, #tpu.memory_space<vmem>>
    %dma_wait3A_421 = arith.constant 0 : i32
    %dma_wait3A_422 = arith.constant 0 : i32
    %dma_wait3A_423 = tpu.memref_slice %arg9[%dma_wait3A_421, %dma_wait3A_422] : memref<10000x16xf32, #tpu.memory_space<vmem_shared>> -> memref<10000x16xf32, #tpu.memory_space<vmem_shared>>
    %dma_wait3A_424 = tpu.memref_slice %arg11[%dma_wait3A_415] : memref<8x!tpu.dma_semaphore, #tpu.memory_space<semaphore_mem>> -> memref<1x!tpu.dma_semaphore, #tpu.memory_space<semaphore_mem>>
    %dma_wait3A_425 = tpu.memref_squeeze %dma_wait3A_424 : memref<1x!tpu.dma_semaphore, #tpu.memory_space<semaphore_mem>> -> memref<!tpu.dma_semaphore, #tpu.memory_space<semaphore_mem>>
    tpu.wait_indirect_dma semaphore(%dma_wait3A_425 : memref<!tpu.dma_semaphore, #tpu.memory_space<semaphore_mem>>) src(%dma_wait3A_419 : memref<80x16xf32, #tpu.memory_space<vmem>>) dst(%dma_wait3A_423 : memref<10000x16xf32, #tpu.memory_space<vmem_shared>>)
    %multiple_of3A_426 = arith.constant 9840 : i32
    %multiple_of3A_427 = tpu.assume_multiple %multiple_of3A_426, 8 : i32
    %dma_wait3A_428 = arith.constant 3 : i32
    %dma_wait3A_429 = arith.constant 3 : i32
    %dma_wait3A_430 = arith.constant 0 : i32
    %dma_wait3A_431 = arith.constant 0 : i32
    %dma_wait3A_432 = tpu.memref_slice %arg8[%dma_wait3A_428, %dma_wait3A_430, %dma_wait3A_431] : memref<8x80x16xf32, #tpu.memory_space<vmem>> -> memref<1x80x16xf32, #tpu.memory_space<vmem>>
    %dma_wait3A_433 = tpu.memref_squeeze %dma_wait3A_432 : memref<1x80x16xf32, #tpu.memory_space<vmem>> -> memref<80x16xf32, #tpu.memory_space<vmem>>
    %dma_wait3A_434 = tpu.memref_slice %arg7[%multiple_of3A_427] : memref<10000xi32, #tpu.memory_space<vmem>> -> memref<80xi32, #tpu.memory_space<vmem>>
    %dma_wait3A_435 = arith.constant 0 : i32
    %dma_wait3A_436 = arith.constant 0 : i32
    %dma_wait3A_437 = tpu.memref_slice %arg9[%dma_wait3A_435, %dma_wait3A_436] : memref<10000x16xf32, #tpu.memory_space<vmem_shared>> -> memref<10000x16xf32, #tpu.memory_space<vmem_shared>>
    %dma_wait3A_438 = tpu.memref_slice %arg11[%dma_wait3A_429] : memref<8x!tpu.dma_semaphore, #tpu.memory_space<semaphore_mem>> -> memref<1x!tpu.dma_semaphore, #tpu.memory_space<semaphore_mem>>
    %dma_wait3A_439 = tpu.memref_squeeze %dma_wait3A_438 : memref<1x!tpu.dma_semaphore, #tpu.memory_space<semaphore_mem>> -> memref<!tpu.dma_semaphore, #tpu.memory_space<semaphore_mem>>
    tpu.wait_indirect_dma semaphore(%dma_wait3A_439 : memref<!tpu.dma_semaphore, #tpu.memory_space<semaphore_mem>>) src(%dma_wait3A_433 : memref<80x16xf32, #tpu.memory_space<vmem>>) dst(%dma_wait3A_437 : memref<10000x16xf32, #tpu.memory_space<vmem_shared>>)
    %multiple_of3A_440 = arith.constant 9920 : i32
    %multiple_of3A_441 = tpu.assume_multiple %multiple_of3A_440, 8 : i32
    %dma_wait3A_442 = arith.constant 4 : i32
    %dma_wait3A_443 = arith.constant 4 : i32
    %dma_wait3A_444 = arith.constant 0 : i32
    %dma_wait3A_445 = arith.constant 0 : i32
    %dma_wait3A_446 = tpu.memref_slice %arg8[%dma_wait3A_442, %dma_wait3A_444, %dma_wait3A_445] : memref<8x80x16xf32, #tpu.memory_space<vmem>> -> memref<1x80x16xf32, #tpu.memory_space<vmem>>
    %dma_wait3A_447 = tpu.memref_squeeze %dma_wait3A_446 : memref<1x80x16xf32, #tpu.memory_space<vmem>> -> memref<80x16xf32, #tpu.memory_space<vmem>>
    %dma_wait3A_448 = tpu.memref_slice %arg7[%multiple_of3A_441] : memref<10000xi32, #tpu.memory_space<vmem>> -> memref<80xi32, #tpu.memory_space<vmem>>
    %dma_wait3A_449 = arith.constant 0 : i32
    %dma_wait3A_450 = arith.constant 0 : i32
    %dma_wait3A_451 = tpu.memref_slice %arg9[%dma_wait3A_449, %dma_wait3A_450] : memref<10000x16xf32, #tpu.memory_space<vmem_shared>> -> memref<10000x16xf32, #tpu.memory_space<vmem_shared>>
    %dma_wait3A_452 = tpu.memref_slice %arg11[%dma_wait3A_443] : memref<8x!tpu.dma_semaphore, #tpu.memory_space<semaphore_mem>> -> memref<1x!tpu.dma_semaphore, #tpu.memory_space<semaphore_mem>>
    %dma_wait3A_453 = tpu.memref_squeeze %dma_wait3A_452 : memref<1x!tpu.dma_semaphore, #tpu.memory_space<semaphore_mem>> -> memref<!tpu.dma_semaphore, #tpu.memory_space<semaphore_mem>>
    tpu.wait_indirect_dma semaphore(%dma_wait3A_453 : memref<!tpu.dma_semaphore, #tpu.memory_space<semaphore_mem>>) src(%dma_wait3A_447 : memref<80x16xf32, #tpu.memory_space<vmem>>) dst(%dma_wait3A_451 : memref<10000x16xf32, #tpu.memory_space<vmem_shared>>)
    %barrier3A_454 = arith.constant 0 : index
    tpu.barrier barrier_id(%barrier3A_454)
    %mul3A_455 = arith.constant 8 : i32
    %mul3A_456 = arith.muli %arg1, %mul3A_455 : i32
    %add3A_457 = arith.constant 0 : i32
    %add3A_458 = arith.addi %mul3A_456, %add3A_457 : i32
    %lt3A_459 = arith.constant 125 : i32
    %lt3A_460 = arith.cmpi slt, %add3A_458, %lt3A_459 : i32
    %convert_element_type3A_461 = arith.extui %lt3A_460 : i1 to i32
    %cond3A_462 = arith.constant 0 : i32
    %cond3A_463 = arith.constant 0 : i32
    %cond3A_464 = arith.cmpi ne, %convert_element_type3A_461, %cond3A_463 : i32
    scf.if %cond3A_464 {
      %mul3A_535 = arith.constant 80 : i32
      %mul3A_536 = arith.muli %add3A_458, %mul3A_535 : i32
      %multiple_of3A_537 = tpu.assume_multiple %mul3A_536, 8 : i32
      "tpu.region"() ({
        %run_scoped3A = tpu.sem_alloc : memref<!tpu.dma_semaphore, #tpu.memory_space<semaphore_mem>>
        %dma_start3A_538 = arith.constant 0 : i32
        %dma_start3A_539 = arith.constant 0 : i32
        %dma_start3A_540 = tpu.memref_slice %arg8[%cond3A_462, %dma_start3A_538, %dma_start3A_539] : memref<8x80x16xf32, #tpu.memory_space<vmem>> -> memref<1x80x16xf32, #tpu.memory_space<vmem>>
        %dma_start3A_541 = tpu.memref_squeeze %dma_start3A_540 : memref<1x80x16xf32, #tpu.memory_space<vmem>> -> memref<80x16xf32, #tpu.memory_space<vmem>>
        %dma_start3A_542 = arith.constant 0 : i32
        %dma_start3A_543 = tpu.memref_slice %arg9[%multiple_of3A_537, %dma_start3A_542] : memref<10000x16xf32, #tpu.memory_space<vmem_shared>> -> memref<80x16xf32, #tpu.memory_space<vmem_shared>>
        %dma_start3A_544 = arith.constant 0 : i32
        %dma_start3A_545 = arith.constant 0 : i32
        %dma_start3A_546 = tpu.memref_slice %arg8[%cond3A_462, %dma_start3A_544, %dma_start3A_545] : memref<8x80x16xf32, #tpu.memory_space<vmem>> -> memref<1x80x16xf32, #tpu.memory_space<vmem>>
        %dma_start3A_547 = tpu.memref_squeeze %dma_start3A_546 : memref<1x80x16xf32, #tpu.memory_space<vmem>> -> memref<80x16xf32, #tpu.memory_space<vmem>>
        %dma_start3A_548 = arith.constant 0 : i32
        %dma_start3A_549 = tpu.memref_slice %arg9[%multiple_of3A_537, %dma_start3A_548] : memref<10000x16xf32, #tpu.memory_space<vmem_shared>> -> memref<80x16xf32, #tpu.memory_space<vmem_shared>>
        tpu.enqueue_dma source(%dma_start3A_549 : memref<80x16xf32, #tpu.memory_space<vmem_shared>>) target(%dma_start3A_547 : memref<80x16xf32, #tpu.memory_space<vmem>>) target_semaphore(%run_scoped3A : memref<!tpu.dma_semaphore, #tpu.memory_space<semaphore_mem>>)
        %dma_wait3A_550 = arith.constant 0 : i32
        %dma_wait3A_551 = arith.constant 0 : i32
        %dma_wait3A_552 = tpu.memref_slice %arg8[%cond3A_462, %dma_wait3A_550, %dma_wait3A_551] : memref<8x80x16xf32, #tpu.memory_space<vmem>> -> memref<1x80x16xf32, #tpu.memory_space<vmem>>
        %dma_wait3A_553 = tpu.memref_squeeze %dma_wait3A_552 : memref<1x80x16xf32, #tpu.memory_space<vmem>> -> memref<80x16xf32, #tpu.memory_space<vmem>>
        %dma_wait3A_554 = arith.constant 0 : i32
        %dma_wait3A_555 = tpu.memref_slice %arg9[%multiple_of3A_537, %dma_wait3A_554] : memref<10000x16xf32, #tpu.memory_space<vmem_shared>> -> memref<80x16xf32, #tpu.memory_space<vmem_shared>>
        %dma_wait3A_556 = arith.constant 0 : i32
        %dma_wait3A_557 = arith.constant 0 : i32
        %dma_wait3A_558 = tpu.memref_slice %arg8[%cond3A_462, %dma_wait3A_556, %dma_wait3A_557] : memref<8x80x16xf32, #tpu.memory_space<vmem>> -> memref<1x80x16xf32, #tpu.memory_space<vmem>>
        %dma_wait3A_559 = tpu.memref_squeeze %dma_wait3A_558 : memref<1x80x16xf32, #tpu.memory_space<vmem>> -> memref<80x16xf32, #tpu.memory_space<vmem>>
        %dma_wait3A_560 = arith.constant 0 : i32
        %dma_wait3A_561 = tpu.memref_slice %arg9[%multiple_of3A_537, %dma_wait3A_560] : memref<10000x16xf32, #tpu.memory_space<vmem_shared>> -> memref<80x16xf32, #tpu.memory_space<vmem_shared>>
        tpu.wait_dma2 semaphore(%run_scoped3A : memref<!tpu.dma_semaphore, #tpu.memory_space<semaphore_mem>>) src(%dma_wait3A_561 : memref<80x16xf32, #tpu.memory_space<vmem_shared>>) dst(%dma_wait3A_559 : memref<80x16xf32, #tpu.memory_space<vmem>>)
        tpu.yield
      }) : () -> ()
      "tpu.region"() ({
        %run_scoped3A = tpu.sem_alloc : memref<!tpu.dma_semaphore, #tpu.memory_space<semaphore_mem>>
        %dma_start3A_538 = arith.constant 0 : i32
        %dma_start3A_539 = arith.constant 0 : i32
        %dma_start3A_540 = tpu.memref_slice %arg8[%cond3A_462, %dma_start3A_538, %dma_start3A_539] : memref<8x80x16xf32, #tpu.memory_space<vmem>> -> memref<1x80x16xf32, #tpu.memory_space<vmem>>
        %dma_start3A_541 = tpu.memref_squeeze %dma_start3A_540 : memref<1x80x16xf32, #tpu.memory_space<vmem>> -> memref<80x16xf32, #tpu.memory_space<vmem>>
        %dma_start3A_542 = arith.constant 0 : i32
        %dma_start3A_543 = tpu.memref_slice %arg5[%arg0, %multiple_of3A_537, %dma_start3A_542] : memref<2x10000x16xf32, #tpu.memory_space<hbm>> -> memref<1x80x16xf32, #tpu.memory_space<hbm>>
        %dma_start3A_544 = tpu.memref_squeeze %dma_start3A_543 : memref<1x80x16xf32, #tpu.memory_space<hbm>> -> memref<80x16xf32, #tpu.memory_space<hbm>>
        %dma_start3A_545 = arith.constant 0 : i32
        %dma_start3A_546 = tpu.memref_slice %arg5[%arg0, %multiple_of3A_537, %dma_start3A_545] : memref<2x10000x16xf32, #tpu.memory_space<hbm>> -> memref<1x80x16xf32, #tpu.memory_space<hbm>>
        %dma_start3A_547 = tpu.memref_squeeze %dma_start3A_546 : memref<1x80x16xf32, #tpu.memory_space<hbm>> -> memref<80x16xf32, #tpu.memory_space<hbm>>
        %dma_start3A_548 = arith.constant 0 : i32
        %dma_start3A_549 = arith.constant 0 : i32
        %dma_start3A_550 = tpu.memref_slice %arg8[%cond3A_462, %dma_start3A_548, %dma_start3A_549] : memref<8x80x16xf32, #tpu.memory_space<vmem>> -> memref<1x80x16xf32, #tpu.memory_space<vmem>>
        %dma_start3A_551 = tpu.memref_squeeze %dma_start3A_550 : memref<1x80x16xf32, #tpu.memory_space<vmem>> -> memref<80x16xf32, #tpu.memory_space<vmem>>
        tpu.enqueue_dma source(%dma_start3A_551 : memref<80x16xf32, #tpu.memory_space<vmem>>) target(%dma_start3A_547 : memref<80x16xf32, #tpu.memory_space<hbm>>) target_semaphore(%run_scoped3A : memref<!tpu.dma_semaphore, #tpu.memory_space<semaphore_mem>>)
        %dma_wait3A_552 = arith.constant 0 : i32
        %dma_wait3A_553 = arith.constant 0 : i32
        %dma_wait3A_554 = tpu.memref_slice %arg8[%cond3A_462, %dma_wait3A_552, %dma_wait3A_553] : memref<8x80x16xf32, #tpu.memory_space<vmem>> -> memref<1x80x16xf32, #tpu.memory_space<vmem>>
        %dma_wait3A_555 = tpu.memref_squeeze %dma_wait3A_554 : memref<1x80x16xf32, #tpu.memory_space<vmem>> -> memref<80x16xf32, #tpu.memory_space<vmem>>
        %dma_wait3A_556 = arith.constant 0 : i32
        %dma_wait3A_557 = tpu.memref_slice %arg5[%arg0, %multiple_of3A_537, %dma_wait3A_556] : memref<2x10000x16xf32, #tpu.memory_space<hbm>> -> memref<1x80x16xf32, #tpu.memory_space<hbm>>
        %dma_wait3A_558 = tpu.memref_squeeze %dma_wait3A_557 : memref<1x80x16xf32, #tpu.memory_space<hbm>> -> memref<80x16xf32, #tpu.memory_space<hbm>>
        %dma_wait3A_559 = arith.constant 0 : i32
        %dma_wait3A_560 = tpu.memref_slice %arg5[%arg0, %multiple_of3A_537, %dma_wait3A_559] : memref<2x10000x16xf32, #tpu.memory_space<hbm>> -> memref<1x80x16xf32, #tpu.memory_space<hbm>>
        %dma_wait3A_561 = tpu.memref_squeeze %dma_wait3A_560 : memref<1x80x16xf32, #tpu.memory_space<hbm>> -> memref<80x16xf32, #tpu.memory_space<hbm>>
        %dma_wait3A_562 = arith.constant 0 : i32
        %dma_wait3A_563 = arith.constant 0 : i32
        %dma_wait3A_564 = tpu.memref_slice %arg8[%cond3A_462, %dma_wait3A_562, %dma_wait3A_563] : memref<8x80x16xf32, #tpu.memory_space<vmem>> -> memref<1x80x16xf32, #tpu.memory_space<vmem>>
        %dma_wait3A_565 = tpu.memref_squeeze %dma_wait3A_564 : memref<1x80x16xf32, #tpu.memory_space<vmem>> -> memref<80x16xf32, #tpu.memory_space<vmem>>
        tpu.wait_dma2 semaphore(%run_scoped3A : memref<!tpu.dma_semaphore, #tpu.memory_space<semaphore_mem>>) src(%dma_wait3A_565 : memref<80x16xf32, #tpu.memory_space<vmem>>) dst(%dma_wait3A_561 : memref<80x16xf32, #tpu.memory_space<hbm>>)
        tpu.yield
      }) : () -> ()
    } else {
    }
    %mul3A_465 = arith.constant 8 : i32
    %mul3A_466 = arith.muli %arg1, %mul3A_465 : i32
    %add3A_467 = arith.constant 1 : i32
    %add3A_468 = arith.addi %mul3A_466, %add3A_467 : i32
    %lt3A_469 = arith.constant 125 : i32
    %lt3A_470 = arith.cmpi slt, %add3A_468, %lt3A_469 : i32
    %convert_element_type3A_471 = arith.extui %lt3A_470 : i1 to i32
    %cond3A_472 = arith.constant 0 : i32
    %cond3A_473 = arith.constant 0 : i32
    %cond3A_474 = arith.cmpi ne, %convert_element_type3A_471, %cond3A_473 : i32
    scf.if %cond3A_474 {
      %mul3A_535 = arith.constant 80 : i32
      %mul3A_536 = arith.muli %add3A_468, %mul3A_535 : i32
      %multiple_of3A_537 = tpu.assume_multiple %mul3A_536, 8 : i32
      "tpu.region"() ({
        %run_scoped3A = tpu.sem_alloc : memref<!tpu.dma_semaphore, #tpu.memory_space<semaphore_mem>>
        %dma_start3A_538 = arith.constant 0 : i32
        %dma_start3A_539 = arith.constant 0 : i32
        %dma_start3A_540 = tpu.memref_slice %arg8[%cond3A_472, %dma_start3A_538, %dma_start3A_539] : memref<8x80x16xf32, #tpu.memory_space<vmem>> -> memref<1x80x16xf32, #tpu.memory_space<vmem>>
        %dma_start3A_541 = tpu.memref_squeeze %dma_start3A_540 : memref<1x80x16xf32, #tpu.memory_space<vmem>> -> memref<80x16xf32, #tpu.memory_space<vmem>>
        %dma_start3A_542 = arith.constant 0 : i32
        %dma_start3A_543 = tpu.memref_slice %arg9[%multiple_of3A_537, %dma_start3A_542] : memref<10000x16xf32, #tpu.memory_space<vmem_shared>> -> memref<80x16xf32, #tpu.memory_space<vmem_shared>>
        %dma_start3A_544 = arith.constant 0 : i32
        %dma_start3A_545 = arith.constant 0 : i32
        %dma_start3A_546 = tpu.memref_slice %arg8[%cond3A_472, %dma_start3A_544, %dma_start3A_545] : memref<8x80x16xf32, #tpu.memory_space<vmem>> -> memref<1x80x16xf32, #tpu.memory_space<vmem>>
        %dma_start3A_547 = tpu.memref_squeeze %dma_start3A_546 : memref<1x80x16xf32, #tpu.memory_space<vmem>> -> memref<80x16xf32, #tpu.memory_space<vmem>>
        %dma_start3A_548 = arith.constant 0 : i32
        %dma_start3A_549 = tpu.memref_slice %arg9[%multiple_of3A_537, %dma_start3A_548] : memref<10000x16xf32, #tpu.memory_space<vmem_shared>> -> memref<80x16xf32, #tpu.memory_space<vmem_shared>>
        tpu.enqueue_dma source(%dma_start3A_549 : memref<80x16xf32, #tpu.memory_space<vmem_shared>>) target(%dma_start3A_547 : memref<80x16xf32, #tpu.memory_space<vmem>>) target_semaphore(%run_scoped3A : memref<!tpu.dma_semaphore, #tpu.memory_space<semaphore_mem>>)
        %dma_wait3A_550 = arith.constant 0 : i32
        %dma_wait3A_551 = arith.constant 0 : i32
        %dma_wait3A_552 = tpu.memref_slice %arg8[%cond3A_472, %dma_wait3A_550, %dma_wait3A_551] : memref<8x80x16xf32, #tpu.memory_space<vmem>> -> memref<1x80x16xf32, #tpu.memory_space<vmem>>
        %dma_wait3A_553 = tpu.memref_squeeze %dma_wait3A_552 : memref<1x80x16xf32, #tpu.memory_space<vmem>> -> memref<80x16xf32, #tpu.memory_space<vmem>>
        %dma_wait3A_554 = arith.constant 0 : i32
        %dma_wait3A_555 = tpu.memref_slice %arg9[%multiple_of3A_537, %dma_wait3A_554] : memref<10000x16xf32, #tpu.memory_space<vmem_shared>> -> memref<80x16xf32, #tpu.memory_space<vmem_shared>>
        %dma_wait3A_556 = arith.constant 0 : i32
        %dma_wait3A_557 = arith.constant 0 : i32
        %dma_wait3A_558 = tpu.memref_slice %arg8[%cond3A_472, %dma_wait3A_556, %dma_wait3A_557] : memref<8x80x16xf32, #tpu.memory_space<vmem>> -> memref<1x80x16xf32, #tpu.memory_space<vmem>>
        %dma_wait3A_559 = tpu.memref_squeeze %dma_wait3A_558 : memref<1x80x16xf32, #tpu.memory_space<vmem>> -> memref<80x16xf32, #tpu.memory_space<vmem>>
        %dma_wait3A_560 = arith.constant 0 : i32
        %dma_wait3A_561 = tpu.memref_slice %arg9[%multiple_of3A_537, %dma_wait3A_560] : memref<10000x16xf32, #tpu.memory_space<vmem_shared>> -> memref<80x16xf32, #tpu.memory_space<vmem_shared>>
        tpu.wait_dma2 semaphore(%run_scoped3A : memref<!tpu.dma_semaphore, #tpu.memory_space<semaphore_mem>>) src(%dma_wait3A_561 : memref<80x16xf32, #tpu.memory_space<vmem_shared>>) dst(%dma_wait3A_559 : memref<80x16xf32, #tpu.memory_space<vmem>>)
        tpu.yield
      }) : () -> ()
      "tpu.region"() ({
        %run_scoped3A = tpu.sem_alloc : memref<!tpu.dma_semaphore, #tpu.memory_space<semaphore_mem>>
        %dma_start3A_538 = arith.constant 0 : i32
        %dma_start3A_539 = arith.constant 0 : i32
        %dma_start3A_540 = tpu.memref_slice %arg8[%cond3A_472, %dma_start3A_538, %dma_start3A_539] : memref<8x80x16xf32, #tpu.memory_space<vmem>> -> memref<1x80x16xf32, #tpu.memory_space<vmem>>
        %dma_start3A_541 = tpu.memref_squeeze %dma_start3A_540 : memref<1x80x16xf32, #tpu.memory_space<vmem>> -> memref<80x16xf32, #tpu.memory_space<vmem>>
        %dma_start3A_542 = arith.constant 0 : i32
        %dma_start3A_543 = tpu.memref_slice %arg5[%arg0, %multiple_of3A_537, %dma_start3A_542] : memref<2x10000x16xf32, #tpu.memory_space<hbm>> -> memref<1x80x16xf32, #tpu.memory_space<hbm>>
        %dma_start3A_544 = tpu.memref_squeeze %dma_start3A_543 : memref<1x80x16xf32, #tpu.memory_space<hbm>> -> memref<80x16xf32, #tpu.memory_space<hbm>>
        %dma_start3A_545 = arith.constant 0 : i32
        %dma_start3A_546 = tpu.memref_slice %arg5[%arg0, %multiple_of3A_537, %dma_start3A_545] : memref<2x10000x16xf32, #tpu.memory_space<hbm>> -> memref<1x80x16xf32, #tpu.memory_space<hbm>>
        %dma_start3A_547 = tpu.memref_squeeze %dma_start3A_546 : memref<1x80x16xf32, #tpu.memory_space<hbm>> -> memref<80x16xf32, #tpu.memory_space<hbm>>
        %dma_start3A_548 = arith.constant 0 : i32
        %dma_start3A_549 = arith.constant 0 : i32
        %dma_start3A_550 = tpu.memref_slice %arg8[%cond3A_472, %dma_start3A_548, %dma_start3A_549] : memref<8x80x16xf32, #tpu.memory_space<vmem>> -> memref<1x80x16xf32, #tpu.memory_space<vmem>>
        %dma_start3A_551 = tpu.memref_squeeze %dma_start3A_550 : memref<1x80x16xf32, #tpu.memory_space<vmem>> -> memref<80x16xf32, #tpu.memory_space<vmem>>
        tpu.enqueue_dma source(%dma_start3A_551 : memref<80x16xf32, #tpu.memory_space<vmem>>) target(%dma_start3A_547 : memref<80x16xf32, #tpu.memory_space<hbm>>) target_semaphore(%run_scoped3A : memref<!tpu.dma_semaphore, #tpu.memory_space<semaphore_mem>>)
        %dma_wait3A_552 = arith.constant 0 : i32
        %dma_wait3A_553 = arith.constant 0 : i32
        %dma_wait3A_554 = tpu.memref_slice %arg8[%cond3A_472, %dma_wait3A_552, %dma_wait3A_553] : memref<8x80x16xf32, #tpu.memory_space<vmem>> -> memref<1x80x16xf32, #tpu.memory_space<vmem>>
        %dma_wait3A_555 = tpu.memref_squeeze %dma_wait3A_554 : memref<1x80x16xf32, #tpu.memory_space<vmem>> -> memref<80x16xf32, #tpu.memory_space<vmem>>
        %dma_wait3A_556 = arith.constant 0 : i32
        %dma_wait3A_557 = tpu.memref_slice %arg5[%arg0, %multiple_of3A_537, %dma_wait3A_556] : memref<2x10000x16xf32, #tpu.memory_space<hbm>> -> memref<1x80x16xf32, #tpu.memory_space<hbm>>
        %dma_wait3A_558 = tpu.memref_squeeze %dma_wait3A_557 : memref<1x80x16xf32, #tpu.memory_space<hbm>> -> memref<80x16xf32, #tpu.memory_space<hbm>>
        %dma_wait3A_559 = arith.constant 0 : i32
        %dma_wait3A_560 = tpu.memref_slice %arg5[%arg0, %multiple_of3A_537, %dma_wait3A_559] : memref<2x10000x16xf32, #tpu.memory_space<hbm>> -> memref<1x80x16xf32, #tpu.memory_space<hbm>>
        %dma_wait3A_561 = tpu.memref_squeeze %dma_wait3A_560 : memref<1x80x16xf32, #tpu.memory_space<hbm>> -> memref<80x16xf32, #tpu.memory_space<hbm>>
        %dma_wait3A_562 = arith.constant 0 : i32
        %dma_wait3A_563 = arith.constant 0 : i32
        %dma_wait3A_564 = tpu.memref_slice %arg8[%cond3A_472, %dma_wait3A_562, %dma_wait3A_563] : memref<8x80x16xf32, #tpu.memory_space<vmem>> -> memref<1x80x16xf32, #tpu.memory_space<vmem>>
        %dma_wait3A_565 = tpu.memref_squeeze %dma_wait3A_564 : memref<1x80x16xf32, #tpu.memory_space<vmem>> -> memref<80x16xf32, #tpu.memory_space<vmem>>
        tpu.wait_dma2 semaphore(%run_scoped3A : memref<!tpu.dma_semaphore, #tpu.memory_space<semaphore_mem>>) src(%dma_wait3A_565 : memref<80x16xf32, #tpu.memory_space<vmem>>) dst(%dma_wait3A_561 : memref<80x16xf32, #tpu.memory_space<hbm>>)
        tpu.yield
      }) : () -> ()
    } else {
    }
    %mul3A_475 = arith.constant 8 : i32
    %mul3A_476 = arith.muli %arg1, %mul3A_475 : i32
    %add3A_477 = arith.constant 2 : i32
    %add3A_478 = arith.addi %mul3A_476, %add3A_477 : i32
    %lt3A_479 = arith.constant 125 : i32
    %lt3A_480 = arith.cmpi slt, %add3A_478, %lt3A_479 : i32
    %convert_element_type3A_481 = arith.extui %lt3A_480 : i1 to i32
    %cond3A_482 = arith.constant 0 : i32
    %cond3A_483 = arith.constant 0 : i32
    %cond3A_484 = arith.cmpi ne, %convert_element_type3A_481, %cond3A_483 : i32
    scf.if %cond3A_484 {
      %mul3A_535 = arith.constant 80 : i32
      %mul3A_536 = arith.muli %add3A_478, %mul3A_535 : i32
      %multiple_of3A_537 = tpu.assume_multiple %mul3A_536, 8 : i32
      "tpu.region"() ({
        %run_scoped3A = tpu.sem_alloc : memref<!tpu.dma_semaphore, #tpu.memory_space<semaphore_mem>>
        %dma_start3A_538 = arith.constant 0 : i32
        %dma_start3A_539 = arith.constant 0 : i32
        %dma_start3A_540 = tpu.memref_slice %arg8[%cond3A_482, %dma_start3A_538, %dma_start3A_539] : memref<8x80x16xf32, #tpu.memory_space<vmem>> -> memref<1x80x16xf32, #tpu.memory_space<vmem>>
        %dma_start3A_541 = tpu.memref_squeeze %dma_start3A_540 : memref<1x80x16xf32, #tpu.memory_space<vmem>> -> memref<80x16xf32, #tpu.memory_space<vmem>>
        %dma_start3A_542 = arith.constant 0 : i32
        %dma_start3A_543 = tpu.memref_slice %arg9[%multiple_of3A_537, %dma_start3A_542] : memref<10000x16xf32, #tpu.memory_space<vmem_shared>> -> memref<80x16xf32, #tpu.memory_space<vmem_shared>>
        %dma_start3A_544 = arith.constant 0 : i32
        %dma_start3A_545 = arith.constant 0 : i32
        %dma_start3A_546 = tpu.memref_slice %arg8[%cond3A_482, %dma_start3A_544, %dma_start3A_545] : memref<8x80x16xf32, #tpu.memory_space<vmem>> -> memref<1x80x16xf32, #tpu.memory_space<vmem>>
        %dma_start3A_547 = tpu.memref_squeeze %dma_start3A_546 : memref<1x80x16xf32, #tpu.memory_space<vmem>> -> memref<80x16xf32, #tpu.memory_space<vmem>>
        %dma_start3A_548 = arith.constant 0 : i32
        %dma_start3A_549 = tpu.memref_slice %arg9[%multiple_of3A_537, %dma_start3A_548] : memref<10000x16xf32, #tpu.memory_space<vmem_shared>> -> memref<80x16xf32, #tpu.memory_space<vmem_shared>>
        tpu.enqueue_dma source(%dma_start3A_549 : memref<80x16xf32, #tpu.memory_space<vmem_shared>>) target(%dma_start3A_547 : memref<80x16xf32, #tpu.memory_space<vmem>>) target_semaphore(%run_scoped3A : memref<!tpu.dma_semaphore, #tpu.memory_space<semaphore_mem>>)
        %dma_wait3A_550 = arith.constant 0 : i32
        %dma_wait3A_551 = arith.constant 0 : i32
        %dma_wait3A_552 = tpu.memref_slice %arg8[%cond3A_482, %dma_wait3A_550, %dma_wait3A_551] : memref<8x80x16xf32, #tpu.memory_space<vmem>> -> memref<1x80x16xf32, #tpu.memory_space<vmem>>
        %dma_wait3A_553 = tpu.memref_squeeze %dma_wait3A_552 : memref<1x80x16xf32, #tpu.memory_space<vmem>> -> memref<80x16xf32, #tpu.memory_space<vmem>>
        %dma_wait3A_554 = arith.constant 0 : i32
        %dma_wait3A_555 = tpu.memref_slice %arg9[%multiple_of3A_537, %dma_wait3A_554] : memref<10000x16xf32, #tpu.memory_space<vmem_shared>> -> memref<80x16xf32, #tpu.memory_space<vmem_shared>>
        %dma_wait3A_556 = arith.constant 0 : i32
        %dma_wait3A_557 = arith.constant 0 : i32
        %dma_wait3A_558 = tpu.memref_slice %arg8[%cond3A_482, %dma_wait3A_556, %dma_wait3A_557] : memref<8x80x16xf32, #tpu.memory_space<vmem>> -> memref<1x80x16xf32, #tpu.memory_space<vmem>>
        %dma_wait3A_559 = tpu.memref_squeeze %dma_wait3A_558 : memref<1x80x16xf32, #tpu.memory_space<vmem>> -> memref<80x16xf32, #tpu.memory_space<vmem>>
        %dma_wait3A_560 = arith.constant 0 : i32
        %dma_wait3A_561 = tpu.memref_slice %arg9[%multiple_of3A_537, %dma_wait3A_560] : memref<10000x16xf32, #tpu.memory_space<vmem_shared>> -> memref<80x16xf32, #tpu.memory_space<vmem_shared>>
        tpu.wait_dma2 semaphore(%run_scoped3A : memref<!tpu.dma_semaphore, #tpu.memory_space<semaphore_mem>>) src(%dma_wait3A_561 : memref<80x16xf32, #tpu.memory_space<vmem_shared>>) dst(%dma_wait3A_559 : memref<80x16xf32, #tpu.memory_space<vmem>>)
        tpu.yield
      }) : () -> ()
      "tpu.region"() ({
        %run_scoped3A = tpu.sem_alloc : memref<!tpu.dma_semaphore, #tpu.memory_space<semaphore_mem>>
        %dma_start3A_538 = arith.constant 0 : i32
        %dma_start3A_539 = arith.constant 0 : i32
        %dma_start3A_540 = tpu.memref_slice %arg8[%cond3A_482, %dma_start3A_538, %dma_start3A_539] : memref<8x80x16xf32, #tpu.memory_space<vmem>> -> memref<1x80x16xf32, #tpu.memory_space<vmem>>
        %dma_start3A_541 = tpu.memref_squeeze %dma_start3A_540 : memref<1x80x16xf32, #tpu.memory_space<vmem>> -> memref<80x16xf32, #tpu.memory_space<vmem>>
        %dma_start3A_542 = arith.constant 0 : i32
        %dma_start3A_543 = tpu.memref_slice %arg5[%arg0, %multiple_of3A_537, %dma_start3A_542] : memref<2x10000x16xf32, #tpu.memory_space<hbm>> -> memref<1x80x16xf32, #tpu.memory_space<hbm>>
        %dma_start3A_544 = tpu.memref_squeeze %dma_start3A_543 : memref<1x80x16xf32, #tpu.memory_space<hbm>> -> memref<80x16xf32, #tpu.memory_space<hbm>>
        %dma_start3A_545 = arith.constant 0 : i32
        %dma_start3A_546 = tpu.memref_slice %arg5[%arg0, %multiple_of3A_537, %dma_start3A_545] : memref<2x10000x16xf32, #tpu.memory_space<hbm>> -> memref<1x80x16xf32, #tpu.memory_space<hbm>>
        %dma_start3A_547 = tpu.memref_squeeze %dma_start3A_546 : memref<1x80x16xf32, #tpu.memory_space<hbm>> -> memref<80x16xf32, #tpu.memory_space<hbm>>
        %dma_start3A_548 = arith.constant 0 : i32
        %dma_start3A_549 = arith.constant 0 : i32
        %dma_start3A_550 = tpu.memref_slice %arg8[%cond3A_482, %dma_start3A_548, %dma_start3A_549] : memref<8x80x16xf32, #tpu.memory_space<vmem>> -> memref<1x80x16xf32, #tpu.memory_space<vmem>>
        %dma_start3A_551 = tpu.memref_squeeze %dma_start3A_550 : memref<1x80x16xf32, #tpu.memory_space<vmem>> -> memref<80x16xf32, #tpu.memory_space<vmem>>
        tpu.enqueue_dma source(%dma_start3A_551 : memref<80x16xf32, #tpu.memory_space<vmem>>) target(%dma_start3A_547 : memref<80x16xf32, #tpu.memory_space<hbm>>) target_semaphore(%run_scoped3A : memref<!tpu.dma_semaphore, #tpu.memory_space<semaphore_mem>>)
        %dma_wait3A_552 = arith.constant 0 : i32
        %dma_wait3A_553 = arith.constant 0 : i32
        %dma_wait3A_554 = tpu.memref_slice %arg8[%cond3A_482, %dma_wait3A_552, %dma_wait3A_553] : memref<8x80x16xf32, #tpu.memory_space<vmem>> -> memref<1x80x16xf32, #tpu.memory_space<vmem>>
        %dma_wait3A_555 = tpu.memref_squeeze %dma_wait3A_554 : memref<1x80x16xf32, #tpu.memory_space<vmem>> -> memref<80x16xf32, #tpu.memory_space<vmem>>
        %dma_wait3A_556 = arith.constant 0 : i32
        %dma_wait3A_557 = tpu.memref_slice %arg5[%arg0, %multiple_of3A_537, %dma_wait3A_556] : memref<2x10000x16xf32, #tpu.memory_space<hbm>> -> memref<1x80x16xf32, #tpu.memory_space<hbm>>
        %dma_wait3A_558 = tpu.memref_squeeze %dma_wait3A_557 : memref<1x80x16xf32, #tpu.memory_space<hbm>> -> memref<80x16xf32, #tpu.memory_space<hbm>>
        %dma_wait3A_559 = arith.constant 0 : i32
        %dma_wait3A_560 = tpu.memref_slice %arg5[%arg0, %multiple_of3A_537, %dma_wait3A_559] : memref<2x10000x16xf32, #tpu.memory_space<hbm>> -> memref<1x80x16xf32, #tpu.memory_space<hbm>>
        %dma_wait3A_561 = tpu.memref_squeeze %dma_wait3A_560 : memref<1x80x16xf32, #tpu.memory_space<hbm>> -> memref<80x16xf32, #tpu.memory_space<hbm>>
        %dma_wait3A_562 = arith.constant 0 : i32
        %dma_wait3A_563 = arith.constant 0 : i32
        %dma_wait3A_564 = tpu.memref_slice %arg8[%cond3A_482, %dma_wait3A_562, %dma_wait3A_563] : memref<8x80x16xf32, #tpu.memory_space<vmem>> -> memref<1x80x16xf32, #tpu.memory_space<vmem>>
        %dma_wait3A_565 = tpu.memref_squeeze %dma_wait3A_564 : memref<1x80x16xf32, #tpu.memory_space<vmem>> -> memref<80x16xf32, #tpu.memory_space<vmem>>
        tpu.wait_dma2 semaphore(%run_scoped3A : memref<!tpu.dma_semaphore, #tpu.memory_space<semaphore_mem>>) src(%dma_wait3A_565 : memref<80x16xf32, #tpu.memory_space<vmem>>) dst(%dma_wait3A_561 : memref<80x16xf32, #tpu.memory_space<hbm>>)
        tpu.yield
      }) : () -> ()
    } else {
    }
    %mul3A_485 = arith.constant 8 : i32
    %mul3A_486 = arith.muli %arg1, %mul3A_485 : i32
    %add3A_487 = arith.constant 3 : i32
    %add3A_488 = arith.addi %mul3A_486, %add3A_487 : i32
    %lt3A_489 = arith.constant 125 : i32
    %lt3A_490 = arith.cmpi slt, %add3A_488, %lt3A_489 : i32
    %convert_element_type3A_491 = arith.extui %lt3A_490 : i1 to i32
    %cond3A_492 = arith.constant 0 : i32
    %cond3A_493 = arith.constant 0 : i32
    %cond3A_494 = arith.cmpi ne, %convert_element_type3A_491, %cond3A_493 : i32
    scf.if %cond3A_494 {
      %mul3A_535 = arith.constant 80 : i32
      %mul3A_536 = arith.muli %add3A_488, %mul3A_535 : i32
      %multiple_of3A_537 = tpu.assume_multiple %mul3A_536, 8 : i32
      "tpu.region"() ({
        %run_scoped3A = tpu.sem_alloc : memref<!tpu.dma_semaphore, #tpu.memory_space<semaphore_mem>>
        %dma_start3A_538 = arith.constant 0 : i32
        %dma_start3A_539 = arith.constant 0 : i32
        %dma_start3A_540 = tpu.memref_slice %arg8[%cond3A_492, %dma_start3A_538, %dma_start3A_539] : memref<8x80x16xf32, #tpu.memory_space<vmem>> -> memref<1x80x16xf32, #tpu.memory_space<vmem>>
        %dma_start3A_541 = tpu.memref_squeeze %dma_start3A_540 : memref<1x80x16xf32, #tpu.memory_space<vmem>> -> memref<80x16xf32, #tpu.memory_space<vmem>>
        %dma_start3A_542 = arith.constant 0 : i32
        %dma_start3A_543 = tpu.memref_slice %arg9[%multiple_of3A_537, %dma_start3A_542] : memref<10000x16xf32, #tpu.memory_space<vmem_shared>> -> memref<80x16xf32, #tpu.memory_space<vmem_shared>>
        %dma_start3A_544 = arith.constant 0 : i32
        %dma_start3A_545 = arith.constant 0 : i32
        %dma_start3A_546 = tpu.memref_slice %arg8[%cond3A_492, %dma_start3A_544, %dma_start3A_545] : memref<8x80x16xf32, #tpu.memory_space<vmem>> -> memref<1x80x16xf32, #tpu.memory_space<vmem>>
        %dma_start3A_547 = tpu.memref_squeeze %dma_start3A_546 : memref<1x80x16xf32, #tpu.memory_space<vmem>> -> memref<80x16xf32, #tpu.memory_space<vmem>>
        %dma_start3A_548 = arith.constant 0 : i32
        %dma_start3A_549 = tpu.memref_slice %arg9[%multiple_of3A_537, %dma_start3A_548] : memref<10000x16xf32, #tpu.memory_space<vmem_shared>> -> memref<80x16xf32, #tpu.memory_space<vmem_shared>>
        tpu.enqueue_dma source(%dma_start3A_549 : memref<80x16xf32, #tpu.memory_space<vmem_shared>>) target(%dma_start3A_547 : memref<80x16xf32, #tpu.memory_space<vmem>>) target_semaphore(%run_scoped3A : memref<!tpu.dma_semaphore, #tpu.memory_space<semaphore_mem>>)
        %dma_wait3A_550 = arith.constant 0 : i32
        %dma_wait3A_551 = arith.constant 0 : i32
        %dma_wait3A_552 = tpu.memref_slice %arg8[%cond3A_492, %dma_wait3A_550, %dma_wait3A_551] : memref<8x80x16xf32, #tpu.memory_space<vmem>> -> memref<1x80x16xf32, #tpu.memory_space<vmem>>
        %dma_wait3A_553 = tpu.memref_squeeze %dma_wait3A_552 : memref<1x80x16xf32, #tpu.memory_space<vmem>> -> memref<80x16xf32, #tpu.memory_space<vmem>>
        %dma_wait3A_554 = arith.constant 0 : i32
        %dma_wait3A_555 = tpu.memref_slice %arg9[%multiple_of3A_537, %dma_wait3A_554] : memref<10000x16xf32, #tpu.memory_space<vmem_shared>> -> memref<80x16xf32, #tpu.memory_space<vmem_shared>>
        %dma_wait3A_556 = arith.constant 0 : i32
        %dma_wait3A_557 = arith.constant 0 : i32
        %dma_wait3A_558 = tpu.memref_slice %arg8[%cond3A_492, %dma_wait3A_556, %dma_wait3A_557] : memref<8x80x16xf32, #tpu.memory_space<vmem>> -> memref<1x80x16xf32, #tpu.memory_space<vmem>>
        %dma_wait3A_559 = tpu.memref_squeeze %dma_wait3A_558 : memref<1x80x16xf32, #tpu.memory_space<vmem>> -> memref<80x16xf32, #tpu.memory_space<vmem>>
        %dma_wait3A_560 = arith.constant 0 : i32
        %dma_wait3A_561 = tpu.memref_slice %arg9[%multiple_of3A_537, %dma_wait3A_560] : memref<10000x16xf32, #tpu.memory_space<vmem_shared>> -> memref<80x16xf32, #tpu.memory_space<vmem_shared>>
        tpu.wait_dma2 semaphore(%run_scoped3A : memref<!tpu.dma_semaphore, #tpu.memory_space<semaphore_mem>>) src(%dma_wait3A_561 : memref<80x16xf32, #tpu.memory_space<vmem_shared>>) dst(%dma_wait3A_559 : memref<80x16xf32, #tpu.memory_space<vmem>>)
        tpu.yield
      }) : () -> ()
      "tpu.region"() ({
        %run_scoped3A = tpu.sem_alloc : memref<!tpu.dma_semaphore, #tpu.memory_space<semaphore_mem>>
        %dma_start3A_538 = arith.constant 0 : i32
        %dma_start3A_539 = arith.constant 0 : i32
        %dma_start3A_540 = tpu.memref_slice %arg8[%cond3A_492, %dma_start3A_538, %dma_start3A_539] : memref<8x80x16xf32, #tpu.memory_space<vmem>> -> memref<1x80x16xf32, #tpu.memory_space<vmem>>
        %dma_start3A_541 = tpu.memref_squeeze %dma_start3A_540 : memref<1x80x16xf32, #tpu.memory_space<vmem>> -> memref<80x16xf32, #tpu.memory_space<vmem>>
        %dma_start3A_542 = arith.constant 0 : i32
        %dma_start3A_543 = tpu.memref_slice %arg5[%arg0, %multiple_of3A_537, %dma_start3A_542] : memref<2x10000x16xf32, #tpu.memory_space<hbm>> -> memref<1x80x16xf32, #tpu.memory_space<hbm>>
        %dma_start3A_544 = tpu.memref_squeeze %dma_start3A_543 : memref<1x80x16xf32, #tpu.memory_space<hbm>> -> memref<80x16xf32, #tpu.memory_space<hbm>>
        %dma_start3A_545 = arith.constant 0 : i32
        %dma_start3A_546 = tpu.memref_slice %arg5[%arg0, %multiple_of3A_537, %dma_start3A_545] : memref<2x10000x16xf32, #tpu.memory_space<hbm>> -> memref<1x80x16xf32, #tpu.memory_space<hbm>>
        %dma_start3A_547 = tpu.memref_squeeze %dma_start3A_546 : memref<1x80x16xf32, #tpu.memory_space<hbm>> -> memref<80x16xf32, #tpu.memory_space<hbm>>
        %dma_start3A_548 = arith.constant 0 : i32
        %dma_start3A_549 = arith.constant 0 : i32
        %dma_start3A_550 = tpu.memref_slice %arg8[%cond3A_492, %dma_start3A_548, %dma_start3A_549] : memref<8x80x16xf32, #tpu.memory_space<vmem>> -> memref<1x80x16xf32, #tpu.memory_space<vmem>>
        %dma_start3A_551 = tpu.memref_squeeze %dma_start3A_550 : memref<1x80x16xf32, #tpu.memory_space<vmem>> -> memref<80x16xf32, #tpu.memory_space<vmem>>
        tpu.enqueue_dma source(%dma_start3A_551 : memref<80x16xf32, #tpu.memory_space<vmem>>) target(%dma_start3A_547 : memref<80x16xf32, #tpu.memory_space<hbm>>) target_semaphore(%run_scoped3A : memref<!tpu.dma_semaphore, #tpu.memory_space<semaphore_mem>>)
        %dma_wait3A_552 = arith.constant 0 : i32
        %dma_wait3A_553 = arith.constant 0 : i32
        %dma_wait3A_554 = tpu.memref_slice %arg8[%cond3A_492, %dma_wait3A_552, %dma_wait3A_553] : memref<8x80x16xf32, #tpu.memory_space<vmem>> -> memref<1x80x16xf32, #tpu.memory_space<vmem>>
        %dma_wait3A_555 = tpu.memref_squeeze %dma_wait3A_554 : memref<1x80x16xf32, #tpu.memory_space<vmem>> -> memref<80x16xf32, #tpu.memory_space<vmem>>
        %dma_wait3A_556 = arith.constant 0 : i32
        %dma_wait3A_557 = tpu.memref_slice %arg5[%arg0, %multiple_of3A_537, %dma_wait3A_556] : memref<2x10000x16xf32, #tpu.memory_space<hbm>> -> memref<1x80x16xf32, #tpu.memory_space<hbm>>
        %dma_wait3A_558 = tpu.memref_squeeze %dma_wait3A_557 : memref<1x80x16xf32, #tpu.memory_space<hbm>> -> memref<80x16xf32, #tpu.memory_space<hbm>>
        %dma_wait3A_559 = arith.constant 0 : i32
        %dma_wait3A_560 = tpu.memref_slice %arg5[%arg0, %multiple_of3A_537, %dma_wait3A_559] : memref<2x10000x16xf32, #tpu.memory_space<hbm>> -> memref<1x80x16xf32, #tpu.memory_space<hbm>>
        %dma_wait3A_561 = tpu.memref_squeeze %dma_wait3A_560 : memref<1x80x16xf32, #tpu.memory_space<hbm>> -> memref<80x16xf32, #tpu.memory_space<hbm>>
        %dma_wait3A_562 = arith.constant 0 : i32
        %dma_wait3A_563 = arith.constant 0 : i32
        %dma_wait3A_564 = tpu.memref_slice %arg8[%cond3A_492, %dma_wait3A_562, %dma_wait3A_563] : memref<8x80x16xf32, #tpu.memory_space<vmem>> -> memref<1x80x16xf32, #tpu.memory_space<vmem>>
        %dma_wait3A_565 = tpu.memref_squeeze %dma_wait3A_564 : memref<1x80x16xf32, #tpu.memory_space<vmem>> -> memref<80x16xf32, #tpu.memory_space<vmem>>
        tpu.wait_dma2 semaphore(%run_scoped3A : memref<!tpu.dma_semaphore, #tpu.memory_space<semaphore_mem>>) src(%dma_wait3A_565 : memref<80x16xf32, #tpu.memory_space<vmem>>) dst(%dma_wait3A_561 : memref<80x16xf32, #tpu.memory_space<hbm>>)
        tpu.yield
      }) : () -> ()
    } else {
    }
    %mul3A_495 = arith.constant 8 : i32
    %mul3A_496 = arith.muli %arg1, %mul3A_495 : i32
    %add3A_497 = arith.constant 4 : i32
    %add3A_498 = arith.addi %mul3A_496, %add3A_497 : i32
    %lt3A_499 = arith.constant 125 : i32
    %lt3A_500 = arith.cmpi slt, %add3A_498, %lt3A_499 : i32
    %convert_element_type3A_501 = arith.extui %lt3A_500 : i1 to i32
    %cond3A_502 = arith.constant 0 : i32
    %cond3A_503 = arith.constant 0 : i32
    %cond3A_504 = arith.cmpi ne, %convert_element_type3A_501, %cond3A_503 : i32
    scf.if %cond3A_504 {
      %mul3A_535 = arith.constant 80 : i32
      %mul3A_536 = arith.muli %add3A_498, %mul3A_535 : i32
      %multiple_of3A_537 = tpu.assume_multiple %mul3A_536, 8 : i32
      "tpu.region"() ({
        %run_scoped3A = tpu.sem_alloc : memref<!tpu.dma_semaphore, #tpu.memory_space<semaphore_mem>>
        %dma_start3A_538 = arith.constant 0 : i32
        %dma_start3A_539 = arith.constant 0 : i32
        %dma_start3A_540 = tpu.memref_slice %arg8[%cond3A_502, %dma_start3A_538, %dma_start3A_539] : memref<8x80x16xf32, #tpu.memory_space<vmem>> -> memref<1x80x16xf32, #tpu.memory_space<vmem>>
        %dma_start3A_541 = tpu.memref_squeeze %dma_start3A_540 : memref<1x80x16xf32, #tpu.memory_space<vmem>> -> memref<80x16xf32, #tpu.memory_space<vmem>>
        %dma_start3A_542 = arith.constant 0 : i32
        %dma_start3A_543 = tpu.memref_slice %arg9[%multiple_of3A_537, %dma_start3A_542] : memref<10000x16xf32, #tpu.memory_space<vmem_shared>> -> memref<80x16xf32, #tpu.memory_space<vmem_shared>>
        %dma_start3A_544 = arith.constant 0 : i32
        %dma_start3A_545 = arith.constant 0 : i32
        %dma_start3A_546 = tpu.memref_slice %arg8[%cond3A_502, %dma_start3A_544, %dma_start3A_545] : memref<8x80x16xf32, #tpu.memory_space<vmem>> -> memref<1x80x16xf32, #tpu.memory_space<vmem>>
        %dma_start3A_547 = tpu.memref_squeeze %dma_start3A_546 : memref<1x80x16xf32, #tpu.memory_space<vmem>> -> memref<80x16xf32, #tpu.memory_space<vmem>>
        %dma_start3A_548 = arith.constant 0 : i32
        %dma_start3A_549 = tpu.memref_slice %arg9[%multiple_of3A_537, %dma_start3A_548] : memref<10000x16xf32, #tpu.memory_space<vmem_shared>> -> memref<80x16xf32, #tpu.memory_space<vmem_shared>>
        tpu.enqueue_dma source(%dma_start3A_549 : memref<80x16xf32, #tpu.memory_space<vmem_shared>>) target(%dma_start3A_547 : memref<80x16xf32, #tpu.memory_space<vmem>>) target_semaphore(%run_scoped3A : memref<!tpu.dma_semaphore, #tpu.memory_space<semaphore_mem>>)
        %dma_wait3A_550 = arith.constant 0 : i32
        %dma_wait3A_551 = arith.constant 0 : i32
        %dma_wait3A_552 = tpu.memref_slice %arg8[%cond3A_502, %dma_wait3A_550, %dma_wait3A_551] : memref<8x80x16xf32, #tpu.memory_space<vmem>> -> memref<1x80x16xf32, #tpu.memory_space<vmem>>
        %dma_wait3A_553 = tpu.memref_squeeze %dma_wait3A_552 : memref<1x80x16xf32, #tpu.memory_space<vmem>> -> memref<80x16xf32, #tpu.memory_space<vmem>>
        %dma_wait3A_554 = arith.constant 0 : i32
        %dma_wait3A_555 = tpu.memref_slice %arg9[%multiple_of3A_537, %dma_wait3A_554] : memref<10000x16xf32, #tpu.memory_space<vmem_shared>> -> memref<80x16xf32, #tpu.memory_space<vmem_shared>>
        %dma_wait3A_556 = arith.constant 0 : i32
        %dma_wait3A_557 = arith.constant 0 : i32
        %dma_wait3A_558 = tpu.memref_slice %arg8[%cond3A_502, %dma_wait3A_556, %dma_wait3A_557] : memref<8x80x16xf32, #tpu.memory_space<vmem>> -> memref<1x80x16xf32, #tpu.memory_space<vmem>>
        %dma_wait3A_559 = tpu.memref_squeeze %dma_wait3A_558 : memref<1x80x16xf32, #tpu.memory_space<vmem>> -> memref<80x16xf32, #tpu.memory_space<vmem>>
        %dma_wait3A_560 = arith.constant 0 : i32
        %dma_wait3A_561 = tpu.memref_slice %arg9[%multiple_of3A_537, %dma_wait3A_560] : memref<10000x16xf32, #tpu.memory_space<vmem_shared>> -> memref<80x16xf32, #tpu.memory_space<vmem_shared>>
        tpu.wait_dma2 semaphore(%run_scoped3A : memref<!tpu.dma_semaphore, #tpu.memory_space<semaphore_mem>>) src(%dma_wait3A_561 : memref<80x16xf32, #tpu.memory_space<vmem_shared>>) dst(%dma_wait3A_559 : memref<80x16xf32, #tpu.memory_space<vmem>>)
        tpu.yield
      }) : () -> ()
      "tpu.region"() ({
        %run_scoped3A = tpu.sem_alloc : memref<!tpu.dma_semaphore, #tpu.memory_space<semaphore_mem>>
        %dma_start3A_538 = arith.constant 0 : i32
        %dma_start3A_539 = arith.constant 0 : i32
        %dma_start3A_540 = tpu.memref_slice %arg8[%cond3A_502, %dma_start3A_538, %dma_start3A_539] : memref<8x80x16xf32, #tpu.memory_space<vmem>> -> memref<1x80x16xf32, #tpu.memory_space<vmem>>
        %dma_start3A_541 = tpu.memref_squeeze %dma_start3A_540 : memref<1x80x16xf32, #tpu.memory_space<vmem>> -> memref<80x16xf32, #tpu.memory_space<vmem>>
        %dma_start3A_542 = arith.constant 0 : i32
        %dma_start3A_543 = tpu.memref_slice %arg5[%arg0, %multiple_of3A_537, %dma_start3A_542] : memref<2x10000x16xf32, #tpu.memory_space<hbm>> -> memref<1x80x16xf32, #tpu.memory_space<hbm>>
        %dma_start3A_544 = tpu.memref_squeeze %dma_start3A_543 : memref<1x80x16xf32, #tpu.memory_space<hbm>> -> memref<80x16xf32, #tpu.memory_space<hbm>>
        %dma_start3A_545 = arith.constant 0 : i32
        %dma_start3A_546 = tpu.memref_slice %arg5[%arg0, %multiple_of3A_537, %dma_start3A_545] : memref<2x10000x16xf32, #tpu.memory_space<hbm>> -> memref<1x80x16xf32, #tpu.memory_space<hbm>>
        %dma_start3A_547 = tpu.memref_squeeze %dma_start3A_546 : memref<1x80x16xf32, #tpu.memory_space<hbm>> -> memref<80x16xf32, #tpu.memory_space<hbm>>
        %dma_start3A_548 = arith.constant 0 : i32
        %dma_start3A_549 = arith.constant 0 : i32
        %dma_start3A_550 = tpu.memref_slice %arg8[%cond3A_502, %dma_start3A_548, %dma_start3A_549] : memref<8x80x16xf32, #tpu.memory_space<vmem>> -> memref<1x80x16xf32, #tpu.memory_space<vmem>>
        %dma_start3A_551 = tpu.memref_squeeze %dma_start3A_550 : memref<1x80x16xf32, #tpu.memory_space<vmem>> -> memref<80x16xf32, #tpu.memory_space<vmem>>
        tpu.enqueue_dma source(%dma_start3A_551 : memref<80x16xf32, #tpu.memory_space<vmem>>) target(%dma_start3A_547 : memref<80x16xf32, #tpu.memory_space<hbm>>) target_semaphore(%run_scoped3A : memref<!tpu.dma_semaphore, #tpu.memory_space<semaphore_mem>>)
        %dma_wait3A_552 = arith.constant 0 : i32
        %dma_wait3A_553 = arith.constant 0 : i32
        %dma_wait3A_554 = tpu.memref_slice %arg8[%cond3A_502, %dma_wait3A_552, %dma_wait3A_553] : memref<8x80x16xf32, #tpu.memory_space<vmem>> -> memref<1x80x16xf32, #tpu.memory_space<vmem>>
        %dma_wait3A_555 = tpu.memref_squeeze %dma_wait3A_554 : memref<1x80x16xf32, #tpu.memory_space<vmem>> -> memref<80x16xf32, #tpu.memory_space<vmem>>
        %dma_wait3A_556 = arith.constant 0 : i32
        %dma_wait3A_557 = tpu.memref_slice %arg5[%arg0, %multiple_of3A_537, %dma_wait3A_556] : memref<2x10000x16xf32, #tpu.memory_space<hbm>> -> memref<1x80x16xf32, #tpu.memory_space<hbm>>
        %dma_wait3A_558 = tpu.memref_squeeze %dma_wait3A_557 : memref<1x80x16xf32, #tpu.memory_space<hbm>> -> memref<80x16xf32, #tpu.memory_space<hbm>>
        %dma_wait3A_559 = arith.constant 0 : i32
        %dma_wait3A_560 = tpu.memref_slice %arg5[%arg0, %multiple_of3A_537, %dma_wait3A_559] : memref<2x10000x16xf32, #tpu.memory_space<hbm>> -> memref<1x80x16xf32, #tpu.memory_space<hbm>>
        %dma_wait3A_561 = tpu.memref_squeeze %dma_wait3A_560 : memref<1x80x16xf32, #tpu.memory_space<hbm>> -> memref<80x16xf32, #tpu.memory_space<hbm>>
        %dma_wait3A_562 = arith.constant 0 : i32
        %dma_wait3A_563 = arith.constant 0 : i32
        %dma_wait3A_564 = tpu.memref_slice %arg8[%cond3A_502, %dma_wait3A_562, %dma_wait3A_563] : memref<8x80x16xf32, #tpu.memory_space<vmem>> -> memref<1x80x16xf32, #tpu.memory_space<vmem>>
        %dma_wait3A_565 = tpu.memref_squeeze %dma_wait3A_564 : memref<1x80x16xf32, #tpu.memory_space<vmem>> -> memref<80x16xf32, #tpu.memory_space<vmem>>
        tpu.wait_dma2 semaphore(%run_scoped3A : memref<!tpu.dma_semaphore, #tpu.memory_space<semaphore_mem>>) src(%dma_wait3A_565 : memref<80x16xf32, #tpu.memory_space<vmem>>) dst(%dma_wait3A_561 : memref<80x16xf32, #tpu.memory_space<hbm>>)
        tpu.yield
      }) : () -> ()
    } else {
    }
    %mul3A_505 = arith.constant 8 : i32
    %mul3A_506 = arith.muli %arg1, %mul3A_505 : i32
    %add3A_507 = arith.constant 5 : i32
    %add3A_508 = arith.addi %mul3A_506, %add3A_507 : i32
    %lt3A_509 = arith.constant 125 : i32
    %lt3A_510 = arith.cmpi slt, %add3A_508, %lt3A_509 : i32
    %convert_element_type3A_511 = arith.extui %lt3A_510 : i1 to i32
    %cond3A_512 = arith.constant 0 : i32
    %cond3A_513 = arith.constant 0 : i32
    %cond3A_514 = arith.cmpi ne, %convert_element_type3A_511, %cond3A_513 : i32
    scf.if %cond3A_514 {
      %mul3A_535 = arith.constant 80 : i32
      %mul3A_536 = arith.muli %add3A_508, %mul3A_535 : i32
      %multiple_of3A_537 = tpu.assume_multiple %mul3A_536, 8 : i32
      "tpu.region"() ({
        %run_scoped3A = tpu.sem_alloc : memref<!tpu.dma_semaphore, #tpu.memory_space<semaphore_mem>>
        %dma_start3A_538 = arith.constant 0 : i32
        %dma_start3A_539 = arith.constant 0 : i32
        %dma_start3A_540 = tpu.memref_slice %arg8[%cond3A_512, %dma_start3A_538, %dma_start3A_539] : memref<8x80x16xf32, #tpu.memory_space<vmem>> -> memref<1x80x16xf32, #tpu.memory_space<vmem>>
        %dma_start3A_541 = tpu.memref_squeeze %dma_start3A_540 : memref<1x80x16xf32, #tpu.memory_space<vmem>> -> memref<80x16xf32, #tpu.memory_space<vmem>>
        %dma_start3A_542 = arith.constant 0 : i32
        %dma_start3A_543 = tpu.memref_slice %arg9[%multiple_of3A_537, %dma_start3A_542] : memref<10000x16xf32, #tpu.memory_space<vmem_shared>> -> memref<80x16xf32, #tpu.memory_space<vmem_shared>>
        %dma_start3A_544 = arith.constant 0 : i32
        %dma_start3A_545 = arith.constant 0 : i32
        %dma_start3A_546 = tpu.memref_slice %arg8[%cond3A_512, %dma_start3A_544, %dma_start3A_545] : memref<8x80x16xf32, #tpu.memory_space<vmem>> -> memref<1x80x16xf32, #tpu.memory_space<vmem>>
        %dma_start3A_547 = tpu.memref_squeeze %dma_start3A_546 : memref<1x80x16xf32, #tpu.memory_space<vmem>> -> memref<80x16xf32, #tpu.memory_space<vmem>>
        %dma_start3A_548 = arith.constant 0 : i32
        %dma_start3A_549 = tpu.memref_slice %arg9[%multiple_of3A_537, %dma_start3A_548] : memref<10000x16xf32, #tpu.memory_space<vmem_shared>> -> memref<80x16xf32, #tpu.memory_space<vmem_shared>>
        tpu.enqueue_dma source(%dma_start3A_549 : memref<80x16xf32, #tpu.memory_space<vmem_shared>>) target(%dma_start3A_547 : memref<80x16xf32, #tpu.memory_space<vmem>>) target_semaphore(%run_scoped3A : memref<!tpu.dma_semaphore, #tpu.memory_space<semaphore_mem>>)
        %dma_wait3A_550 = arith.constant 0 : i32
        %dma_wait3A_551 = arith.constant 0 : i32
        %dma_wait3A_552 = tpu.memref_slice %arg8[%cond3A_512, %dma_wait3A_550, %dma_wait3A_551] : memref<8x80x16xf32, #tpu.memory_space<vmem>> -> memref<1x80x16xf32, #tpu.memory_space<vmem>>
        %dma_wait3A_553 = tpu.memref_squeeze %dma_wait3A_552 : memref<1x80x16xf32, #tpu.memory_space<vmem>> -> memref<80x16xf32, #tpu.memory_space<vmem>>
        %dma_wait3A_554 = arith.constant 0 : i32
        %dma_wait3A_555 = tpu.memref_slice %arg9[%multiple_of3A_537, %dma_wait3A_554] : memref<10000x16xf32, #tpu.memory_space<vmem_shared>> -> memref<80x16xf32, #tpu.memory_space<vmem_shared>>
        %dma_wait3A_556 = arith.constant 0 : i32
        %dma_wait3A_557 = arith.constant 0 : i32
        %dma_wait3A_558 = tpu.memref_slice %arg8[%cond3A_512, %dma_wait3A_556, %dma_wait3A_557] : memref<8x80x16xf32, #tpu.memory_space<vmem>> -> memref<1x80x16xf32, #tpu.memory_space<vmem>>
        %dma_wait3A_559 = tpu.memref_squeeze %dma_wait3A_558 : memref<1x80x16xf32, #tpu.memory_space<vmem>> -> memref<80x16xf32, #tpu.memory_space<vmem>>
        %dma_wait3A_560 = arith.constant 0 : i32
        %dma_wait3A_561 = tpu.memref_slice %arg9[%multiple_of3A_537, %dma_wait3A_560] : memref<10000x16xf32, #tpu.memory_space<vmem_shared>> -> memref<80x16xf32, #tpu.memory_space<vmem_shared>>
        tpu.wait_dma2 semaphore(%run_scoped3A : memref<!tpu.dma_semaphore, #tpu.memory_space<semaphore_mem>>) src(%dma_wait3A_561 : memref<80x16xf32, #tpu.memory_space<vmem_shared>>) dst(%dma_wait3A_559 : memref<80x16xf32, #tpu.memory_space<vmem>>)
        tpu.yield
      }) : () -> ()
      "tpu.region"() ({
        %run_scoped3A = tpu.sem_alloc : memref<!tpu.dma_semaphore, #tpu.memory_space<semaphore_mem>>
        %dma_start3A_538 = arith.constant 0 : i32
        %dma_start3A_539 = arith.constant 0 : i32
        %dma_start3A_540 = tpu.memref_slice %arg8[%cond3A_512, %dma_start3A_538, %dma_start3A_539] : memref<8x80x16xf32, #tpu.memory_space<vmem>> -> memref<1x80x16xf32, #tpu.memory_space<vmem>>
        %dma_start3A_541 = tpu.memref_squeeze %dma_start3A_540 : memref<1x80x16xf32, #tpu.memory_space<vmem>> -> memref<80x16xf32, #tpu.memory_space<vmem>>
        %dma_start3A_542 = arith.constant 0 : i32
        %dma_start3A_543 = tpu.memref_slice %arg5[%arg0, %multiple_of3A_537, %dma_start3A_542] : memref<2x10000x16xf32, #tpu.memory_space<hbm>> -> memref<1x80x16xf32, #tpu.memory_space<hbm>>
        %dma_start3A_544 = tpu.memref_squeeze %dma_start3A_543 : memref<1x80x16xf32, #tpu.memory_space<hbm>> -> memref<80x16xf32, #tpu.memory_space<hbm>>
        %dma_start3A_545 = arith.constant 0 : i32
        %dma_start3A_546 = tpu.memref_slice %arg5[%arg0, %multiple_of3A_537, %dma_start3A_545] : memref<2x10000x16xf32, #tpu.memory_space<hbm>> -> memref<1x80x16xf32, #tpu.memory_space<hbm>>
        %dma_start3A_547 = tpu.memref_squeeze %dma_start3A_546 : memref<1x80x16xf32, #tpu.memory_space<hbm>> -> memref<80x16xf32, #tpu.memory_space<hbm>>
        %dma_start3A_548 = arith.constant 0 : i32
        %dma_start3A_549 = arith.constant 0 : i32
        %dma_start3A_550 = tpu.memref_slice %arg8[%cond3A_512, %dma_start3A_548, %dma_start3A_549] : memref<8x80x16xf32, #tpu.memory_space<vmem>> -> memref<1x80x16xf32, #tpu.memory_space<vmem>>
        %dma_start3A_551 = tpu.memref_squeeze %dma_start3A_550 : memref<1x80x16xf32, #tpu.memory_space<vmem>> -> memref<80x16xf32, #tpu.memory_space<vmem>>
        tpu.enqueue_dma source(%dma_start3A_551 : memref<80x16xf32, #tpu.memory_space<vmem>>) target(%dma_start3A_547 : memref<80x16xf32, #tpu.memory_space<hbm>>) target_semaphore(%run_scoped3A : memref<!tpu.dma_semaphore, #tpu.memory_space<semaphore_mem>>)
        %dma_wait3A_552 = arith.constant 0 : i32
        %dma_wait3A_553 = arith.constant 0 : i32
        %dma_wait3A_554 = tpu.memref_slice %arg8[%cond3A_512, %dma_wait3A_552, %dma_wait3A_553] : memref<8x80x16xf32, #tpu.memory_space<vmem>> -> memref<1x80x16xf32, #tpu.memory_space<vmem>>
        %dma_wait3A_555 = tpu.memref_squeeze %dma_wait3A_554 : memref<1x80x16xf32, #tpu.memory_space<vmem>> -> memref<80x16xf32, #tpu.memory_space<vmem>>
        %dma_wait3A_556 = arith.constant 0 : i32
        %dma_wait3A_557 = tpu.memref_slice %arg5[%arg0, %multiple_of3A_537, %dma_wait3A_556] : memref<2x10000x16xf32, #tpu.memory_space<hbm>> -> memref<1x80x16xf32, #tpu.memory_space<hbm>>
        %dma_wait3A_558 = tpu.memref_squeeze %dma_wait3A_557 : memref<1x80x16xf32, #tpu.memory_space<hbm>> -> memref<80x16xf32, #tpu.memory_space<hbm>>
        %dma_wait3A_559 = arith.constant 0 : i32
        %dma_wait3A_560 = tpu.memref_slice %arg5[%arg0, %multiple_of3A_537, %dma_wait3A_559] : memref<2x10000x16xf32, #tpu.memory_space<hbm>> -> memref<1x80x16xf32, #tpu.memory_space<hbm>>
        %dma_wait3A_561 = tpu.memref_squeeze %dma_wait3A_560 : memref<1x80x16xf32, #tpu.memory_space<hbm>> -> memref<80x16xf32, #tpu.memory_space<hbm>>
        %dma_wait3A_562 = arith.constant 0 : i32
        %dma_wait3A_563 = arith.constant 0 : i32
        %dma_wait3A_564 = tpu.memref_slice %arg8[%cond3A_512, %dma_wait3A_562, %dma_wait3A_563] : memref<8x80x16xf32, #tpu.memory_space<vmem>> -> memref<1x80x16xf32, #tpu.memory_space<vmem>>
        %dma_wait3A_565 = tpu.memref_squeeze %dma_wait3A_564 : memref<1x80x16xf32, #tpu.memory_space<vmem>> -> memref<80x16xf32, #tpu.memory_space<vmem>>
        tpu.wait_dma2 semaphore(%run_scoped3A : memref<!tpu.dma_semaphore, #tpu.memory_space<semaphore_mem>>) src(%dma_wait3A_565 : memref<80x16xf32, #tpu.memory_space<vmem>>) dst(%dma_wait3A_561 : memref<80x16xf32, #tpu.memory_space<hbm>>)
        tpu.yield
      }) : () -> ()
    } else {
    }
    %mul3A_515 = arith.constant 8 : i32
    %mul3A_516 = arith.muli %arg1, %mul3A_515 : i32
    %add3A_517 = arith.constant 6 : i32
    %add3A_518 = arith.addi %mul3A_516, %add3A_517 : i32
    %lt3A_519 = arith.constant 125 : i32
    %lt3A_520 = arith.cmpi slt, %add3A_518, %lt3A_519 : i32
    %convert_element_type3A_521 = arith.extui %lt3A_520 : i1 to i32
    %cond3A_522 = arith.constant 0 : i32
    %cond3A_523 = arith.constant 0 : i32
    %cond3A_524 = arith.cmpi ne, %convert_element_type3A_521, %cond3A_523 : i32
    scf.if %cond3A_524 {
      %mul3A_535 = arith.constant 80 : i32
      %mul3A_536 = arith.muli %add3A_518, %mul3A_535 : i32
      %multiple_of3A_537 = tpu.assume_multiple %mul3A_536, 8 : i32
      "tpu.region"() ({
        %run_scoped3A = tpu.sem_alloc : memref<!tpu.dma_semaphore, #tpu.memory_space<semaphore_mem>>
        %dma_start3A_538 = arith.constant 0 : i32
        %dma_start3A_539 = arith.constant 0 : i32
        %dma_start3A_540 = tpu.memref_slice %arg8[%cond3A_522, %dma_start3A_538, %dma_start3A_539] : memref<8x80x16xf32, #tpu.memory_space<vmem>> -> memref<1x80x16xf32, #tpu.memory_space<vmem>>
        %dma_start3A_541 = tpu.memref_squeeze %dma_start3A_540 : memref<1x80x16xf32, #tpu.memory_space<vmem>> -> memref<80x16xf32, #tpu.memory_space<vmem>>
        %dma_start3A_542 = arith.constant 0 : i32
        %dma_start3A_543 = tpu.memref_slice %arg9[%multiple_of3A_537, %dma_start3A_542] : memref<10000x16xf32, #tpu.memory_space<vmem_shared>> -> memref<80x16xf32, #tpu.memory_space<vmem_shared>>
        %dma_start3A_544 = arith.constant 0 : i32
        %dma_start3A_545 = arith.constant 0 : i32
        %dma_start3A_546 = tpu.memref_slice %arg8[%cond3A_522, %dma_start3A_544, %dma_start3A_545] : memref<8x80x16xf32, #tpu.memory_space<vmem>> -> memref<1x80x16xf32, #tpu.memory_space<vmem>>
        %dma_start3A_547 = tpu.memref_squeeze %dma_start3A_546 : memref<1x80x16xf32, #tpu.memory_space<vmem>> -> memref<80x16xf32, #tpu.memory_space<vmem>>
        %dma_start3A_548 = arith.constant 0 : i32
        %dma_start3A_549 = tpu.memref_slice %arg9[%multiple_of3A_537, %dma_start3A_548] : memref<10000x16xf32, #tpu.memory_space<vmem_shared>> -> memref<80x16xf32, #tpu.memory_space<vmem_shared>>
        tpu.enqueue_dma source(%dma_start3A_549 : memref<80x16xf32, #tpu.memory_space<vmem_shared>>) target(%dma_start3A_547 : memref<80x16xf32, #tpu.memory_space<vmem>>) target_semaphore(%run_scoped3A : memref<!tpu.dma_semaphore, #tpu.memory_space<semaphore_mem>>)
        %dma_wait3A_550 = arith.constant 0 : i32
        %dma_wait3A_551 = arith.constant 0 : i32
        %dma_wait3A_552 = tpu.memref_slice %arg8[%cond3A_522, %dma_wait3A_550, %dma_wait3A_551] : memref<8x80x16xf32, #tpu.memory_space<vmem>> -> memref<1x80x16xf32, #tpu.memory_space<vmem>>
        %dma_wait3A_553 = tpu.memref_squeeze %dma_wait3A_552 : memref<1x80x16xf32, #tpu.memory_space<vmem>> -> memref<80x16xf32, #tpu.memory_space<vmem>>
        %dma_wait3A_554 = arith.constant 0 : i32
        %dma_wait3A_555 = tpu.memref_slice %arg9[%multiple_of3A_537, %dma_wait3A_554] : memref<10000x16xf32, #tpu.memory_space<vmem_shared>> -> memref<80x16xf32, #tpu.memory_space<vmem_shared>>
        %dma_wait3A_556 = arith.constant 0 : i32
        %dma_wait3A_557 = arith.constant 0 : i32
        %dma_wait3A_558 = tpu.memref_slice %arg8[%cond3A_522, %dma_wait3A_556, %dma_wait3A_557] : memref<8x80x16xf32, #tpu.memory_space<vmem>> -> memref<1x80x16xf32, #tpu.memory_space<vmem>>
        %dma_wait3A_559 = tpu.memref_squeeze %dma_wait3A_558 : memref<1x80x16xf32, #tpu.memory_space<vmem>> -> memref<80x16xf32, #tpu.memory_space<vmem>>
        %dma_wait3A_560 = arith.constant 0 : i32
        %dma_wait3A_561 = tpu.memref_slice %arg9[%multiple_of3A_537, %dma_wait3A_560] : memref<10000x16xf32, #tpu.memory_space<vmem_shared>> -> memref<80x16xf32, #tpu.memory_space<vmem_shared>>
        tpu.wait_dma2 semaphore(%run_scoped3A : memref<!tpu.dma_semaphore, #tpu.memory_space<semaphore_mem>>) src(%dma_wait3A_561 : memref<80x16xf32, #tpu.memory_space<vmem_shared>>) dst(%dma_wait3A_559 : memref<80x16xf32, #tpu.memory_space<vmem>>)
        tpu.yield
      }) : () -> ()
      "tpu.region"() ({
        %run_scoped3A = tpu.sem_alloc : memref<!tpu.dma_semaphore, #tpu.memory_space<semaphore_mem>>
        %dma_start3A_538 = arith.constant 0 : i32
        %dma_start3A_539 = arith.constant 0 : i32
        %dma_start3A_540 = tpu.memref_slice %arg8[%cond3A_522, %dma_start3A_538, %dma_start3A_539] : memref<8x80x16xf32, #tpu.memory_space<vmem>> -> memref<1x80x16xf32, #tpu.memory_space<vmem>>
        %dma_start3A_541 = tpu.memref_squeeze %dma_start3A_540 : memref<1x80x16xf32, #tpu.memory_space<vmem>> -> memref<80x16xf32, #tpu.memory_space<vmem>>
        %dma_start3A_542 = arith.constant 0 : i32
        %dma_start3A_543 = tpu.memref_slice %arg5[%arg0, %multiple_of3A_537, %dma_start3A_542] : memref<2x10000x16xf32, #tpu.memory_space<hbm>> -> memref<1x80x16xf32, #tpu.memory_space<hbm>>
        %dma_start3A_544 = tpu.memref_squeeze %dma_start3A_543 : memref<1x80x16xf32, #tpu.memory_space<hbm>> -> memref<80x16xf32, #tpu.memory_space<hbm>>
        %dma_start3A_545 = arith.constant 0 : i32
        %dma_start3A_546 = tpu.memref_slice %arg5[%arg0, %multiple_of3A_537, %dma_start3A_545] : memref<2x10000x16xf32, #tpu.memory_space<hbm>> -> memref<1x80x16xf32, #tpu.memory_space<hbm>>
        %dma_start3A_547 = tpu.memref_squeeze %dma_start3A_546 : memref<1x80x16xf32, #tpu.memory_space<hbm>> -> memref<80x16xf32, #tpu.memory_space<hbm>>
        %dma_start3A_548 = arith.constant 0 : i32
        %dma_start3A_549 = arith.constant 0 : i32
        %dma_start3A_550 = tpu.memref_slice %arg8[%cond3A_522, %dma_start3A_548, %dma_start3A_549] : memref<8x80x16xf32, #tpu.memory_space<vmem>> -> memref<1x80x16xf32, #tpu.memory_space<vmem>>
        %dma_start3A_551 = tpu.memref_squeeze %dma_start3A_550 : memref<1x80x16xf32, #tpu.memory_space<vmem>> -> memref<80x16xf32, #tpu.memory_space<vmem>>
        tpu.enqueue_dma source(%dma_start3A_551 : memref<80x16xf32, #tpu.memory_space<vmem>>) target(%dma_start3A_547 : memref<80x16xf32, #tpu.memory_space<hbm>>) target_semaphore(%run_scoped3A : memref<!tpu.dma_semaphore, #tpu.memory_space<semaphore_mem>>)
        %dma_wait3A_552 = arith.constant 0 : i32
        %dma_wait3A_553 = arith.constant 0 : i32
        %dma_wait3A_554 = tpu.memref_slice %arg8[%cond3A_522, %dma_wait3A_552, %dma_wait3A_553] : memref<8x80x16xf32, #tpu.memory_space<vmem>> -> memref<1x80x16xf32, #tpu.memory_space<vmem>>
        %dma_wait3A_555 = tpu.memref_squeeze %dma_wait3A_554 : memref<1x80x16xf32, #tpu.memory_space<vmem>> -> memref<80x16xf32, #tpu.memory_space<vmem>>
        %dma_wait3A_556 = arith.constant 0 : i32
        %dma_wait3A_557 = tpu.memref_slice %arg5[%arg0, %multiple_of3A_537, %dma_wait3A_556] : memref<2x10000x16xf32, #tpu.memory_space<hbm>> -> memref<1x80x16xf32, #tpu.memory_space<hbm>>
        %dma_wait3A_558 = tpu.memref_squeeze %dma_wait3A_557 : memref<1x80x16xf32, #tpu.memory_space<hbm>> -> memref<80x16xf32, #tpu.memory_space<hbm>>
        %dma_wait3A_559 = arith.constant 0 : i32
        %dma_wait3A_560 = tpu.memref_slice %arg5[%arg0, %multiple_of3A_537, %dma_wait3A_559] : memref<2x10000x16xf32, #tpu.memory_space<hbm>> -> memref<1x80x16xf32, #tpu.memory_space<hbm>>
        %dma_wait3A_561 = tpu.memref_squeeze %dma_wait3A_560 : memref<1x80x16xf32, #tpu.memory_space<hbm>> -> memref<80x16xf32, #tpu.memory_space<hbm>>
        %dma_wait3A_562 = arith.constant 0 : i32
        %dma_wait3A_563 = arith.constant 0 : i32
        %dma_wait3A_564 = tpu.memref_slice %arg8[%cond3A_522, %dma_wait3A_562, %dma_wait3A_563] : memref<8x80x16xf32, #tpu.memory_space<vmem>> -> memref<1x80x16xf32, #tpu.memory_space<vmem>>
        %dma_wait3A_565 = tpu.memref_squeeze %dma_wait3A_564 : memref<1x80x16xf32, #tpu.memory_space<vmem>> -> memref<80x16xf32, #tpu.memory_space<vmem>>
        tpu.wait_dma2 semaphore(%run_scoped3A : memref<!tpu.dma_semaphore, #tpu.memory_space<semaphore_mem>>) src(%dma_wait3A_565 : memref<80x16xf32, #tpu.memory_space<vmem>>) dst(%dma_wait3A_561 : memref<80x16xf32, #tpu.memory_space<hbm>>)
        tpu.yield
      }) : () -> ()
    } else {
    }
    %mul3A_525 = arith.constant 8 : i32
    %mul3A_526 = arith.muli %arg1, %mul3A_525 : i32
    %add3A_527 = arith.constant 7 : i32
    %add3A_528 = arith.addi %mul3A_526, %add3A_527 : i32
    %lt3A_529 = arith.constant 125 : i32
    %lt3A_530 = arith.cmpi slt, %add3A_528, %lt3A_529 : i32
    %convert_element_type3A_531 = arith.extui %lt3A_530 : i1 to i32
    %cond3A_532 = arith.constant 0 : i32
    %cond3A_533 = arith.constant 0 : i32
    %cond3A_534 = arith.cmpi ne, %convert_element_type3A_531, %cond3A_533 : i32
    scf.if %cond3A_534 {
      %mul3A_535 = arith.constant 80 : i32
      %mul3A_536 = arith.muli %add3A_528, %mul3A_535 : i32
      %multiple_of3A_537 = tpu.assume_multiple %mul3A_536, 8 : i32
      "tpu.region"() ({
        %run_scoped3A = tpu.sem_alloc : memref<!tpu.dma_semaphore, #tpu.memory_space<semaphore_mem>>
        %dma_start3A_538 = arith.constant 0 : i32
        %dma_start3A_539 = arith.constant 0 : i32
        %dma_start3A_540 = tpu.memref_slice %arg8[%cond3A_532, %dma_start3A_538, %dma_start3A_539] : memref<8x80x16xf32, #tpu.memory_space<vmem>> -> memref<1x80x16xf32, #tpu.memory_space<vmem>>
        %dma_start3A_541 = tpu.memref_squeeze %dma_start3A_540 : memref<1x80x16xf32, #tpu.memory_space<vmem>> -> memref<80x16xf32, #tpu.memory_space<vmem>>
        %dma_start3A_542 = arith.constant 0 : i32
        %dma_start3A_543 = tpu.memref_slice %arg9[%multiple_of3A_537, %dma_start3A_542] : memref<10000x16xf32, #tpu.memory_space<vmem_shared>> -> memref<80x16xf32, #tpu.memory_space<vmem_shared>>
        %dma_start3A_544 = arith.constant 0 : i32
        %dma_start3A_545 = arith.constant 0 : i32
        %dma_start3A_546 = tpu.memref_slice %arg8[%cond3A_532, %dma_start3A_544, %dma_start3A_545] : memref<8x80x16xf32, #tpu.memory_space<vmem>> -> memref<1x80x16xf32, #tpu.memory_space<vmem>>
        %dma_start3A_547 = tpu.memref_squeeze %dma_start3A_546 : memref<1x80x16xf32, #tpu.memory_space<vmem>> -> memref<80x16xf32, #tpu.memory_space<vmem>>
        %dma_start3A_548 = arith.constant 0 : i32
        %dma_start3A_549 = tpu.memref_slice %arg9[%multiple_of3A_537, %dma_start3A_548] : memref<10000x16xf32, #tpu.memory_space<vmem_shared>> -> memref<80x16xf32, #tpu.memory_space<vmem_shared>>
        tpu.enqueue_dma source(%dma_start3A_549 : memref<80x16xf32, #tpu.memory_space<vmem_shared>>) target(%dma_start3A_547 : memref<80x16xf32, #tpu.memory_space<vmem>>) target_semaphore(%run_scoped3A : memref<!tpu.dma_semaphore, #tpu.memory_space<semaphore_mem>>)
        %dma_wait3A_550 = arith.constant 0 : i32
        %dma_wait3A_551 = arith.constant 0 : i32
        %dma_wait3A_552 = tpu.memref_slice %arg8[%cond3A_532, %dma_wait3A_550, %dma_wait3A_551] : memref<8x80x16xf32, #tpu.memory_space<vmem>> -> memref<1x80x16xf32, #tpu.memory_space<vmem>>
        %dma_wait3A_553 = tpu.memref_squeeze %dma_wait3A_552 : memref<1x80x16xf32, #tpu.memory_space<vmem>> -> memref<80x16xf32, #tpu.memory_space<vmem>>
        %dma_wait3A_554 = arith.constant 0 : i32
        %dma_wait3A_555 = tpu.memref_slice %arg9[%multiple_of3A_537, %dma_wait3A_554] : memref<10000x16xf32, #tpu.memory_space<vmem_shared>> -> memref<80x16xf32, #tpu.memory_space<vmem_shared>>
        %dma_wait3A_556 = arith.constant 0 : i32
        %dma_wait3A_557 = arith.constant 0 : i32
        %dma_wait3A_558 = tpu.memref_slice %arg8[%cond3A_532, %dma_wait3A_556, %dma_wait3A_557] : memref<8x80x16xf32, #tpu.memory_space<vmem>> -> memref<1x80x16xf32, #tpu.memory_space<vmem>>
        %dma_wait3A_559 = tpu.memref_squeeze %dma_wait3A_558 : memref<1x80x16xf32, #tpu.memory_space<vmem>> -> memref<80x16xf32, #tpu.memory_space<vmem>>
        %dma_wait3A_560 = arith.constant 0 : i32
        %dma_wait3A_561 = tpu.memref_slice %arg9[%multiple_of3A_537, %dma_wait3A_560] : memref<10000x16xf32, #tpu.memory_space<vmem_shared>> -> memref<80x16xf32, #tpu.memory_space<vmem_shared>>
        tpu.wait_dma2 semaphore(%run_scoped3A : memref<!tpu.dma_semaphore, #tpu.memory_space<semaphore_mem>>) src(%dma_wait3A_561 : memref<80x16xf32, #tpu.memory_space<vmem_shared>>) dst(%dma_wait3A_559 : memref<80x16xf32, #tpu.memory_space<vmem>>)
        tpu.yield
      }) : () -> ()
      "tpu.region"() ({
        %run_scoped3A = tpu.sem_alloc : memref<!tpu.dma_semaphore, #tpu.memory_space<semaphore_mem>>
        %dma_start3A_538 = arith.constant 0 : i32
        %dma_start3A_539 = arith.constant 0 : i32
        %dma_start3A_540 = tpu.memref_slice %arg8[%cond3A_532, %dma_start3A_538, %dma_start3A_539] : memref<8x80x16xf32, #tpu.memory_space<vmem>> -> memref<1x80x16xf32, #tpu.memory_space<vmem>>
        %dma_start3A_541 = tpu.memref_squeeze %dma_start3A_540 : memref<1x80x16xf32, #tpu.memory_space<vmem>> -> memref<80x16xf32, #tpu.memory_space<vmem>>
        %dma_start3A_542 = arith.constant 0 : i32
        %dma_start3A_543 = tpu.memref_slice %arg5[%arg0, %multiple_of3A_537, %dma_start3A_542] : memref<2x10000x16xf32, #tpu.memory_space<hbm>> -> memref<1x80x16xf32, #tpu.memory_space<hbm>>
        %dma_start3A_544 = tpu.memref_squeeze %dma_start3A_543 : memref<1x80x16xf32, #tpu.memory_space<hbm>> -> memref<80x16xf32, #tpu.memory_space<hbm>>
        %dma_start3A_545 = arith.constant 0 : i32
        %dma_start3A_546 = tpu.memref_slice %arg5[%arg0, %multiple_of3A_537, %dma_start3A_545] : memref<2x10000x16xf32, #tpu.memory_space<hbm>> -> memref<1x80x16xf32, #tpu.memory_space<hbm>>
        %dma_start3A_547 = tpu.memref_squeeze %dma_start3A_546 : memref<1x80x16xf32, #tpu.memory_space<hbm>> -> memref<80x16xf32, #tpu.memory_space<hbm>>
        %dma_start3A_548 = arith.constant 0 : i32
        %dma_start3A_549 = arith.constant 0 : i32
        %dma_start3A_550 = tpu.memref_slice %arg8[%cond3A_532, %dma_start3A_548, %dma_start3A_549] : memref<8x80x16xf32, #tpu.memory_space<vmem>> -> memref<1x80x16xf32, #tpu.memory_space<vmem>>
        %dma_start3A_551 = tpu.memref_squeeze %dma_start3A_550 : memref<1x80x16xf32, #tpu.memory_space<vmem>> -> memref<80x16xf32, #tpu.memory_space<vmem>>
        tpu.enqueue_dma source(%dma_start3A_551 : memref<80x16xf32, #tpu.memory_space<vmem>>) target(%dma_start3A_547 : memref<80x16xf32, #tpu.memory_space<hbm>>) target_semaphore(%run_scoped3A : memref<!tpu.dma_semaphore, #tpu.memory_space<semaphore_mem>>)
        %dma_wait3A_552 = arith.constant 0 : i32
        %dma_wait3A_553 = arith.constant 0 : i32
        %dma_wait3A_554 = tpu.memref_slice %arg8[%cond3A_532, %dma_wait3A_552, %dma_wait3A_553] : memref<8x80x16xf32, #tpu.memory_space<vmem>> -> memref<1x80x16xf32, #tpu.memory_space<vmem>>
        %dma_wait3A_555 = tpu.memref_squeeze %dma_wait3A_554 : memref<1x80x16xf32, #tpu.memory_space<vmem>> -> memref<80x16xf32, #tpu.memory_space<vmem>>
        %dma_wait3A_556 = arith.constant 0 : i32
        %dma_wait3A_557 = tpu.memref_slice %arg5[%arg0, %multiple_of3A_537, %dma_wait3A_556] : memref<2x10000x16xf32, #tpu.memory_space<hbm>> -> memref<1x80x16xf32, #tpu.memory_space<hbm>>
        %dma_wait3A_558 = tpu.memref_squeeze %dma_wait3A_557 : memref<1x80x16xf32, #tpu.memory_space<hbm>> -> memref<80x16xf32, #tpu.memory_space<hbm>>
        %dma_wait3A_559 = arith.constant 0 : i32
        %dma_wait3A_560 = tpu.memref_slice %arg5[%arg0, %multiple_of3A_537, %dma_wait3A_559] : memref<2x10000x16xf32, #tpu.memory_space<hbm>> -> memref<1x80x16xf32, #tpu.memory_space<hbm>>
        %dma_wait3A_561 = tpu.memref_squeeze %dma_wait3A_560 : memref<1x80x16xf32, #tpu.memory_space<hbm>> -> memref<80x16xf32, #tpu.memory_space<hbm>>
        %dma_wait3A_562 = arith.constant 0 : i32
        %dma_wait3A_563 = arith.constant 0 : i32
        %dma_wait3A_564 = tpu.memref_slice %arg8[%cond3A_532, %dma_wait3A_562, %dma_wait3A_563] : memref<8x80x16xf32, #tpu.memory_space<vmem>> -> memref<1x80x16xf32, #tpu.memory_space<vmem>>
        %dma_wait3A_565 = tpu.memref_squeeze %dma_wait3A_564 : memref<1x80x16xf32, #tpu.memory_space<vmem>> -> memref<80x16xf32, #tpu.memory_space<vmem>>
        tpu.wait_dma2 semaphore(%run_scoped3A : memref<!tpu.dma_semaphore, #tpu.memory_space<semaphore_mem>>) src(%dma_wait3A_565 : memref<80x16xf32, #tpu.memory_space<vmem>>) dst(%dma_wait3A_561 : memref<80x16xf32, #tpu.memory_space<hbm>>)
        tpu.yield
      }) : () -> ()
    } else {
    }
    return
  }
}

module attributes {stable_mosaic.version = 14 : i64} {
  func.func @_tc_a_body(%arg0: i32, %arg1: memref<1000x128xf32, #tpu.memory_space<vmem>>, %arg2: memref<128x128xf32, #tpu.memory_space<vmem>>, %arg3: memref<1000x32xf32, #tpu.memory_space<vmem>>, %arg4: memref<1000x128xf32, #tpu.memory_space<vmem>>) attributes {dimension_semantics = [#tpu.dimension_semantics<arbitrary>], iteration_bounds = array<i64: 10>, scalar_prefetch = 0 : i64, scratch_operands = 0 : i64, tpu.core_type = #tpu.core_type<tc>, window_params = [{transform_indices = @transform_0, window_bounds = array<i64: 1000, 128>}, {pipeline_mode = #tpu.pipeline_mode<synchronous>, transform_indices = @transform_1, window_bounds = array<i64: 128, 128>}, {transform_indices = @transform_2, window_bounds = array<i64: 1000, 32>}, {transform_indices = @transform_3, window_bounds = array<i64: 1000, 128>}]} {
    %get3A = arith.constant 0 : index
    %get3A_0 = arith.constant 0 : index
    %get3A_1 = vector.load %arg3[%get3A, %get3A_0] : memref<1000x32xf32, #tpu.memory_space<vmem>>, vector<1000x32xf32>
    %reduce_sum3A = arith.constant dense<0.000000e+00> : vector<1000xf32>
    %reduce_sum3A_2 = vector.multi_reduction <add>, %get3A_1, %reduce_sum3A [1] : vector<1000x32xf32> to vector<1000xf32>
    %broadcast_in_dim3A = vector.shape_cast %reduce_sum3A_2 : vector<1000xf32> to vector<1000x1xf32>
    %add3A = arith.constant 1.000000e+00 : f32
    %add3A_3 = vector.broadcast %add3A : f32 to vector<1000x1xf32>
    %add3A_4 = arith.addf %broadcast_in_dim3A, %add3A_3 : vector<1000x1xf32>
    %rsqrt3A = math.rsqrt %add3A_4 : vector<1000x1xf32>
    %get3A_5 = arith.constant 0 : index
    %get3A_6 = arith.constant 0 : index
    %get3A_7 = vector.load %arg1[%get3A_5, %get3A_6] : memref<1000x128xf32, #tpu.memory_space<vmem>>, vector<1000x128xf32>
    %get3A_8 = arith.constant 0 : index
    %get3A_9 = arith.constant 0 : index
    %get3A_10 = vector.load %arg2[%get3A_8, %get3A_9] : memref<128x128xf32, #tpu.memory_space<vmem>>, vector<128x128xf32>
    %dot_general3A = arith.constant dense<0.000000e+00> : vector<1000x128xf32>
    %dot_general3A_11 = tpu.matmul %get3A_7, %get3A_10, %dot_general3A {dimension_numbers = #tpu.dot_dimension_numbers<[1], [0], [0], [1], [0, 0, 1, 1], [], []>, transpose_lhs_hint = false} : vector<1000x128xf32>, vector<128x128xf32>, vector<1000x128xf32> -> vector<1000x128xf32>
    %mul3A = vector.broadcast %rsqrt3A : vector<1000x1xf32> to vector<1000x128xf32>
    %mul3A_12 = arith.mulf %dot_general3A_11, %mul3A : vector<1000x128xf32>
    %swap3A = arith.constant 0 : index
    %swap3A_13 = arith.constant 0 : index
    %swap3A_14 = vector.load %arg4[%swap3A, %swap3A_13] : memref<1000x128xf32, #tpu.memory_space<vmem>>, vector<1000x128xf32>
    tpu.vector_store %arg4[%swap3A, %swap3A_13], %mul3A_12 {strides = array<i32>} : memref<1000x128xf32, #tpu.memory_space<vmem>>, vector<1000x128xf32>,
    return
  }
  func.func @transform_0(%arg0: i32) -> (i32, i32) {
    %c0_i32 = arith.constant 0 : i32
    %c0_i32_0 = arith.constant 0 : i32
    return %arg0, %c0_i32 : i32, i32
  }
  func.func @transform_1(%arg0: i32) -> (i32, i32) {
    %c0_i32 = arith.constant 0 : i32
    %c0_i32_0 = arith.constant 0 : i32
    %c0_i32_1 = arith.constant 0 : i32
    return %c0_i32, %c0_i32_0 : i32, i32
  }
  func.func @transform_2(%arg0: i32) -> (i32, i32) {
    %c0_i32 = arith.constant 0 : i32
    %c0_i32_0 = arith.constant 0 : i32
    return %arg0, %c0_i32 : i32, i32
  }
  func.func @transform_3(%arg0: i32) -> (i32, i32) {
    %c0_i32 = arith.constant 0 : i32
    %c0_i32_0 = arith.constant 0 : i32
    return %arg0, %c0_i32 : i32, i32
  }
}

module attributes {stable_mosaic.version = 14 : i64} {
  func.func @_tc_b_body(%arg0: i32, %arg1: memref<2x1000x128xf32, #tpu.memory_space<vmem>>, %arg2: memref<1000x128xf32, #tpu.memory_space<vmem>>, %arg3: memref<1000x32xf32, #tpu.memory_space<vmem>>, %arg4: memref<1x128xf32, #tpu.memory_space<vmem>>, %arg5: memref<128x16xf32, #tpu.memory_space<vmem>>, %arg6: memref<1000x16xf32, #tpu.memory_space<vmem>>) attributes {dimension_semantics = [#tpu.dimension_semantics<arbitrary>], iteration_bounds = array<i64: 10>, scalar_prefetch = 0 : i64, scratch_operands = 0 : i64, tpu.core_type = #tpu.core_type<tc>, window_params = [{transform_indices = @transform_0, window_bounds = array<i64: 2, 1000, 128>}, {transform_indices = @transform_1, window_bounds = array<i64: 1000, 128>}, {transform_indices = @transform_2, window_bounds = array<i64: 1000, 32>}, {pipeline_mode = #tpu.pipeline_mode<synchronous>, transform_indices = @transform_3, window_bounds = array<i64: 1, 128>}, {pipeline_mode = #tpu.pipeline_mode<synchronous>, transform_indices = @transform_4, window_bounds = array<i64: 128, 16>}, {transform_indices = @transform_5, window_bounds = array<i64: 1000, 16>}]} {
    %get3A = arith.constant 0 : index
    %get3A_0 = arith.constant 0 : index
    %get3A_1 = vector.load %arg3[%get3A, %get3A_0] : memref<1000x32xf32, #tpu.memory_space<vmem>>, vector<1000x32xf32>
    %reduce_sum3A = arith.constant dense<0.000000e+00> : vector<1000xf32>
    %reduce_sum3A_2 = vector.multi_reduction <add>, %get3A_1, %reduce_sum3A [1] : vector<1000x32xf32> to vector<1000xf32>
    %broadcast_in_dim3A = vector.shape_cast %reduce_sum3A_2 : vector<1000xf32> to vector<1000x1xf32>
    %add3A = arith.constant 1.000000e+00 : f32
    %add3A_3 = vector.broadcast %add3A : f32 to vector<1000x1xf32>
    %add3A_4 = arith.addf %broadcast_in_dim3A, %add3A_3 : vector<1000x1xf32>
    %rsqrt3A = math.rsqrt %add3A_4 : vector<1000x1xf32>
    %get3A_5 = arith.constant 0 : index
    %get3A_6 = arith.constant 0 : index
    %get3A_7 = arith.constant 0 : index
    %get3A_8 = vector.load %arg1[%get3A_5, %get3A_6, %get3A_7] : memref<2x1000x128xf32, #tpu.memory_space<vmem>>, vector<2x1000x128xf32>
    %slice3A = vector.extract_strided_slice %get3A_8 {offsets = [0, 0, 0], sizes = [1, 1000, 128], strides = [1, 1, 1]} : vector<2x1000x128xf32> to vector<1x1000x128xf32>
    %squeeze3A = vector.shape_cast %slice3A : vector<1x1000x128xf32> to vector<1000x128xf32>
    %slice3A_9 = vector.extract_strided_slice %get3A_8 {offsets = [1, 0, 0], sizes = [1, 1000, 128], strides = [1, 1, 1]} : vector<2x1000x128xf32> to vector<1x1000x128xf32>
    %squeeze3A_10 = vector.shape_cast %slice3A_9 : vector<1x1000x128xf32> to vector<1000x128xf32>
    %add3A_11 = arith.addf %squeeze3A, %squeeze3A_10 : vector<1000x128xf32>
    %get3A_12 = arith.constant 0 : index
    %get3A_13 = arith.constant 0 : index
    %get3A_14 = vector.load %arg2[%get3A_12, %get3A_13] : memref<1000x128xf32, #tpu.memory_space<vmem>>, vector<1000x128xf32>
    %add3A_15 = arith.addf %add3A_11, %get3A_14 : vector<1000x128xf32>
    %mul3A = vector.broadcast %rsqrt3A : vector<1000x1xf32> to vector<1000x128xf32>
    %mul3A_16 = arith.mulf %mul3A, %add3A_15 : vector<1000x128xf32>
    %get3A_17 = arith.constant 0 : index
    %get3A_18 = arith.constant 0 : index
    %get3A_19 = vector.load %arg4[%get3A_17, %get3A_18] : memref<1x128xf32, #tpu.memory_space<vmem>>, vector<1x128xf32>
    %add3A_20 = vector.broadcast %get3A_19 : vector<1x128xf32> to vector<1000x128xf32>
    %add3A_21 = arith.addf %mul3A_16, %add3A_20 : vector<1000x128xf32>
    %max3A = arith.constant 0.000000e+00 : f32
    %max3A_22 = vector.broadcast %max3A : f32 to vector<1000x128xf32>
    %max3A_23 = arith.maximumf %add3A_21, %max3A_22 : vector<1000x128xf32>
    %get3A_24 = arith.constant 0 : index
    %get3A_25 = arith.constant 0 : index
    %get3A_26 = vector.load %arg5[%get3A_24, %get3A_25] : memref<128x16xf32, #tpu.memory_space<vmem>>, vector<128x16xf32>
    %dot_general3A = arith.constant dense<0.000000e+00> : vector<1000x16xf32>
    %dot_general3A_27 = tpu.matmul %max3A_23, %get3A_26, %dot_general3A {dimension_numbers = #tpu.dot_dimension_numbers<[1], [0], [0], [1], [0, 0, 1, 1], [], []>, transpose_lhs_hint = false} : vector<1000x128xf32>, vector<128x16xf32>, vector<1000x16xf32> -> vector<1000x16xf32>
    %mul3A_28 = vector.broadcast %rsqrt3A : vector<1000x1xf32> to vector<1000x16xf32>
    %mul3A_29 = arith.mulf %dot_general3A_27, %mul3A_28 : vector<1000x16xf32>
    %swap3A = arith.constant 0 : index
    %swap3A_30 = arith.constant 0 : index
    %swap3A_31 = vector.load %arg6[%swap3A, %swap3A_30] : memref<1000x16xf32, #tpu.memory_space<vmem>>, vector<1000x16xf32>
    tpu.vector_store %arg6[%swap3A, %swap3A_30], %mul3A_29 {strides = array<i32>} : memref<1000x16xf32, #tpu.memory_space<vmem>>, vector<1000x16xf32>,
    return
  }
  func.func @transform_0(%arg0: i32) -> (i32, i32, i32) {
    %c0_i32 = arith.constant 0 : i32
    %c0_i32_0 = arith.constant 0 : i32
    %c0_i32_1 = arith.constant 0 : i32
    return %c0_i32, %arg0, %c0_i32_0 : i32, i32, i32
  }
  func.func @transform_1(%arg0: i32) -> (i32, i32) {
    %c0_i32 = arith.constant 0 : i32
    %c0_i32_0 = arith.constant 0 : i32
    return %arg0, %c0_i32 : i32, i32
  }
  func.func @transform_2(%arg0: i32) -> (i32, i32) {
    %c0_i32 = arith.constant 0 : i32
    %c0_i32_0 = arith.constant 0 : i32
    return %arg0, %c0_i32 : i32, i32
  }
  func.func @transform_3(%arg0: i32) -> (i32, i32) {
    %c0_i32 = arith.constant 0 : i32
    %c0_i32_0 = arith.constant 0 : i32
    %c0_i32_1 = arith.constant 0 : i32
    return %c0_i32, %c0_i32_0 : i32, i32
  }
  func.func @transform_4(%arg0: i32) -> (i32, i32) {
    %c0_i32 = arith.constant 0 : i32
    %c0_i32_0 = arith.constant 0 : i32
    %c0_i32_1 = arith.constant 0 : i32
    return %c0_i32, %c0_i32_0 : i32, i32
  }
  func.func @transform_5(%arg0: i32) -> (i32, i32) {
    %c0_i32 = arith.constant 0 : i32
    %c0_i32_0 = arith.constant 0 : i32
    return %arg0, %c0_i32 : i32, i32
  }
}

module attributes {stable_mosaic.version = 14 : i64} {
  func.func @_tc_c_body(%arg0: i32, %arg1: memref<2x1000x16xf32, #tpu.memory_space<vmem>>, %arg2: memref<1000x16xf32, #tpu.memory_space<vmem>>, %arg3: memref<1000x32xf32, #tpu.memory_space<vmem>>, %arg4: memref<1x16xf32, #tpu.memory_space<vmem>>, %arg5: memref<16x512xf32, #tpu.memory_space<vmem>>, %arg6: memref<1x512xf32, #tpu.memory_space<vmem>>, %arg7: memref<512x512xf32, #tpu.memory_space<vmem>>, %arg8: memref<1x512xf32, #tpu.memory_space<vmem>>, %arg9: memref<512x2xf32, #tpu.memory_space<vmem>>, %arg10: memref<1x2xf32, #tpu.memory_space<vmem>>, %arg11: memref<1000x2xf32, #tpu.memory_space<vmem>>) attributes {dimension_semantics = [#tpu.dimension_semantics<arbitrary>], iteration_bounds = array<i64: 10>, scalar_prefetch = 0 : i64, scratch_operands = 0 : i64, tpu.core_type = #tpu.core_type<tc>, window_params = [{transform_indices = @transform_0, window_bounds = array<i64: 2, 1000, 16>}, {transform_indices = @transform_1, window_bounds = array<i64: 1000, 16>}, {transform_indices = @transform_2, window_bounds = array<i64: 1000, 32>}, {pipeline_mode = #tpu.pipeline_mode<synchronous>, transform_indices = @transform_3, window_bounds = array<i64: 1, 16>}, {pipeline_mode = #tpu.pipeline_mode<synchronous>, transform_indices = @transform_4, window_bounds = array<i64: 16, 512>}, {pipeline_mode = #tpu.pipeline_mode<synchronous>, transform_indices = @transform_5, window_bounds = array<i64: 1, 512>}, {pipeline_mode = #tpu.pipeline_mode<synchronous>, transform_indices = @transform_6, window_bounds = array<i64: 512, 512>}, {pipeline_mode = #tpu.pipeline_mode<synchronous>, transform_indices = @transform_7, window_bounds = array<i64: 1, 512>}, {pipeline_mode = #tpu.pipeline_mode<synchronous>, transform_indices = @transform_8, window_bounds = array<i64: 512, 2>}, {pipeline_mode = #tpu.pipeline_mode<synchronous>, transform_indices = @transform_9, window_bounds = array<i64: 1, 2>}, {transform_indices = @transform_10, window_bounds = array<i64: 1000, 2>}]} {
    %get3A = arith.constant 0 : index
    %get3A_0 = arith.constant 0 : index
    %get3A_1 = vector.load %arg3[%get3A, %get3A_0] : memref<1000x32xf32, #tpu.memory_space<vmem>>, vector<1000x32xf32>
    %reduce_sum3A = arith.constant dense<0.000000e+00> : vector<1000xf32>
    %reduce_sum3A_2 = vector.multi_reduction <add>, %get3A_1, %reduce_sum3A [1] : vector<1000x32xf32> to vector<1000xf32>
    %broadcast_in_dim3A = vector.shape_cast %reduce_sum3A_2 : vector<1000xf32> to vector<1000x1xf32>
    %add3A = arith.constant 1.000000e+00 : f32
    %add3A_3 = vector.broadcast %add3A : f32 to vector<1000x1xf32>
    %add3A_4 = arith.addf %broadcast_in_dim3A, %add3A_3 : vector<1000x1xf32>
    %rsqrt3A = math.rsqrt %add3A_4 : vector<1000x1xf32>
    %get3A_5 = arith.constant 0 : index
    %get3A_6 = arith.constant 0 : index
    %get3A_7 = arith.constant 0 : index
    %get3A_8 = vector.load %arg1[%get3A_5, %get3A_6, %get3A_7] : memref<2x1000x16xf32, #tpu.memory_space<vmem>>, vector<2x1000x16xf32>
    %slice3A = vector.extract_strided_slice %get3A_8 {offsets = [0, 0, 0], sizes = [1, 1000, 16], strides = [1, 1, 1]} : vector<2x1000x16xf32> to vector<1x1000x16xf32>
    %squeeze3A = vector.shape_cast %slice3A : vector<1x1000x16xf32> to vector<1000x16xf32>
    %slice3A_9 = vector.extract_strided_slice %get3A_8 {offsets = [1, 0, 0], sizes = [1, 1000, 16], strides = [1, 1, 1]} : vector<2x1000x16xf32> to vector<1x1000x16xf32>
    %squeeze3A_10 = vector.shape_cast %slice3A_9 : vector<1x1000x16xf32> to vector<1000x16xf32>
    %add3A_11 = arith.addf %squeeze3A, %squeeze3A_10 : vector<1000x16xf32>
    %get3A_12 = arith.constant 0 : index
    %get3A_13 = arith.constant 0 : index
    %get3A_14 = vector.load %arg2[%get3A_12, %get3A_13] : memref<1000x16xf32, #tpu.memory_space<vmem>>, vector<1000x16xf32>
    %add3A_15 = arith.addf %add3A_11, %get3A_14 : vector<1000x16xf32>
    %mul3A = vector.broadcast %rsqrt3A : vector<1000x1xf32> to vector<1000x16xf32>
    %mul3A_16 = arith.mulf %mul3A, %add3A_15 : vector<1000x16xf32>
    %get3A_17 = arith.constant 0 : index
    %get3A_18 = arith.constant 0 : index
    %get3A_19 = vector.load %arg4[%get3A_17, %get3A_18] : memref<1x16xf32, #tpu.memory_space<vmem>>, vector<1x16xf32>
    %add3A_20 = vector.broadcast %get3A_19 : vector<1x16xf32> to vector<1000x16xf32>
    %add3A_21 = arith.addf %mul3A_16, %add3A_20 : vector<1000x16xf32>
    %max3A = arith.constant 0.000000e+00 : f32
    %max3A_22 = vector.broadcast %max3A : f32 to vector<1000x16xf32>
    %max3A_23 = arith.maximumf %add3A_21, %max3A_22 : vector<1000x16xf32>
    %get3A_24 = arith.constant 0 : index
    %get3A_25 = arith.constant 0 : index
    %get3A_26 = vector.load %arg5[%get3A_24, %get3A_25] : memref<16x512xf32, #tpu.memory_space<vmem>>, vector<16x512xf32>
    %dot_general3A = arith.constant dense<0.000000e+00> : vector<1000x512xf32>
    %dot_general3A_27 = tpu.matmul %max3A_23, %get3A_26, %dot_general3A {dimension_numbers = #tpu.dot_dimension_numbers<[1], [0], [0], [1], [0, 0, 1, 1], [], []>, transpose_lhs_hint = false} : vector<1000x16xf32>, vector<16x512xf32>, vector<1000x512xf32> -> vector<1000x512xf32>
    %get3A_28 = arith.constant 0 : index
    %get3A_29 = arith.constant 0 : index
    %get3A_30 = vector.load %arg6[%get3A_28, %get3A_29] : memref<1x512xf32, #tpu.memory_space<vmem>>, vector<1x512xf32>
    %add3A_31 = vector.broadcast %get3A_30 : vector<1x512xf32> to vector<1000x512xf32>
    %add3A_32 = arith.addf %dot_general3A_27, %add3A_31 : vector<1000x512xf32>
    %max3A_33 = arith.constant 0.000000e+00 : f32
    %max3A_34 = vector.broadcast %max3A_33 : f32 to vector<1000x512xf32>
    %max3A_35 = arith.maximumf %add3A_32, %max3A_34 : vector<1000x512xf32>
    %get3A_36 = arith.constant 0 : index
    %get3A_37 = arith.constant 0 : index
    %get3A_38 = vector.load %arg7[%get3A_36, %get3A_37] : memref<512x512xf32, #tpu.memory_space<vmem>>, vector<512x512xf32>
    %dot_general3A_39 = arith.constant dense<0.000000e+00> : vector<1000x512xf32>
    %dot_general3A_40 = tpu.matmul %max3A_35, %get3A_38, %dot_general3A_39 {dimension_numbers = #tpu.dot_dimension_numbers<[1], [0], [0], [1], [0, 0, 1, 1], [], []>, transpose_lhs_hint = false} : vector<1000x512xf32>, vector<512x512xf32>, vector<1000x512xf32> -> vector<1000x512xf32>
    %get3A_41 = arith.constant 0 : index
    %get3A_42 = arith.constant 0 : index
    %get3A_43 = vector.load %arg8[%get3A_41, %get3A_42] : memref<1x512xf32, #tpu.memory_space<vmem>>, vector<1x512xf32>
    %add3A_44 = vector.broadcast %get3A_43 : vector<1x512xf32> to vector<1000x512xf32>
    %add3A_45 = arith.addf %dot_general3A_40, %add3A_44 : vector<1000x512xf32>
    %max3A_46 = arith.constant 0.000000e+00 : f32
    %max3A_47 = vector.broadcast %max3A_46 : f32 to vector<1000x512xf32>
    %max3A_48 = arith.maximumf %add3A_45, %max3A_47 : vector<1000x512xf32>
    %get3A_49 = arith.constant 0 : index
    %get3A_50 = arith.constant 0 : index
    %get3A_51 = vector.load %arg9[%get3A_49, %get3A_50] : memref<512x2xf32, #tpu.memory_space<vmem>>, vector<512x2xf32>
    %dot_general3A_52 = arith.constant dense<0.000000e+00> : vector<1000x2xf32>
    %dot_general3A_53 = tpu.matmul %max3A_48, %get3A_51, %dot_general3A_52 {dimension_numbers = #tpu.dot_dimension_numbers<[1], [0], [0], [1], [0, 0, 1, 1], [], []>, transpose_lhs_hint = false} : vector<1000x512xf32>, vector<512x2xf32>, vector<1000x2xf32> -> vector<1000x2xf32>
    %get3A_54 = arith.constant 0 : index
    %get3A_55 = arith.constant 0 : index
    %get3A_56 = vector.load %arg10[%get3A_54, %get3A_55] : memref<1x2xf32, #tpu.memory_space<vmem>>, vector<1x2xf32>
    %add3A_57 = vector.broadcast %get3A_56 : vector<1x2xf32> to vector<1000x2xf32>
    %add3A_58 = arith.addf %dot_general3A_53, %add3A_57 : vector<1000x2xf32>
    %swap3A = arith.constant 0 : index
    %swap3A_59 = arith.constant 0 : index
    %swap3A_60 = vector.load %arg11[%swap3A, %swap3A_59] : memref<1000x2xf32, #tpu.memory_space<vmem>>, vector<1000x2xf32>
    tpu.vector_store %arg11[%swap3A, %swap3A_59], %add3A_58 {strides = array<i32>} : memref<1000x2xf32, #tpu.memory_space<vmem>>, vector<1000x2xf32>,
    return
  }
  func.func @transform_0(%arg0: i32) -> (i32, i32, i32) {
    %c0_i32 = arith.constant 0 : i32
    %c0_i32_0 = arith.constant 0 : i32
    %c0_i32_1 = arith.constant 0 : i32
    return %c0_i32, %arg0, %c0_i32_0 : i32, i32, i32
  }
  func.func @transform_1(%arg0: i32) -> (i32, i32) {
    %c0_i32 = arith.constant 0 : i32
    %c0_i32_0 = arith.constant 0 : i32
    return %arg0, %c0_i32 : i32, i32
  }
  func.func @transform_2(%arg0: i32) -> (i32, i32) {
    %c0_i32 = arith.constant 0 : i32
    %c0_i32_0 = arith.constant 0 : i32
    return %arg0, %c0_i32 : i32, i32
  }
  func.func @transform_3(%arg0: i32) -> (i32, i32) {
    %c0_i32 = arith.constant 0 : i32
    %c0_i32_0 = arith.constant 0 : i32
    %c0_i32_1 = arith.constant 0 : i32
    return %c0_i32, %c0_i32_0 : i32, i32
  }
  func.func @transform_4(%arg0: i32) -> (i32, i32) {
    %c0_i32 = arith.constant 0 : i32
    %c0_i32_0 = arith.constant 0 : i32
    %c0_i32_1 = arith.constant 0 : i32
    return %c0_i32, %c0_i32_0 : i32, i32
  }
  func.func @transform_5(%arg0: i32) -> (i32, i32) {
    %c0_i32 = arith.constant 0 : i32
    %c0_i32_0 = arith.constant 0 : i32
    %c0_i32_1 = arith.constant 0 : i32
    return %c0_i32, %c0_i32_0 : i32, i32
  }
  func.func @transform_6(%arg0: i32) -> (i32, i32) {
    %c0_i32 = arith.constant 0 : i32
    %c0_i32_0 = arith.constant 0 : i32
    %c0_i32_1 = arith.constant 0 : i32
    return %c0_i32, %c0_i32_0 : i32, i32
  }
  func.func @transform_7(%arg0: i32) -> (i32, i32) {
    %c0_i32 = arith.constant 0 : i32
    %c0_i32_0 = arith.constant 0 : i32
    %c0_i32_1 = arith.constant 0 : i32
    return %c0_i32, %c0_i32_0 : i32, i32
  }
  func.func @transform_8(%arg0: i32) -> (i32, i32) {
    %c0_i32 = arith.constant 0 : i32
    %c0_i32_0 = arith.constant 0 : i32
    %c0_i32_1 = arith.constant 0 : i32
    return %c0_i32, %c0_i32_0 : i32, i32
  }
  func.func @transform_9(%arg0: i32) -> (i32, i32) {
    %c0_i32 = arith.constant 0 : i32
    %c0_i32_0 = arith.constant 0 : i32
    %c0_i32_1 = arith.constant 0 : i32
    return %c0_i32, %c0_i32_0 : i32, i32
  }
  func.func @transform_10(%arg0: i32) -> (i32, i32) {
    %c0_i32 = arith.constant 0 : i32
    %c0_i32_0 = arith.constant 0 : i32
    return %arg0, %c0_i32 : i32, i32
  }
}

</mosaic_0001>

<sc_bundles>
// kernel: kernel.11.cloned.1.call-start
scs
__scs_entry_jumppad:
0x0: {  	(pc) =	sbr.rel $0x88, $3  }
0x1: {  	(tag) =	ssettag $0x0;
	lr =	simm.s32 $0x1  }
0x2: {  	[smem:$0x3F95] =	sst lr;
	_ =	strace $0xD0000000  }
0x3: {  	_ = 	snop  }
0x4: {  	_ = 	snop  }
0x5: {  	_ = 	snop  }
0x6: {  	_ = 	snop  }
0x7: {  	_ = 	snop  }
__scs_overlays_trampoline_lowered:
0x8: {  	[smem:$0x3FA4] =	sst s0  }
0x9: {  	[smem:$0x3FA5] =	sst s1  }
0xa: {  	[smem:$0x3FA6] =	sst s2  }
0xb: {  	[smem:$0x3FA7] =	sst s3  }
0xc: {  	[smem:$0x3FA8] =	sst s4  }
0xd: {  	[smem:$0x3FA9] =	sst s5  }
0xe: {  	[smem:$0x3FAA] =	sst s6  }
0xf: {  	[smem:$0x3FAB] =	sst s7  }
0x10: {  	[smem:$0x3FAC] =	sst s8  }
0x11: {  	[smem:$0x3FAD] =	sst s9;
	s0 =	simm.s32 @!p0 $0x0  }
0x12: {  	s1 =	sld [smem:$0x3F93];
	s0 =	simm.s32 @p0 $0x1  }
0x13: {  	[smem:$0x3FAE] =	sst s0;
	s0 =	simm.s32 @!p1 $0x0  }
0x14: {  	s2 =	sld [smem:$0x3F92];
	s0 =	simm.s32 @p1 $0x1  }
0x15: {  	[smem:$0x3FAF] =	sst s0;
	s0 =	simm.s32 @!p2 $0x0  }
0x16: {  	s3 =	sld [smem:$0x3FDB];
	s0 =	simm.s32 @p2 $0x1  }
0x17: {  	s4 =	simm.s32 $0x1BF5;
	[smem:$0x3FB1] =	sst s0  }
0x18: {  	s0 =	sld [smem:$0x3F94];
	_ =	swait.ge [sflag:s4], $0x0  }
0x19: {  	s7 =	sld [smem:$0x3F95]  }
0x1a: {  	s8 =	sadd.s32 $0xFFFFE003, lr  }
0x1b: {  	s9 =	sadd.s32 $0xFFFFFEF7, lr;
	s5 =	simm.s32 $0xFFFFFFFF;
	p2 =	slt.u32 s8, $0xFFFFF086  }
0x1c: {  	p1 =	slt.u32 s9, $0xF7A;
	s5 =	simm.s32 @!p2 $0x0  }
0x1d: {  	s5 =	simm.s32 @p1 $0x1;
	p0 =	seq.s32 s7, s2  }
0x1e: {  	s7 =	smul.u32 @!p0 $0xF7A, s2;
	p2 =	seq.s32 @!p0 s5, $0x0  }
0x1f: {  	s9 =	smul.u32 $0xF7A, s1;
	s8 =	simm.s32 @!p0 $0x1BF5;
	p2 =	por !p2, p0  }
0x20: {  	[sflag:s8] =	ssyncset.s32 @!p0 $0xFFFFF086;
	s6 =	sadd.s32 @!p0 s3, s7;
	s7 =	simm.s32 @!p0 $0x108  }
0x21: {  	s3 =	sadd.s32 s3, s9;
	s6 =	sadd.s32 @!p0 $0x88, s6;
	s7 =	simm.s32 @p2 $0x1082  }
0x22: {  	[simem:s7], [sflag:s8] =	dma.local @!p0 [hbm:s6], $0xF7A  }
0x23: {  	s9 =	sor.u32 $0xD0000000, s2;
	s6 =	simm.s32 $0x108;
	_ =	swait.ge @!p0 [sflag:s8], $0x0  }
0x24: {  	s3 =	sadd.s32 $0x88, s3;
	s6 =	simm.s32 @!p1 $0x1082;
	[sflag:s4] =	ssyncset.s32 $0xFFFFF086  }
0x25: {  	[simem:s6], [sflag:s4] =	dma.local [hbm:s3], $0xF7A  }
0x26: {  	[smem:$0x3F95] =	sst s1;
	(tag) =	ssettag s2;
	_ =	strace s9  }
0x27: {  	s1 =	sld [smem:$0x3FA5]  }
0x28: {  	s2 =	sld [smem:$0x3FA6]  }
0x29: {  	s4 =	sld [smem:$0x3FA8]  }
0x2a: {  	p0 =	seq.s32 s5, $0x0;
	s5 =	sld [smem:$0x3FA9]  }
0x2b: {  	s6 =	sld [smem:$0x3FAA]  }
0x2c: {  	s7 =	sld [smem:$0x3FAB]  }
0x2d: {  	s3 =	simm.s32 $0x108;
	s8 =	sld [smem:$0x3FAC]  }
0x2e: {  	s3 =	simm.s32 @!p0 $0x1082;
	s9 =	sld [smem:$0x3FAD]  }
0x2f: {  	lr =	sadd.s32 s0, s3;
	s0 =	sld [smem:$0x3FA4]  }
0x30: {  	s3 =	sld [smem:$0x3FA7]  }
0x31: {  	[smem:$0x3FB0] =	sst s10  }
0x32: {  	s10 =	sld [smem:$0x3FAE];
	_ =	sdelay $0x3  }
0x33: {  	p0 =	seq.s32 s10, $0x1;
	s10 =	sld [smem:$0x3FB0];
	_ =	sdelay $0x3  }
0x34: {  	[smem:$0x3FB0] =	sst s10  }
0x35: {  	s10 =	sld [smem:$0x3FAF];
	_ =	sdelay $0x3  }
0x36: {  	p1 =	seq.s32 s10, $0x1;
	s10 =	sld [smem:$0x3FB0];
	_ =	sdelay $0x3  }
0x37: {  	[smem:$0x3FB0] =	sst s10  }
0x38: {  	s10 =	sld [smem:$0x3FB1]  }
0x39: {  	_ = 	snop;
	(pc) =	sbr.ind lr, $3  }
0x3a: {  	_ = 	snop  }
0x3b: {  	_ = 	snop  }
0x3c: {  	p2 =	seq.s32 s10, $0x1;
	s10 =	sld [smem:$0x3FB0]  }
0x3d: {  	_ =	shalt  }
0x3e: {  	_ =	shalt  }
0x3f: {  	_ =	shalt  }
0x40: {  	_ =	shalt  }
0x41: {  	_ =	shalt  }
0x42: {  	_ =	shalt  }
0x43: {  	_ =	shalt  }
0x44: {  	_ =	shalt  }
0x45: {  	_ =	shalt  }
0x46: {  	_ =	shalt  }
0x47: {  	_ =	shalt  }
0x48: {  	_ =	shalt  }
0x49: {  	_ =	shalt  }
0x4a: {  	_ =	shalt  }
0x4b: {  	_ =	shalt  }
0x4c: {  	_ =	shalt  }
0x4d: {  	_ =	shalt  }
0x4e: {  	_ =	shalt  }
0x4f: {  	_ =	shalt  }
0x50: {  	_ =	shalt  }
0x51: {  	_ =	shalt  }
0x52: {  	_ =	shalt  }
0x53: {  	_ =	shalt  }
0x54: {  	_ =	shalt  }
0x55: {  	_ =	shalt  }
0x56: {  	_ =	shalt  }
0x57: {  	_ =	shalt  }
0x58: {  	_ =	shalt  }
0x59: {  	_ =	shalt  }
0x5a: {  	_ =	shalt  }
0x5b: {  	_ =	shalt  }
0x5c: {  	_ =	shalt  }
0x5d: {  	_ =	shalt  }
0x5e: {  	_ =	shalt  }
0x5f: {  	_ =	shalt  }
0x60: {  	_ =	shalt  }
0x61: {  	_ =	shalt  }
0x62: {  	_ =	shalt  }
0x63: {  	_ =	shalt  }
0x64: {  	_ =	shalt  }
0x65: {  	_ =	shalt  }
0x66: {  	_ =	shalt  }
0x67: {  	_ =	shalt  }
0x68: {  	_ =	shalt  }
0x69: {  	_ =	shalt  }
0x6a: {  	_ =	shalt  }
0x6b: {  	_ =	shalt  }
0x6c: {  	_ =	shalt  }
0x6d: {  	_ =	shalt  }
0x6e: {  	_ =	shalt  }
0x6f: {  	_ =	shalt  }
0x70: {  	_ =	shalt  }
0x71: {  	_ =	shalt  }
0x72: {  	_ =	shalt  }
0x73: {  	_ =	shalt  }
0x74: {  	_ =	shalt  }
0x75: {  	_ =	shalt  }
0x76: {  	_ =	shalt  }
0x77: {  	_ =	shalt  }
0x78: {  	_ =	shalt  }
0x79: {  	_ =	shalt  }
0x7a: {  	_ =	shalt  }
0x7b: {  	_ =	shalt  }
0x7c: {  	_ =	shalt  }
0x7d: {  	_ =	shalt  }
0x7e: {  	_ =	shalt  }
0x7f: {  	_ =	shalt  }
0x80: {  	_ =	shalt  }
0x81: {  	_ =	shalt  }
0x82: {  	_ =	shalt  }
0x83: {  	_ =	shalt  }
0x84: {  	_ =	shalt  }
0x85: {  	_ =	shalt  }
0x86: {  	_ =	shalt  }
0x87: {  	_ =	shalt  }
.Lfunc_end0:
.L_simem_size_0:
called_computation.1_lowered:
.L_overlay_start_0:
0x88: {  	s2 =	sld [smem:$0x3FD9]  }
0x89: {  	s3 =	sld [smem:$0x3FFE];
	_ =	sdelay $0x1  }
0x8a: {  	s1 =	srdreg.scid  }
0x8b: {  	s0 =	sand.u32 $0x1, s1  }
0x8c: {  	s16 =	sshll.u32 s0, $0xA;
	s2 =	sadd.s32 s3, s2  }
0x8d: {  	s2 =	sadd.s32 s2, s16  }
0x8e: {  	[smem:$0x3FBC] =	sst s2  }
0x8f: {  	_ = 	snop  }
0x90: {  	(tm) =	ssettm $0x1  }
0x91: {  	s17 =	sld [smem:$0x3FFB];
	_ =	sdelay $0x3  }
0x92: {  	_ =	strace s17  }
0x93: {  	s2 =	sld [smem:$0x3FFC];
	_ =	sdelay $0x3  }
0x94: {  	_ =	strace s2  }
0x95: {  	s2 =	sld [smem:$0x3FFD];
	_ =	sdelay $0x3  }
0x96: {  	_ =	strace s2  }
0x97: {  	_ =	strace $0x8FFFFFFF  }
0x98: {  	s18 =	sld [smem:$0x3FDB];
	_ =	sdelay $0x1  }
0x99: {  	s19 =	simm.s32 $_scs_section_size  }
0x9a: {  	s4 =	simm.s32 $_size__tile_overlayer_lowered;
	s5 =	simm.s32 $_tile_overlayer_lowered  }
0x9b: {  	s22 =	simm.s32 $0x1BFF;
	s21 =	sshll.u32 s5, $0x1;
	s2 =	sadd.s32 s19, s18  }
0x9c: {  	s6 =	simm.s32 $0x0;
	s20 =	sshll.u32 s4, $0x1;
	s4 =	sadd.s32 s21, s2  }
0x9d: {  	[timem:s6], [sflag:s22] =	dma.local [hbm:s4], s20  }
0x9e: {  	_ =	swait.ge [sflag:s22], s20  }
0x9f: {  	s3 =	ssub.s32 $0x0, s20;
	[sflag:s22] =	ssyncset.done $0x0  }
0xa0: {  	[sflag:s22] =	ssyncadd.s32 s3;
	_ =	sdelay $0x1  }
0xa1: {  	s23 =	simm.s32 $0x1B8B  }
0xa2: {  	_ =	swait.ge [sflag:s23], $0x1  }
0xa3: {  	[sflag:s23] =	ssyncset.done $0x0  }
0xa4: {  	s25 =	simm.s32 $0x1B8E;
	s24 =	sld [smem:$0x3FFE];
	[sflag:s23] =	ssyncadd.s32 $0xFFFFFFFF  }
0xa5: {  	s26 =	simm.s32 $execute0_lowered;
	[smem:$0x3FD2] =	sst s25  }
0xa6: {  	s4 =	sshll.u32 s26, $0x1;
	_ =	strace $0x80000049;
	[dreg:$0x1] =	wrdreg $0xFFFFFFFF  }
0xa7: {  	s28 =	simm.s32 $_size_execute0_lowered;
	s2 =	sadd.s32 s2, s4;
	[dreg:$0x0] =	wrdreg $0x0  }
0xa8: {  	s4 =	sshll.u32 s28, $0x1;
	[dreg:$0x2] =	wrdreg s2  }
0xa9: {  	[dreg:$0x3] =	wrdreg s4  }
0xaa: {  	[dreg:$0x4] =	wrdreg $0xC0  }
0xab: {  	_ =	task [dreg:s6], $0x5FFFF  }
0xac: {  	[dreg:$0x1] =	wrdreg $0xFFFFFFFF  }
0xad: {  	[dreg:$0x0] =	wrdreg $0x60  }
0xae: {  	[dreg:$0x2] =	wrdreg s24  }
0xaf: {  	[dreg:$0x3] =	wrdreg $0xB7800  }
0xb0: {  	[dreg:$0x4] =	wrdreg $0x9  }
0xb1: {  	_ =	task.clear_ibuf [dreg:s6], $0x5FFFF;
	_ =	strace $0x90000049  }
0xb2: {  	s29 =	simm.s32 $0x9;
	_ =	strace $0x8000004B  }
0xb3: {  	_ =	swait.ge [sflag:s29], $0x1  }
0xb4: {  	[sflag:s29] =	ssyncadd.s32 $0xFFFFFFFF  }
0xb5: {  	_ =	strace $0x9000004B  }
0xb6: {  	_ =	sfence  }
0xb7: {  	s30 =	sld [smem:$0x0];
	_ =	sdelay $0x2  }
0xb8: {  	s31 =	sshll.u32 s1, $0xD;
	s1 =	sshrl.u32 s1, $0x2  }
0xb9: {  	s3 =	sand.u32 $0x4000, s31;
	s1 =	sadd.s32 s1, s30  }
0xba: {  	s0 =	sor.u32 s3, s0;
	s1 =	sshll.u32 s1, $0x11  }
0xbb: {  	s0 =	sor.u32 s1, s0  }
0xbc: {  	s0 =	sadd.s32 $0x8F2B, s0  }
0xbd: {  	[sflag:s0] =	ssyncadd.remote.s32 $0x1  }
0xbe: {  	_ =	sfence.sel $0xFFFF  }
0xbf: {  	[dreg:$0x0] =	wrdreg $0xFFFFFFFF;
	(pc) =	sbr.abs _section_cstart, $3  }
0xc0: {  	[dreg:$0x1] =	wrdreg $0xFFFFFFFF  }
0xc1: {  	_ =	task.clear_ibuf [dreg:s6], $0x2FFFF;
	_ =	strace $0x9FFFFFFF  }
0xc2: {  	(tm) =	ssettm $0x7FFFFFFF  }
0xc3: {  	_ =	shalt  }
tec
execute0_lowered:
.L_overlay_start_1:
0x0: {  	(tag) =	ssettag $0x1  }
0x1: {  	s0 =	srdreg.scid;
	s5 =	rddreg [dreg:$0x0]  }
0x2: {  	s26 =	stileid.u32;
	s2 =	rddreg [dreg:$0x1];
	s3 =	simm.s32 $0x0  }
0x3: {  	s28 =	simm.s32 $0x50;
	s29 =	simm.s32 $0x8F80;
	s30 =	simm.s32 $0x1  }
0x4: {  	s31 =	simm.s32 $0x3;
	s0 =	sand.u32 $0x1, s0;
	s7 =	smul.u32 $0x50000, s26  }
0x5: {  	s1 =	sshll.u32 s26, $0x1;
	s9 =	sshll.u32 s26, $0x3;
	s21 =	smul.u32 $0x14000, s26  }
0x6: {  	s1 =	sor.u32 s0, s1;
	s18 =	ssub.s32 $0x2, s0;
	s0 =	smul.u32 $0x138800, s0  }
0x7: {  	[smem:$0x7FF] =	sst s3;
	s8 =	sor.u32 $0x1, s9;
	s6 =	smul.u32 $0x4E2, s1  }
0x8: {  	s4 =	sadd.s32 $0x30600, s5;
	s11 =	sor.u32 $0x2, s9;
	s10 =	smul.u32 $0xA000, s8  }
0x9: {  	s25 =	sshllo.u32 s26, $0x3;
	s13 =	sor.u32 $0x3, s9;
	s12 =	smul.u32 $0xA000, s11  }
0xa: {  	p2 =	seq.s32 s26, $0xF;
	s15 =	sor.u32 $0x4, s9;
	s14 =	smul.u32 $0xA000, s13  }
0xb: {  	s26 =	simm.s32 $0x6780;
	s17 =	sor.u32 $0x5, s9;
	s16 =	smul.u32 $0xA000, s15  }
0xc: {  	_ =	strace $0x8000004A;
	s9 =	sor.u32 $0x6, s9;
	s20 =	smul.u32 $0xA000, s17  }
0xd: {  	p1 =	sgt.u32 s25, $0x7C;
	s1 =	sshll.u32 s1, $0xB;
	s24 =	smul.u32 $0x2800, s8  }
0xe: {  	s19 =	sshrl.u32 s18, $0x1;
	s7 =	sshrl.u32 s7, $0x2;
	s11 =	smul.u32 $0x2800, s11  }
0xf: {  	s22 =	smul.u32 $0x2800, s9;
	p0 =	sgt.u32 s9, $0x7C;
	s1 =	sadd.s32 s1, s5  }
0x10: {  	s23 =	ssub.s32 s18, s19;
	s7 =	sadd.s32 s7, s2;
	s6 =	sadd.s32 s6, s5  }
0x11: {  	s5 =	sadd.s32 $0x57800, s5;
	s8 =	sshrl.u32 s10, $0x2;
	s10 =	smul.u32 $0x2800, s13  }
0x12: {  	s1 =	sadd.s32 $0x20600, s1;
	s13 =	smul.u32 $0x2800, s15;
	s18 =	sshrl.u32 s14, $0x2  }
0x13: {  	s14 =	smul.u32 $0x2800, s17;
	s19 =	sshrl.u32 s16, $0x2;
	s15 =	sadd.s32 s21, s0  }
0x14: {  	s11 =	sadd.s32 s0, s11;
	s22 =	sadd.s32 s0, s22;
	s23 =	smax.u32 s23, $0x1  }
0x15: {  	s6 =	sadd.s32 $0x2C00, s6;
	[dreg:$0x4] =	wrdreg s1;
	s8 =	sadd.s32 s8, s2  }
0x16: {  	s1 =	sshrl.u32 s12, $0x2;
	s16 =	sshrl.u32 s15, $0x3;
	s18 =	sadd.s32 s18, s2  }
0x17: {  	s19 =	sadd.s32 s19, s2;
	[dreg:$0x3] =	wrdreg s6;
	s6 =	sadd.s32 s0, s24  }
0x18: {  	s24 =	smul.u32 $0x2800, s25;
	s17 =	sadd.s32 s0, s10;
	s12 =	sadd.s32 s0, s13  }
0x19: {  	s21 =	sadd.s32 s0, s14;
	s10 =	sadd.s32 s5, s16;
	s13 =	sshrl.u32 s11, $0x3  }
0x1a: {  	s6 =	sshrl.u32 s6, $0x3;
	[dreg:$0x5] =	wrdreg s10;
	s14 =	sshrl.u32 s17, $0x3  }
0x1b: {  	s15 =	sshrl.u32 s12, $0x3;
	s16 =	sshrl.u32 s21, $0x3;
	s17 =	sshrl.u32 s22, $0x3  }
0x1c: {  	s21 =	smul.u32 $0xA000, s25;
	s22 =	sshrl.u32 s20, $0x2;
	s25 =	simm.s32 $0x0  }
0x1d: {  	s0 =	sadd.s32 s0, s24;
	s24 =	smul.u32 $0xA000, s9;
	s6 =	sadd.s32 s5, s6  }
0x1e: {  	s12 =	sadd.s32 s5, s14;
	s14 =	sadd.s32 s5, s16;
	s20 =	sadd.s32 s22, s2  }
0x1f: {  	[dreg:$0x6] =	wrdreg s6;
	s6 =	sadd.s32 s5, s13;
	s13 =	sadd.s32 s5, s15  }
0x20: {  	s0 =	sshrl.u32 s0, $0x3;
	s15 =	sadd.s32 s5, s17;
	s17 =	sadd.s32 s1, s2  }
0x21: {  	s1 =	simm.s32 $0x2;
	[dreg:$0x7] =	wrdreg s6;
	s24 =	sshrl.u32 s24, $0x2  }
0x22: {  	s16 =	sadd.s32 s5, s0;
	s0 =	sshrl.u32 s21, $0x2;
	s21 =	sadd.s32 s24, s2  }
0x23: {  	v0 =	vimm.f32 $0.0e+00;
	s22 =	sadd.s32 s0, s2;
	s24 =	simm.s32 $0x5;
	s0 =	simm.s32 $0x4  }
.LBB2_1:
0x24: {  	s5 =	rddreg [dreg:$0x3]  }
0x25: {  	[tilespmem:s3], [sflag:$0x5] =	stream.linear.gather [hbm4b:s5+s3], $0x2710, $0x38;
	[tilespmem:$0x1F000] =	vst v63  }
0x26: {  	_ =	swait.ge [sflag:s24], $0x2710  }
0x27: {  	[sflag:s24] =	ssyncset.done $0x0  }
0x28: {  	s6 =	simm.s32 $0x2780;
	s9 =	rddreg [dreg:$0x4];
	[sflag:s24] =	ssyncadd.s32 $0xFFFFD8F0  }
0x29: {  	[tilespmem:s6], [sflag:$0x5] =	stream.linear.gather [hbm4b:s9+s3], $0x3E80, $0x38;
	[tilespmem:$0x1F000] =	vst v63  }
0x2a: {  	s10 =	sand.u32 $0xFE00, s3;
	s11 =	sand.u32 $0x70, s3;
	_ =	swait.ge [sflag:s24], $0x3E80  }
0x2b: {  	s5 =	simm.s32 $0x40;
	s9 =	sshrl.u32 s10, $0x2;
	[sflag:s24] =	ssyncset.done $0x0  }
0x2c: {  	s6 =	simm.s32 $0x0;
	s9 =	sor.u32 s11, s9;
	[sflag:s24] =	ssyncadd.s32 $0xFFFFC180  }
.LBB2_2:
0x2d: {  	p3 =	sne.s32 s5, $0x9FC0  }
0x2e: {  	[tilespmem:s9+$0x6780] =	vst v0;
	s6 =	sadd.s32 $0x10, s6;
	s9 =	smov.u32 s5;
	s5 =	sadd.s32 $0x40, s5  }
.Ltmp0:
0x2f: {  	(pc) =	sbr.rel @p3 .LBB2_2-.Ltmp0, $4  }
0x30: {  	_ = 	snop  }
0x31: {  	s9 =	sand.u32 $0xFE00, s9  }
0x32: {  	s10 =	sand.u32 $0x70, s6;
	s9 =	sshrl.u32 s9, $0x2  }
0x33: {  	s9 =	sor.u32 s10, s9  }
0x34: {  	[tilespmem:s9+$0x6780] =	vst v0  }
0x35: {  	[spmem:s7] =	stream.linear.scatter [tilespmem:s26], [sflag:$0x5], $0x2800, $0x38;
	[tilespmem:$0x1F000] =	vst v63  }
0x36: {  	_ =	swait.ge [sflag:s24], $0x2800  }
0x37: {  	[sflag:s24] =	ssyncset.done $0x0  }
0x38: {  	[sflag:s24] =	ssyncadd.s32 $0xFFFFD800  }
0x39: {  	[spmem:s8] =	stream.linear.scatter [tilespmem:s26], [sflag:$0x5], $0x2800, $0x38;
	[tilespmem:$0x1F000] =	vst v63  }
0x3a: {  	_ =	swait.ge [sflag:s24], $0x2800  }
0x3b: {  	[sflag:s24] =	ssyncset.done $0x0  }
0x3c: {  	[sflag:s24] =	ssyncadd.s32 $0xFFFFD800  }
0x3d: {  	[spmem:s17] =	stream.linear.scatter [tilespmem:s26], [sflag:$0x5], $0x2800, $0x38;
	[tilespmem:$0x1F000] =	vst v63  }
0x3e: {  	_ =	swait.ge [sflag:s24], $0x2800  }
0x3f: {  	[sflag:s24] =	ssyncset.done $0x0  }
0x40: {  	[sflag:s24] =	ssyncadd.s32 $0xFFFFD800  }
0x41: {  	[spmem:s18] =	stream.linear.scatter [tilespmem:s26], [sflag:$0x5], $0x2800, $0x38;
	[tilespmem:$0x1F000] =	vst v63  }
0x42: {  	_ =	swait.ge [sflag:s24], $0x2800  }
0x43: {  	[sflag:s24] =	ssyncset.done $0x0  }
0x44: {  	[sflag:s24] =	ssyncadd.s32 $0xFFFFD800  }
0x45: {  	[spmem:s19] =	stream.linear.scatter [tilespmem:s26], [sflag:$0x5], $0x2800, $0x38;
	[tilespmem:$0x1F000] =	vst v63  }
0x46: {  	_ =	swait.ge [sflag:s24], $0x2800  }
0x47: {  	[sflag:s24] =	ssyncset.done $0x0  }
0x48: {  	s5 =	simm.s32 @!p2 $0x6780;
	[sflag:s24] =	ssyncadd.s32 $0xFFFFD800  }
0x49: {  	[spmem:s20] =	stream.linear.scatter @!p2 [tilespmem:s5], [sflag:$0x5], $0x2800, $0x38;
	[tilespmem:$0x1F000] =	vst v63  }
0x4a: {  	s5 =	simm.s32 @!p2 $0x5  }
0x4b: {  	_ =	swait.ge @!p2 [sflag:s5], $0x2800  }
0x4c: {  	[sflag:s5] =	ssyncset.done @!p2 $0x0  }
0x4d: {  	[sflag:s5] =	ssyncadd.s32 @!p2 $0xFFFFD800;
	s5 =	simm.s32 @!p0 $0x6780  }
0x4e: {  	[spmem:s21] =	stream.linear.scatter @!p0 [tilespmem:s5], [sflag:$0x5], $0x2800, $0x38;
	[tilespmem:$0x1F000] =	vst v63  }
0x4f: {  	s5 =	simm.s32 @!p0 $0x5  }
0x50: {  	_ =	swait.ge @!p0 [sflag:s5], $0x2800  }
0x51: {  	[sflag:s5] =	ssyncset.done @!p0 $0x0  }
0x52: {  	[sflag:s5] =	ssyncadd.s32 @!p0 $0xFFFFD800;
	s5 =	simm.s32 @!p1 $0x6780  }
0x53: {  	[spmem:s22] =	stream.linear.scatter @!p1 [tilespmem:s5], [sflag:$0x5], $0x2800, $0x38;
	[tilespmem:$0x1F000] =	vst v63  }
0x54: {  	s5 =	simm.s32 @!p1 $0x5  }
0x55: {  	_ =	swait.ge @!p1 [sflag:s5], $0x2800  }
0x56: {  	[sflag:s5] =	ssyncset.done @!p1 $0x0  }
0x57: {  	[sflag:s5] =	ssyncadd.s32 @!p1 $0xFFFFD800  }
0x58: {  	s6 =	simm.s32 $0x0;
	[bflag:$0x0] =	sbarrier.arrive $0xFFFF  }
0x59: {  	[tilespmem:s26], [sflag:$0x1] =	stream.indirect.gather [hbm4b:s4+s28], $0x80, s6, s28, $0xb8;
	[tilespmem:$0x1F000] =	vst v63  }
0x5a: {  	_ = 	snop  }
0x5b: {  	[tilespmem:s29], [sflag:$0x2] =	stream.indirect.gather [hbm4b:s4+s28], $0x80, s28, s28, $0xb8;
	[tilespmem:$0x1F000] =	vst v63  }
0x5c: {  	_ =	swait.ge [sflag:s30], $0x2800  }
0x5d: {  	[sflag:s30] =	ssyncset.done $0x0  }
0x5e: {  	s9 =	simm.s32 $0x2780;
	[sflag:s30] =	ssyncadd.s32 $0xFFFFD800  }
0x5f: {  	[spmem:s2] =	stream.indirect.scatter.add.f32 [tilespmem:s26], [sflag:$0x3], $0x80, s9, s28, $0xb8;
	[tilespmem:$0x1F000] =	vst v63  }
0x60: {  	_ =	swait.ge [sflag:s31], $0x2800  }
0x61: {  	[sflag:s31] =	ssyncset.done $0x0  }
0x62: {  	s10 =	simm.s32 $0xA0;
	[sflag:s31] =	ssyncadd.s32 $0xFFFFD800  }
0x63: {  	[tilespmem:s26], [sflag:$0x1] =	stream.indirect.gather [hbm4b:s4+s28], $0x80, s10, s28, $0xb8;
	[tilespmem:$0x1F000] =	vst v63  }
0x64: {  	_ =	swait.ge [sflag:s1], $0x2800  }
0x65: {  	[sflag:s1] =	ssyncset.done $0x0  }
0x66: {  	s11 =	simm.s32 $0x2800;
	[sflag:s1] =	ssyncadd.s32 $0xFFFFD800  }
0x67: {  	[spmem:s2] =	stream.indirect.scatter.add.f32 [tilespmem:s29], [sflag:$0x4], $0x80, s11, s28, $0xb8;
	[tilespmem:$0x1F000] =	vst v63  }
0x68: {  	_ =	swait.ge [sflag:s0], $0x2800  }
0x69: {  	s5 =	simm.s32 $0xF0;
	[sflag:s0] =	ssyncset.done $0x0  }
0x6a: {  	s6 =	simm.s32 $0x400;
	s9 =	simm.s32 $0x190;
	[sflag:s0] =	ssyncadd.s32 $0xFFFFD800  }
.LBB2_4:
0x6b: {  	[tilespmem:s29], [sflag:$0x2] =	stream.indirect.gather [hbm4b:s4+s28], $0x80, s5, s28, $0xb8;
	[tilespmem:$0x1F000] =	vst v63  }
0x6c: {  	s10 =	smov.u32 s6;
	s5 =	smov.u32 s9  }
0x6d: {  	p3 =	sne.s32 s6, $0xF000;
	s6 =	sadd.s32 $0x400, s6;
	_ =	swait.ge [sflag:s30], $0x2800  }
0x6e: {  	s10 =	sshra.s32 s10, $0x2;
	[sflag:s30] =	ssyncset.done $0x0  }
0x6f: {  	s11 =	sadd.s32 $0x2780, s10;
	[sflag:s30] =	ssyncadd.s32 $0xFFFFD800  }
0x70: {  	[spmem:s2] =	stream.indirect.scatter.add.f32 [tilespmem:s26], [sflag:$0x3], $0x80, s11, s28, $0xb8;
	[tilespmem:$0x1F000] =	vst v63  }
0x71: {  	_ =	swait.ge [sflag:s31], $0x2800  }
0x72: {  	[sflag:s31] =	ssyncset.done $0x0  }
0x73: {  	s11 =	sadd.s32 $0xFFFFFFB0, s9;
	[sflag:s31] =	ssyncadd.s32 $0xFFFFD800  }
0x74: {  	[tilespmem:s26], [sflag:$0x1] =	stream.indirect.gather [hbm4b:s4+s28], $0x80, s11, s28, $0xb8;
	[tilespmem:$0x1F000] =	vst v63  }
0x75: {  	_ =	swait.ge [sflag:s1], $0x2800  }
0x76: {  	[sflag:s1] =	ssyncset.done $0x0  }
.Ltmp1:
0x77: {  	s10 =	sadd.s32 $0x2800, s10;
	[sflag:s1] =	ssyncadd.s32 $0xFFFFD800;
	(pc) =	sbr.rel @p3 .LBB2_4-.Ltmp1, $4  }
0x78: {  	[spmem:s2] =	stream.indirect.scatter.add.f32 [tilespmem:s29], [sflag:$0x4], $0x80, s10, s28, $0xb8;
	[tilespmem:$0x1F000] =	vst v63  }
0x79: {  	_ =	swait.ge [sflag:s0], $0x2800  }
0x7a: {  	[sflag:s0] =	ssyncset.done $0x0  }
0x7b: {  	s9 =	sadd.s32 $0xA0, s9;
	[sflag:s0] =	ssyncadd.s32 $0xFFFFD800  }
0x7c: {  	[tilespmem:s29], [sflag:$0x2] =	stream.indirect.gather [hbm4b:s4+s28], $0x80, s5, s28, $0xb8;
	[tilespmem:$0x1F000] =	vst v63  }
0x7d: {  	_ =	swait.ge [sflag:s30], $0x2800  }
0x7e: {  	[sflag:s30] =	ssyncset.done $0x0  }
0x7f: {  	s9 =	simm.s32 $0x6480;
	[sflag:s30] =	ssyncadd.s32 $0xFFFFD800  }
0x80: {  	[spmem:s2] =	stream.indirect.scatter.add.f32 [tilespmem:s26], [sflag:$0x3], $0x80, s9, s28, $0xb8;
	[tilespmem:$0x1F000] =	vst v63  }
0x81: {  	_ =	swait.ge [sflag:s31], $0x2800  }
0x82: {  	[sflag:s31] =	ssyncset.done $0x0  }
0x83: {  	s10 =	simm.s32 $0x26C0;
	[sflag:s31] =	ssyncadd.s32 $0xFFFFD800  }
0x84: {  	[tilespmem:s26], [sflag:$0x1] =	stream.indirect.gather [hbm4b:s4+s28], $0x80, s10, s28, $0xb8;
	[tilespmem:$0x1F000] =	vst v63  }
0x85: {  	_ =	swait.ge [sflag:s1], $0x2800  }
0x86: {  	[sflag:s1] =	ssyncset.done $0x0  }
0x87: {  	s11 =	simm.s32 $0x6500;
	[sflag:s1] =	ssyncadd.s32 $0xFFFFD800  }
0x88: {  	[spmem:s2] =	stream.indirect.scatter.add.f32 [tilespmem:s29], [sflag:$0x4], $0x80, s11, s28, $0xb8;
	[tilespmem:$0x1F000] =	vst v63  }
0x89: {  	_ =	swait.ge [sflag:s30], $0x2800  }
0x8a: {  	[sflag:s30] =	ssyncset.done $0x0  }
0x8b: {  	s6 =	simm.s32 $0x6580;
	[sflag:s30] =	ssyncadd.s32 $0xFFFFD800  }
0x8c: {  	[spmem:s2] =	stream.indirect.scatter.add.f32 [tilespmem:s26], [sflag:$0x3], $0x80, s6, s28, $0xb8;
	[tilespmem:$0x1F000] =	vst v63  }
0x8d: {  	_ =	swait.ge [sflag:s0], $0x2800  }
0x8e: {  	[sflag:s0] =	ssyncset.done $0x0  }
0x8f: {  	[sflag:s0] =	ssyncadd.s32 $0xFFFFD800  }
0x90: {  	_ =	swait.ge [sflag:s31], $0x2800  }
0x91: {  	[sflag:s31] =	ssyncset.done $0x0  }
0x92: {  	[sflag:s31] =	ssyncadd.s32 $0xFFFFD800  }
0x93: {  	[bflag:$0x0] =	sbarrier.arrive $0xFFFF  }
0x94: {  	[tilespmem:s26], [sflag:$0x5] =	stream.linear.gather [spmem:s7], $0x2800, $0x38;
	[tilespmem:$0x1F000] =	vst v63  }
0x95: {  	_ =	swait.ge [sflag:s24], $0x2800  }
0x96: {  	[sflag:s24] =	ssyncset.done $0x0  }
0x97: {  	s9 =	rddreg [dreg:$0x5];
	[sflag:s24] =	ssyncadd.s32 $0xFFFFD800  }
0x98: {  	[hbm4b:s9+s3] =	stream.linear.scatter [tilespmem:s26], [sflag:$0x5], $0x2800, $0x38;
	[tilespmem:$0x1F000] =	vst v63  }
0x99: {  	_ =	swait.ge [sflag:s24], $0x2800  }
0x9a: {  	[sflag:s24] =	ssyncset.done $0x0  }
0x9b: {  	[sflag:s24] =	ssyncadd.s32 $0xFFFFD800  }
0x9c: {  	[tilespmem:s26], [sflag:$0x5] =	stream.linear.gather [spmem:s8], $0x2800, $0x38;
	[tilespmem:$0x1F000] =	vst v63  }
0x9d: {  	_ =	swait.ge [sflag:s24], $0x2800  }
0x9e: {  	[sflag:s24] =	ssyncset.done $0x0  }
0x9f: {  	s10 =	rddreg [dreg:$0x6];
	[sflag:s24] =	ssyncadd.s32 $0xFFFFD800  }
0xa0: {  	[hbm4b:s10+s3] =	stream.linear.scatter [tilespmem:s26], [sflag:$0x5], $0x2800, $0x38;
	[tilespmem:$0x1F000] =	vst v63  }
0xa1: {  	_ =	swait.ge [sflag:s24], $0x2800  }
0xa2: {  	[sflag:s24] =	ssyncset.done $0x0  }
0xa3: {  	[sflag:s24] =	ssyncadd.s32 $0xFFFFD800  }
0xa4: {  	[tilespmem:s26], [sflag:$0x5] =	stream.linear.gather [spmem:s17], $0x2800, $0x38;
	[tilespmem:$0x1F000] =	vst v63  }
0xa5: {  	_ =	swait.ge [sflag:s24], $0x2800  }
0xa6: {  	[sflag:s24] =	ssyncset.done $0x0  }
0xa7: {  	s11 =	rddreg [dreg:$0x7];
	[sflag:s24] =	ssyncadd.s32 $0xFFFFD800  }
0xa8: {  	[hbm4b:s11+s3] =	stream.linear.scatter [tilespmem:s26], [sflag:$0x5], $0x2800, $0x38;
	[tilespmem:$0x1F000] =	vst v63  }
0xa9: {  	_ =	swait.ge [sflag:s24], $0x2800  }
0xaa: {  	[sflag:s24] =	ssyncset.done $0x0  }
0xab: {  	[sflag:s24] =	ssyncadd.s32 $0xFFFFD800  }
0xac: {  	[tilespmem:s26], [sflag:$0x5] =	stream.linear.gather [spmem:s18], $0x2800, $0x38;
	[tilespmem:$0x1F000] =	vst v63  }
0xad: {  	_ =	swait.ge [sflag:s24], $0x2800  }
0xae: {  	[sflag:s24] =	ssyncset.done $0x0  }
0xaf: {  	[sflag:s24] =	ssyncadd.s32 $0xFFFFD800  }
0xb0: {  	[hbm4b:s12+s3] =	stream.linear.scatter [tilespmem:s26], [sflag:$0x5], $0x2800, $0x38;
	[tilespmem:$0x1F000] =	vst v63  }
0xb1: {  	_ =	swait.ge [sflag:s24], $0x2800  }
0xb2: {  	[sflag:s24] =	ssyncset.done $0x0  }
0xb3: {  	[sflag:s24] =	ssyncadd.s32 $0xFFFFD800  }
0xb4: {  	[tilespmem:s26], [sflag:$0x5] =	stream.linear.gather [spmem:s19], $0x2800, $0x38;
	[tilespmem:$0x1F000] =	vst v63  }
0xb5: {  	_ =	swait.ge [sflag:s24], $0x2800  }
0xb6: {  	[sflag:s24] =	ssyncset.done $0x0  }
0xb7: {  	[sflag:s24] =	ssyncadd.s32 $0xFFFFD800  }
0xb8: {  	[hbm4b:s13+s3] =	stream.linear.scatter [tilespmem:s26], [sflag:$0x5], $0x2800, $0x38;
	[tilespmem:$0x1F000] =	vst v63  }
0xb9: {  	_ =	swait.ge [sflag:s24], $0x2800  }
0xba: {  	[sflag:s24] =	ssyncset.done $0x0  }
0xbb: {  	s5 =	simm.s32 @!p2 $0x6780;
	s6 =	simm.s32 @!p2 $0x5;
	[sflag:s24] =	ssyncadd.s32 $0xFFFFD800  }
0xbc: {  	[tilespmem:s5], [sflag:$0x5] =	stream.linear.gather @!p2 [spmem:s20], $0x2800, $0x38;
	[tilespmem:$0x1F000] =	vst v63  }
0xbd: {  	_ =	swait.ge @!p2 [sflag:s6], $0x2800  }
0xbe: {  	[sflag:s6] =	ssyncset.done @!p2 $0x0  }
0xbf: {  	s9 =	simm.s32 @!p2 $0x0;
	[sflag:s6] =	ssyncadd.s32 @!p2 $0xFFFFD800  }
0xc0: {  	[hbm4b:s14+s9] =	stream.linear.scatter @!p2 [tilespmem:s5], [sflag:$0x5], $0x2800, $0x38;
	[tilespmem:$0x1F000] =	vst v63  }
0xc1: {  	_ =	swait.ge @!p2 [sflag:s6], $0x2800  }
0xc2: {  	[sflag:s6] =	ssyncset.done @!p2 $0x0  }
0xc3: {  	s5 =	simm.s32 @!p0 $0x6780;
	[sflag:s6] =	ssyncadd.s32 @!p2 $0xFFFFD800;
	s6 =	simm.s32 @!p0 $0x5  }
0xc4: {  	[tilespmem:s5], [sflag:$0x5] =	stream.linear.gather @!p0 [spmem:s21], $0x2800, $0x38;
	[tilespmem:$0x1F000] =	vst v63  }
0xc5: {  	_ =	swait.ge @!p0 [sflag:s6], $0x2800  }
0xc6: {  	[sflag:s6] =	ssyncset.done @!p0 $0x0  }
0xc7: {  	s9 =	simm.s32 @!p0 $0x0;
	[sflag:s6] =	ssyncadd.s32 @!p0 $0xFFFFD800  }
0xc8: {  	[hbm4b:s15+s9] =	stream.linear.scatter @!p0 [tilespmem:s5], [sflag:$0x5], $0x2800, $0x38;
	[tilespmem:$0x1F000] =	vst v63  }
0xc9: {  	_ =	swait.ge @!p0 [sflag:s6], $0x2800  }
0xca: {  	[sflag:s6] =	ssyncset.done @!p0 $0x0  }
0xcb: {  	s5 =	simm.s32 @!p1 $0x6780;
	[sflag:s6] =	ssyncadd.s32 @!p0 $0xFFFFD800;
	s6 =	simm.s32 @!p1 $0x5  }
0xcc: {  	[tilespmem:s5], [sflag:$0x5] =	stream.linear.gather @!p1 [spmem:s22], $0x2800, $0x38;
	[tilespmem:$0x1F000] =	vst v63  }
0xcd: {  	s25 =	sadd.s32 $0x1, s25;
	_ =	swait.ge @!p1 [sflag:s6], $0x2800  }
0xce: {  	p3 =	sne.s32 s25, s23;
	[sflag:s6] =	ssyncset.done @!p1 $0x0  }
.Ltmp2:
0xcf: {  	s9 =	simm.s32 @!p1 $0x0;
	[sflag:s6] =	ssyncadd.s32 @!p1 $0xFFFFD800;
	(pc) =	sbr.rel @p3 .LBB2_1-.Ltmp2, $4  }
0xd0: {  	[hbm4b:s16+s9] =	stream.linear.scatter @!p1 [tilespmem:s5], [sflag:$0x5], $0x2800, $0x38;
	[tilespmem:$0x1F000] =	vst v63  }
0xd1: {  	_ =	swait.ge @!p1 [sflag:s6], $0x2800  }
0xd2: {  	[sflag:s6] =	ssyncset.done @!p1 $0x0  }
0xd3: {  	[sflag:s6] =	ssyncadd.s32 @!p1 $0xFFFFD800  }
0xd4: {  	_ =	sfence.sel $0x180000  }
0xd5: {  	[bflag:$0x0] =	sbarrier.arrive $0xFFFF  }
0xd6: {  	_ =	strace $0x9000004A  }
0xd7: {  	s0 =	stileid.u32;
	[bflag:$0x2] =	sbarrier.arrive $0xFFFF  }
0xd8: {  	p0 =	sne.s32 s0, $0x0;
	s0 =	rddreg [dreg:$0x2]  }
0xd9: {  	s0 =	sadd.s32 @!p0 $0x100000, s0  }
0xda: {  	[sflag:s0] =	ssyncadd.tile.s32 @!p0 $0x1;
	_ =	shalt  }
.Lfunc_end2:
_tile_overlayer_lowered:
.L_overlay_start_2:
0xdb: {  	(tag) =	ssettag $0x2  }
0xdc: {  	s0 =	rddreg [dreg:$0x0];
	s2 =	stileid.u32  }
0xdd: {  	s1 =	rddreg [dreg:$0x1];
	p0 =	sne.s32 s2, $0x0  }
0xde: {  	s3 =	rddreg [dreg:$0x2];
	[bflag:$0x3] =	sbarrier.arrive $0xFFFF;
	s2 =	simm.s32 @!p0 $0x1C05  }
0xdf: {  	[timem:s3], [sflag:s2] =	dma.local @!p0 [hbm:s0], s1  }
0xe0: {  	s0 =	simm.s32 @!p0 $0x5  }
0xe1: {  	_ =	swait.ge @!p0 [sflag:s0], s1  }
0xe2: {  	s1 =	ssub.s32 @!p0 $0x0, s1;
	[sflag:s0] =	ssyncset.done @!p0 $0x0  }
0xe3: {  	[sflag:s0] =	ssyncadd.s32 @!p0 s1  }
0xe4: {  	[bflag:$0x3] =	sbarrier.arrive $0xFFFF  }
0xe5: {  	_ =	shalt  }

// kernel: kernel.14.cloned.1.call-start
scs
__scs_entry_jumppad:
0x0: {  	(pc) =	sbr.rel $0x88, $3  }
0x1: {  	(tag) =	ssettag $0x0;
	lr =	simm.s32 $0x1  }
0x2: {  	[smem:$0x3F95] =	sst lr;
	_ =	strace $0xD0000000  }
0x3: {  	_ = 	snop  }
0x4: {  	_ = 	snop  }
0x5: {  	_ = 	snop  }
0x6: {  	_ = 	snop  }
0x7: {  	_ = 	snop  }
__scs_overlays_trampoline_lowered:
0x8: {  	[smem:$0x3FA4] =	sst s0  }
0x9: {  	[smem:$0x3FA5] =	sst s1  }
0xa: {  	[smem:$0x3FA6] =	sst s2  }
0xb: {  	[smem:$0x3FA7] =	sst s3  }
0xc: {  	[smem:$0x3FA8] =	sst s4  }
0xd: {  	[smem:$0x3FA9] =	sst s5  }
0xe: {  	[smem:$0x3FAA] =	sst s6  }
0xf: {  	[smem:$0x3FAB] =	sst s7  }
0x10: {  	[smem:$0x3FAC] =	sst s8  }
0x11: {  	[smem:$0x3FAD] =	sst s9;
	s0 =	simm.s32 @!p0 $0x0  }
0x12: {  	s1 =	sld [smem:$0x3F93];
	s0 =	simm.s32 @p0 $0x1  }
0x13: {  	[smem:$0x3FAE] =	sst s0;
	s0 =	simm.s32 @!p1 $0x0  }
0x14: {  	s2 =	sld [smem:$0x3F92];
	s0 =	simm.s32 @p1 $0x1  }
0x15: {  	[smem:$0x3FAF] =	sst s0;
	s0 =	simm.s32 @!p2 $0x0  }
0x16: {  	s3 =	sld [smem:$0x3FDB];
	s0 =	simm.s32 @p2 $0x1  }
0x17: {  	s4 =	simm.s32 $0x1BF5;
	[smem:$0x3FB1] =	sst s0  }
0x18: {  	s0 =	sld [smem:$0x3F94];
	_ =	swait.ge [sflag:s4], $0x0  }
0x19: {  	s7 =	sld [smem:$0x3F95]  }
0x1a: {  	s8 =	sadd.s32 $0xFFFFE003, lr  }
0x1b: {  	s9 =	sadd.s32 $0xFFFFFEF7, lr;
	s5 =	simm.s32 $0xFFFFFFFF;
	p2 =	slt.u32 s8, $0xFFFFF086  }
0x1c: {  	p1 =	slt.u32 s9, $0xF7A;
	s5 =	simm.s32 @!p2 $0x0  }
0x1d: {  	s5 =	simm.s32 @p1 $0x1;
	p0 =	seq.s32 s7, s2  }
0x1e: {  	s7 =	smul.u32 @!p0 $0xF7A, s2;
	p2 =	seq.s32 @!p0 s5, $0x0  }
0x1f: {  	s9 =	smul.u32 $0xF7A, s1;
	s8 =	simm.s32 @!p0 $0x1BF5;
	p2 =	por !p2, p0  }
0x20: {  	[sflag:s8] =	ssyncset.s32 @!p0 $0xFFFFF086;
	s6 =	sadd.s32 @!p0 s3, s7;
	s7 =	simm.s32 @!p0 $0x108  }
0x21: {  	s3 =	sadd.s32 s3, s9;
	s6 =	sadd.s32 @!p0 $0x88, s6;
	s7 =	simm.s32 @p2 $0x1082  }
0x22: {  	[simem:s7], [sflag:s8] =	dma.local @!p0 [hbm:s6], $0xF7A  }
0x23: {  	s9 =	sor.u32 $0xD0000000, s2;
	s6 =	simm.s32 $0x108;
	_ =	swait.ge @!p0 [sflag:s8], $0x0  }
0x24: {  	s3 =	sadd.s32 $0x88, s3;
	s6 =	simm.s32 @!p1 $0x1082;
	[sflag:s4] =	ssyncset.s32 $0xFFFFF086  }
0x25: {  	[simem:s6], [sflag:s4] =	dma.local [hbm:s3], $0xF7A  }
0x26: {  	[smem:$0x3F95] =	sst s1;
	(tag) =	ssettag s2;
	_ =	strace s9  }
0x27: {  	s1 =	sld [smem:$0x3FA5]  }
0x28: {  	s2 =	sld [smem:$0x3FA6]  }
0x29: {  	s4 =	sld [smem:$0x3FA8]  }
0x2a: {  	p0 =	seq.s32 s5, $0x0;
	s5 =	sld [smem:$0x3FA9]  }
0x2b: {  	s6 =	sld [smem:$0x3FAA]  }
0x2c: {  	s7 =	sld [smem:$0x3FAB]  }
0x2d: {  	s3 =	simm.s32 $0x108;
	s8 =	sld [smem:$0x3FAC]  }
0x2e: {  	s3 =	simm.s32 @!p0 $0x1082;
	s9 =	sld [smem:$0x3FAD]  }
0x2f: {  	lr =	sadd.s32 s0, s3;
	s0 =	sld [smem:$0x3FA4]  }
0x30: {  	s3 =	sld [smem:$0x3FA7]  }
0x31: {  	[smem:$0x3FB0] =	sst s10  }
0x32: {  	s10 =	sld [smem:$0x3FAE];
	_ =	sdelay $0x3  }
0x33: {  	p0 =	seq.s32 s10, $0x1;
	s10 =	sld [smem:$0x3FB0];
	_ =	sdelay $0x3  }
0x34: {  	[smem:$0x3FB0] =	sst s10  }
0x35: {  	s10 =	sld [smem:$0x3FAF];
	_ =	sdelay $0x3  }
0x36: {  	p1 =	seq.s32 s10, $0x1;
	s10 =	sld [smem:$0x3FB0];
	_ =	sdelay $0x3  }
0x37: {  	[smem:$0x3FB0] =	sst s10  }
0x38: {  	s10 =	sld [smem:$0x3FB1]  }
0x39: {  	_ = 	snop;
	(pc) =	sbr.ind lr, $3  }
0x3a: {  	_ = 	snop  }
0x3b: {  	_ = 	snop  }
0x3c: {  	p2 =	seq.s32 s10, $0x1;
	s10 =	sld [smem:$0x3FB0]  }
0x3d: {  	_ =	shalt  }
0x3e: {  	_ =	shalt  }
0x3f: {  	_ =	shalt  }
0x40: {  	_ =	shalt  }
0x41: {  	_ =	shalt  }
0x42: {  	_ =	shalt  }
0x43: {  	_ =	shalt  }
0x44: {  	_ =	shalt  }
0x45: {  	_ =	shalt  }
0x46: {  	_ =	shalt  }
0x47: {  	_ =	shalt  }
0x48: {  	_ =	shalt  }
0x49: {  	_ =	shalt  }
0x4a: {  	_ =	shalt  }
0x4b: {  	_ =	shalt  }
0x4c: {  	_ =	shalt  }
0x4d: {  	_ =	shalt  }
0x4e: {  	_ =	shalt  }
0x4f: {  	_ =	shalt  }
0x50: {  	_ =	shalt  }
0x51: {  	_ =	shalt  }
0x52: {  	_ =	shalt  }
0x53: {  	_ =	shalt  }
0x54: {  	_ =	shalt  }
0x55: {  	_ =	shalt  }
0x56: {  	_ =	shalt  }
0x57: {  	_ =	shalt  }
0x58: {  	_ =	shalt  }
0x59: {  	_ =	shalt  }
0x5a: {  	_ =	shalt  }
0x5b: {  	_ =	shalt  }
0x5c: {  	_ =	shalt  }
0x5d: {  	_ =	shalt  }
0x5e: {  	_ =	shalt  }
0x5f: {  	_ =	shalt  }
0x60: {  	_ =	shalt  }
0x61: {  	_ =	shalt  }
0x62: {  	_ =	shalt  }
0x63: {  	_ =	shalt  }
0x64: {  	_ =	shalt  }
0x65: {  	_ =	shalt  }
0x66: {  	_ =	shalt  }
0x67: {  	_ =	shalt  }
0x68: {  	_ =	shalt  }
0x69: {  	_ =	shalt  }
0x6a: {  	_ =	shalt  }
0x6b: {  	_ =	shalt  }
0x6c: {  	_ =	shalt  }
0x6d: {  	_ =	shalt  }
0x6e: {  	_ =	shalt  }
0x6f: {  	_ =	shalt  }
0x70: {  	_ =	shalt  }
0x71: {  	_ =	shalt  }
0x72: {  	_ =	shalt  }
0x73: {  	_ =	shalt  }
0x74: {  	_ =	shalt  }
0x75: {  	_ =	shalt  }
0x76: {  	_ =	shalt  }
0x77: {  	_ =	shalt  }
0x78: {  	_ =	shalt  }
0x79: {  	_ =	shalt  }
0x7a: {  	_ =	shalt  }
0x7b: {  	_ =	shalt  }
0x7c: {  	_ =	shalt  }
0x7d: {  	_ =	shalt  }
0x7e: {  	_ =	shalt  }
0x7f: {  	_ =	shalt  }
0x80: {  	_ =	shalt  }
0x81: {  	_ =	shalt  }
0x82: {  	_ =	shalt  }
0x83: {  	_ =	shalt  }
0x84: {  	_ =	shalt  }
0x85: {  	_ =	shalt  }
0x86: {  	_ =	shalt  }
0x87: {  	_ =	shalt  }
.Lfunc_end0:
.L_simem_size_0:
called_computation.2_lowered:
.L_overlay_start_0:
0x88: {  	s2 =	sld [smem:$0x3FD9]  }
0x89: {  	s3 =	sld [smem:$0x3FFE];
	_ =	sdelay $0x1  }
0x8a: {  	s1 =	srdreg.scid  }
0x8b: {  	s0 =	sand.u32 $0x1, s1  }
0x8c: {  	s16 =	sshll.u32 s0, $0xA;
	s2 =	sadd.s32 s3, s2  }
0x8d: {  	s2 =	sadd.s32 s2, s16  }
0x8e: {  	[smem:$0x3FBC] =	sst s2  }
0x8f: {  	_ = 	snop  }
0x90: {  	(tm) =	ssettm $0x1  }
0x91: {  	s17 =	sld [smem:$0x3FFB];
	_ =	sdelay $0x3  }
0x92: {  	_ =	strace s17  }
0x93: {  	s2 =	sld [smem:$0x3FFC];
	_ =	sdelay $0x3  }
0x94: {  	_ =	strace s2  }
0x95: {  	s2 =	sld [smem:$0x3FFD];
	_ =	sdelay $0x3  }
0x96: {  	_ =	strace s2  }
0x97: {  	_ =	strace $0x8FFFFFFF  }
0x98: {  	s18 =	sld [smem:$0x3FDB];
	_ =	sdelay $0x1  }
0x99: {  	s19 =	simm.s32 $_scs_section_size  }
0x9a: {  	s4 =	simm.s32 $_size__tile_overlayer_lowered;
	s5 =	simm.s32 $_tile_overlayer_lowered  }
0x9b: {  	s22 =	simm.s32 $0x1BFF;
	s21 =	sshll.u32 s5, $0x1;
	s2 =	sadd.s32 s19, s18  }
0x9c: {  	s6 =	simm.s32 $0x0;
	s20 =	sshll.u32 s4, $0x1;
	s4 =	sadd.s32 s21, s2  }
0x9d: {  	[timem:s6], [sflag:s22] =	dma.local [hbm:s4], s20  }
0x9e: {  	_ =	swait.ge [sflag:s22], s20  }
0x9f: {  	s3 =	ssub.s32 $0x0, s20;
	[sflag:s22] =	ssyncset.done $0x0  }
0xa0: {  	[sflag:s22] =	ssyncadd.s32 s3;
	_ =	sdelay $0x1  }
0xa1: {  	s23 =	simm.s32 $0x1B8B  }
0xa2: {  	_ =	swait.ge [sflag:s23], $0x1  }
0xa3: {  	[sflag:s23] =	ssyncset.done $0x0  }
0xa4: {  	s25 =	simm.s32 $0x1B8E;
	s24 =	sld [smem:$0x3FFE];
	[sflag:s23] =	ssyncadd.s32 $0xFFFFFFFF  }
0xa5: {  	s26 =	simm.s32 $execute0_lowered;
	[smem:$0x3FD2] =	sst s25  }
0xa6: {  	s4 =	sshll.u32 s26, $0x1;
	_ =	strace $0x8000004C;
	[dreg:$0x1] =	wrdreg $0xFFFFFFFF  }
0xa7: {  	s28 =	simm.s32 $_size_execute0_lowered;
	s2 =	sadd.s32 s2, s4;
	[dreg:$0x0] =	wrdreg $0x0  }
0xa8: {  	s4 =	sshll.u32 s28, $0x1;
	[dreg:$0x2] =	wrdreg s2  }
0xa9: {  	[dreg:$0x3] =	wrdreg s4  }
0xaa: {  	[dreg:$0x4] =	wrdreg $0xC0  }
0xab: {  	_ =	task [dreg:s6], $0x5FFFF  }
0xac: {  	[dreg:$0x1] =	wrdreg $0xFFFFFFFF  }
0xad: {  	[dreg:$0x0] =	wrdreg $0x60  }
0xae: {  	[dreg:$0x2] =	wrdreg s24  }
0xaf: {  	[dreg:$0x3] =	wrdreg $0x76200  }
0xb0: {  	[dreg:$0x4] =	wrdreg $0x9  }
0xb1: {  	_ =	task.clear_ibuf [dreg:s6], $0x5FFFF;
	_ =	strace $0x9000004C  }
0xb2: {  	s29 =	simm.s32 $0x9;
	_ =	strace $0x8000004E  }
0xb3: {  	_ =	swait.ge [sflag:s29], $0x1  }
0xb4: {  	[sflag:s29] =	ssyncadd.s32 $0xFFFFFFFF  }
0xb5: {  	_ =	strace $0x9000004E  }
0xb6: {  	_ =	sfence  }
0xb7: {  	s30 =	sld [smem:$0x0];
	_ =	sdelay $0x2  }
0xb8: {  	s31 =	sshll.u32 s1, $0xD;
	s1 =	sshrl.u32 s1, $0x2  }
0xb9: {  	s3 =	sand.u32 $0x4000, s31;
	s1 =	sadd.s32 s1, s30  }
0xba: {  	s0 =	sor.u32 s3, s0;
	s1 =	sshll.u32 s1, $0x11  }
0xbb: {  	s0 =	sor.u32 s1, s0  }
0xbc: {  	s0 =	sadd.s32 $0x8F2B, s0  }
0xbd: {  	[sflag:s0] =	ssyncadd.remote.s32 $0x1  }
0xbe: {  	_ =	sfence.sel $0xFFFF  }
0xbf: {  	[dreg:$0x0] =	wrdreg $0xFFFFFFFF;
	(pc) =	sbr.abs _section_cstart, $3  }
0xc0: {  	[dreg:$0x1] =	wrdreg $0xFFFFFFFF  }
0xc1: {  	_ =	task.clear_ibuf [dreg:s6], $0x2FFFF;
	_ =	strace $0x9FFFFFFF  }
0xc2: {  	(tm) =	ssettm $0x7FFFFFFF  }
0xc3: {  	_ =	shalt  }
tec
execute0_lowered:
.L_overlay_start_1:
0x0: {  	(tag) =	ssettag $0x1  }
0x1: {  	s5 =	rddreg [dreg:$0x0]  }
0x2: {  	s0 =	srdreg.scid;
	s1 =	stileid.u32  }
0x3: {  	s26 =	simm.s32 $0x0;
	s28 =	simm.s32 $0x10;
	s29 =	simm.s32 $0x0  }
0x4: {  	s3 =	sand.u32 $0x1, s0;
	s19 =	sshll.u32 s1, $0x1;
	s4 =	sshll.u32 s1, $0x3  }
0x5: {  	s0 =	sor.u32 s3, s19;
	s2 =	ssub.s32 $0x2, s3;
	s10 =	smul.u32 $0x27100, s3  }
0x6: {  	s8 =	sor.u32 $0x1, s4;
	s9 =	sor.u32 $0x2, s4;
	s6 =	smul.u32 $0x4E2, s0  }
0x7: {  	s11 =	sor.u32 $0x3, s4;
	s13 =	sor.u32 $0x4, s4;
	s3 =	smul.u32 $0x500, s8  }
0x8: {  	s14 =	sor.u32 $0x5, s4;
	s15 =	sor.u32 $0x6, s4;
	s4 =	smul.u32 $0x500, s9  }
0x9: {  	[smem:$0x7FF] =	sst s26;
	s7 =	sadd.s32 $0x1B800, s5;
	s18 =	smul.u32 $0x500, s11  }
0xa: {  	s16 =	sshllo.u32 s1, $0x3;
	p2 =	seq.s32 s1, $0xF;
	s19 =	smul.u32 $0x500, s13  }
0xb: {  	p1 =	sgt.u32 s16, $0x7C;
	s20 =	sshrl.u32 s2, $0x1;
	s11 =	smul.u32 $0x1400, s11  }
0xc: {  	p0 =	sgt.u32 s15, $0x7C;
	s0 =	ssub.s32 s2, s20;
	s2 =	smul.u32 $0x2800, s1  }
0xd: {  	s20 =	smul.u32 $0x500, s15;
	s17 =	sadd.s32 s10, s3;
	s22 =	sadd.s32 s10, s4  }
0xe: {  	s23 =	sadd.s32 s10, s18;
	s25 =	sadd.s32 s10, s19;
	s6 =	sadd.s32 s6, s5  }
0xf: {  	s0 =	smax.u32 s0, $0x1;
	s12 =	sadd.s32 s2, s10;
	s17 =	sshrl.u32 s17, $0x3  }
0x10: {  	s24 =	sshrl.u32 s23, $0x3;
	s12 =	sshrl.u32 s12, $0x3;
	s21 =	sadd.s32 s7, s17  }
0x11: {  	s17 =	smul.u32 $0x500, s14;
	s12 =	sadd.s32 s7, s12;
	[dreg:$0x4] =	wrdreg s21  }
0x12: {  	s31 =	sadd.s32 s10, s20;
	[dreg:$0x3] =	wrdreg s12;
	s12 =	sshrl.u32 s22, $0x3  }
0x13: {  	s21 =	sadd.s32 s10, s17;
	s22 =	smul.u32 $0x500, s16;
	s12 =	sadd.s32 s7, s12  }
0x14: {  	s30 =	sshrl.u32 s21, $0x3;
	s21 =	sshrl.u32 s31, $0x3;
	s31 =	sadd.s32 $0x2C00, s6  }
0x15: {  	s6 =	sadd.s32 $0xCA00, s6;
	[dreg:$0x5] =	wrdreg s12;
	s12 =	sadd.s32 s7, s24  }
0x16: {  	s10 =	sadd.s32 s10, s22;
	s24 =	smul.u32 $0x1400, s8;
	s8 =	sshrl.u32 s11, $0x2  }
0x17: {  	[dreg:$0x6] =	wrdreg s12;
	s12 =	sshrl.u32 s25, $0x3;
	s23 =	sshrl.u32 s10, $0x3  }
0x18: {  	s10 =	rddreg [dreg:$0x1];
	s25 =	smul.u32 $0xA000, s1;
	s12 =	sadd.s32 s7, s12  }
0x19: {  	s11 =	simm.s32 $0x7120;
	s2 =	sadd.s32 s2, s10;
	[dreg:$0x7] =	wrdreg s12  }
0x1a: {  	s12 =	sadd.s32 s7, s30;
	s30 =	smul.u32 $0x1400, s9;
	s9 =	sshrl.u32 s25, $0x2  }
0x1b: {  	s25 =	smul.u32 $0x1400, s15;
	[dreg:$0x8] =	wrdreg s12;
	s12 =	sadd.s32 s7, s21  }
0x1c: {  	s7 =	sadd.s32 s7, s23;
	s23 =	smul.u32 $0x1400, s13;
	[dreg:$0x9] =	wrdreg s12  }
0x1d: {  	s21 =	sshrl.u32 s24, $0x2;
	s24 =	smul.u32 $0x1400, s14;
	[dreg:$0xa] =	wrdreg s7  }
0x1e: {  	s12 =	sadd.s32 $0x16800, s5;
	s5 =	sshrl.u32 s30, $0x2;
	s30 =	smul.u32 $0x1400, s16  }
0x1f: {  	s16 =	sadd.s32 s3, s10;
	_ =	strace $0x8000004D;
	[dreg:$0xb] =	wrdreg s31  }
0x20: {  	s3 =	simm.s32 $0x50;
	[dreg:$0xc] =	wrdreg s6;
	s6 =	sadd.s32 s9, s10  }
0x21: {  	s7 =	sshrl.u32 s23, $0x2;
	s5 =	sadd.s32 s5, s10;
	[dreg:$0x15] =	wrdreg s2  }
0x22: {  	s31 =	sadd.s32 s8, s10;
	s8 =	sshrl.u32 s24, $0x2;
	[dreg:$0x16] =	wrdreg s16  }
0x23: {  	s9 =	sshrl.u32 s25, $0x2;
	s23 =	sadd.s32 s18, s10;
	[dreg:$0x1d] =	wrdreg s0  }
0x24: {  	s24 =	sadd.s32 s19, s10;
	s25 =	sadd.s32 s17, s10;
	[dreg:$0xd] =	wrdreg s6  }
0x25: {  	s0 =	simm.s32 $0x11;
	s2 =	simm.s32 $0x4E20;
	[dreg:$0xf] =	wrdreg s5  }
0x26: {  	s16 =	simm.s32 $0xA;
	s17 =	simm.s32 $0x3;
	[dreg:$0x10] =	wrdreg s31  }
0x27: {  	s18 =	simm.s32 $0xB;
	s19 =	simm.s32 $0x4;
	[dreg:$0x18] =	wrdreg s23  }
0x28: {  	s6 =	sadd.s32 s21, s10;
	s7 =	sadd.s32 s7, s10;
	[dreg:$0x19] =	wrdreg s24  }
0x29: {  	s13 =	sshrl.u32 s30, $0x2;
	s5 =	sadd.s32 s8, s10;
	[dreg:$0x1a] =	wrdreg s25  }
0x2a: {  	s14 =	sadd.s32 s9, s10;
	s21 =	sadd.s32 s4, s10;
	[dreg:$0xe] =	wrdreg s6  }
0x2b: {  	s30 =	sadd.s32 s20, s10;
	s31 =	sadd.s32 s22, s10;
	[dreg:$0x11] =	wrdreg s7  }
0x2c: {  	s4 =	simm.s32 $0x5320;
	s9 =	simm.s32 $0x6720;
	[dreg:$0x12] =	wrdreg s5  }
0x2d: {  	s20 =	simm.s32 $0xC;
	s22 =	simm.s32 $0xD;
	[dreg:$0x13] =	wrdreg s14  }
.Ltmp0:
0x2e: {  	s23 =	simm.s32 $0x6;
	[dreg:$0x17] =	wrdreg s21;
	(pc) =	sbr.rel .LBB2_1-.Ltmp0, $4  }
0x2f: {  	s24 =	simm.s32 $0x8;
	s15 =	sadd.s32 s13, s10;
	[dreg:$0x1b] =	wrdreg s30  }
0x30: {  	[dreg:$0x1c] =	wrdreg s31;
	s5 =	simm.s32 $0x5820;
	s6 =	simm.s32 $0x5D20  }
0x31: {  	s7 =	simm.s32 $0x6220;
	s13 =	simm.s32 $0x1;
	s14 =	simm.s32 $0x9  }
0x32: {  	v0 =	vimm.f32 $0.0e+00;
	s21 =	simm.s32 $0x5;
	[dreg:$0x14] =	wrdreg s15;
	s15 =	simm.s32 $0x2  }
.LBB2_6:
0x33: {  	_ =	swait.ge [sflag:s13], $0x500  }
0x34: {  	[sflag:s13] =	ssyncset.done $0x0  }
0x35: {  	s1 =	simm.s32 $0x4C90;
	[sflag:s13] =	ssyncadd.s32 $0xFFFFFB00  }
0x36: {  	[spmem:s10] =	stream.indirect.scatter.add.f32 [tilespmem:s2], [sflag:$0x9], $0x10, s1, s3, $0xb8;
	[tilespmem:$0x9D30] =	vst v63  }
0x37: {  	_ =	swait.ge [sflag:s15], $0x500  }
0x38: {  	[sflag:s15] =	ssyncset.done $0x0  }
0x39: {  	s25 =	simm.s32 $0x4CE0;
	[sflag:s15] =	ssyncadd.s32 $0xFFFFFB00  }
0x3a: {  	[spmem:s10] =	stream.indirect.scatter.add.f32 [tilespmem:s4], [sflag:$0xA], $0x10, s25, s3, $0xb8;
	[tilespmem:$0x9D30] =	vst v63  }
0x3b: {  	_ =	swait.ge [sflag:s17], $0x500  }
0x3c: {  	[sflag:s17] =	ssyncset.done $0x0  }
0x3d: {  	s26 =	simm.s32 $0x4D30;
	[sflag:s17] =	ssyncadd.s32 $0xFFFFFB00  }
0x3e: {  	[spmem:s10] =	stream.indirect.scatter.add.f32 [tilespmem:s5], [sflag:$0xB], $0x10, s26, s3, $0xb8;
	[tilespmem:$0x9D30] =	vst v63  }
0x3f: {  	_ =	swait.ge [sflag:s19], $0x500  }
0x40: {  	[sflag:s19] =	ssyncset.done $0x0  }
0x41: {  	s30 =	simm.s32 $0x4D80;
	[sflag:s19] =	ssyncadd.s32 $0xFFFFFB00  }
0x42: {  	[spmem:s10] =	stream.indirect.scatter.add.f32 [tilespmem:s6], [sflag:$0xC], $0x10, s30, s3, $0xb8;
	[tilespmem:$0x9D30] =	vst v63  }
0x43: {  	_ =	swait.ge [sflag:s21], $0x500  }
0x44: {  	[sflag:s21] =	ssyncset.done $0x0  }
0x45: {  	s31 =	simm.s32 $0x4DD0;
	s8 =	simm.s32 $0xE;
	[sflag:s21] =	ssyncadd.s32 $0xFFFFFB00  }
0x46: {  	[spmem:s10] =	stream.indirect.scatter.add.f32 [tilespmem:s7], [sflag:$0xD], $0x10, s31, s3, $0xb8;
	[tilespmem:$0x9D30] =	vst v63  }
0x47: {  	_ =	swait.ge [sflag:s8], $0x500  }
0x48: {  	[sflag:s8] =	ssyncset.done $0x0  }
0x49: {  	s25 =	simm.s32 $0xF;
	[sflag:s8] =	ssyncadd.s32 $0xFFFFFB00  }
0x4a: {  	_ =	swait.ge [sflag:s25], $0x500  }
0x4b: {  	[sflag:s25] =	ssyncset.done $0x0  }
0x4c: {  	[sflag:s25] =	ssyncadd.s32 $0xFFFFFB00  }
0x4d: {  	_ =	swait.ge [sflag:s28], $0x500  }
0x4e: {  	[sflag:s28] =	ssyncset.done $0x0  }
0x4f: {  	[sflag:s28] =	ssyncadd.s32 $0xFFFFFB00  }
0x50: {  	_ =	swait.ge [sflag:s14], $0x500  }
0x51: {  	[sflag:s14] =	ssyncset.done $0x0  }
0x52: {  	[sflag:s14] =	ssyncadd.s32 $0xFFFFFB00  }
0x53: {  	_ =	swait.ge [sflag:s16], $0x500  }
0x54: {  	[sflag:s16] =	ssyncset.done $0x0  }
0x55: {  	[sflag:s16] =	ssyncadd.s32 $0xFFFFFB00  }
0x56: {  	_ =	swait.ge [sflag:s18], $0x500  }
0x57: {  	[sflag:s18] =	ssyncset.done $0x0  }
0x58: {  	[sflag:s18] =	ssyncadd.s32 $0xFFFFFB00  }
0x59: {  	_ =	swait.ge [sflag:s20], $0x500  }
0x5a: {  	[sflag:s20] =	ssyncset.done $0x0  }
0x5b: {  	[sflag:s20] =	ssyncadd.s32 $0xFFFFFB00  }
0x5c: {  	_ =	swait.ge [sflag:s22], $0x500  }
0x5d: {  	[sflag:s22] =	ssyncset.done $0x0  }
0x5e: {  	[sflag:s22] =	ssyncadd.s32 $0xFFFFFB00  }
0x5f: {  	[bflag:$0x0] =	sbarrier.arrive $0xFFFF  }
0x60: {  	s26 =	rddreg [dreg:$0x15]  }
0x61: {  	[tilespmem:s2], [sflag:$0x11] =	stream.linear.gather [spmem:s26], $0x500, $0x38;
	[tilespmem:$0x9D30] =	vst v63  }
0x62: {  	_ =	swait.ge [sflag:s0], $0x500  }
0x63: {  	[sflag:s0] =	ssyncset.done $0x0  }
0x64: {  	s26 =	simm.s32 $0x0;
	s30 =	rddreg [dreg:$0x3];
	[sflag:s0] =	ssyncadd.s32 $0xFFFFFB00  }
0x65: {  	[hbm4b:s30+s26] =	stream.linear.scatter [tilespmem:s2], [sflag:$0x11], $0x500, $0x38;
	[tilespmem:$0x9D30] =	vst v63  }
0x66: {  	_ =	swait.ge [sflag:s0], $0x500  }
0x67: {  	[sflag:s0] =	ssyncset.done $0x0  }
0x68: {  	s31 =	rddreg [dreg:$0x16];
	[sflag:s0] =	ssyncadd.s32 $0xFFFFFB00  }
0x69: {  	[tilespmem:s2], [sflag:$0x11] =	stream.linear.gather [spmem:s31], $0x500, $0x38;
	[tilespmem:$0x9D30] =	vst v63  }
0x6a: {  	_ =	swait.ge [sflag:s0], $0x500  }
0x6b: {  	[sflag:s0] =	ssyncset.done $0x0  }
0x6c: {  	s8 =	rddreg [dreg:$0x4];
	[sflag:s0] =	ssyncadd.s32 $0xFFFFFB00  }
0x6d: {  	[hbm4b:s8+s26] =	stream.linear.scatter [tilespmem:s2], [sflag:$0x11], $0x500, $0x38;
	[tilespmem:$0x9D30] =	vst v63  }
0x6e: {  	_ =	swait.ge [sflag:s0], $0x500  }
0x6f: {  	[sflag:s0] =	ssyncset.done $0x0  }
0x70: {  	s25 =	rddreg [dreg:$0x17];
	[sflag:s0] =	ssyncadd.s32 $0xFFFFFB00  }
0x71: {  	[tilespmem:s2], [sflag:$0x11] =	stream.linear.gather [spmem:s25], $0x500, $0x38;
	[tilespmem:$0x9D30] =	vst v63  }
0x72: {  	_ =	swait.ge [sflag:s0], $0x500  }
0x73: {  	[sflag:s0] =	ssyncset.done $0x0  }
0x74: {  	s30 =	rddreg [dreg:$0x5];
	[sflag:s0] =	ssyncadd.s32 $0xFFFFFB00  }
0x75: {  	[hbm4b:s30+s26] =	stream.linear.scatter [tilespmem:s2], [sflag:$0x11], $0x500, $0x38;
	[tilespmem:$0x9D30] =	vst v63  }
0x76: {  	_ =	swait.ge [sflag:s0], $0x500  }
0x77: {  	[sflag:s0] =	ssyncset.done $0x0  }
0x78: {  	s31 =	rddreg [dreg:$0x18];
	[sflag:s0] =	ssyncadd.s32 $0xFFFFFB00  }
0x79: {  	[tilespmem:s2], [sflag:$0x11] =	stream.linear.gather [spmem:s31], $0x500, $0x38;
	[tilespmem:$0x9D30] =	vst v63  }
0x7a: {  	_ =	swait.ge [sflag:s0], $0x500  }
0x7b: {  	[sflag:s0] =	ssyncset.done $0x0  }
0x7c: {  	s8 =	rddreg [dreg:$0x6];
	[sflag:s0] =	ssyncadd.s32 $0xFFFFFB00  }
0x7d: {  	[hbm4b:s8+s26] =	stream.linear.scatter [tilespmem:s2], [sflag:$0x11], $0x500, $0x38;
	[tilespmem:$0x9D30] =	vst v63  }
0x7e: {  	_ =	swait.ge [sflag:s0], $0x500  }
0x7f: {  	[sflag:s0] =	ssyncset.done $0x0  }
0x80: {  	s25 =	rddreg [dreg:$0x19];
	[sflag:s0] =	ssyncadd.s32 $0xFFFFFB00  }
0x81: {  	[tilespmem:s2], [sflag:$0x11] =	stream.linear.gather [spmem:s25], $0x500, $0x38;
	[tilespmem:$0x9D30] =	vst v63  }
0x82: {  	_ =	swait.ge [sflag:s0], $0x500  }
0x83: {  	[sflag:s0] =	ssyncset.done $0x0  }
0x84: {  	s30 =	rddreg [dreg:$0x7];
	[sflag:s0] =	ssyncadd.s32 $0xFFFFFB00  }
0x85: {  	[hbm4b:s30+s26] =	stream.linear.scatter [tilespmem:s2], [sflag:$0x11], $0x500, $0x38;
	[tilespmem:$0x9D30] =	vst v63  }
0x86: {  	_ =	swait.ge [sflag:s0], $0x500  }
0x87: {  	[sflag:s0] =	ssyncset.done $0x0  }
0x88: {  	s1 =	simm.s32 @!p2 $0x4E20;
	s8 =	rddreg [dreg:$0x1a];
	[sflag:s0] =	ssyncadd.s32 $0xFFFFFB00  }
0x89: {  	[tilespmem:s1], [sflag:$0x11] =	stream.linear.gather @!p2 [spmem:s8], $0x500, $0x38;
	[tilespmem:$0x9D30] =	vst v63  }
0x8a: {  	s8 =	simm.s32 @!p2 $0x11  }
0x8b: {  	_ =	swait.ge @!p2 [sflag:s8], $0x500  }
0x8c: {  	[sflag:s8] =	ssyncset.done @!p2 $0x0  }
0x8d: {  	s25 =	simm.s32 @!p2 $0x0;
	s30 =	rddreg [dreg:$0x8];
	[sflag:s8] =	ssyncadd.s32 @!p2 $0xFFFFFB00  }
0x8e: {  	[hbm4b:s30+s25] =	stream.linear.scatter @!p2 [tilespmem:s1], [sflag:$0x11], $0x500, $0x38;
	[tilespmem:$0x9D30] =	vst v63  }
0x8f: {  	_ =	swait.ge @!p2 [sflag:s8], $0x500  }
0x90: {  	[sflag:s8] =	ssyncset.done @!p2 $0x0  }
0x91: {  	s1 =	simm.s32 @!p0 $0x4E20;
	[sflag:s8] =	ssyncadd.s32 @!p2 $0xFFFFFB00;
	s8 =	rddreg [dreg:$0x1b]  }
0x92: {  	[tilespmem:s1], [sflag:$0x11] =	stream.linear.gather @!p0 [spmem:s8], $0x500, $0x38;
	[tilespmem:$0x9D30] =	vst v63  }
0x93: {  	s8 =	simm.s32 @!p0 $0x11  }
0x94: {  	_ =	swait.ge @!p0 [sflag:s8], $0x500  }
0x95: {  	[sflag:s8] =	ssyncset.done @!p0 $0x0  }
0x96: {  	s25 =	simm.s32 @!p0 $0x0;
	s30 =	rddreg [dreg:$0x9];
	[sflag:s8] =	ssyncadd.s32 @!p0 $0xFFFFFB00  }
0x97: {  	[hbm4b:s30+s25] =	stream.linear.scatter @!p0 [tilespmem:s1], [sflag:$0x11], $0x500, $0x38;
	[tilespmem:$0x9D30] =	vst v63  }
0x98: {  	_ =	swait.ge @!p0 [sflag:s8], $0x500  }
0x99: {  	[sflag:s8] =	ssyncset.done @!p0 $0x0  }
0x9a: {  	s1 =	simm.s32 @!p1 $0x4E20;
	[sflag:s8] =	ssyncadd.s32 @!p0 $0xFFFFFB00;
	s8 =	rddreg [dreg:$0x1c]  }
0x9b: {  	[tilespmem:s1], [sflag:$0x11] =	stream.linear.gather @!p1 [spmem:s8], $0x500, $0x38;
	[tilespmem:$0x9D30] =	vst v63  }
0x9c: {  	s8 =	simm.s32 @!p1 $0x11  }
0x9d: {  	_ =	swait.ge @!p1 [sflag:s8], $0x500  }
0x9e: {  	[sflag:s8] =	ssyncset.done @!p1 $0x0  }
0x9f: {  	s25 =	simm.s32 @!p1 $0x0;
	s30 =	rddreg [dreg:$0xa];
	[sflag:s8] =	ssyncadd.s32 @!p1 $0xFFFFFB00  }
0xa0: {  	[hbm4b:s30+s25] =	stream.linear.scatter @!p1 [tilespmem:s1], [sflag:$0x11], $0x500, $0x38;
	[tilespmem:$0x9D30] =	vst v63  }
0xa1: {  	_ =	swait.ge @!p1 [sflag:s8], $0x500  }
0xa2: {  	s29 =	sadd.s32 $0x1, s29;
	s31 =	rddreg [dreg:$0x1d]  }
0xa3: {  	p3 =	sne.s32 s29, s31  }
.Ltmp1:
0xa4: {  	_ = 	snop;
	(pc) =	sbr.rel @!p3 .LBB2_7-.Ltmp1, $3  }
0xa5: {  	_ =	sdelay $0x1  }
0xa6: {  	[sflag:s8] =	ssyncset.done @!p1 $0x0  }
0xa7: {  	[sflag:s8] =	ssyncadd.s32 @!p1 $0xFFFFFB00  }
.LBB2_1:
0xa8: {  	s1 =	rddreg [dreg:$0xb]  }
0xa9: {  	[tilespmem:s26], [sflag:$0x11] =	stream.linear.gather [hbm4b:s1+s26], $0x2710, $0x38;
	[tilespmem:$0x9D30] =	vst v63  }
0xaa: {  	_ =	swait.ge [sflag:s0], $0x2710  }
0xab: {  	[sflag:s0] =	ssyncset.done $0x0  }
0xac: {  	s8 =	simm.s32 $0x2710;
	s25 =	rddreg [dreg:$0xc];
	[sflag:s0] =	ssyncadd.s32 $0xFFFFD8F0  }
0xad: {  	[tilespmem:s8], [sflag:$0x11] =	stream.linear.gather [hbm4b:s25+s26], $0x2710, $0x38;
	[tilespmem:$0x9D30] =	vst v63  }
0xae: {  	_ =	swait.ge [sflag:s0], $0x2710  }
0xaf: {  	[sflag:s0] =	ssyncset.done $0x0  }
0xb0: {  	s30 =	simm.s32 $0x40;
	s31 =	simm.s32 $0x0;
	[sflag:s0] =	ssyncadd.s32 $0xFFFFD8F0  }
.LBB2_2:
0xb1: {  	p3 =	sne.s32 s30, $0x13C0;
	[tilespmem:s31+$0x4E20] =	vst v0;
	s31 =	smov.u32 s30;
	s30 =	sadd.s32 $0x40, s30  }
.Ltmp2:
0xb2: {  	(pc) =	sbr.rel @p3 .LBB2_2-.Ltmp2, $2  }
0xb3: {  	_ =	sdelay $0x2  }
0xb4: {  	s31 =	sshra.s32 s31, $0x2  }
0xb5: {  	[tilespmem:s31+$0x4E20] =	vst v0;
	s1 =	rddreg [dreg:$0xd]  }
0xb6: {  	[spmem:s1] =	stream.linear.scatter [tilespmem:s2], [sflag:$0x11], $0x500, $0x38;
	[tilespmem:$0x9D30] =	vst v63  }
0xb7: {  	_ =	swait.ge [sflag:s0], $0x500  }
0xb8: {  	[sflag:s0] =	ssyncset.done $0x0  }
0xb9: {  	s26 =	rddreg [dreg:$0xe];
	[sflag:s0] =	ssyncadd.s32 $0xFFFFFB00  }
0xba: {  	[spmem:s26] =	stream.linear.scatter [tilespmem:s2], [sflag:$0x11], $0x500, $0x38;
	[tilespmem:$0x9D30] =	vst v63  }
0xbb: {  	_ =	swait.ge [sflag:s0], $0x500  }
0xbc: {  	[sflag:s0] =	ssyncset.done $0x0  }
0xbd: {  	s31 =	rddreg [dreg:$0xf];
	[sflag:s0] =	ssyncadd.s32 $0xFFFFFB00  }
0xbe: {  	[spmem:s31] =	stream.linear.scatter [tilespmem:s2], [sflag:$0x11], $0x500, $0x38;
	[tilespmem:$0x9D30] =	vst v63  }
0xbf: {  	_ =	swait.ge [sflag:s0], $0x500  }
0xc0: {  	[sflag:s0] =	ssyncset.done $0x0  }
0xc1: {  	s8 =	rddreg [dreg:$0x10];
	[sflag:s0] =	ssyncadd.s32 $0xFFFFFB00  }
0xc2: {  	[spmem:s8] =	stream.linear.scatter [tilespmem:s2], [sflag:$0x11], $0x500, $0x38;
	[tilespmem:$0x9D30] =	vst v63  }
0xc3: {  	_ =	swait.ge [sflag:s0], $0x500  }
0xc4: {  	[sflag:s0] =	ssyncset.done $0x0  }
0xc5: {  	s25 =	rddreg [dreg:$0x11];
	[sflag:s0] =	ssyncadd.s32 $0xFFFFFB00  }
0xc6: {  	[spmem:s25] =	stream.linear.scatter [tilespmem:s2], [sflag:$0x11], $0x500, $0x38;
	[tilespmem:$0x9D30] =	vst v63  }
0xc7: {  	_ =	swait.ge [sflag:s0], $0x500  }
0xc8: {  	[sflag:s0] =	ssyncset.done $0x0  }
0xc9: {  	s30 =	simm.s32 @!p2 $0x4E20;
	s1 =	rddreg [dreg:$0x12];
	[sflag:s0] =	ssyncadd.s32 $0xFFFFFB00  }
0xca: {  	[spmem:s1] =	stream.linear.scatter @!p2 [tilespmem:s30], [sflag:$0x11], $0x500, $0x38;
	[tilespmem:$0x9D30] =	vst v63  }
0xcb: {  	s30 =	simm.s32 @!p2 $0x11  }
0xcc: {  	_ =	swait.ge @!p2 [sflag:s30], $0x500  }
0xcd: {  	[sflag:s30] =	ssyncset.done @!p2 $0x0  }
0xce: {  	s1 =	rddreg [dreg:$0x13];
	[sflag:s30] =	ssyncadd.s32 @!p2 $0xFFFFFB00;
	s30 =	simm.s32 @!p0 $0x4E20  }
0xcf: {  	[spmem:s1] =	stream.linear.scatter @!p0 [tilespmem:s30], [sflag:$0x11], $0x500, $0x38;
	[tilespmem:$0x9D30] =	vst v63  }
0xd0: {  	s30 =	simm.s32 @!p0 $0x11  }
0xd1: {  	_ =	swait.ge @!p0 [sflag:s30], $0x500  }
0xd2: {  	[sflag:s30] =	ssyncset.done @!p0 $0x0  }
0xd3: {  	s1 =	rddreg [dreg:$0x14];
	[sflag:s30] =	ssyncadd.s32 @!p0 $0xFFFFFB00;
	s30 =	simm.s32 @!p1 $0x4E20  }
0xd4: {  	[spmem:s1] =	stream.linear.scatter @!p1 [tilespmem:s30], [sflag:$0x11], $0x500, $0x38;
	[tilespmem:$0x9D30] =	vst v63  }
0xd5: {  	s30 =	simm.s32 @!p1 $0x11  }
0xd6: {  	_ =	swait.ge @!p1 [sflag:s30], $0x500  }
0xd7: {  	[sflag:s30] =	ssyncset.done @!p1 $0x0  }
0xd8: {  	[sflag:s30] =	ssyncadd.s32 @!p1 $0xFFFFFB00  }
0xd9: {  	s30 =	simm.s32 $0x0;
	[bflag:$0x0] =	sbarrier.arrive $0xFFFF  }
0xda: {  	[tilespmem:s2], [sflag:$0x1] =	stream.indirect.gather [hbm4b:s12+s3], $0x10, s30, s3, $0xb8;
	[tilespmem:$0x9D30] =	vst v63  }
0xdb: {  	_ = 	snop  }
0xdc: {  	[tilespmem:s4], [sflag:$0x2] =	stream.indirect.gather [hbm4b:s12+s3], $0x10, s3, s3, $0xb8;
	[tilespmem:$0x9D30] =	vst v63  }
0xdd: {  	s26 =	simm.s32 $0xA0  }
0xde: {  	[tilespmem:s5], [sflag:$0x3] =	stream.indirect.gather [hbm4b:s12+s3], $0x10, s26, s3, $0xb8;
	[tilespmem:$0x9D30] =	vst v63  }
0xdf: {  	s31 =	simm.s32 $0xF0  }
0xe0: {  	[tilespmem:s6], [sflag:$0x4] =	stream.indirect.gather [hbm4b:s12+s3], $0x10, s31, s3, $0xb8;
	[tilespmem:$0x9D30] =	vst v63  }
0xe1: {  	s8 =	simm.s32 $0x140  }
0xe2: {  	[tilespmem:s7], [sflag:$0x5] =	stream.indirect.gather [hbm4b:s12+s3], $0x10, s8, s3, $0xb8;
	[tilespmem:$0x9D30] =	vst v63  }
0xe3: {  	s25 =	simm.s32 $0x190  }
0xe4: {  	[tilespmem:s9], [sflag:$0x6] =	stream.indirect.gather [hbm4b:s12+s3], $0x10, s25, s3, $0xb8;
	[tilespmem:$0x9D30] =	vst v63  }
0xe5: {  	s26 =	simm.s32 $0x1E0;
	s8 =	simm.s32 $0x6C20  }
0xe6: {  	[tilespmem:s8], [sflag:$0x7] =	stream.indirect.gather [hbm4b:s12+s3], $0x10, s26, s3, $0xb8;
	[tilespmem:$0x9D30] =	vst v63  }
0xe7: {  	s31 =	simm.s32 $0x230  }
0xe8: {  	[tilespmem:s11], [sflag:$0x8] =	stream.indirect.gather [hbm4b:s12+s3], $0x10, s31, s3, $0xb8;
	[tilespmem:$0x9D30] =	vst v63  }
.LBB2_4:
0xe9: {  	_ =	swait.ge [sflag:s13], $0x500  }
0xea: {  	s31 =	sshra.s32 s30, $0x2;
	[sflag:s13] =	ssyncset.done $0x0  }
0xeb: {  	s8 =	sadd.s32 $0x2710, s31;
	[sflag:s13] =	ssyncadd.s32 $0xFFFFFB00  }
0xec: {  	[spmem:s10] =	stream.indirect.scatter.add.f32 [tilespmem:s2], [sflag:$0x9], $0x10, s8, s3, $0xb8;
	[tilespmem:$0x9D30] =	vst v63  }
0xed: {  	_ =	swait.ge [sflag:s14], $0x500  }
0xee: {  	[sflag:s14] =	ssyncset.done $0x0  }
0xef: {  	s25 =	sadd.s32 $0x280, s31;
	[sflag:s14] =	ssyncadd.s32 $0xFFFFFB00  }
0xf0: {  	[tilespmem:s2], [sflag:$0x1] =	stream.indirect.gather [hbm4b:s12+s3], $0x10, s25, s3, $0xb8;
	[tilespmem:$0x9D30] =	vst v63  }
0xf1: {  	_ =	swait.ge [sflag:s15], $0x500  }
0xf2: {  	[sflag:s15] =	ssyncset.done $0x0  }
0xf3: {  	s26 =	sadd.s32 $0x2760, s31;
	[sflag:s15] =	ssyncadd.s32 $0xFFFFFB00  }
0xf4: {  	[spmem:s10] =	stream.indirect.scatter.add.f32 [tilespmem:s4], [sflag:$0xA], $0x10, s26, s3, $0xb8;
	[tilespmem:$0x9D30] =	vst v63  }
0xf5: {  	_ =	swait.ge [sflag:s16], $0x500  }
0xf6: {  	[sflag:s16] =	ssyncset.done $0x0  }
0xf7: {  	s1 =	sadd.s32 $0x2D0, s31;
	[sflag:s16] =	ssyncadd.s32 $0xFFFFFB00  }
0xf8: {  	[tilespmem:s4], [sflag:$0x2] =	stream.indirect.gather [hbm4b:s12+s3], $0x10, s1, s3, $0xb8;
	[tilespmem:$0x9D30] =	vst v63  }
0xf9: {  	_ =	swait.ge [sflag:s17], $0x500  }
0xfa: {  	[sflag:s17] =	ssyncset.done $0x0  }
0xfb: {  	s25 =	sadd.s32 $0x27B0, s31;
	[sflag:s17] =	ssyncadd.s32 $0xFFFFFB00  }
0xfc: {  	[spmem:s10] =	stream.indirect.scatter.add.f32 [tilespmem:s5], [sflag:$0xB], $0x10, s25, s3, $0xb8;
	[tilespmem:$0x9D30] =	vst v63  }
0xfd: {  	_ =	swait.ge [sflag:s18], $0x500  }
0xfe: {  	[sflag:s18] =	ssyncset.done $0x0  }
0xff: {  	s26 =	sadd.s32 $0x320, s31;
	[sflag:s18] =	ssyncadd.s32 $0xFFFFFB00  }
0x100: {  	[tilespmem:s5], [sflag:$0x3] =	stream.indirect.gather [hbm4b:s12+s3], $0x10, s26, s3, $0xb8;
	[tilespmem:$0x9D30] =	vst v63  }
0x101: {  	_ =	swait.ge [sflag:s19], $0x500  }
0x102: {  	[sflag:s19] =	ssyncset.done $0x0  }
0x103: {  	s1 =	sadd.s32 $0x2800, s31;
	[sflag:s19] =	ssyncadd.s32 $0xFFFFFB00  }
0x104: {  	[spmem:s10] =	stream.indirect.scatter.add.f32 [tilespmem:s6], [sflag:$0xC], $0x10, s1, s3, $0xb8;
	[tilespmem:$0x9D30] =	vst v63  }
0x105: {  	_ =	swait.ge [sflag:s20], $0x500  }
0x106: {  	[sflag:s20] =	ssyncset.done $0x0  }
0x107: {  	s25 =	sadd.s32 $0x370, s31;
	[sflag:s20] =	ssyncadd.s32 $0xFFFFFB00  }
0x108: {  	[tilespmem:s6], [sflag:$0x4] =	stream.indirect.gather [hbm4b:s12+s3], $0x10, s25, s3, $0xb8;
	[tilespmem:$0x9D30] =	vst v63  }
0x109: {  	_ =	swait.ge [sflag:s21], $0x500  }
0x10a: {  	[sflag:s21] =	ssyncset.done $0x0  }
0x10b: {  	s26 =	sadd.s32 $0x2850, s31;
	[sflag:s21] =	ssyncadd.s32 $0xFFFFFB00  }
0x10c: {  	[spmem:s10] =	stream.indirect.scatter.add.f32 [tilespmem:s7], [sflag:$0xD], $0x10, s26, s3, $0xb8;
	[tilespmem:$0x9D30] =	vst v63  }
0x10d: {  	_ =	swait.ge [sflag:s22], $0x500  }
0x10e: {  	[sflag:s22] =	ssyncset.done $0x0  }
0x10f: {  	s1 =	sadd.s32 $0x3C0, s31;
	[sflag:s22] =	ssyncadd.s32 $0xFFFFFB00  }
0x110: {  	[tilespmem:s7], [sflag:$0x5] =	stream.indirect.gather [hbm4b:s12+s3], $0x10, s1, s3, $0xb8;
	[tilespmem:$0x9D30] =	vst v63  }
0x111: {  	_ =	swait.ge [sflag:s23], $0x500  }
0x112: {  	p3 =	seq.s32 s30, $0x8C00;
	[sflag:s23] =	ssyncset.done $0x0  }
0x113: {  	s8 =	simm.s32 @p3 $0x7;
	s25 =	sadd.s32 $0x28A0, s31;
	[sflag:s23] =	ssyncadd.s32 $0xFFFFFB00  }
0x114: {  	[spmem:s10] =	stream.indirect.scatter.add.f32 [tilespmem:s9], [sflag:$0xE], $0x10, s25, s3, $0xb8;
	[tilespmem:$0x9D30] =	vst v63  }
0x115: {  	_ =	swait.ge @p3 [sflag:s8], $0x500  }
0x116: {  	[sflag:s8] =	ssyncset.done @p3 $0x0  }
0x117: {  	[sflag:s8] =	ssyncadd.s32 @p3 $0xFFFFFB00;
	s8 =	sshra.s32 @p3 s30, $0x2  }
0x118: {  	s26 =	simm.s32 @p3 $0x6C20;
	s25 =	simm.s32 @p3 $0x50;
	s8 =	sadd.s32 @p3 $0x28F0, s8  }
0x119: {  	[spmem:s10] =	stream.indirect.scatter.add.f32 @p3 [tilespmem:s26], [sflag:$0xF], $0x10, s8, s25, $0xb8;
	[tilespmem:$0x9D30] =	vst v63  }
0x11a: {  	s8 =	simm.s32 @!p3 $0xE  }
0x11b: {  	_ =	swait.ge @!p3 [sflag:s8], $0x500  }
0x11c: {  	[sflag:s8] =	ssyncset.done @!p3 $0x0  }
0x11d: {  	[sflag:s8] =	ssyncadd.s32 @!p3 $0xFFFFFB00;
	s8 =	sshra.s32 @!p3 s30, $0x2  }
0x11e: {  	s1 =	simm.s32 @!p3 $0x6720;
	s26 =	simm.s32 @!p3 $0x50;
	s25 =	sadd.s32 @!p3 $0x410, s8  }
0x11f: {  	[tilespmem:s1], [sflag:$0x6] =	stream.indirect.gather @!p3 [hbm4b:s12+s26], $0x10, s25, s26, $0xb8;
	[tilespmem:$0x9D30] =	vst v63  }
0x120: {  	s1 =	simm.s32 @!p3 $0x7  }
0x121: {  	_ =	swait.ge @!p3 [sflag:s1], $0x500  }
0x122: {  	[sflag:s1] =	ssyncset.done @!p3 $0x0  }
0x123: {  	s25 =	simm.s32 @!p3 $0x6C20;
	[sflag:s1] =	ssyncadd.s32 @!p3 $0xFFFFFB00;
	s1 =	sadd.s32 @!p3 $0x28F0, s8  }
0x124: {  	[spmem:s10] =	stream.indirect.scatter.add.f32 @!p3 [tilespmem:s25], [sflag:$0xF], $0x10, s1, s26, $0xb8;
	[tilespmem:$0x9D30] =	vst v63  }
0x125: {  	s1 =	simm.s32 @!p3 $0xF  }
0x126: {  	_ =	swait.ge @!p3 [sflag:s1], $0x500  }
0x127: {  	[sflag:s1] =	ssyncset.done @!p3 $0x0  }
0x128: {  	[sflag:s1] =	ssyncadd.s32 @!p3 $0xFFFFFB00;
	s1 =	sadd.s32 @!p3 $0x460, s8  }
0x129: {  	[tilespmem:s25], [sflag:$0x7] =	stream.indirect.gather @!p3 [hbm4b:s12+s26], $0x10, s1, s26, $0xb8;
	[tilespmem:$0x9D30] =	vst v63  }
.Ltmp3:
0x12a: {  	_ = 	snop;
	(pc) =	sbr.rel @p3 .LBB2_6-.Ltmp3, $4  }
0x12b: {  	_ =	swait.ge [sflag:s24], $0x500  }
0x12c: {  	[sflag:s24] =	ssyncset.done $0x0  }
0x12d: {  	s26 =	sadd.s32 $0x2940, s31;
	[sflag:s24] =	ssyncadd.s32 $0xFFFFFB00  }
0x12e: {  	[spmem:s10] =	stream.indirect.scatter.add.f32 [tilespmem:s11], [sflag:$0x10], $0x10, s26, s3, $0xb8;
	[tilespmem:$0x9D30] =	vst v63  }
.Ltmp4:
0x12f: {  	(pc) =	sbr.rel .LBB2_4-.Ltmp4, $4  }
0x130: {  	_ =	swait.ge [sflag:s28], $0x500  }
0x131: {  	[sflag:s28] =	ssyncset.done $0x0  }
0x132: {  	s1 =	sadd.s32 $0x4B0, s31;
	s30 =	sadd.s32 $0xA00, s30;
	[sflag:s28] =	ssyncadd.s32 $0xFFFFFB00  }
0x133: {  	[tilespmem:s11], [sflag:$0x8] =	stream.indirect.gather [hbm4b:s12+s3], $0x10, s1, s3, $0xb8;
	[tilespmem:$0x9D30] =	vst v63  }
.LBB2_7:
0x134: {  	_ =	sfence.sel $0x180000  }
0x135: {  	[bflag:$0x0] =	sbarrier.arrive $0xFFFF  }
0x136: {  	_ =	strace $0x9000004D  }
0x137: {  	s0 =	stileid.u32;
	[bflag:$0x2] =	sbarrier.arrive $0xFFFF  }
0x138: {  	p0 =	sne.s32 s0, $0x0;
	s0 =	rddreg [dreg:$0x2]  }
0x139: {  	s0 =	sadd.s32 @!p0 $0x100000, s0  }
0x13a: {  	[sflag:s0] =	ssyncadd.tile.s32 @!p0 $0x1;
	_ =	shalt  }
.Lfunc_end2:
_tile_overlayer_lowered:
.L_overlay_start_2:
0x13b: {  	(tag) =	ssettag $0x2  }
0x13c: {  	s0 =	rddreg [dreg:$0x0];
	s2 =	stileid.u32  }
0x13d: {  	s1 =	rddreg [dreg:$0x1];
	p0 =	sne.s32 s2, $0x0  }
0x13e: {  	s3 =	rddreg [dreg:$0x2];
	[bflag:$0x3] =	sbarrier.arrive $0xFFFF;
	s2 =	simm.s32 @!p0 $0x1C11  }
0x13f: {  	[timem:s3], [sflag:s2] =	dma.local @!p0 [hbm:s0], s1  }
0x140: {  	s0 =	simm.s32 @!p0 $0x11  }
0x141: {  	_ =	swait.ge @!p0 [sflag:s0], s1  }
0x142: {  	s1 =	ssub.s32 @!p0 $0x0, s1;
	[sflag:s0] =	ssyncset.done @!p0 $0x0  }
0x143: {  	[sflag:s0] =	ssyncadd.s32 @!p0 s1  }
0x144: {  	[bflag:$0x3] =	sbarrier.arrive $0xFFFF  }
0x145: {  	_ =	shalt  }

// kernel: kernel.8.cloned.1.call-start
scs
__scs_entry_jumppad:
0x0: {  	(pc) =	sbr.rel $0x88, $3  }
0x1: {  	(tag) =	ssettag $0x0;
	lr =	simm.s32 $0x1  }
0x2: {  	[smem:$0x3F95] =	sst lr;
	_ =	strace $0xD0000000  }
0x3: {  	_ = 	snop  }
0x4: {  	_ = 	snop  }
0x5: {  	_ = 	snop  }
0x6: {  	_ = 	snop  }
0x7: {  	_ = 	snop  }
__scs_overlays_trampoline_lowered:
0x8: {  	[smem:$0x3FA4] =	sst s0  }
0x9: {  	[smem:$0x3FA5] =	sst s1  }
0xa: {  	[smem:$0x3FA6] =	sst s2  }
0xb: {  	[smem:$0x3FA7] =	sst s3  }
0xc: {  	[smem:$0x3FA8] =	sst s4  }
0xd: {  	[smem:$0x3FA9] =	sst s5  }
0xe: {  	[smem:$0x3FAA] =	sst s6  }
0xf: {  	[smem:$0x3FAB] =	sst s7  }
0x10: {  	[smem:$0x3FAC] =	sst s8  }
0x11: {  	[smem:$0x3FAD] =	sst s9;
	s0 =	simm.s32 @!p0 $0x0  }
0x12: {  	s1 =	sld [smem:$0x3F93];
	s0 =	simm.s32 @p0 $0x1  }
0x13: {  	[smem:$0x3FAE] =	sst s0;
	s0 =	simm.s32 @!p1 $0x0  }
0x14: {  	s2 =	sld [smem:$0x3F92];
	s0 =	simm.s32 @p1 $0x1  }
0x15: {  	[smem:$0x3FAF] =	sst s0;
	s0 =	simm.s32 @!p2 $0x0  }
0x16: {  	s3 =	sld [smem:$0x3FDB];
	s0 =	simm.s32 @p2 $0x1  }
0x17: {  	s4 =	simm.s32 $0x1BF5;
	[smem:$0x3FB1] =	sst s0  }
0x18: {  	s0 =	sld [smem:$0x3F94];
	_ =	swait.ge [sflag:s4], $0x0  }
0x19: {  	s7 =	sld [smem:$0x3F95]  }
0x1a: {  	s8 =	sadd.s32 $0xFFFFE003, lr  }
0x1b: {  	s9 =	sadd.s32 $0xFFFFFEF7, lr;
	s5 =	simm.s32 $0xFFFFFFFF;
	p2 =	slt.u32 s8, $0xFFFFF086  }
0x1c: {  	p1 =	slt.u32 s9, $0xF7A;
	s5 =	simm.s32 @!p2 $0x0  }
0x1d: {  	s5 =	simm.s32 @p1 $0x1;
	p0 =	seq.s32 s7, s2  }
0x1e: {  	s7 =	smul.u32 @!p0 $0xF7A, s2;
	p2 =	seq.s32 @!p0 s5, $0x0  }
0x1f: {  	s9 =	smul.u32 $0xF7A, s1;
	s8 =	simm.s32 @!p0 $0x1BF5;
	p2 =	por !p2, p0  }
0x20: {  	[sflag:s8] =	ssyncset.s32 @!p0 $0xFFFFF086;
	s6 =	sadd.s32 @!p0 s3, s7;
	s7 =	simm.s32 @!p0 $0x108  }
0x21: {  	s3 =	sadd.s32 s3, s9;
	s6 =	sadd.s32 @!p0 $0x88, s6;
	s7 =	simm.s32 @p2 $0x1082  }
0x22: {  	[simem:s7], [sflag:s8] =	dma.local @!p0 [hbm:s6], $0xF7A  }
0x23: {  	s9 =	sor.u32 $0xD0000000, s2;
	s6 =	simm.s32 $0x108;
	_ =	swait.ge @!p0 [sflag:s8], $0x0  }
0x24: {  	s3 =	sadd.s32 $0x88, s3;
	s6 =	simm.s32 @!p1 $0x1082;
	[sflag:s4] =	ssyncset.s32 $0xFFFFF086  }
0x25: {  	[simem:s6], [sflag:s4] =	dma.local [hbm:s3], $0xF7A  }
0x26: {  	[smem:$0x3F95] =	sst s1;
	(tag) =	ssettag s2;
	_ =	strace s9  }
0x27: {  	s1 =	sld [smem:$0x3FA5]  }
0x28: {  	s2 =	sld [smem:$0x3FA6]  }
0x29: {  	s4 =	sld [smem:$0x3FA8]  }
0x2a: {  	p0 =	seq.s32 s5, $0x0;
	s5 =	sld [smem:$0x3FA9]  }
0x2b: {  	s6 =	sld [smem:$0x3FAA]  }
0x2c: {  	s7 =	sld [smem:$0x3FAB]  }
0x2d: {  	s3 =	simm.s32 $0x108;
	s8 =	sld [smem:$0x3FAC]  }
0x2e: {  	s3 =	simm.s32 @!p0 $0x1082;
	s9 =	sld [smem:$0x3FAD]  }
0x2f: {  	lr =	sadd.s32 s0, s3;
	s0 =	sld [smem:$0x3FA4]  }
0x30: {  	s3 =	sld [smem:$0x3FA7]  }
0x31: {  	[smem:$0x3FB0] =	sst s10  }
0x32: {  	s10 =	sld [smem:$0x3FAE];
	_ =	sdelay $0x3  }
0x33: {  	p0 =	seq.s32 s10, $0x1;
	s10 =	sld [smem:$0x3FB0];
	_ =	sdelay $0x3  }
0x34: {  	[smem:$0x3FB0] =	sst s10  }
0x35: {  	s10 =	sld [smem:$0x3FAF];
	_ =	sdelay $0x3  }
0x36: {  	p1 =	seq.s32 s10, $0x1;
	s10 =	sld [smem:$0x3FB0];
	_ =	sdelay $0x3  }
0x37: {  	[smem:$0x3FB0] =	sst s10  }
0x38: {  	s10 =	sld [smem:$0x3FB1]  }
0x39: {  	_ = 	snop;
	(pc) =	sbr.ind lr, $3  }
0x3a: {  	_ = 	snop  }
0x3b: {  	_ = 	snop  }
0x3c: {  	p2 =	seq.s32 s10, $0x1;
	s10 =	sld [smem:$0x3FB0]  }
0x3d: {  	_ =	shalt  }
0x3e: {  	_ =	shalt  }
0x3f: {  	_ =	shalt  }
0x40: {  	_ =	shalt  }
0x41: {  	_ =	shalt  }
0x42: {  	_ =	shalt  }
0x43: {  	_ =	shalt  }
0x44: {  	_ =	shalt  }
0x45: {  	_ =	shalt  }
0x46: {  	_ =	shalt  }
0x47: {  	_ =	shalt  }
0x48: {  	_ =	shalt  }
0x49: {  	_ =	shalt  }
0x4a: {  	_ =	shalt  }
0x4b: {  	_ =	shalt  }
0x4c: {  	_ =	shalt  }
0x4d: {  	_ =	shalt  }
0x4e: {  	_ =	shalt  }
0x4f: {  	_ =	shalt  }
0x50: {  	_ =	shalt  }
0x51: {  	_ =	shalt  }
0x52: {  	_ =	shalt  }
0x53: {  	_ =	shalt  }
0x54: {  	_ =	shalt  }
0x55: {  	_ =	shalt  }
0x56: {  	_ =	shalt  }
0x57: {  	_ =	shalt  }
0x58: {  	_ =	shalt  }
0x59: {  	_ =	shalt  }
0x5a: {  	_ =	shalt  }
0x5b: {  	_ =	shalt  }
0x5c: {  	_ =	shalt  }
0x5d: {  	_ =	shalt  }
0x5e: {  	_ =	shalt  }
0x5f: {  	_ =	shalt  }
0x60: {  	_ =	shalt  }
0x61: {  	_ =	shalt  }
0x62: {  	_ =	shalt  }
0x63: {  	_ =	shalt  }
0x64: {  	_ =	shalt  }
0x65: {  	_ =	shalt  }
0x66: {  	_ =	shalt  }
0x67: {  	_ =	shalt  }
0x68: {  	_ =	shalt  }
0x69: {  	_ =	shalt  }
0x6a: {  	_ =	shalt  }
0x6b: {  	_ =	shalt  }
0x6c: {  	_ =	shalt  }
0x6d: {  	_ =	shalt  }
0x6e: {  	_ =	shalt  }
0x6f: {  	_ =	shalt  }
0x70: {  	_ =	shalt  }
0x71: {  	_ =	shalt  }
0x72: {  	_ =	shalt  }
0x73: {  	_ =	shalt  }
0x74: {  	_ =	shalt  }
0x75: {  	_ =	shalt  }
0x76: {  	_ =	shalt  }
0x77: {  	_ =	shalt  }
0x78: {  	_ =	shalt  }
0x79: {  	_ =	shalt  }
0x7a: {  	_ =	shalt  }
0x7b: {  	_ =	shalt  }
0x7c: {  	_ =	shalt  }
0x7d: {  	_ =	shalt  }
0x7e: {  	_ =	shalt  }
0x7f: {  	_ =	shalt  }
0x80: {  	_ =	shalt  }
0x81: {  	_ =	shalt  }
0x82: {  	_ =	shalt  }
0x83: {  	_ =	shalt  }
0x84: {  	_ =	shalt  }
0x85: {  	_ =	shalt  }
0x86: {  	_ =	shalt  }
0x87: {  	_ =	shalt  }
.Lfunc_end0:
.L_simem_size_0:
called_computation_lowered:
.L_overlay_start_0:
0x88: {  	s2 =	sld [smem:$0x3FD9]  }
0x89: {  	s3 =	sld [smem:$0x3FFE];
	_ =	sdelay $0x1  }
0x8a: {  	s1 =	srdreg.scid  }
0x8b: {  	s0 =	sand.u32 $0x1, s1  }
0x8c: {  	s16 =	sshll.u32 s0, $0xA;
	s2 =	sadd.s32 s3, s2  }
0x8d: {  	s2 =	sadd.s32 s2, s16  }
0x8e: {  	[smem:$0x3FBC] =	sst s2  }
0x8f: {  	_ = 	snop  }
0x90: {  	(tm) =	ssettm $0x1  }
0x91: {  	s17 =	sld [smem:$0x3FFB];
	_ =	sdelay $0x3  }
0x92: {  	_ =	strace s17  }
0x93: {  	s2 =	sld [smem:$0x3FFC];
	_ =	sdelay $0x3  }
0x94: {  	_ =	strace s2  }
0x95: {  	s2 =	sld [smem:$0x3FFD];
	_ =	sdelay $0x3  }
0x96: {  	_ =	strace s2  }
0x97: {  	_ =	strace $0x8FFFFFFF  }
0x98: {  	s18 =	sld [smem:$0x3FDB];
	_ =	sdelay $0x1  }
0x99: {  	s19 =	simm.s32 $_scs_section_size  }
0x9a: {  	s4 =	simm.s32 $_size__tile_overlayer_lowered;
	s5 =	simm.s32 $_tile_overlayer_lowered  }
0x9b: {  	s22 =	simm.s32 $0x1BFF;
	s21 =	sshll.u32 s5, $0x1;
	s2 =	sadd.s32 s19, s18  }
0x9c: {  	s6 =	simm.s32 $0x0;
	s20 =	sshll.u32 s4, $0x1;
	s4 =	sadd.s32 s21, s2  }
0x9d: {  	[timem:s6], [sflag:s22] =	dma.local [hbm:s4], s20  }
0x9e: {  	_ =	swait.ge [sflag:s22], s20  }
0x9f: {  	s3 =	ssub.s32 $0x0, s20;
	[sflag:s22] =	ssyncset.done $0x0  }
0xa0: {  	[sflag:s22] =	ssyncadd.s32 s3;
	_ =	sdelay $0x1  }
0xa1: {  	s23 =	simm.s32 $0x1B8B  }
0xa2: {  	_ =	swait.ge [sflag:s23], $0x1  }
0xa3: {  	[sflag:s23] =	ssyncset.done $0x0  }
0xa4: {  	s25 =	simm.s32 $0x1B8E;
	s24 =	sld [smem:$0x3FFE];
	[sflag:s23] =	ssyncadd.s32 $0xFFFFFFFF  }
0xa5: {  	s26 =	simm.s32 $execute0_lowered;
	[smem:$0x3FD2] =	sst s25  }
0xa6: {  	s4 =	sshll.u32 s26, $0x1;
	_ =	strace $0x80000046;
	[dreg:$0x1] =	wrdreg $0xFFFFFFFF  }
0xa7: {  	s28 =	simm.s32 $_size_execute0_lowered;
	s2 =	sadd.s32 s2, s4;
	[dreg:$0x0] =	wrdreg $0x0  }
0xa8: {  	s4 =	sshll.u32 s28, $0x1;
	[dreg:$0x2] =	wrdreg s2  }
0xa9: {  	[dreg:$0x3] =	wrdreg s4  }
0xaa: {  	[dreg:$0x4] =	wrdreg $0xC0  }
0xab: {  	_ =	task [dreg:s6], $0x5FFFF  }
0xac: {  	[dreg:$0x1] =	wrdreg $0xFFFFFFFF  }
0xad: {  	[dreg:$0x0] =	wrdreg $0x60  }
0xae: {  	[dreg:$0x2] =	wrdreg s24  }
0xaf: {  	[dreg:$0x3] =	wrdreg $0x9  }
0xb0: {  	_ =	task.clear_ibuf [dreg:s6], $0x4FFFF;
	_ =	strace $0x90000046  }
0xb1: {  	s29 =	simm.s32 $0x9;
	_ =	strace $0x80000048  }
0xb2: {  	_ =	swait.ge [sflag:s29], $0x1  }
0xb3: {  	[sflag:s29] =	ssyncadd.s32 $0xFFFFFFFF  }
0xb4: {  	_ =	strace $0x90000048  }
0xb5: {  	_ =	sfence  }
0xb6: {  	s30 =	sld [smem:$0x0];
	_ =	sdelay $0x2  }
0xb7: {  	s31 =	sshll.u32 s1, $0xD;
	s1 =	sshrl.u32 s1, $0x2  }
0xb8: {  	s3 =	sand.u32 $0x4000, s31;
	s1 =	sadd.s32 s1, s30  }
0xb9: {  	s0 =	sor.u32 s3, s0;
	s1 =	sshll.u32 s1, $0x11  }
0xba: {  	s0 =	sor.u32 s1, s0  }
0xbb: {  	s0 =	sadd.s32 $0x8F2B, s0  }
0xbc: {  	[sflag:s0] =	ssyncadd.remote.s32 $0x1  }
0xbd: {  	_ =	sfence.sel $0xFFFF  }
0xbe: {  	[dreg:$0x0] =	wrdreg $0xFFFFFFFF;
	(pc) =	sbr.abs _section_cstart, $3  }
0xbf: {  	[dreg:$0x1] =	wrdreg $0xFFFFFFFF  }
0xc0: {  	_ =	task.clear_ibuf [dreg:s6], $0x2FFFF;
	_ =	strace $0x9FFFFFFF  }
0xc1: {  	(tm) =	ssettm $0x7FFFFFFF  }
tec
execute0_lowered:
.L_overlay_start_1:
0x0: {  	(tag) =	ssettag $0x1  }
0x1: {  	s1 =	srdreg.scid;
	s0 =	stileid.u32  }
0x2: {  	s4 =	rddreg [dreg:$0x0];
	s3 =	sand.u32 $0x1, s1;
	s30 =	sshll.u32 s0, $0x1  }
0x3: {  	s2 =	simm.s32 $0x0;
	s8 =	simm.s32 $0x0;
	s5 =	sor.u32 s3, s30  }
0x4: {  	s1 =	rddreg [dreg:$0x1];
	s3 =	ssub.s32 $0x2, s3;
	s6 =	smul.u32 $0x4E2, s5  }
0x5: {  	[smem:$0x7FF] =	sst s2;
	s5 =	smul.u32 $0x4F0, s5;
	s7 =	sshrl.u32 s3, $0x1  }
0x6: {  	_ =	strace $0x80000047;
	s31 =	ssub.s32 s3, s7;
	s7 =	simm.s32 $0x2780  }
0x7: {  	s6 =	sadd.s32 s6, s4;
	s4 =	sadd.s32 s5, s4;
	s5 =	smax.u32 s31, $0x1  }
0x8: {  	v0 =	vimm.f32 $0.0e+00;
	v1 =	vimm.f32 $1.000000000e+00;
	s3 =	sadd.s32 $0xCA00, s6;
	s4 =	sadd.s32 $0x16800, s4;
	s6 =	simm.s32 $0x1  }
.LBB2_1:
0x9: {  	[tilespmem:s2], [sflag:$0x1] =	stream.linear.gather [hbm4b:s3+s2], $0x2710, $0x38;
	[tilespmem:$0x4F00] =	vst v63  }
0xa: {  	_ =	swait.ge [sflag:s6], $0x2710  }
0xb: {  	[sflag:s6] =	ssyncset.done $0x0  }
0xc: {  	s9 =	simm.s32 $0x0;
	[sflag:s6] =	ssyncadd.s32 $0xFFFFD8F0  }
.LBB2_2:
0xd: {  	p0 =	sne.s32 s9, $0x9C00  }
.Ltmp0:
0xe: {  	_ = 	snop;
	(pc) =	sbr.rel @p0 .LBB2_2-.Ltmp0, $3  }
0xf: {  	_ =	sdelay $0x1  }
0x10: {  	s10 =	sshra.s32 s9, $0x2  }
0x11: {  	s9 =	sadd.s32 $0x40, s9;
	[tilespmem:s10+$0x2780] =	vst v0  }
0x12: {  	s9 =	simm.s32 $0x0  }
.LBB2_4:
0x13: {  	s10 =	sshra.s32 s9, $0x2  }
0x14: {  	v2 =	vld [tilespmem:s10+$0x0];
	_ =	sdelay $0x7  }
0x15: {  	[tilespmem:v2+s7+$0x0] =	vst.idx.add.f32.msk $0xffff, v1  }
0x16: {  	v2 =	vld [tilespmem:s10+$0x10];
	_ =	sdelay $0x7  }
0x17: {  	[tilespmem:v2+s7+$0x0] =	vst.idx.add.f32.msk $0xffff, v1  }
0x18: {  	v2 =	vld [tilespmem:s10+$0x20];
	_ =	sdelay $0x7  }
0x19: {  	[tilespmem:v2+s7+$0x0] =	vst.idx.add.f32.msk $0xffff, v1  }
0x1a: {  	v2 =	vld [tilespmem:s10+$0x30];
	_ =	sdelay $0x7  }
0x1b: {  	[tilespmem:v2+s7+$0x0] =	vst.idx.add.f32.msk $0xffff, v1  }
0x1c: {  	v2 =	vld [tilespmem:s10+$0x40];
	_ =	sdelay $0x2  }
0x1d: {  	p0 =	sne.s32 s9, $0x9B00  }
.Ltmp1:
0x1e: {  	_ = 	snop;
	(pc) =	sbr.rel @p0 .LBB2_4-.Ltmp1, $2  }
0x1f: {  	_ =	sdelay $0x2  }
0x20: {  	s9 =	sadd.s32 $0x140, s9;
	[tilespmem:v2+s7+$0x0] =	vst.idx.add.f32.msk $0xffff, v1  }
0x21: {  	s8 =	sadd.s32 $0x1, s8  }
0x22: {  	p0 =	sne.s32 s8, s5  }
.Ltmp2:
0x23: {  	_ = 	snop;
	(pc) =	sbr.rel @p0 .LBB2_1-.Ltmp2, $4  }
0x24: {  	[hbm4b:s4+s2] =	stream.linear.scatter [tilespmem:s7], [sflag:$0x1], $0x2780, $0x38;
	[tilespmem:$0x4F00] =	vst v63  }
0x25: {  	_ =	swait.ge [sflag:s6], $0x2780  }
0x26: {  	[sflag:s6] =	ssyncset.done $0x0  }
0x27: {  	[sflag:s6] =	ssyncadd.s32 $0xFFFFD880  }
0x28: {  	_ =	sfence.sel $0x180000  }
0x29: {  	[bflag:$0x0] =	sbarrier.arrive $0xFFFF  }
0x2a: {  	p0 =	sne.s32 s0, $0x0;
	_ =	strace $0x90000047  }
0x2b: {  	s0 =	sadd.s32 @!p0 $0x100000, s1;
	[bflag:$0x2] =	sbarrier.arrive $0xFFFF  }
0x2c: {  	[sflag:s0] =	ssyncadd.tile.s32 @!p0 $0x1;
	_ =	shalt  }
.Lfunc_end2:
_tile_overlayer_lowered:
.L_overlay_start_2:
0x2d: {  	(tag) =	ssettag $0x2  }
0x2e: {  	s0 =	rddreg [dreg:$0x0];
	s2 =	stileid.u32  }
0x2f: {  	s1 =	rddreg [dreg:$0x1];
	p0 =	sne.s32 s2, $0x0  }
0x30: {  	s3 =	rddreg [dreg:$0x2];
	[bflag:$0x3] =	sbarrier.arrive $0xFFFF;
	s2 =	simm.s32 @!p0 $0x1C01  }
0x31: {  	[timem:s3], [sflag:s2] =	dma.local @!p0 [hbm:s0], s1  }
0x32: {  	s0 =	simm.s32 @!p0 $0x1  }
0x33: {  	_ =	swait.ge @!p0 [sflag:s0], s1  }
0x34: {  	s1 =	ssub.s32 @!p0 $0x0, s1;
	[sflag:s0] =	ssyncset.done @!p0 $0x0  }
0x35: {  	[sflag:s0] =	ssyncadd.s32 @!p0 s1  }
0x36: {  	[bflag:$0x3] =	sbarrier.arrive $0xFFFF  }
0x37: {  	_ =	shalt  }

</sc_bundles>
